<compile_context>
chip_gen: v7x
topology: tpu7x:2x2x1
jax: 0.10.2.dev20260603
libtpu: 0.0.44.dev20260713+nightly
codegen_flags: <defaults>
</compile_context>

<pallas_src>
import jax
import jax.numpy as jnp
from jax import lax
from jax.experimental import pallas as pl
from jax.experimental.pallas import tpu as pltpu
from jax.experimental.pallas import tpu_sc as plsc

N = 10000
NPAD = 10240
E = 320000
D = 128
NS = 16
NC = 2
NB = NPAD // NC

C2 = 128
KC = E // C2
KP = 2560
J2 = KP // NS
J4 = KP // (NC * NS)

_I16 = lambda v: jnp.full((16,), v, jnp.int32)
_F16 = lambda v: jnp.full((16,), v, jnp.float32)


def _rsqrt_newton(x):
    i = plsc.bitcast(x, jnp.int32)
    i = jnp.int32(0x5F3759DF) - lax.shift_right_logical(i, 1)
    y = plsc.bitcast(i, jnp.float32)
    for _ in range(3):
        y = y * (1.5 - 0.5 * x * y * y)
    return jnp.where(x > 0, y, 0.0)


QB = NB // 2
QT = QB // NS
CAP = 6400


def _k2_body(sd_h, w_h, h_h,
             acc_h, c_h, dinv2_h,
             sd_v, w_v, dinv_v, rows_v, rows2_v,
             pq_v, cq_v, srcl_v, dstl_v, srcl2_v, dstl2_v,
             ga_sem, gb_sem, sa_sem, sb_sem,
             dbuf_v, dibuf_v, d2buf_v, ones_v,
             acc_s, deg_s, dinv_s):
    cid = lax.axis_index("c")
    sid = lax.axis_index("s")

    start2 = sid * J2
    pltpu.sync_copy(sd_h.at[pl.ds(start2, J2), :], sd_v)
    pltpu.sync_copy(w_h.at[pl.ds(start2, J2), :], w_v)

    def _fill(i, _):
        ones_v[pl.ds(i * 16, 16)] = _F16(1.0)
        return 0
    lax.fori_loop(0, 40, _fill, 0)
    pltpu.sync_copy(ones_v, deg_s.at[pl.ds(sid * 640, 640)])
    plsc.subcore_barrier()

    def _deg(j, _):
        for g in range(8):
            pk = sd_v[j, pl.ds(g * 16, 16)]
            dstl_v[pl.ds(g * 16, 16)] = lax.shift_right_logical(pk, 14)
        pltpu.sync_copy(w_v.at[j], deg_s.at[dstl_v], add=True)
        return 0
    lax.fori_loop(0, J2, _deg, 0)
    plsc.subcore_barrier()

    pltpu.sync_copy(deg_s.at[pl.ds(sid * 640, 640)], dbuf_v)

    def _dinv(i, _):
        x = dbuf_v[pl.ds(i * 16, 16)]
        y = _rsqrt_newton(x)
        dibuf_v[pl.ds(i * 16, 16)] = y
        d2buf_v[pl.ds(i * 16, 16)] = y * y
        return 0
    lax.fori_loop(0, 40, _dinv, 0)
    pltpu.sync_copy(dibuf_v, dinv_s.at[pl.ds(sid * 640, 640)])

    @pl.when(cid == 0)
    def _():
        pltpu.sync_copy(d2buf_v, dinv2_h.at[pl.ds(sid * 640, 640)])
    plsc.subcore_barrier()

    pltpu.sync_copy(dinv_s, dinv_v)

    def _cj(j, _):
        def _ck(k, _2):
            pk = sd_v[j, pl.ds(k * 16, 16)]
            s16 = jnp.bitwise_and(pk, 16383)
            d16 = lax.shift_right_logical(pk, 14)
            w16 = w_v[j, pl.ds(k * 16, 16)]
            cc = plsc.load_gather(dinv_v, [s16]) * w16 * plsc.load_gather(dinv_v, [d16])
            w_v[j, pl.ds(k * 16, 16)] = cc
            return 0
        lax.fori_loop(0, C2 // 16, _ck, 0)
        return 0
    lax.fori_loop(0, J2, _cj, 0)

    @pl.when(cid == 0)
    def _():
        pltpu.sync_copy(w_v, c_h.at[pl.ds(start2, J2), :])

    iota = lax.iota(jnp.int32, 16)

    for p01 in range(2):
        qbase = cid * NB + p01 * QB
        a0 = sid * QT

        def _zrow(r, _):
            for k in range(8):
                rows_v[r, pl.ds(k * 16, 16)] = _F16(0.0)
            return 0
        lax.fori_loop(0, 128, _zrow, 0)
        pltpu.sync_copy(rows_v, acc_s.at[pl.ds(a0, 128), :])
        pltpu.sync_copy(rows_v.at[pl.ds(0, 32), :],
                        acc_s.at[pl.ds(a0 + 128, 32), :])
        plsc.subcore_barrier()

        def _cmp(t, off):
            j = t // (C2 // 16)
            k = t % (C2 // 16)
            pk = sd_v[j, pl.ds(k * 16, 16)]
            s16 = jnp.bitwise_and(pk, 16383)
            d16 = lax.shift_right_logical(pk, 14)
            c16 = w_v[j, pl.ds(k * 16, 16)]
            dl = d16 - _I16(qbase)
            inq = jnp.logical_and(dl >= 0, dl < QB)
            inqi = inq.astype(jnp.int32)
            pos = plsc.cumsum(inqi) + _I16(off - 1)
            packed = jnp.bitwise_or(s16, lax.shift_left(dl, 14))
            plsc.store_scatter(pq_v, [pos], packed, mask=inq)
            plsc.store_scatter(cq_v, [pos], c16, mask=inq)
            return off + jnp.sum(inqi)
        cnt = lax.fori_loop(0, J2 * (C2 // 16), _cmp, 0)

        for g in range(8):
            tpos = _I16(cnt + g * 16) + iota
            plsc.store_scatter(pq_v, [tpos], _I16(0))
            plsc.store_scatter(cq_v, [tpos], _F16(0.0))

        nchunks = (cnt + 127) // 128
        last = nchunks - 1

        bufs = ((rows_v, srcl_v, dstl_v, ga_sem, sa_sem),
                (rows2_v, srcl2_v, dstl2_v, gb_sem, sb_sem))

        def _bidx(jj, sl, dl_):
            e0 = jj * 128
            for g in range(8):
                pk = pq_v[pl.ds(e0 + g * 16, 16)]
                sl[pl.ds(g * 16, 16)] = jnp.bitwise_and(pk, 16383)
                dl_[pl.ds(g * 16, 16)] = lax.shift_right_logical(pk, 14)

        @pl.when(nchunks > 0)
        def _():
            _bidx(0, srcl_v, dstl_v)
            pltpu.async_copy(h_h.at[srcl_v], rows_v, ga_sem)

        def _step(jj, cur, oth):
            crows, csl, cdl, cg, cs = cur
            orows, osl, odl, og, os_ = oth
            pltpu.make_async_copy(h_h.at[csl], crows, cg).wait()

            @pl.when(jj + 1 < nchunks)
            def _():
                @pl.when(jj >= 1)
                def _():
                    pltpu.make_async_copy(orows, acc_s.at[odl], os_).wait()
                _bidx(jj + 1, osl, odl)
                pltpu.async_copy(h_h.at[osl], orows, og)

            def _scale(e2, _2):
                e = e2 * 2
                cb0 = plsc.load_gather(cq_v, [_I16(jj * 128 + e)])
                cb1 = plsc.load_gather(cq_v, [_I16(jj * 128 + e + 1)])
                for k in range(8):
                    crows[e, pl.ds(k * 16, 16)] = crows[e, pl.ds(k * 16, 16)] * cb0
                for k in range(8):
                    crows[e + 1, pl.ds(k * 16, 16)] = crows[e + 1, pl.ds(k * 16, 16)] * cb1
                return 0
            lax.fori_loop(0, 64, _scale, 0)
            pltpu.async_copy(crows, acc_s.at[cdl], cs, add=True)

        def _edge(jj, _):
            @pl.when(jj % 2 == 0)
            def _():
                _step(jj, bufs[0], bufs[1])

            @pl.when(jj % 2 == 1)
            def _():
                _step(jj, bufs[1], bufs[0])
            return 0
        lax.fori_loop(0, nchunks, _edge, 0)

        lpar = last % 2

        @pl.when(jnp.logical_and(nchunks >= 1, lpar == 0))
        def _():
            pltpu.make_async_copy(rows_v, acc_s.at[dstl_v], sa_sem).wait()

        @pl.when(jnp.logical_and(nchunks >= 1, lpar == 1))
        def _():
            pltpu.make_async_copy(rows2_v, acc_s.at[dstl2_v], sb_sem).wait()

        @pl.when(jnp.logical_and(nchunks >= 2, lpar == 0))
        def _():
            pltpu.make_async_copy(rows2_v, acc_s.at[dstl2_v], sb_sem).wait()

        @pl.when(jnp.logical_and(nchunks >= 2, lpar == 1))
        def _():
            pltpu.make_async_copy(rows_v, acc_s.at[dstl_v], sa_sem).wait()
        plsc.subcore_barrier()

        pltpu.sync_copy(acc_s.at[pl.ds(a0, QT), :],
                        acc_h.at[pl.ds(qbase + a0, QT), :])
        plsc.subcore_barrier()


def _k2(sd3, ew3, h):
    mesh = plsc.VectorSubcoreMesh(core_axis_name="c", subcore_axis_name="s")
    f = pl.kernel(
        _k2_body,
        out_type=(
            jax.ShapeDtypeStruct((NPAD, D), jnp.float32),
            jax.ShapeDtypeStruct((KP, C2), jnp.float32),
            jax.ShapeDtypeStruct((NPAD,), jnp.float32),
        ),
        mesh=mesh,
        scratch_types=[
            pltpu.VMEM((J2, C2), jnp.int32),
            pltpu.VMEM((J2, C2), jnp.float32),
            pltpu.VMEM((NPAD,), jnp.float32),
            pltpu.VMEM((C2, D), jnp.float32),
            pltpu.VMEM((C2, D), jnp.float32),
            pltpu.VMEM((CAP,), jnp.int32),
            pltpu.VMEM((CAP,), jnp.float32),
            pltpu.VMEM((C2,), jnp.int32),
            pltpu.VMEM((C2,), jnp.int32),
            pltpu.VMEM((C2,), jnp.int32),
            pltpu.VMEM((C2,), jnp.int32),
            pltpu.SemaphoreType.DMA,
            pltpu.SemaphoreType.DMA,
            pltpu.SemaphoreType.DMA,
            pltpu.SemaphoreType.DMA,
            pltpu.VMEM((640,), jnp.float32),
            pltpu.VMEM((640,), jnp.float32),
            pltpu.VMEM((640,), jnp.float32),
            pltpu.VMEM((640,), jnp.float32),
            pltpu.VMEM_SHARED((QB, D), jnp.float32),
            pltpu.VMEM_SHARED((NPAD,), jnp.float32),
            pltpu.VMEM_SHARED((NPAD,), jnp.float32),
        ],
        compiler_params=pltpu.CompilerParams(needs_layout_passes=False),
    )
    return f(sd3, ew3, h)


def _k4_body(sd_h, c_h, z_h,
             acc2_h,
             sd_v, c_v, z_v, s0_v, s1_v, i0_v, i1_v, zb_v,
             acc_s):
    cid = lax.axis_index("c")
    sid = lax.axis_index("s")
    wid = cid * NS + sid

    start4 = wid * J4
    pltpu.sync_copy(sd_h.at[pl.ds(start4, J4), :], sd_v)
    pltpu.sync_copy(c_h.at[pl.ds(start4, J4), :], c_v)
    pltpu.sync_copy(z_h, z_v)

    def _z(i, _):
        zb_v[pl.ds(i * 16, 16)] = _F16(0.0)
        return 0
    lax.fori_loop(0, 80, _z, 0)
    pltpu.sync_copy(zb_v, acc_s.at[pl.ds(sid * 1280, 1280)])
    plsc.subcore_barrier()

    def _edge(j, _):
        def _grp(k, _2):
            pk = sd_v[j, pl.ds(k * 16, 16)]
            s16 = jnp.bitwise_and(pk, 16383)
            d16 = lax.shift_right_logical(pk, 14)
            cc = c_v[j, pl.ds(k * 16, 16)]
            s2 = s16 + s16
            v0 = plsc.load_gather(z_v, [s2]) * cc
            v1 = plsc.load_gather(z_v, [s2 + _I16(1)]) * cc
            s0_v[pl.ds(k * 16, 16)] = v0
            s1_v[pl.ds(k * 16, 16)] = v1
            d2 = d16 + d16
            i0_v[pl.ds(k * 16, 16)] = d2
            i1_v[pl.ds(k * 16, 16)] = d2 + _I16(1)
            return 0
        lax.fori_loop(0, C2 // 16, _grp, 0)
        pltpu.sync_copy(s0_v, acc_s.at[i0_v], add=True)
        pltpu.sync_copy(s1_v, acc_s.at[i1_v], add=True)
        return 0
    lax.fori_loop(0, J4, _edge, 0)
    plsc.subcore_barrier()

    pltpu.sync_copy(acc_s.at[pl.ds(sid * 1280, 1280)],
                    acc2_h.at[cid, pl.ds(sid * 1280, 1280)])


def _k4(sd3, c3, z):
    mesh = plsc.VectorSubcoreMesh(core_axis_name="c", subcore_axis_name="s")
    f = pl.kernel(
        _k4_body,
        out_type=jax.ShapeDtypeStruct((NC, 2 * NPAD), jnp.float32),
        mesh=mesh,
        scratch_types=[
            pltpu.VMEM((J4, C2), jnp.int32),
            pltpu.VMEM((J4, C2), jnp.float32),
            pltpu.VMEM((2 * NPAD,), jnp.float32),
            pltpu.VMEM((C2,), jnp.float32),
            pltpu.VMEM((C2,), jnp.float32),
            pltpu.VMEM((C2,), jnp.int32),
            pltpu.VMEM((C2,), jnp.int32),
            pltpu.VMEM((1280,), jnp.float32),
            pltpu.VMEM_SHARED((2 * NPAD,), jnp.float32),
        ],
        compiler_params=pltpu.CompilerParams(needs_layout_passes=False),
    )
    return f(sd3, c3, z)


def _k0_body(s_ref, d_ref, w_ref, osd_ref, ow_ref):
    i = pl.program_id(0)
    row = lax.broadcasted_iota(jnp.int32, (C2, C2), 0) + i * C2
    ok = row < KC
    packed = jnp.bitwise_or(s_ref[...], lax.shift_left(d_ref[...], 14))
    pad = (NPAD - 1) | ((NPAD - 1) << 14)
    osd_ref[...] = jnp.where(ok, packed, pad)
    ow_ref[...] = jnp.where(ok, w_ref[...], 0.0)


def _k0(s, d, w):
    ispec = pl.BlockSpec((C2, C2), lambda i: (i, 0))
    return pl.pallas_call(
        _k0_body,
        grid=(KP // C2,),
        in_specs=[ispec, ispec, ispec],
        out_specs=(ispec, ispec),
        out_shape=(jax.ShapeDtypeStruct((KP, C2), jnp.int32),
                   jax.ShapeDtypeStruct((KP, C2), jnp.float32)),
    )(s, d, w)


def _k1_body(x_ref, w_ref, o_ref):
    o_ref[...] = jnp.dot(x_ref[...], w_ref[...],
                         preferred_element_type=jnp.float32)


def _k1(x, w):
    blk = 640
    return pl.pallas_call(
        _k1_body,
        grid=(NPAD // blk,),
        in_specs=[pl.BlockSpec((blk, D), lambda i: (i, 0)),
                  pl.BlockSpec((D, D), lambda i: (0, 0))],
        out_specs=pl.BlockSpec((blk, D), lambda i: (i, 0)),
        out_shape=jax.ShapeDtypeStruct((NPAD, D), jnp.float32),
    )(x, w)


def _k3_body(a_ref, h_ref, d2_ref, b0_ref, w_ref, o_ref):
    x = a_ref[...] + d2_ref[...] * h_ref[...] + b0_ref[...]
    h2 = jnp.where(x > 0, x, jnp.exp(jnp.minimum(x, 0.0)) - 1.0)
    o_ref[...] = jnp.dot(h2, w_ref[...], preferred_element_type=jnp.float32)


def _k3(acc, h, dinv2, b0, w1):
    blk = 640
    return pl.pallas_call(
        _k3_body,
        grid=(NPAD // blk,),
        in_specs=[pl.BlockSpec((blk, D), lambda i: (i, 0)),
                  pl.BlockSpec((blk, D), lambda i: (i, 0)),
                  pl.BlockSpec((blk, 1), lambda i: (i, 0)),
                  pl.BlockSpec((1, D), lambda i: (0, 0)),
                  pl.BlockSpec((D, 2), lambda i: (0, 0))],
        out_specs=pl.BlockSpec((blk, 2), lambda i: (i, 0)),
        out_shape=jax.ShapeDtypeStruct((NPAD, 2), jnp.float32),
    )(acc, h, dinv2.reshape(NPAD, 1), b0.reshape(1, D), w1)


def _k5_body(a_ref, z_ref, d2_ref, b1_ref, o_ref):
    acc = a_ref[0] + a_ref[1]
    x = acc + d2_ref[...] * z_ref[...] + b1_ref[...]
    m = jnp.max(x, axis=1, keepdims=True)
    e = jnp.exp(x - m)
    o_ref[...] = x - m - jnp.log(jnp.sum(e, axis=1, keepdims=True))


def _k5(acc2, z, dinv2, b1):
    blk = 640
    return pl.pallas_call(
        _k5_body,
        grid=(NPAD // blk,),
        in_specs=[pl.BlockSpec((NC, blk, 2), lambda i: (0, i, 0)),
                  pl.BlockSpec((blk, 2), lambda i: (i, 0)),
                  pl.BlockSpec((blk, 1), lambda i: (i, 0)),
                  pl.BlockSpec((1, 2), lambda i: (0, 0))],
        out_specs=pl.BlockSpec((blk, 2), lambda i: (i, 0)),
        out_shape=jax.ShapeDtypeStruct((NPAD, 2), jnp.float32),
    )(acc2, z, dinv2.reshape(NPAD, 1), b1.reshape(1, 2))


def kernel(edges, features, edge_features, W0, b0, W1, b1):
    sd2, ew2 = _k0(edges[0].reshape(KC, C2),
                   edges[1].reshape(KC, C2),
                   edge_features.reshape(KC, C2))

    h = _k1(features, W0)
    acc1, c, dinv2p = _k2(sd2, ew2, h)
    z = _k3(acc1, h, dinv2p, b0, W1)

    acc2f = _k4(sd2, c, z.reshape(2 * NPAD))
    acc2 = acc2f.reshape(NC, NPAD, 2)

    return _k5(acc2, z, dinv2p, b1)[:N]

# --- scband reference (transcript-rebuilt; emitter-appended) ---
"""Pipeline reference for scband-node-coder-model-43164421325023 (READ-ONLY COPY).

The authoritative reference and input builder live on the scoring server;
editing this copy changes nothing except your own understanding.
"""

import jax, jax.numpy as jnp
import numpy as np

N = 10000
E = 320000
D_IN = 128
D_HID = 128
D_OUT = 2


def setup_inputs(seed: int = 0) -> dict:
    key = jax.random.key(seed)
    ks = jax.random.split(key, 8)
    edges = jax.random.randint(ks[0], (2, E), 0, N, dtype=jnp.int32)
    features = jax.random.normal(ks[1], (N, D_IN), dtype=jnp.float32)
    edge_features = jax.random.uniform(ks[2], (E,), dtype=jnp.float32)
    # GCN layer 0 params (glorot-like)
    W0 = jax.random.normal(ks[3], (D_IN, D_HID), dtype=jnp.float32) * (1.0 / np.sqrt(D_IN))
    b0 = jnp.zeros((D_HID,), dtype=jnp.float32)
    # GCN output layer params
    W1 = jax.random.normal(ks[4], (D_HID, D_OUT), dtype=jnp.float32) * (1.0 / np.sqrt(D_HID))
    b1 = jnp.zeros((D_OUT,), dtype=jnp.float32)
    return {"edges": edges, "features": features, "edge_features": edge_features,
            "W0": W0, "b0": b0, "W1": W1, "b1": b1}


def _gcn_conv(x, src, dst, ew, W, b):
    # GCNConv with edge_weight: add self-loops (weight 1), symmetric norm, propagate
    n = x.shape[0]
    loop = jnp.arange(n, dtype=src.dtype)
    s = jnp.concatenate([src, loop], axis=0)
    d = jnp.concatenate([dst, loop], axis=0)
    w = jnp.concatenate([ew, jnp.ones((n,), dtype=ew.dtype)], axis=0)
    deg = jnp.zeros((n,), dtype=x.dtype).at[d].add(w)
    deg_inv_sqrt = jnp.where(deg > 0, 1.0 / jnp.sqrt(deg), 0.0)
    norm = deg_inv_sqrt[s] * w * deg_inv_sqrt[d]
    h = x @ W
    out = jnp.zeros((n, W.shape[1]), dtype=x.dtype).at[d].add(norm[:, None] * h[s])
    return out + b


def reference(edges, features, edge_features, W0, b0, W1, b1):
    src, dst = edges[0], edges[1]
    # input GCN layer + ELU
    h = jax.nn.elu(_gcn_conv(features, src, dst, edge_features, W0, b0))
    # output GCN layer (single task), dropout is identity in eval mode
    x_out = _gcn_conv(h, src, dst, edge_features, W1, b1)
    predictions = jax.nn.log_softmax(x_out, axis=1)
    return predictions

if __name__ == "__main__":
    import jax
    _d = setup_inputs()
    print(jax.jit(kernel)(*tuple(_d.values())))

</pallas_src>

<mosaic_0001>
#map = affine_map<(d0, d1) -> (0, 0)>
#map1 = affine_map<(d0, d1) -> (0)>
module attributes {stable_mosaic.version = 14 : i64} {
  func.func @_k2_body(%arg0: i32, %arg1: i32, %arg2: memref<2560x128xi32, #tpu.memory_space<hbm>>, %arg3: memref<2560x128xf32, #tpu.memory_space<hbm>>, %arg4: memref<10240x128xf32, #tpu.memory_space<hbm>>, %arg5: memref<10240x128xf32, #tpu.memory_space<hbm>>, %arg6: memref<2560x128xf32, #tpu.memory_space<hbm>>, %arg7: memref<10240xf32, #tpu.memory_space<hbm>>, %arg8: memref<160x128xi32, #tpu.memory_space<vmem>>, %arg9: memref<160x128xf32, #tpu.memory_space<vmem>>, %arg10: memref<10240xf32, #tpu.memory_space<vmem>>, %arg11: memref<128x128xf32, #tpu.memory_space<vmem>>, %arg12: memref<128x128xf32, #tpu.memory_space<vmem>>, %arg13: memref<6400xi32, #tpu.memory_space<vmem>>, %arg14: memref<6400xf32, #tpu.memory_space<vmem>>, %arg15: memref<128xi32, #tpu.memory_space<vmem>>, %arg16: memref<128xi32, #tpu.memory_space<vmem>>, %arg17: memref<128xi32, #tpu.memory_space<vmem>>, %arg18: memref<128xi32, #tpu.memory_space<vmem>>, %arg19: memref<!tpu.dma_semaphore, #tpu.memory_space<semaphore_mem>>, %arg20: memref<!tpu.dma_semaphore, #tpu.memory_space<semaphore_mem>>, %arg21: memref<!tpu.dma_semaphore, #tpu.memory_space<semaphore_mem>>, %arg22: memref<!tpu.dma_semaphore, #tpu.memory_space<semaphore_mem>>, %arg23: memref<640xf32, #tpu.memory_space<vmem>>, %arg24: memref<640xf32, #tpu.memory_space<vmem>>, %arg25: memref<640xf32, #tpu.memory_space<vmem>>, %arg26: memref<640xf32, #tpu.memory_space<vmem>>, %arg27: memref<2560x128xf32, #tpu.memory_space<vmem_shared>>, %arg28: memref<10240xf32, #tpu.memory_space<vmem_shared>>, %arg29: memref<10240xf32, #tpu.memory_space<vmem_shared>>) attributes {dimension_semantics = [#tpu.dimension_semantics<core_parallel>, #tpu.dimension_semantics<subcore_parallel>], iteration_bounds = array<i64: 2, 16>, scalar_prefetch = 0 : i64, scratch_operands = 22 : i64, tpu.core_type = #tpu.core_type<sc_vector_subcore>, window_params = [{transform_indices = #map}, {transform_indices = #map}, {transform_indices = #map}, {transform_indices = #map}, {transform_indices = #map}, {transform_indices = #map1}]} {
    %mul3A = arith.constant 160 : i32
    %mul3A_0 = arith.muli %arg1, %mul3A : i32
    "tpu.region"() ({
      %run_scoped3A = tpu.sem_alloc : memref<!tpu.dma_semaphore, #tpu.memory_space<semaphore_mem>>
      %dma_start3A = arith.constant 0 : i32
      %dma_start3A_395 = tpu.memref_slice %arg2[%mul3A_0, %dma_start3A] : memref<2560x128xi32, #tpu.memory_space<hbm>> -> memref<160x128xi32, #tpu.memory_space<hbm>>
      %dma_start3A_396 = arith.constant 0 : i32
      %dma_start3A_397 = tpu.memref_slice %arg2[%mul3A_0, %dma_start3A_396] : memref<2560x128xi32, #tpu.memory_space<hbm>> -> memref<160x128xi32, #tpu.memory_space<hbm>>
      tpu.enqueue_dma source(%dma_start3A_397 : memref<160x128xi32, #tpu.memory_space<hbm>>) target(%arg8 : memref<160x128xi32, #tpu.memory_space<vmem>>) target_semaphore(%run_scoped3A : memref<!tpu.dma_semaphore, #tpu.memory_space<semaphore_mem>>)
      %dma_wait3A = arith.constant 0 : i32
      %dma_wait3A_398 = tpu.memref_slice %arg2[%mul3A_0, %dma_wait3A] : memref<2560x128xi32, #tpu.memory_space<hbm>> -> memref<160x128xi32, #tpu.memory_space<hbm>>
      %dma_wait3A_399 = arith.constant 0 : i32
      %dma_wait3A_400 = tpu.memref_slice %arg2[%mul3A_0, %dma_wait3A_399] : memref<2560x128xi32, #tpu.memory_space<hbm>> -> memref<160x128xi32, #tpu.memory_space<hbm>>
      tpu.wait_dma2 semaphore(%run_scoped3A : memref<!tpu.dma_semaphore, #tpu.memory_space<semaphore_mem>>) src(%dma_wait3A_400 : memref<160x128xi32, #tpu.memory_space<hbm>>) dst(%arg8 : memref<160x128xi32, #tpu.memory_space<vmem>>)
      tpu.yield
    }) : () -> ()
    "tpu.region"() ({
      %run_scoped3A = tpu.sem_alloc : memref<!tpu.dma_semaphore, #tpu.memory_space<semaphore_mem>>
      %dma_start3A = arith.constant 0 : i32
      %dma_start3A_395 = tpu.memref_slice %arg3[%mul3A_0, %dma_start3A] : memref<2560x128xf32, #tpu.memory_space<hbm>> -> memref<160x128xf32, #tpu.memory_space<hbm>>
      %dma_start3A_396 = arith.constant 0 : i32
      %dma_start3A_397 = tpu.memref_slice %arg3[%mul3A_0, %dma_start3A_396] : memref<2560x128xf32, #tpu.memory_space<hbm>> -> memref<160x128xf32, #tpu.memory_space<hbm>>
      tpu.enqueue_dma source(%dma_start3A_397 : memref<160x128xf32, #tpu.memory_space<hbm>>) target(%arg9 : memref<160x128xf32, #tpu.memory_space<vmem>>) target_semaphore(%run_scoped3A : memref<!tpu.dma_semaphore, #tpu.memory_space<semaphore_mem>>)
      %dma_wait3A = arith.constant 0 : i32
      %dma_wait3A_398 = tpu.memref_slice %arg3[%mul3A_0, %dma_wait3A] : memref<2560x128xf32, #tpu.memory_space<hbm>> -> memref<160x128xf32, #tpu.memory_space<hbm>>
      %dma_wait3A_399 = arith.constant 0 : i32
      %dma_wait3A_400 = tpu.memref_slice %arg3[%mul3A_0, %dma_wait3A_399] : memref<2560x128xf32, #tpu.memory_space<hbm>> -> memref<160x128xf32, #tpu.memory_space<hbm>>
      tpu.wait_dma2 semaphore(%run_scoped3A : memref<!tpu.dma_semaphore, #tpu.memory_space<semaphore_mem>>) src(%dma_wait3A_400 : memref<160x128xf32, #tpu.memory_space<hbm>>) dst(%arg9 : memref<160x128xf32, #tpu.memory_space<vmem>>)
      tpu.yield
    }) : () -> ()
    %scan3A = arith.constant 0 : i32
    %scan3A_1 = arith.constant 0 : i32
    %scan3A_2 = arith.constant 40 : i32
    %scan3A_3 = arith.addi %scan3A_1, %scan3A_2 : i32
    %scan3A_4 = arith.constant 1 : i32
    %scan3A_5 = scf.for %scan3A_395 = %scan3A_1 to %scan3A_3 step %scan3A_4 iter_args(%scan3A_396 = %scan3A) -> (i32)  : i32 {
      %broadcast_in_dim3A_397 = arith.constant 1.000000e+00 : f32
      %broadcast_in_dim3A_398 = vector.broadcast %broadcast_in_dim3A_397 : f32 to vector<16xf32>
      %mul3A_399 = arith.constant 16 : i32
      %mul3A_400 = arith.muli %scan3A_395, %mul3A_399 : i32
      %swap3A = arith.index_cast %mul3A_400 : i32 to index
      %swap3A_401 = tpu.vector_load %arg26[%swap3A] {strides = array<i32>} : memref<640xf32, #tpu.memory_space<vmem>>, vector<16xf32>,
      tpu.vector_store %arg26[%swap3A], %broadcast_in_dim3A_398 {strides = array<i32>} : memref<640xf32, #tpu.memory_space<vmem>>, vector<16xf32>,
      %scan3A_402 = arith.constant 0 : i32
      scf.yield %scan3A_402 : i32
    }
    %scan3A_6 = arith.constant 40 : i32
    %mul3A_7 = arith.constant 640 : i32
    %mul3A_8 = arith.muli %arg1, %mul3A_7 : i32
    "tpu.region"() ({
      %run_scoped3A = tpu.sem_alloc : memref<!tpu.dma_semaphore, #tpu.memory_space<semaphore_mem>>
      %dma_start3A = tpu.memref_slice %arg28[%mul3A_8] : memref<10240xf32, #tpu.memory_space<vmem_shared>> -> memref<640xf32, #tpu.memory_space<vmem_shared>>
      %dma_start3A_395 = tpu.memref_slice %arg28[%mul3A_8] : memref<10240xf32, #tpu.memory_space<vmem_shared>> -> memref<640xf32, #tpu.memory_space<vmem_shared>>
      tpu.enqueue_dma source(%arg26 : memref<640xf32, #tpu.memory_space<vmem>>) target(%dma_start3A_395 : memref<640xf32, #tpu.memory_space<vmem_shared>>) target_semaphore(%run_scoped3A : memref<!tpu.dma_semaphore, #tpu.memory_space<semaphore_mem>>)
      %dma_wait3A = tpu.memref_slice %arg28[%mul3A_8] : memref<10240xf32, #tpu.memory_space<vmem_shared>> -> memref<640xf32, #tpu.memory_space<vmem_shared>>
      %dma_wait3A_396 = tpu.memref_slice %arg28[%mul3A_8] : memref<10240xf32, #tpu.memory_space<vmem_shared>> -> memref<640xf32, #tpu.memory_space<vmem_shared>>
      tpu.wait_dma2 semaphore(%run_scoped3A : memref<!tpu.dma_semaphore, #tpu.memory_space<semaphore_mem>>) src(%arg26 : memref<640xf32, #tpu.memory_space<vmem>>) dst(%dma_wait3A_396 : memref<640xf32, #tpu.memory_space<vmem_shared>>)
      tpu.yield
    }) : () -> ()
    %barrier3A = arith.constant 0 : index
    tpu.barrier barrier_id(%barrier3A)
    %scan3A_9 = arith.constant 0 : i32
    %scan3A_10 = arith.constant 0 : i32
    %scan3A_11 = arith.constant 160 : i32
    %scan3A_12 = arith.addi %scan3A_10, %scan3A_11 : i32
    %scan3A_13 = arith.constant 1 : i32
    %scan3A_14 = scf.for %scan3A_395 = %scan3A_10 to %scan3A_12 step %scan3A_13 iter_args(%scan3A_396 = %scan3A_9) -> (i32)  : i32 {
      %get3A = arith.index_cast %scan3A_395 : i32 to index
      %get3A_397 = arith.constant 0 : index
      %get3A_398 = tpu.vector_load %arg8[%get3A, %get3A_397] {strides = array<i32>} : memref<160x128xi32, #tpu.memory_space<vmem>>, vector<16xi32>,
      %shift_right_logical3A = arith.constant 14 : i32
      %shift_right_logical3A_399 = vector.broadcast %shift_right_logical3A : i32 to vector<16xi32>
      %shift_right_logical3A_400 = arith.shrui %get3A_398, %shift_right_logical3A_399 : vector<16xi32>
      %swap3A = arith.constant 0 : index
      %swap3A_401 = tpu.vector_load %arg16[%swap3A] {strides = array<i32>} : memref<128xi32, #tpu.memory_space<vmem>>, vector<16xi32>,
      tpu.vector_store %arg16[%swap3A], %shift_right_logical3A_400 {strides = array<i32>} : memref<128xi32, #tpu.memory_space<vmem>>, vector<16xi32>,
      %get3A_402 = arith.index_cast %scan3A_395 : i32 to index
      %get3A_403 = arith.constant 16 : index
      %get3A_404 = tpu.vector_load %arg8[%get3A_402, %get3A_403] {strides = array<i32>} : memref<160x128xi32, #tpu.memory_space<vmem>>, vector<16xi32>,
      %shift_right_logical3A_405 = arith.constant 14 : i32
      %shift_right_logical3A_406 = vector.broadcast %shift_right_logical3A_405 : i32 to vector<16xi32>
      %shift_right_logical3A_407 = arith.shrui %get3A_404, %shift_right_logical3A_406 : vector<16xi32>
      %swap3A_408 = arith.constant 16 : index
      %swap3A_409 = tpu.vector_load %arg16[%swap3A_408] {strides = array<i32>} : memref<128xi32, #tpu.memory_space<vmem>>, vector<16xi32>,
      tpu.vector_store %arg16[%swap3A_408], %shift_right_logical3A_407 {strides = array<i32>} : memref<128xi32, #tpu.memory_space<vmem>>, vector<16xi32>,
      %get3A_410 = arith.index_cast %scan3A_395 : i32 to index
      %get3A_411 = arith.constant 32 : index
      %get3A_412 = tpu.vector_load %arg8[%get3A_410, %get3A_411] {strides = array<i32>} : memref<160x128xi32, #tpu.memory_space<vmem>>, vector<16xi32>,
      %shift_right_logical3A_413 = arith.constant 14 : i32
      %shift_right_logical3A_414 = vector.broadcast %shift_right_logical3A_413 : i32 to vector<16xi32>
      %shift_right_logical3A_415 = arith.shrui %get3A_412, %shift_right_logical3A_414 : vector<16xi32>
      %swap3A_416 = arith.constant 32 : index
      %swap3A_417 = tpu.vector_load %arg16[%swap3A_416] {strides = array<i32>} : memref<128xi32, #tpu.memory_space<vmem>>, vector<16xi32>,
      tpu.vector_store %arg16[%swap3A_416], %shift_right_logical3A_415 {strides = array<i32>} : memref<128xi32, #tpu.memory_space<vmem>>, vector<16xi32>,
      %get3A_418 = arith.index_cast %scan3A_395 : i32 to index
      %get3A_419 = arith.constant 48 : index
      %get3A_420 = tpu.vector_load %arg8[%get3A_418, %get3A_419] {strides = array<i32>} : memref<160x128xi32, #tpu.memory_space<vmem>>, vector<16xi32>,
      %shift_right_logical3A_421 = arith.constant 14 : i32
      %shift_right_logical3A_422 = vector.broadcast %shift_right_logical3A_421 : i32 to vector<16xi32>
      %shift_right_logical3A_423 = arith.shrui %get3A_420, %shift_right_logical3A_422 : vector<16xi32>
      %swap3A_424 = arith.constant 48 : index
      %swap3A_425 = tpu.vector_load %arg16[%swap3A_424] {strides = array<i32>} : memref<128xi32, #tpu.memory_space<vmem>>, vector<16xi32>,
      tpu.vector_store %arg16[%swap3A_424], %shift_right_logical3A_423 {strides = array<i32>} : memref<128xi32, #tpu.memory_space<vmem>>, vector<16xi32>,
      %get3A_426 = arith.index_cast %scan3A_395 : i32 to index
      %get3A_427 = arith.constant 64 : index
      %get3A_428 = tpu.vector_load %arg8[%get3A_426, %get3A_427] {strides = array<i32>} : memref<160x128xi32, #tpu.memory_space<vmem>>, vector<16xi32>,
      %shift_right_logical3A_429 = arith.constant 14 : i32
      %shift_right_logical3A_430 = vector.broadcast %shift_right_logical3A_429 : i32 to vector<16xi32>
      %shift_right_logical3A_431 = arith.shrui %get3A_428, %shift_right_logical3A_430 : vector<16xi32>
      %swap3A_432 = arith.constant 64 : index
      %swap3A_433 = tpu.vector_load %arg16[%swap3A_432] {strides = array<i32>} : memref<128xi32, #tpu.memory_space<vmem>>, vector<16xi32>,
      tpu.vector_store %arg16[%swap3A_432], %shift_right_logical3A_431 {strides = array<i32>} : memref<128xi32, #tpu.memory_space<vmem>>, vector<16xi32>,
      %get3A_434 = arith.index_cast %scan3A_395 : i32 to index
      %get3A_435 = arith.constant 80 : index
      %get3A_436 = tpu.vector_load %arg8[%get3A_434, %get3A_435] {strides = array<i32>} : memref<160x128xi32, #tpu.memory_space<vmem>>, vector<16xi32>,
      %shift_right_logical3A_437 = arith.constant 14 : i32
      %shift_right_logical3A_438 = vector.broadcast %shift_right_logical3A_437 : i32 to vector<16xi32>
      %shift_right_logical3A_439 = arith.shrui %get3A_436, %shift_right_logical3A_438 : vector<16xi32>
      %swap3A_440 = arith.constant 80 : index
      %swap3A_441 = tpu.vector_load %arg16[%swap3A_440] {strides = array<i32>} : memref<128xi32, #tpu.memory_space<vmem>>, vector<16xi32>,
      tpu.vector_store %arg16[%swap3A_440], %shift_right_logical3A_439 {strides = array<i32>} : memref<128xi32, #tpu.memory_space<vmem>>, vector<16xi32>,
      %get3A_442 = arith.index_cast %scan3A_395 : i32 to index
      %get3A_443 = arith.constant 96 : index
      %get3A_444 = tpu.vector_load %arg8[%get3A_442, %get3A_443] {strides = array<i32>} : memref<160x128xi32, #tpu.memory_space<vmem>>, vector<16xi32>,
      %shift_right_logical3A_445 = arith.constant 14 : i32
      %shift_right_logical3A_446 = vector.broadcast %shift_right_logical3A_445 : i32 to vector<16xi32>
      %shift_right_logical3A_447 = arith.shrui %get3A_444, %shift_right_logical3A_446 : vector<16xi32>
      %swap3A_448 = arith.constant 96 : index
      %swap3A_449 = tpu.vector_load %arg16[%swap3A_448] {strides = array<i32>} : memref<128xi32, #tpu.memory_space<vmem>>, vector<16xi32>,
      tpu.vector_store %arg16[%swap3A_448], %shift_right_logical3A_447 {strides = array<i32>} : memref<128xi32, #tpu.memory_space<vmem>>, vector<16xi32>,
      %get3A_450 = arith.index_cast %scan3A_395 : i32 to index
      %get3A_451 = arith.constant 112 : index
      %get3A_452 = tpu.vector_load %arg8[%get3A_450, %get3A_451] {strides = array<i32>} : memref<160x128xi32, #tpu.memory_space<vmem>>, vector<16xi32>,
      %shift_right_logical3A_453 = arith.constant 14 : i32
      %shift_right_logical3A_454 = vector.broadcast %shift_right_logical3A_453 : i32 to vector<16xi32>
      %shift_right_logical3A_455 = arith.shrui %get3A_452, %shift_right_logical3A_454 : vector<16xi32>
      %swap3A_456 = arith.constant 112 : index
      %swap3A_457 = tpu.vector_load %arg16[%swap3A_456] {strides = array<i32>} : memref<128xi32, #tpu.memory_space<vmem>>, vector<16xi32>,
      tpu.vector_store %arg16[%swap3A_456], %shift_right_logical3A_455 {strides = array<i32>} : memref<128xi32, #tpu.memory_space<vmem>>, vector<16xi32>,
      "tpu.region"() ({
        %run_scoped3A = tpu.sem_alloc : memref<!tpu.dma_semaphore, #tpu.memory_space<semaphore_mem>>
        %dma_start3A = arith.constant 0 : i32
        %dma_start3A_459 = tpu.memref_slice %arg9[%scan3A_395, %dma_start3A] : memref<160x128xf32, #tpu.memory_space<vmem>> -> memref<1x128xf32, #tpu.memory_space<vmem>>
        %dma_start3A_460 = tpu.memref_squeeze %dma_start3A_459 : memref<1x128xf32, #tpu.memory_space<vmem>> -> memref<128xf32, #tpu.memory_space<vmem>>
        %dma_start3A_461 = arith.constant 0 : i32
        %dma_start3A_462 = tpu.memref_slice %arg28[%dma_start3A_461] : memref<10240xf32, #tpu.memory_space<vmem_shared>> -> memref<10240xf32, #tpu.memory_space<vmem_shared>>
        tpu.enqueue_indirect_dma source(%dma_start3A_460 : memref<128xf32, #tpu.memory_space<vmem>>) target(%dma_start3A_462 : memref<10240xf32, #tpu.memory_space<vmem_shared>>) offsets(%arg16 : memref<128xi32, #tpu.memory_space<vmem>>) semaphore(%run_scoped3A : memref<!tpu.dma_semaphore, #tpu.memory_space<semaphore_mem>>) {add = true}
        %dma_wait3A = arith.constant 0 : i32
        %dma_wait3A_463 = tpu.memref_slice %arg9[%scan3A_395, %dma_wait3A] : memref<160x128xf32, #tpu.memory_space<vmem>> -> memref<1x128xf32, #tpu.memory_space<vmem>>
        %dma_wait3A_464 = tpu.memref_squeeze %dma_wait3A_463 : memref<1x128xf32, #tpu.memory_space<vmem>> -> memref<128xf32, #tpu.memory_space<vmem>>
        %dma_wait3A_465 = arith.constant 0 : i32
        %dma_wait3A_466 = tpu.memref_slice %arg28[%dma_wait3A_465] : memref<10240xf32, #tpu.memory_space<vmem_shared>> -> memref<10240xf32, #tpu.memory_space<vmem_shared>>
        tpu.wait_indirect_dma semaphore(%run_scoped3A : memref<!tpu.dma_semaphore, #tpu.memory_space<semaphore_mem>>) src(%dma_wait3A_464 : memref<128xf32, #tpu.memory_space<vmem>>) dst(%dma_wait3A_466 : memref<10240xf32, #tpu.memory_space<vmem_shared>>)
        tpu.yield
      }) : () -> ()
      %scan3A_458 = arith.constant 0 : i32
      scf.yield %scan3A_458 : i32
    }
    %scan3A_15 = arith.constant 160 : i32
    %barrier3A_16 = arith.constant 0 : index
    tpu.barrier barrier_id(%barrier3A_16)
    %mul3A_17 = arith.constant 640 : i32
    %mul3A_18 = arith.muli %arg1, %mul3A_17 : i32
    "tpu.region"() ({
      %run_scoped3A = tpu.sem_alloc : memref<!tpu.dma_semaphore, #tpu.memory_space<semaphore_mem>>
      %dma_start3A = tpu.memref_slice %arg28[%mul3A_18] : memref<10240xf32, #tpu.memory_space<vmem_shared>> -> memref<640xf32, #tpu.memory_space<vmem_shared>>
      %dma_start3A_395 = tpu.memref_slice %arg28[%mul3A_18] : memref<10240xf32, #tpu.memory_space<vmem_shared>> -> memref<640xf32, #tpu.memory_space<vmem_shared>>
      tpu.enqueue_dma source(%dma_start3A_395 : memref<640xf32, #tpu.memory_space<vmem_shared>>) target(%arg23 : memref<640xf32, #tpu.memory_space<vmem>>) target_semaphore(%run_scoped3A : memref<!tpu.dma_semaphore, #tpu.memory_space<semaphore_mem>>)
      %dma_wait3A = tpu.memref_slice %arg28[%mul3A_18] : memref<10240xf32, #tpu.memory_space<vmem_shared>> -> memref<640xf32, #tpu.memory_space<vmem_shared>>
      %dma_wait3A_396 = tpu.memref_slice %arg28[%mul3A_18] : memref<10240xf32, #tpu.memory_space<vmem_shared>> -> memref<640xf32, #tpu.memory_space<vmem_shared>>
      tpu.wait_dma2 semaphore(%run_scoped3A : memref<!tpu.dma_semaphore, #tpu.memory_space<semaphore_mem>>) src(%dma_wait3A_396 : memref<640xf32, #tpu.memory_space<vmem_shared>>) dst(%arg23 : memref<640xf32, #tpu.memory_space<vmem>>)
      tpu.yield
    }) : () -> ()
    %scan3A_19 = arith.constant 0 : i32
    %scan3A_20 = arith.constant 0 : i32
    %scan3A_21 = arith.constant 40 : i32
    %scan3A_22 = arith.addi %scan3A_20, %scan3A_21 : i32
    %scan3A_23 = arith.constant 1 : i32
    %scan3A_24 = scf.for %scan3A_395 = %scan3A_20 to %scan3A_22 step %scan3A_23 iter_args(%scan3A_396 = %scan3A_19) -> (i32)  : i32 {
      %mul3A_397 = arith.constant 16 : i32
      %mul3A_398 = arith.muli %scan3A_395, %mul3A_397 : i32
      %get3A = arith.index_cast %mul3A_398 : i32 to index
      %get3A_399 = tpu.vector_load %arg23[%get3A] {strides = array<i32>} : memref<640xf32, #tpu.memory_space<vmem>>, vector<16xf32>,
      %bitcast3A = vector.bitcast %get3A_399 : vector<16xf32> to vector<16xi32>
      %shift_right_logical3A = arith.constant 1 : i32
      %shift_right_logical3A_400 = vector.broadcast %shift_right_logical3A : i32 to vector<16xi32>
      %shift_right_logical3A_401 = arith.shrui %bitcast3A, %shift_right_logical3A_400 : vector<16xi32>
      %sub3A_402 = arith.constant 1597463007 : i32
      %sub3A_403 = vector.broadcast %sub3A_402 : i32 to vector<16xi32>
      %sub3A_404 = arith.subi %sub3A_403, %shift_right_logical3A_401 : vector<16xi32>
      %bitcast3A_405 = vector.bitcast %sub3A_404 : vector<16xi32> to vector<16xf32>
      %mul3A_406 = arith.constant 5.000000e-01 : f32
      %mul3A_407 = vector.broadcast %mul3A_406 : f32 to vector<16xf32>
      %mul3A_408 = arith.mulf %mul3A_407, %get3A_399 : vector<16xf32>
      %mul3A_409 = arith.mulf %mul3A_408, %bitcast3A_405 : vector<16xf32>
      %mul3A_410 = arith.mulf %mul3A_409, %bitcast3A_405 : vector<16xf32>
      %sub3A_411 = arith.constant 1.500000e+00 : f32
      %sub3A_412 = vector.broadcast %sub3A_411 : f32 to vector<16xf32>
      %sub3A_413 = arith.subf %sub3A_412, %mul3A_410 : vector<16xf32>
      %mul3A_414 = arith.mulf %bitcast3A_405, %sub3A_413 : vector<16xf32>
      %mul3A_415 = arith.constant 5.000000e-01 : f32
      %mul3A_416 = vector.broadcast %mul3A_415 : f32 to vector<16xf32>
      %mul3A_417 = arith.mulf %mul3A_416, %get3A_399 : vector<16xf32>
      %mul3A_418 = arith.mulf %mul3A_417, %mul3A_414 : vector<16xf32>
      %mul3A_419 = arith.mulf %mul3A_418, %mul3A_414 : vector<16xf32>
      %sub3A_420 = arith.constant 1.500000e+00 : f32
      %sub3A_421 = vector.broadcast %sub3A_420 : f32 to vector<16xf32>
      %sub3A_422 = arith.subf %sub3A_421, %mul3A_419 : vector<16xf32>
      %mul3A_423 = arith.mulf %mul3A_414, %sub3A_422 : vector<16xf32>
      %mul3A_424 = arith.constant 5.000000e-01 : f32
      %mul3A_425 = vector.broadcast %mul3A_424 : f32 to vector<16xf32>
      %mul3A_426 = arith.mulf %mul3A_425, %get3A_399 : vector<16xf32>
      %mul3A_427 = arith.mulf %mul3A_426, %mul3A_423 : vector<16xf32>
      %mul3A_428 = arith.mulf %mul3A_427, %mul3A_423 : vector<16xf32>
      %sub3A_429 = arith.constant 1.500000e+00 : f32
      %sub3A_430 = vector.broadcast %sub3A_429 : f32 to vector<16xf32>
      %sub3A_431 = arith.subf %sub3A_430, %mul3A_428 : vector<16xf32>
      %mul3A_432 = arith.mulf %mul3A_423, %sub3A_431 : vector<16xf32>
      %gt3A_433 = arith.constant 0.000000e+00 : f32
      %gt3A_434 = vector.broadcast %gt3A_433 : f32 to vector<16xf32>
      %gt3A_435 = arith.cmpf ogt, %get3A_399, %gt3A_434 : vector<16xf32>
      %jit3A_436 = arith.constant 0.000000e+00 : f32
      %broadcast_in_dim3A_437 = vector.broadcast %jit3A_436 : f32 to vector<16xf32>
      %select_n3A_438 = arith.select %gt3A_435, %mul3A_432, %broadcast_in_dim3A_437 : vector<16xi1>, vector<16xf32>
      %mul3A_439 = arith.constant 16 : i32
      %mul3A_440 = arith.muli %scan3A_395, %mul3A_439 : i32
      %swap3A = arith.index_cast %mul3A_440 : i32 to index
      %swap3A_441 = tpu.vector_load %arg24[%swap3A] {strides = array<i32>} : memref<640xf32, #tpu.memory_space<vmem>>, vector<16xf32>,
      tpu.vector_store %arg24[%swap3A], %select_n3A_438 {strides = array<i32>} : memref<640xf32, #tpu.memory_space<vmem>>, vector<16xf32>,
      %mul3A_442 = arith.mulf %select_n3A_438, %select_n3A_438 : vector<16xf32>
      %mul3A_443 = arith.constant 16 : i32
      %mul3A_444 = arith.muli %scan3A_395, %mul3A_443 : i32
      %swap3A_445 = arith.index_cast %mul3A_444 : i32 to index
      %swap3A_446 = tpu.vector_load %arg25[%swap3A_445] {strides = array<i32>} : memref<640xf32, #tpu.memory_space<vmem>>, vector<16xf32>,
      tpu.vector_store %arg25[%swap3A_445], %mul3A_442 {strides = array<i32>} : memref<640xf32, #tpu.memory_space<vmem>>, vector<16xf32>,
      %scan3A_447 = arith.constant 0 : i32
      scf.yield %scan3A_447 : i32
    }
    %scan3A_25 = arith.constant 40 : i32
    %mul3A_26 = arith.constant 640 : i32
    %mul3A_27 = arith.muli %arg1, %mul3A_26 : i32
    "tpu.region"() ({
      %run_scoped3A = tpu.sem_alloc : memref<!tpu.dma_semaphore, #tpu.memory_space<semaphore_mem>>
      %dma_start3A = tpu.memref_slice %arg29[%mul3A_27] : memref<10240xf32, #tpu.memory_space<vmem_shared>> -> memref<640xf32, #tpu.memory_space<vmem_shared>>
      %dma_start3A_395 = tpu.memref_slice %arg29[%mul3A_27] : memref<10240xf32, #tpu.memory_space<vmem_shared>> -> memref<640xf32, #tpu.memory_space<vmem_shared>>
      tpu.enqueue_dma source(%arg24 : memref<640xf32, #tpu.memory_space<vmem>>) target(%dma_start3A_395 : memref<640xf32, #tpu.memory_space<vmem_shared>>) target_semaphore(%run_scoped3A : memref<!tpu.dma_semaphore, #tpu.memory_space<semaphore_mem>>)
      %dma_wait3A = tpu.memref_slice %arg29[%mul3A_27] : memref<10240xf32, #tpu.memory_space<vmem_shared>> -> memref<640xf32, #tpu.memory_space<vmem_shared>>
      %dma_wait3A_396 = tpu.memref_slice %arg29[%mul3A_27] : memref<10240xf32, #tpu.memory_space<vmem_shared>> -> memref<640xf32, #tpu.memory_space<vmem_shared>>
      tpu.wait_dma2 semaphore(%run_scoped3A : memref<!tpu.dma_semaphore, #tpu.memory_space<semaphore_mem>>) src(%arg24 : memref<640xf32, #tpu.memory_space<vmem>>) dst(%dma_wait3A_396 : memref<640xf32, #tpu.memory_space<vmem_shared>>)
      tpu.yield
    }) : () -> ()
    %eq3A = arith.constant 0 : i32
    %eq3A_28 = arith.cmpi eq, %arg0, %eq3A : i32
    %convert_element_type3A = arith.extui %eq3A_28 : i1 to i32
    %cond3A = arith.constant 0 : i32
    %cond3A_29 = arith.cmpi ne, %convert_element_type3A, %cond3A : i32
    scf.if %cond3A_29 {
      %mul3A_395 = arith.constant 640 : i32
      %mul3A_396 = arith.muli %arg1, %mul3A_395 : i32
      "tpu.region"() ({
        %run_scoped3A = tpu.sem_alloc : memref<!tpu.dma_semaphore, #tpu.memory_space<semaphore_mem>>
        %dma_start3A = tpu.memref_slice %arg7[%mul3A_396] : memref<10240xf32, #tpu.memory_space<hbm>> -> memref<640xf32, #tpu.memory_space<hbm>>
        %dma_start3A_397 = tpu.memref_slice %arg7[%mul3A_396] : memref<10240xf32, #tpu.memory_space<hbm>> -> memref<640xf32, #tpu.memory_space<hbm>>
        tpu.enqueue_dma source(%arg25 : memref<640xf32, #tpu.memory_space<vmem>>) target(%dma_start3A_397 : memref<640xf32, #tpu.memory_space<hbm>>) target_semaphore(%run_scoped3A : memref<!tpu.dma_semaphore, #tpu.memory_space<semaphore_mem>>)
        %dma_wait3A = tpu.memref_slice %arg7[%mul3A_396] : memref<10240xf32, #tpu.memory_space<hbm>> -> memref<640xf32, #tpu.memory_space<hbm>>
        %dma_wait3A_398 = tpu.memref_slice %arg7[%mul3A_396] : memref<10240xf32, #tpu.memory_space<hbm>> -> memref<640xf32, #tpu.memory_space<hbm>>
        tpu.wait_dma2 semaphore(%run_scoped3A : memref<!tpu.dma_semaphore, #tpu.memory_space<semaphore_mem>>) src(%arg25 : memref<640xf32, #tpu.memory_space<vmem>>) dst(%dma_wait3A_398 : memref<640xf32, #tpu.memory_space<hbm>>)
        tpu.yield
      }) : () -> ()
    } else {
    }
    %barrier3A_30 = arith.constant 0 : index
    tpu.barrier barrier_id(%barrier3A_30)
    "tpu.region"() ({
      %run_scoped3A = tpu.sem_alloc : memref<!tpu.dma_semaphore, #tpu.memory_space<semaphore_mem>>
      tpu.enqueue_dma source(%arg29 : memref<10240xf32, #tpu.memory_space<vmem_shared>>) target(%arg10 : memref<10240xf32, #tpu.memory_space<vmem>>) target_semaphore(%run_scoped3A : memref<!tpu.dma_semaphore, #tpu.memory_space<semaphore_mem>>)
      tpu.wait_dma2 semaphore(%run_scoped3A : memref<!tpu.dma_semaphore, #tpu.memory_space<semaphore_mem>>) src(%arg29 : memref<10240xf32, #tpu.memory_space<vmem_shared>>) dst(%arg10 : memref<10240xf32, #tpu.memory_space<vmem>>)
      tpu.yield
    }) : () -> ()
    %scan3A_31 = arith.constant 0 : i32
    %scan3A_32 = arith.constant 0 : i32
    %scan3A_33 = arith.constant 160 : i32
    %scan3A_34 = arith.addi %scan3A_32, %scan3A_33 : i32
    %scan3A_35 = arith.constant 1 : i32
    %scan3A_36 = scf.for %scan3A_395 = %scan3A_32 to %scan3A_34 step %scan3A_35 iter_args(%scan3A_396 = %scan3A_31) -> (i32)  : i32 {
      %scan3A_397 = arith.constant 0 : i32
      %scan3A_398 = arith.constant 0 : i32
      %scan3A_399 = arith.constant 8 : i32
      %scan3A_400 = arith.addi %scan3A_398, %scan3A_399 : i32
      %scan3A_401 = arith.constant 1 : i32
      %scan3A_402 = scf.for %scan3A_405 = %scan3A_398 to %scan3A_400 step %scan3A_401 iter_args(%scan3A_406 = %scan3A_397) -> (i32)  : i32 {
        %mul3A_407 = arith.constant 16 : i32
        %mul3A_408 = arith.muli %scan3A_405, %mul3A_407 : i32
        %get3A = arith.index_cast %scan3A_395 : i32 to index
        %get3A_409 = arith.index_cast %mul3A_408 : i32 to index
        %get3A_410 = tpu.vector_load %arg8[%get3A, %get3A_409] {strides = array<i32>} : memref<160x128xi32, #tpu.memory_space<vmem>>, vector<16xi32>,
        %and3A_411 = arith.constant 16383 : i32
        %and3A_412 = vector.broadcast %and3A_411 : i32 to vector<16xi32>
        %and3A_413 = arith.andi %get3A_410, %and3A_412 : vector<16xi32>
        %shift_right_logical3A = arith.constant 14 : i32
        %shift_right_logical3A_414 = vector.broadcast %shift_right_logical3A : i32 to vector<16xi32>
        %shift_right_logical3A_415 = arith.shrui %get3A_410, %shift_right_logical3A_414 : vector<16xi32>
        %mul3A_416 = arith.constant 16 : i32
        %mul3A_417 = arith.muli %scan3A_405, %mul3A_416 : i32
        %get3A_418 = arith.index_cast %scan3A_395 : i32 to index
        %get3A_419 = arith.index_cast %mul3A_417 : i32 to index
        %get3A_420 = tpu.vector_load %arg9[%get3A_418, %get3A_419] {strides = array<i32>} : memref<160x128xf32, #tpu.memory_space<vmem>>, vector<16xf32>,
        %gather3A = tpu.vector_load_idx %arg10[%and3A_413] : memref<10240xf32, #tpu.memory_space<vmem>>[vector<16xi32>], vector<16xf32>,
        %mul3A_421 = arith.mulf %gather3A, %get3A_420 : vector<16xf32>
        %gather3A_422 = tpu.vector_load_idx %arg10[%shift_right_logical3A_415] : memref<10240xf32, #tpu.memory_space<vmem>>[vector<16xi32>], vector<16xf32>,
        %mul3A_423 = arith.mulf %mul3A_421, %gather3A_422 : vector<16xf32>
        %mul3A_424 = arith.constant 16 : i32
        %mul3A_425 = arith.muli %scan3A_405, %mul3A_424 : i32
        %swap3A = arith.index_cast %scan3A_395 : i32 to index
        %swap3A_426 = arith.index_cast %mul3A_425 : i32 to index
        %swap3A_427 = tpu.vector_load %arg9[%swap3A, %swap3A_426] {strides = array<i32>} : memref<160x128xf32, #tpu.memory_space<vmem>>, vector<16xf32>,
        tpu.vector_store %arg9[%swap3A, %swap3A_426], %mul3A_423 {strides = array<i32>} : memref<160x128xf32, #tpu.memory_space<vmem>>, vector<16xf32>,
        %scan3A_428 = arith.constant 0 : i32
        scf.yield %scan3A_428 : i32
      }
      %scan3A_403 = arith.constant 8 : i32
      %scan3A_404 = arith.constant 0 : i32
      scf.yield %scan3A_404 : i32
    }
    %scan3A_37 = arith.constant 160 : i32
    %eq3A_38 = arith.constant 0 : i32
    %eq3A_39 = arith.cmpi eq, %arg0, %eq3A_38 : i32
    %convert_element_type3A_40 = arith.extui %eq3A_39 : i1 to i32
    %cond3A_41 = arith.constant 0 : i32
    %cond3A_42 = arith.cmpi ne, %convert_element_type3A_40, %cond3A_41 : i32
    scf.if %cond3A_42 {
      "tpu.region"() ({
        %run_scoped3A = tpu.sem_alloc : memref<!tpu.dma_semaphore, #tpu.memory_space<semaphore_mem>>
        %dma_start3A = arith.constant 0 : i32
        %dma_start3A_395 = tpu.memref_slice %arg6[%mul3A_0, %dma_start3A] : memref<2560x128xf32, #tpu.memory_space<hbm>> -> memref<160x128xf32, #tpu.memory_space<hbm>>
        %dma_start3A_396 = arith.constant 0 : i32
        %dma_start3A_397 = tpu.memref_slice %arg6[%mul3A_0, %dma_start3A_396] : memref<2560x128xf32, #tpu.memory_space<hbm>> -> memref<160x128xf32, #tpu.memory_space<hbm>>
        tpu.enqueue_dma source(%arg9 : memref<160x128xf32, #tpu.memory_space<vmem>>) target(%dma_start3A_397 : memref<160x128xf32, #tpu.memory_space<hbm>>) target_semaphore(%run_scoped3A : memref<!tpu.dma_semaphore, #tpu.memory_space<semaphore_mem>>)
        %dma_wait3A = arith.constant 0 : i32
        %dma_wait3A_398 = tpu.memref_slice %arg6[%mul3A_0, %dma_wait3A] : memref<2560x128xf32, #tpu.memory_space<hbm>> -> memref<160x128xf32, #tpu.memory_space<hbm>>
        %dma_wait3A_399 = arith.constant 0 : i32
        %dma_wait3A_400 = tpu.memref_slice %arg6[%mul3A_0, %dma_wait3A_399] : memref<2560x128xf32, #tpu.memory_space<hbm>> -> memref<160x128xf32, #tpu.memory_space<hbm>>
        tpu.wait_dma2 semaphore(%run_scoped3A : memref<!tpu.dma_semaphore, #tpu.memory_space<semaphore_mem>>) src(%arg9 : memref<160x128xf32, #tpu.memory_space<vmem>>) dst(%dma_wait3A_400 : memref<160x128xf32, #tpu.memory_space<hbm>>)
        tpu.yield
      }) : () -> ()
    } else {
    }
    %iota3A = tpu.iota {dimensions = array<i32: 0>} : vector<16xi32>
    %mul3A_43 = arith.constant 5120 : i32
    %mul3A_44 = arith.muli %arg0, %mul3A_43 : i32
    %add3A = arith.constant 0 : i32
    %add3A_45 = arith.addi %mul3A_44, %add3A : i32
    %mul3A_46 = arith.constant 160 : i32
    %mul3A_47 = arith.muli %arg1, %mul3A_46 : i32
    %scan3A_48 = arith.constant 0 : i32
    %scan3A_49 = arith.constant 0 : i32
    %scan3A_50 = arith.constant 128 : i32
    %scan3A_51 = arith.addi %scan3A_49, %scan3A_50 : i32
    %scan3A_52 = arith.constant 1 : i32
    %scan3A_53 = scf.for %scan3A_395 = %scan3A_49 to %scan3A_51 step %scan3A_52 iter_args(%scan3A_396 = %scan3A_48) -> (i32)  : i32 {
      %broadcast_in_dim3A_397 = arith.constant 0.000000e+00 : f32
      %broadcast_in_dim3A_398 = vector.broadcast %broadcast_in_dim3A_397 : f32 to vector<16xf32>
      %swap3A = arith.index_cast %scan3A_395 : i32 to index
      %swap3A_399 = arith.constant 0 : index
      %swap3A_400 = tpu.vector_load %arg11[%swap3A, %swap3A_399] {strides = array<i32>} : memref<128x128xf32, #tpu.memory_space<vmem>>, vector<16xf32>,
      tpu.vector_store %arg11[%swap3A, %swap3A_399], %broadcast_in_dim3A_398 {strides = array<i32>} : memref<128x128xf32, #tpu.memory_space<vmem>>, vector<16xf32>,
      %broadcast_in_dim3A_401 = arith.constant 0.000000e+00 : f32
      %broadcast_in_dim3A_402 = vector.broadcast %broadcast_in_dim3A_401 : f32 to vector<16xf32>
      %swap3A_403 = arith.index_cast %scan3A_395 : i32 to index
      %swap3A_404 = arith.constant 16 : index
      %swap3A_405 = tpu.vector_load %arg11[%swap3A_403, %swap3A_404] {strides = array<i32>} : memref<128x128xf32, #tpu.memory_space<vmem>>, vector<16xf32>,
      tpu.vector_store %arg11[%swap3A_403, %swap3A_404], %broadcast_in_dim3A_402 {strides = array<i32>} : memref<128x128xf32, #tpu.memory_space<vmem>>, vector<16xf32>,
      %broadcast_in_dim3A_406 = arith.constant 0.000000e+00 : f32
      %broadcast_in_dim3A_407 = vector.broadcast %broadcast_in_dim3A_406 : f32 to vector<16xf32>
      %swap3A_408 = arith.index_cast %scan3A_395 : i32 to index
      %swap3A_409 = arith.constant 32 : index
      %swap3A_410 = tpu.vector_load %arg11[%swap3A_408, %swap3A_409] {strides = array<i32>} : memref<128x128xf32, #tpu.memory_space<vmem>>, vector<16xf32>,
      tpu.vector_store %arg11[%swap3A_408, %swap3A_409], %broadcast_in_dim3A_407 {strides = array<i32>} : memref<128x128xf32, #tpu.memory_space<vmem>>, vector<16xf32>,
      %broadcast_in_dim3A_411 = arith.constant 0.000000e+00 : f32
      %broadcast_in_dim3A_412 = vector.broadcast %broadcast_in_dim3A_411 : f32 to vector<16xf32>
      %swap3A_413 = arith.index_cast %scan3A_395 : i32 to index
      %swap3A_414 = arith.constant 48 : index
      %swap3A_415 = tpu.vector_load %arg11[%swap3A_413, %swap3A_414] {strides = array<i32>} : memref<128x128xf32, #tpu.memory_space<vmem>>, vector<16xf32>,
      tpu.vector_store %arg11[%swap3A_413, %swap3A_414], %broadcast_in_dim3A_412 {strides = array<i32>} : memref<128x128xf32, #tpu.memory_space<vmem>>, vector<16xf32>,
      %broadcast_in_dim3A_416 = arith.constant 0.000000e+00 : f32
      %broadcast_in_dim3A_417 = vector.broadcast %broadcast_in_dim3A_416 : f32 to vector<16xf32>
      %swap3A_418 = arith.index_cast %scan3A_395 : i32 to index
      %swap3A_419 = arith.constant 64 : index
      %swap3A_420 = tpu.vector_load %arg11[%swap3A_418, %swap3A_419] {strides = array<i32>} : memref<128x128xf32, #tpu.memory_space<vmem>>, vector<16xf32>,
      tpu.vector_store %arg11[%swap3A_418, %swap3A_419], %broadcast_in_dim3A_417 {strides = array<i32>} : memref<128x128xf32, #tpu.memory_space<vmem>>, vector<16xf32>,
      %broadcast_in_dim3A_421 = arith.constant 0.000000e+00 : f32
      %broadcast_in_dim3A_422 = vector.broadcast %broadcast_in_dim3A_421 : f32 to vector<16xf32>
      %swap3A_423 = arith.index_cast %scan3A_395 : i32 to index
      %swap3A_424 = arith.constant 80 : index
      %swap3A_425 = tpu.vector_load %arg11[%swap3A_423, %swap3A_424] {strides = array<i32>} : memref<128x128xf32, #tpu.memory_space<vmem>>, vector<16xf32>,
      tpu.vector_store %arg11[%swap3A_423, %swap3A_424], %broadcast_in_dim3A_422 {strides = array<i32>} : memref<128x128xf32, #tpu.memory_space<vmem>>, vector<16xf32>,
      %broadcast_in_dim3A_426 = arith.constant 0.000000e+00 : f32
      %broadcast_in_dim3A_427 = vector.broadcast %broadcast_in_dim3A_426 : f32 to vector<16xf32>
      %swap3A_428 = arith.index_cast %scan3A_395 : i32 to index
      %swap3A_429 = arith.constant 96 : index
      %swap3A_430 = tpu.vector_load %arg11[%swap3A_428, %swap3A_429] {strides = array<i32>} : memref<128x128xf32, #tpu.memory_space<vmem>>, vector<16xf32>,
      tpu.vector_store %arg11[%swap3A_428, %swap3A_429], %broadcast_in_dim3A_427 {strides = array<i32>} : memref<128x128xf32, #tpu.memory_space<vmem>>, vector<16xf32>,
      %broadcast_in_dim3A_431 = arith.constant 0.000000e+00 : f32
      %broadcast_in_dim3A_432 = vector.broadcast %broadcast_in_dim3A_431 : f32 to vector<16xf32>
      %swap3A_433 = arith.index_cast %scan3A_395 : i32 to index
      %swap3A_434 = arith.constant 112 : index
      %swap3A_435 = tpu.vector_load %arg11[%swap3A_433, %swap3A_434] {strides = array<i32>} : memref<128x128xf32, #tpu.memory_space<vmem>>, vector<16xf32>,
      tpu.vector_store %arg11[%swap3A_433, %swap3A_434], %broadcast_in_dim3A_432 {strides = array<i32>} : memref<128x128xf32, #tpu.memory_space<vmem>>, vector<16xf32>,
      %scan3A_436 = arith.constant 0 : i32
      scf.yield %scan3A_436 : i32
    }
    %scan3A_54 = arith.constant 128 : i32
    "tpu.region"() ({
      %run_scoped3A = tpu.sem_alloc : memref<!tpu.dma_semaphore, #tpu.memory_space<semaphore_mem>>
      %dma_start3A = arith.constant 0 : i32
      %dma_start3A_395 = tpu.memref_slice %arg27[%mul3A_47, %dma_start3A] : memref<2560x128xf32, #tpu.memory_space<vmem_shared>> -> memref<128x128xf32, #tpu.memory_space<vmem_shared>>
      %dma_start3A_396 = arith.constant 0 : i32
      %dma_start3A_397 = tpu.memref_slice %arg27[%mul3A_47, %dma_start3A_396] : memref<2560x128xf32, #tpu.memory_space<vmem_shared>> -> memref<128x128xf32, #tpu.memory_space<vmem_shared>>
      tpu.enqueue_dma source(%arg11 : memref<128x128xf32, #tpu.memory_space<vmem>>) target(%dma_start3A_397 : memref<128x128xf32, #tpu.memory_space<vmem_shared>>) target_semaphore(%run_scoped3A : memref<!tpu.dma_semaphore, #tpu.memory_space<semaphore_mem>>)
      %dma_wait3A = arith.constant 0 : i32
      %dma_wait3A_398 = tpu.memref_slice %arg27[%mul3A_47, %dma_wait3A] : memref<2560x128xf32, #tpu.memory_space<vmem_shared>> -> memref<128x128xf32, #tpu.memory_space<vmem_shared>>
      %dma_wait3A_399 = arith.constant 0 : i32
      %dma_wait3A_400 = tpu.memref_slice %arg27[%mul3A_47, %dma_wait3A_399] : memref<2560x128xf32, #tpu.memory_space<vmem_shared>> -> memref<128x128xf32, #tpu.memory_space<vmem_shared>>
      tpu.wait_dma2 semaphore(%run_scoped3A : memref<!tpu.dma_semaphore, #tpu.memory_space<semaphore_mem>>) src(%arg11 : memref<128x128xf32, #tpu.memory_space<vmem>>) dst(%dma_wait3A_400 : memref<128x128xf32, #tpu.memory_space<vmem_shared>>)
      tpu.yield
    }) : () -> ()
    %add3A_55 = arith.constant 128 : i32
    %add3A_56 = arith.addi %mul3A_47, %add3A_55 : i32
    "tpu.region"() ({
      %run_scoped3A = tpu.sem_alloc : memref<!tpu.dma_semaphore, #tpu.memory_space<semaphore_mem>>
      %dma_start3A = arith.constant 0 : i32
      %dma_start3A_395 = arith.constant 0 : i32
      %dma_start3A_396 = tpu.memref_slice %arg11[%dma_start3A, %dma_start3A_395] : memref<128x128xf32, #tpu.memory_space<vmem>> -> memref<32x128xf32, #tpu.memory_space<vmem>>
      %dma_start3A_397 = arith.constant 0 : i32
      %dma_start3A_398 = tpu.memref_slice %arg27[%add3A_56, %dma_start3A_397] : memref<2560x128xf32, #tpu.memory_space<vmem_shared>> -> memref<32x128xf32, #tpu.memory_space<vmem_shared>>
      %dma_start3A_399 = arith.constant 0 : i32
      %dma_start3A_400 = tpu.memref_slice %arg27[%add3A_56, %dma_start3A_399] : memref<2560x128xf32, #tpu.memory_space<vmem_shared>> -> memref<32x128xf32, #tpu.memory_space<vmem_shared>>
      %dma_start3A_401 = arith.constant 0 : i32
      %dma_start3A_402 = arith.constant 0 : i32
      %dma_start3A_403 = tpu.memref_slice %arg11[%dma_start3A_401, %dma_start3A_402] : memref<128x128xf32, #tpu.memory_space<vmem>> -> memref<32x128xf32, #tpu.memory_space<vmem>>
      tpu.enqueue_dma source(%dma_start3A_403 : memref<32x128xf32, #tpu.memory_space<vmem>>) target(%dma_start3A_400 : memref<32x128xf32, #tpu.memory_space<vmem_shared>>) target_semaphore(%run_scoped3A : memref<!tpu.dma_semaphore, #tpu.memory_space<semaphore_mem>>)
      %dma_wait3A = arith.constant 0 : i32
      %dma_wait3A_404 = arith.constant 0 : i32
      %dma_wait3A_405 = tpu.memref_slice %arg11[%dma_wait3A, %dma_wait3A_404] : memref<128x128xf32, #tpu.memory_space<vmem>> -> memref<32x128xf32, #tpu.memory_space<vmem>>
      %dma_wait3A_406 = arith.constant 0 : i32
      %dma_wait3A_407 = tpu.memref_slice %arg27[%add3A_56, %dma_wait3A_406] : memref<2560x128xf32, #tpu.memory_space<vmem_shared>> -> memref<32x128xf32, #tpu.memory_space<vmem_shared>>
      %dma_wait3A_408 = arith.constant 0 : i32
      %dma_wait3A_409 = tpu.memref_slice %arg27[%add3A_56, %dma_wait3A_408] : memref<2560x128xf32, #tpu.memory_space<vmem_shared>> -> memref<32x128xf32, #tpu.memory_space<vmem_shared>>
      %dma_wait3A_410 = arith.constant 0 : i32
      %dma_wait3A_411 = arith.constant 0 : i32
      %dma_wait3A_412 = tpu.memref_slice %arg11[%dma_wait3A_410, %dma_wait3A_411] : memref<128x128xf32, #tpu.memory_space<vmem>> -> memref<32x128xf32, #tpu.memory_space<vmem>>
      tpu.wait_dma2 semaphore(%run_scoped3A : memref<!tpu.dma_semaphore, #tpu.memory_space<semaphore_mem>>) src(%dma_wait3A_412 : memref<32x128xf32, #tpu.memory_space<vmem>>) dst(%dma_wait3A_409 : memref<32x128xf32, #tpu.memory_space<vmem_shared>>)
      tpu.yield
    }) : () -> ()
    %barrier3A_57 = arith.constant 0 : index
    tpu.barrier barrier_id(%barrier3A_57)
    %scan3A_58 = arith.constant 0 : i32
    %scan3A_59 = arith.constant 0 : i32
    %scan3A_60 = arith.constant 1280 : i32
    %scan3A_61 = arith.addi %scan3A_59, %scan3A_60 : i32
    %scan3A_62 = arith.constant 1 : i32
    %scan3A_63 = scf.for %scan3A_395 = %scan3A_59 to %scan3A_61 step %scan3A_62 iter_args(%scan3A_396 = %scan3A_58) -> (i32)  : i32 {
      %jit3A_397 = arith.constant 8 : i32
      %div3A_398 = arith.divsi %scan3A_395, %jit3A_397 : i32
      %sign3A_399 = arith.constant 0 : i32
      %sign3A_400 = arith.cmpi sgt, %scan3A_395, %sign3A_399 : i32
      %sign3A_401 = arith.extui %sign3A_400 : i1 to i32
      %sign3A_402 = arith.constant 0 : i32
      %sign3A_403 = arith.cmpi slt, %scan3A_395, %sign3A_402 : i32
      %sign3A_404 = arith.extui %sign3A_403 : i1 to i32
      %sign3A_405 = arith.subi %sign3A_401, %sign3A_404 : i32
      %sign3A_406 = arith.constant 0 : i32
      %sign3A_407 = arith.cmpi sgt, %jit3A_397, %sign3A_406 : i32
      %sign3A_408 = arith.extui %sign3A_407 : i1 to i32
      %sign3A_409 = arith.constant 0 : i32
      %sign3A_410 = arith.cmpi slt, %jit3A_397, %sign3A_409 : i32
      %sign3A_411 = arith.extui %sign3A_410 : i1 to i32
      %sign3A_412 = arith.subi %sign3A_408, %sign3A_411 : i32
      %ne3A_413 = arith.cmpi ne, %sign3A_405, %sign3A_412 : i32
      %rem3A_414 = arith.remsi %scan3A_395, %jit3A_397 : i32
      %ne3A_415 = arith.constant 0 : i32
      %ne3A_416 = arith.cmpi ne, %rem3A_414, %ne3A_415 : i32
      %and3A_417 = arith.andi %ne3A_413, %ne3A_416 : i1
      %sub3A_418 = arith.constant 1 : i32
      %sub3A_419 = arith.subi %div3A_398, %sub3A_418 : i32
      %select_n3A_420 = arith.select %and3A_417, %sub3A_419, %div3A_398 : i32
      %jit3A_421 = arith.constant 8 : i32
      %eq3A_422 = arith.constant 0 : i32
      %eq3A_423 = arith.cmpi eq, %jit3A_421, %eq3A_422 : i32
      %jit3A_424 = arith.constant 1 : i32
      %select_n3A_425 = arith.select %eq3A_423, %jit3A_424, %jit3A_421 : i32
      %rem3A_426 = arith.remsi %scan3A_395, %select_n3A_425 : i32
      %ne3A_427 = arith.constant 0 : i32
      %ne3A_428 = arith.cmpi ne, %rem3A_426, %ne3A_427 : i32
      %lt3A_429 = arith.constant 0 : i32
      %lt3A_430 = arith.cmpi slt, %rem3A_426, %lt3A_429 : i32
      %lt3A_431 = arith.constant 0 : i32
      %lt3A_432 = arith.cmpi slt, %select_n3A_425, %lt3A_431 : i32
      %ne3A_433 = arith.xori %lt3A_430, %lt3A_432 : i1
      %and3A_434 = arith.andi %ne3A_433, %ne3A_428 : i1
      %add3A_435 = arith.addi %rem3A_426, %select_n3A_425 : i32
      %select_n3A_436 = arith.select %and3A_434, %add3A_435, %rem3A_426 : i32
      %mul3A_437 = arith.constant 16 : i32
      %mul3A_438 = arith.muli %select_n3A_436, %mul3A_437 : i32
      %get3A = arith.index_cast %select_n3A_420 : i32 to index
      %get3A_439 = arith.index_cast %mul3A_438 : i32 to index
      %get3A_440 = tpu.vector_load %arg8[%get3A, %get3A_439] {strides = array<i32>} : memref<160x128xi32, #tpu.memory_space<vmem>>, vector<16xi32>,
      %and3A_441 = arith.constant 16383 : i32
      %and3A_442 = vector.broadcast %and3A_441 : i32 to vector<16xi32>
      %and3A_443 = arith.andi %get3A_440, %and3A_442 : vector<16xi32>
      %shift_right_logical3A = arith.constant 14 : i32
      %shift_right_logical3A_444 = vector.broadcast %shift_right_logical3A : i32 to vector<16xi32>
      %shift_right_logical3A_445 = arith.shrui %get3A_440, %shift_right_logical3A_444 : vector<16xi32>
      %mul3A_446 = arith.constant 16 : i32
      %mul3A_447 = arith.muli %select_n3A_436, %mul3A_446 : i32
      %get3A_448 = arith.index_cast %select_n3A_420 : i32 to index
      %get3A_449 = arith.index_cast %mul3A_447 : i32 to index
      %get3A_450 = tpu.vector_load %arg9[%get3A_448, %get3A_449] {strides = array<i32>} : memref<160x128xf32, #tpu.memory_space<vmem>>, vector<16xf32>,
      %broadcast_in_dim3A_451 = vector.broadcast %add3A_45 : i32 to vector<16xi32>
      %sub3A_452 = arith.subi %shift_right_logical3A_445, %broadcast_in_dim3A_451 : vector<16xi32>
      %ge3A_453 = arith.constant 0 : i32
      %ge3A_454 = vector.broadcast %ge3A_453 : i32 to vector<16xi32>
      %ge3A_455 = arith.cmpi sge, %sub3A_452, %ge3A_454 : vector<16xi32>
      %lt3A_456 = arith.constant 2560 : i32
      %lt3A_457 = vector.broadcast %lt3A_456 : i32 to vector<16xi32>
      %lt3A_458 = arith.cmpi slt, %sub3A_452, %lt3A_457 : vector<16xi32>
      %and3A_459 = arith.andi %ge3A_455, %lt3A_458 : vector<16xi1>
      %convert_element_type3A_460 = arith.extui %and3A_459 : vector<16xi1> to vector<16xi32>
      %broadcast_in_dim3A_461 = arith.constant true
      %broadcast_in_dim3A_462 = vector.broadcast %broadcast_in_dim3A_461 : i1 to vector<16xi1>
      %masked_cumsum3A = tpu.scan <sum>, %convert_element_type3A_460 masked %broadcast_in_dim3A_462 : vector<16xi32>, vector<16xi1> -> vector<16xi32>
      %sub3A_463 = arith.constant 1 : i32
      %sub3A_464 = arith.subi %scan3A_396, %sub3A_463 : i32
      %broadcast_in_dim3A_465 = vector.broadcast %sub3A_464 : i32 to vector<16xi32>
      %add3A_466 = arith.addi %masked_cumsum3A, %broadcast_in_dim3A_465 : vector<16xi32>
      %shift_left3A = arith.constant 14 : i32
      %shift_left3A_467 = vector.broadcast %shift_left3A : i32 to vector<16xi32>
      %shift_left3A_468 = arith.shli %sub3A_452, %shift_left3A_467 : vector<16xi32>
      %or3A = arith.ori %and3A_443, %shift_left3A_468 : vector<16xi32>
      tpu.vector_store_idx %arg13[%add3A_466], %or3A masked %and3A_459 : memref<6400xi32, #tpu.memory_space<vmem>>[vector<16xi32>], vector<16xi32>, vector<16xi1>
      tpu.vector_store_idx %arg14[%add3A_466], %get3A_450 masked %and3A_459 : memref<6400xf32, #tpu.memory_space<vmem>>[vector<16xi32>], vector<16xf32>, vector<16xi1>
      %reduce_sum3A = arith.constant true
      %reduce_sum3A_469 = vector.broadcast %reduce_sum3A : i1 to vector<16xi1>
      %reduce_sum3A_470 = tpu.scan <sum>, %convert_element_type3A_460 masked %reduce_sum3A_469 : vector<16xi32>, vector<16xi1> -> vector<16xi32>
      %reduce_sum3A_471 = vector.extract %reduce_sum3A_470[15] : i32 from vector<16xi32>
      %add3A_472 = arith.addi %scan3A_396, %reduce_sum3A_471 : i32
      scf.yield %add3A_472 : i32
    }
    %scan3A_64 = arith.constant 1280 : i32
    %add3A_65 = arith.constant 0 : i32
    %add3A_66 = arith.addi %scan3A_63, %add3A_65 : i32
    %broadcast_in_dim3A = vector.broadcast %add3A_66 : i32 to vector<16xi32>
    %add3A_67 = arith.addi %broadcast_in_dim3A, %iota3A : vector<16xi32>
    %broadcast_in_dim3A_68 = arith.constant 0 : i32
    %broadcast_in_dim3A_69 = vector.broadcast %broadcast_in_dim3A_68 : i32 to vector<16xi32>
    tpu.vector_store_idx %arg13[%add3A_67], %broadcast_in_dim3A_69 : memref<6400xi32, #tpu.memory_space<vmem>>[vector<16xi32>], vector<16xi32>,
    %broadcast_in_dim3A_70 = arith.constant 0.000000e+00 : f32
    %broadcast_in_dim3A_71 = vector.broadcast %broadcast_in_dim3A_70 : f32 to vector<16xf32>
    tpu.vector_store_idx %arg14[%add3A_67], %broadcast_in_dim3A_71 : memref<6400xf32, #tpu.memory_space<vmem>>[vector<16xi32>], vector<16xf32>,
    %add3A_72 = arith.constant 16 : i32
    %add3A_73 = arith.addi %scan3A_63, %add3A_72 : i32
    %broadcast_in_dim3A_74 = vector.broadcast %add3A_73 : i32 to vector<16xi32>
    %add3A_75 = arith.addi %broadcast_in_dim3A_74, %iota3A : vector<16xi32>
    %broadcast_in_dim3A_76 = arith.constant 0 : i32
    %broadcast_in_dim3A_77 = vector.broadcast %broadcast_in_dim3A_76 : i32 to vector<16xi32>
    tpu.vector_store_idx %arg13[%add3A_75], %broadcast_in_dim3A_77 : memref<6400xi32, #tpu.memory_space<vmem>>[vector<16xi32>], vector<16xi32>,
    %broadcast_in_dim3A_78 = arith.constant 0.000000e+00 : f32
    %broadcast_in_dim3A_79 = vector.broadcast %broadcast_in_dim3A_78 : f32 to vector<16xf32>
    tpu.vector_store_idx %arg14[%add3A_75], %broadcast_in_dim3A_79 : memref<6400xf32, #tpu.memory_space<vmem>>[vector<16xi32>], vector<16xf32>,
    %add3A_80 = arith.constant 32 : i32
    %add3A_81 = arith.addi %scan3A_63, %add3A_80 : i32
    %broadcast_in_dim3A_82 = vector.broadcast %add3A_81 : i32 to vector<16xi32>
    %add3A_83 = arith.addi %broadcast_in_dim3A_82, %iota3A : vector<16xi32>
    %broadcast_in_dim3A_84 = arith.constant 0 : i32
    %broadcast_in_dim3A_85 = vector.broadcast %broadcast_in_dim3A_84 : i32 to vector<16xi32>
    tpu.vector_store_idx %arg13[%add3A_83], %broadcast_in_dim3A_85 : memref<6400xi32, #tpu.memory_space<vmem>>[vector<16xi32>], vector<16xi32>,
    %broadcast_in_dim3A_86 = arith.constant 0.000000e+00 : f32
    %broadcast_in_dim3A_87 = vector.broadcast %broadcast_in_dim3A_86 : f32 to vector<16xf32>
    tpu.vector_store_idx %arg14[%add3A_83], %broadcast_in_dim3A_87 : memref<6400xf32, #tpu.memory_space<vmem>>[vector<16xi32>], vector<16xf32>,
    %add3A_88 = arith.constant 48 : i32
    %add3A_89 = arith.addi %scan3A_63, %add3A_88 : i32
    %broadcast_in_dim3A_90 = vector.broadcast %add3A_89 : i32 to vector<16xi32>
    %add3A_91 = arith.addi %broadcast_in_dim3A_90, %iota3A : vector<16xi32>
    %broadcast_in_dim3A_92 = arith.constant 0 : i32
    %broadcast_in_dim3A_93 = vector.broadcast %broadcast_in_dim3A_92 : i32 to vector<16xi32>
    tpu.vector_store_idx %arg13[%add3A_91], %broadcast_in_dim3A_93 : memref<6400xi32, #tpu.memory_space<vmem>>[vector<16xi32>], vector<16xi32>,
    %broadcast_in_dim3A_94 = arith.constant 0.000000e+00 : f32
    %broadcast_in_dim3A_95 = vector.broadcast %broadcast_in_dim3A_94 : f32 to vector<16xf32>
    tpu.vector_store_idx %arg14[%add3A_91], %broadcast_in_dim3A_95 : memref<6400xf32, #tpu.memory_space<vmem>>[vector<16xi32>], vector<16xf32>,
    %add3A_96 = arith.constant 64 : i32
    %add3A_97 = arith.addi %scan3A_63, %add3A_96 : i32
    %broadcast_in_dim3A_98 = vector.broadcast %add3A_97 : i32 to vector<16xi32>
    %add3A_99 = arith.addi %broadcast_in_dim3A_98, %iota3A : vector<16xi32>
    %broadcast_in_dim3A_100 = arith.constant 0 : i32
    %broadcast_in_dim3A_101 = vector.broadcast %broadcast_in_dim3A_100 : i32 to vector<16xi32>
    tpu.vector_store_idx %arg13[%add3A_99], %broadcast_in_dim3A_101 : memref<6400xi32, #tpu.memory_space<vmem>>[vector<16xi32>], vector<16xi32>,
    %broadcast_in_dim3A_102 = arith.constant 0.000000e+00 : f32
    %broadcast_in_dim3A_103 = vector.broadcast %broadcast_in_dim3A_102 : f32 to vector<16xf32>
    tpu.vector_store_idx %arg14[%add3A_99], %broadcast_in_dim3A_103 : memref<6400xf32, #tpu.memory_space<vmem>>[vector<16xi32>], vector<16xf32>,
    %add3A_104 = arith.constant 80 : i32
    %add3A_105 = arith.addi %scan3A_63, %add3A_104 : i32
    %broadcast_in_dim3A_106 = vector.broadcast %add3A_105 : i32 to vector<16xi32>
    %add3A_107 = arith.addi %broadcast_in_dim3A_106, %iota3A : vector<16xi32>
    %broadcast_in_dim3A_108 = arith.constant 0 : i32
    %broadcast_in_dim3A_109 = vector.broadcast %broadcast_in_dim3A_108 : i32 to vector<16xi32>
    tpu.vector_store_idx %arg13[%add3A_107], %broadcast_in_dim3A_109 : memref<6400xi32, #tpu.memory_space<vmem>>[vector<16xi32>], vector<16xi32>,
    %broadcast_in_dim3A_110 = arith.constant 0.000000e+00 : f32
    %broadcast_in_dim3A_111 = vector.broadcast %broadcast_in_dim3A_110 : f32 to vector<16xf32>
    tpu.vector_store_idx %arg14[%add3A_107], %broadcast_in_dim3A_111 : memref<6400xf32, #tpu.memory_space<vmem>>[vector<16xi32>], vector<16xf32>,
    %add3A_112 = arith.constant 96 : i32
    %add3A_113 = arith.addi %scan3A_63, %add3A_112 : i32
    %broadcast_in_dim3A_114 = vector.broadcast %add3A_113 : i32 to vector<16xi32>
    %add3A_115 = arith.addi %broadcast_in_dim3A_114, %iota3A : vector<16xi32>
    %broadcast_in_dim3A_116 = arith.constant 0 : i32
    %broadcast_in_dim3A_117 = vector.broadcast %broadcast_in_dim3A_116 : i32 to vector<16xi32>
    tpu.vector_store_idx %arg13[%add3A_115], %broadcast_in_dim3A_117 : memref<6400xi32, #tpu.memory_space<vmem>>[vector<16xi32>], vector<16xi32>,
    %broadcast_in_dim3A_118 = arith.constant 0.000000e+00 : f32
    %broadcast_in_dim3A_119 = vector.broadcast %broadcast_in_dim3A_118 : f32 to vector<16xf32>
    tpu.vector_store_idx %arg14[%add3A_115], %broadcast_in_dim3A_119 : memref<6400xf32, #tpu.memory_space<vmem>>[vector<16xi32>], vector<16xf32>,
    %add3A_120 = arith.constant 112 : i32
    %add3A_121 = arith.addi %scan3A_63, %add3A_120 : i32
    %broadcast_in_dim3A_122 = vector.broadcast %add3A_121 : i32 to vector<16xi32>
    %add3A_123 = arith.addi %broadcast_in_dim3A_122, %iota3A : vector<16xi32>
    %broadcast_in_dim3A_124 = arith.constant 0 : i32
    %broadcast_in_dim3A_125 = vector.broadcast %broadcast_in_dim3A_124 : i32 to vector<16xi32>
    tpu.vector_store_idx %arg13[%add3A_123], %broadcast_in_dim3A_125 : memref<6400xi32, #tpu.memory_space<vmem>>[vector<16xi32>], vector<16xi32>,
    %broadcast_in_dim3A_126 = arith.constant 0.000000e+00 : f32
    %broadcast_in_dim3A_127 = vector.broadcast %broadcast_in_dim3A_126 : f32 to vector<16xf32>
    tpu.vector_store_idx %arg14[%add3A_123], %broadcast_in_dim3A_127 : memref<6400xf32, #tpu.memory_space<vmem>>[vector<16xi32>], vector<16xf32>,
    %add3A_128 = arith.constant 127 : i32
    %add3A_129 = arith.addi %scan3A_63, %add3A_128 : i32
    %jit3A = arith.constant 128 : i32
    %div3A = arith.divsi %add3A_129, %jit3A : i32
    %sign3A = arith.constant 0 : i32
    %sign3A_130 = arith.cmpi sgt, %add3A_129, %sign3A : i32
    %sign3A_131 = arith.extui %sign3A_130 : i1 to i32
    %sign3A_132 = arith.constant 0 : i32
    %sign3A_133 = arith.cmpi slt, %add3A_129, %sign3A_132 : i32
    %sign3A_134 = arith.extui %sign3A_133 : i1 to i32
    %sign3A_135 = arith.subi %sign3A_131, %sign3A_134 : i32
    %sign3A_136 = arith.constant 0 : i32
    %sign3A_137 = arith.cmpi sgt, %jit3A, %sign3A_136 : i32
    %sign3A_138 = arith.extui %sign3A_137 : i1 to i32
    %sign3A_139 = arith.constant 0 : i32
    %sign3A_140 = arith.cmpi slt, %jit3A, %sign3A_139 : i32
    %sign3A_141 = arith.extui %sign3A_140 : i1 to i32
    %sign3A_142 = arith.subi %sign3A_138, %sign3A_141 : i32
    %ne3A = arith.cmpi ne, %sign3A_135, %sign3A_142 : i32
    %rem3A = arith.remsi %add3A_129, %jit3A : i32
    %ne3A_143 = arith.constant 0 : i32
    %ne3A_144 = arith.cmpi ne, %rem3A, %ne3A_143 : i32
    %and3A = arith.andi %ne3A, %ne3A_144 : i1
    %sub3A = arith.constant 1 : i32
    %sub3A_145 = arith.subi %div3A, %sub3A : i32
    %select_n3A = arith.select %and3A, %sub3A_145, %div3A : i32
    %sub3A_146 = arith.constant 1 : i32
    %sub3A_147 = arith.subi %select_n3A, %sub3A_146 : i32
    %gt3A = arith.constant 0 : i32
    %gt3A_148 = arith.cmpi sgt, %select_n3A, %gt3A : i32
    %convert_element_type3A_149 = arith.extui %gt3A_148 : i1 to i32
    %cond3A_150 = arith.constant 0 : i32
    %cond3A_151 = arith.cmpi ne, %convert_element_type3A_149, %cond3A_150 : i32
    scf.if %cond3A_151 {
      %get3A = arith.constant 0 : index
      %get3A_395 = tpu.vector_load %arg13[%get3A] {strides = array<i32>} : memref<6400xi32, #tpu.memory_space<vmem>>, vector<16xi32>,
      %and3A_396 = arith.constant 16383 : i32
      %and3A_397 = vector.broadcast %and3A_396 : i32 to vector<16xi32>
      %and3A_398 = arith.andi %get3A_395, %and3A_397 : vector<16xi32>
      %swap3A = arith.constant 0 : index
      %swap3A_399 = tpu.vector_load %arg15[%swap3A] {strides = array<i32>} : memref<128xi32, #tpu.memory_space<vmem>>, vector<16xi32>,
      tpu.vector_store %arg15[%swap3A], %and3A_398 {strides = array<i32>} : memref<128xi32, #tpu.memory_space<vmem>>, vector<16xi32>,
      %shift_right_logical3A = arith.constant 14 : i32
      %shift_right_logical3A_400 = vector.broadcast %shift_right_logical3A : i32 to vector<16xi32>
      %shift_right_logical3A_401 = arith.shrui %get3A_395, %shift_right_logical3A_400 : vector<16xi32>
      %swap3A_402 = arith.constant 0 : index
      %swap3A_403 = tpu.vector_load %arg16[%swap3A_402] {strides = array<i32>} : memref<128xi32, #tpu.memory_space<vmem>>, vector<16xi32>,
      tpu.vector_store %arg16[%swap3A_402], %shift_right_logical3A_401 {strides = array<i32>} : memref<128xi32, #tpu.memory_space<vmem>>, vector<16xi32>,
      %get3A_404 = arith.constant 16 : index
      %get3A_405 = tpu.vector_load %arg13[%get3A_404] {strides = array<i32>} : memref<6400xi32, #tpu.memory_space<vmem>>, vector<16xi32>,
      %and3A_406 = arith.constant 16383 : i32
      %and3A_407 = vector.broadcast %and3A_406 : i32 to vector<16xi32>
      %and3A_408 = arith.andi %get3A_405, %and3A_407 : vector<16xi32>
      %swap3A_409 = arith.constant 16 : index
      %swap3A_410 = tpu.vector_load %arg15[%swap3A_409] {strides = array<i32>} : memref<128xi32, #tpu.memory_space<vmem>>, vector<16xi32>,
      tpu.vector_store %arg15[%swap3A_409], %and3A_408 {strides = array<i32>} : memref<128xi32, #tpu.memory_space<vmem>>, vector<16xi32>,
      %shift_right_logical3A_411 = arith.constant 14 : i32
      %shift_right_logical3A_412 = vector.broadcast %shift_right_logical3A_411 : i32 to vector<16xi32>
      %shift_right_logical3A_413 = arith.shrui %get3A_405, %shift_right_logical3A_412 : vector<16xi32>
      %swap3A_414 = arith.constant 16 : index
      %swap3A_415 = tpu.vector_load %arg16[%swap3A_414] {strides = array<i32>} : memref<128xi32, #tpu.memory_space<vmem>>, vector<16xi32>,
      tpu.vector_store %arg16[%swap3A_414], %shift_right_logical3A_413 {strides = array<i32>} : memref<128xi32, #tpu.memory_space<vmem>>, vector<16xi32>,
      %get3A_416 = arith.constant 32 : index
      %get3A_417 = tpu.vector_load %arg13[%get3A_416] {strides = array<i32>} : memref<6400xi32, #tpu.memory_space<vmem>>, vector<16xi32>,
      %and3A_418 = arith.constant 16383 : i32
      %and3A_419 = vector.broadcast %and3A_418 : i32 to vector<16xi32>
      %and3A_420 = arith.andi %get3A_417, %and3A_419 : vector<16xi32>
      %swap3A_421 = arith.constant 32 : index
      %swap3A_422 = tpu.vector_load %arg15[%swap3A_421] {strides = array<i32>} : memref<128xi32, #tpu.memory_space<vmem>>, vector<16xi32>,
      tpu.vector_store %arg15[%swap3A_421], %and3A_420 {strides = array<i32>} : memref<128xi32, #tpu.memory_space<vmem>>, vector<16xi32>,
      %shift_right_logical3A_423 = arith.constant 14 : i32
      %shift_right_logical3A_424 = vector.broadcast %shift_right_logical3A_423 : i32 to vector<16xi32>
      %shift_right_logical3A_425 = arith.shrui %get3A_417, %shift_right_logical3A_424 : vector<16xi32>
      %swap3A_426 = arith.constant 32 : index
      %swap3A_427 = tpu.vector_load %arg16[%swap3A_426] {strides = array<i32>} : memref<128xi32, #tpu.memory_space<vmem>>, vector<16xi32>,
      tpu.vector_store %arg16[%swap3A_426], %shift_right_logical3A_425 {strides = array<i32>} : memref<128xi32, #tpu.memory_space<vmem>>, vector<16xi32>,
      %get3A_428 = arith.constant 48 : index
      %get3A_429 = tpu.vector_load %arg13[%get3A_428] {strides = array<i32>} : memref<6400xi32, #tpu.memory_space<vmem>>, vector<16xi32>,
      %and3A_430 = arith.constant 16383 : i32
      %and3A_431 = vector.broadcast %and3A_430 : i32 to vector<16xi32>
      %and3A_432 = arith.andi %get3A_429, %and3A_431 : vector<16xi32>
      %swap3A_433 = arith.constant 48 : index
      %swap3A_434 = tpu.vector_load %arg15[%swap3A_433] {strides = array<i32>} : memref<128xi32, #tpu.memory_space<vmem>>, vector<16xi32>,
      tpu.vector_store %arg15[%swap3A_433], %and3A_432 {strides = array<i32>} : memref<128xi32, #tpu.memory_space<vmem>>, vector<16xi32>,
      %shift_right_logical3A_435 = arith.constant 14 : i32
      %shift_right_logical3A_436 = vector.broadcast %shift_right_logical3A_435 : i32 to vector<16xi32>
      %shift_right_logical3A_437 = arith.shrui %get3A_429, %shift_right_logical3A_436 : vector<16xi32>
      %swap3A_438 = arith.constant 48 : index
      %swap3A_439 = tpu.vector_load %arg16[%swap3A_438] {strides = array<i32>} : memref<128xi32, #tpu.memory_space<vmem>>, vector<16xi32>,
      tpu.vector_store %arg16[%swap3A_438], %shift_right_logical3A_437 {strides = array<i32>} : memref<128xi32, #tpu.memory_space<vmem>>, vector<16xi32>,
      %get3A_440 = arith.constant 64 : index
      %get3A_441 = tpu.vector_load %arg13[%get3A_440] {strides = array<i32>} : memref<6400xi32, #tpu.memory_space<vmem>>, vector<16xi32>,
      %and3A_442 = arith.constant 16383 : i32
      %and3A_443 = vector.broadcast %and3A_442 : i32 to vector<16xi32>
      %and3A_444 = arith.andi %get3A_441, %and3A_443 : vector<16xi32>
      %swap3A_445 = arith.constant 64 : index
      %swap3A_446 = tpu.vector_load %arg15[%swap3A_445] {strides = array<i32>} : memref<128xi32, #tpu.memory_space<vmem>>, vector<16xi32>,
      tpu.vector_store %arg15[%swap3A_445], %and3A_444 {strides = array<i32>} : memref<128xi32, #tpu.memory_space<vmem>>, vector<16xi32>,
      %shift_right_logical3A_447 = arith.constant 14 : i32
      %shift_right_logical3A_448 = vector.broadcast %shift_right_logical3A_447 : i32 to vector<16xi32>
      %shift_right_logical3A_449 = arith.shrui %get3A_441, %shift_right_logical3A_448 : vector<16xi32>
      %swap3A_450 = arith.constant 64 : index
      %swap3A_451 = tpu.vector_load %arg16[%swap3A_450] {strides = array<i32>} : memref<128xi32, #tpu.memory_space<vmem>>, vector<16xi32>,
      tpu.vector_store %arg16[%swap3A_450], %shift_right_logical3A_449 {strides = array<i32>} : memref<128xi32, #tpu.memory_space<vmem>>, vector<16xi32>,
      %get3A_452 = arith.constant 80 : index
      %get3A_453 = tpu.vector_load %arg13[%get3A_452] {strides = array<i32>} : memref<6400xi32, #tpu.memory_space<vmem>>, vector<16xi32>,
      %and3A_454 = arith.constant 16383 : i32
      %and3A_455 = vector.broadcast %and3A_454 : i32 to vector<16xi32>
      %and3A_456 = arith.andi %get3A_453, %and3A_455 : vector<16xi32>
      %swap3A_457 = arith.constant 80 : index
      %swap3A_458 = tpu.vector_load %arg15[%swap3A_457] {strides = array<i32>} : memref<128xi32, #tpu.memory_space<vmem>>, vector<16xi32>,
      tpu.vector_store %arg15[%swap3A_457], %and3A_456 {strides = array<i32>} : memref<128xi32, #tpu.memory_space<vmem>>, vector<16xi32>,
      %shift_right_logical3A_459 = arith.constant 14 : i32
      %shift_right_logical3A_460 = vector.broadcast %shift_right_logical3A_459 : i32 to vector<16xi32>
      %shift_right_logical3A_461 = arith.shrui %get3A_453, %shift_right_logical3A_460 : vector<16xi32>
      %swap3A_462 = arith.constant 80 : index
      %swap3A_463 = tpu.vector_load %arg16[%swap3A_462] {strides = array<i32>} : memref<128xi32, #tpu.memory_space<vmem>>, vector<16xi32>,
      tpu.vector_store %arg16[%swap3A_462], %shift_right_logical3A_461 {strides = array<i32>} : memref<128xi32, #tpu.memory_space<vmem>>, vector<16xi32>,
      %get3A_464 = arith.constant 96 : index
      %get3A_465 = tpu.vector_load %arg13[%get3A_464] {strides = array<i32>} : memref<6400xi32, #tpu.memory_space<vmem>>, vector<16xi32>,
      %and3A_466 = arith.constant 16383 : i32
      %and3A_467 = vector.broadcast %and3A_466 : i32 to vector<16xi32>
      %and3A_468 = arith.andi %get3A_465, %and3A_467 : vector<16xi32>
      %swap3A_469 = arith.constant 96 : index
      %swap3A_470 = tpu.vector_load %arg15[%swap3A_469] {strides = array<i32>} : memref<128xi32, #tpu.memory_space<vmem>>, vector<16xi32>,
      tpu.vector_store %arg15[%swap3A_469], %and3A_468 {strides = array<i32>} : memref<128xi32, #tpu.memory_space<vmem>>, vector<16xi32>,
      %shift_right_logical3A_471 = arith.constant 14 : i32
      %shift_right_logical3A_472 = vector.broadcast %shift_right_logical3A_471 : i32 to vector<16xi32>
      %shift_right_logical3A_473 = arith.shrui %get3A_465, %shift_right_logical3A_472 : vector<16xi32>
      %swap3A_474 = arith.constant 96 : index
      %swap3A_475 = tpu.vector_load %arg16[%swap3A_474] {strides = array<i32>} : memref<128xi32, #tpu.memory_space<vmem>>, vector<16xi32>,
      tpu.vector_store %arg16[%swap3A_474], %shift_right_logical3A_473 {strides = array<i32>} : memref<128xi32, #tpu.memory_space<vmem>>, vector<16xi32>,
      %get3A_476 = arith.constant 112 : index
      %get3A_477 = tpu.vector_load %arg13[%get3A_476] {strides = array<i32>} : memref<6400xi32, #tpu.memory_space<vmem>>, vector<16xi32>,
      %and3A_478 = arith.constant 16383 : i32
      %and3A_479 = vector.broadcast %and3A_478 : i32 to vector<16xi32>
      %and3A_480 = arith.andi %get3A_477, %and3A_479 : vector<16xi32>
      %swap3A_481 = arith.constant 112 : index
      %swap3A_482 = tpu.vector_load %arg15[%swap3A_481] {strides = array<i32>} : memref<128xi32, #tpu.memory_space<vmem>>, vector<16xi32>,
      tpu.vector_store %arg15[%swap3A_481], %and3A_480 {strides = array<i32>} : memref<128xi32, #tpu.memory_space<vmem>>, vector<16xi32>,
      %shift_right_logical3A_483 = arith.constant 14 : i32
      %shift_right_logical3A_484 = vector.broadcast %shift_right_logical3A_483 : i32 to vector<16xi32>
      %shift_right_logical3A_485 = arith.shrui %get3A_477, %shift_right_logical3A_484 : vector<16xi32>
      %swap3A_486 = arith.constant 112 : index
      %swap3A_487 = tpu.vector_load %arg16[%swap3A_486] {strides = array<i32>} : memref<128xi32, #tpu.memory_space<vmem>>, vector<16xi32>,
      tpu.vector_store %arg16[%swap3A_486], %shift_right_logical3A_485 {strides = array<i32>} : memref<128xi32, #tpu.memory_space<vmem>>, vector<16xi32>,
      %dma_start3A = arith.constant 0 : i32
      %dma_start3A_488 = arith.constant 0 : i32
      %dma_start3A_489 = tpu.memref_slice %arg4[%dma_start3A, %dma_start3A_488] : memref<10240x128xf32, #tpu.memory_space<hbm>> -> memref<10240x128xf32, #tpu.memory_space<hbm>>
      tpu.enqueue_indirect_dma source(%dma_start3A_489 : memref<10240x128xf32, #tpu.memory_space<hbm>>) target(%arg11 : memref<128x128xf32, #tpu.memory_space<vmem>>) offsets(%arg15 : memref<128xi32, #tpu.memory_space<vmem>>) semaphore(%arg19 : memref<!tpu.dma_semaphore, #tpu.memory_space<semaphore_mem>>)
    } else {
    }
    %while3A = arith.constant 0 : i32
    %while3A_152 = arith.constant 0 : i32
    %while3A_153 = arith.subi %select_n3A, %while3A : i32
    %while3A_154 = arith.addi %while3A, %while3A_153 : i32
    %while3A_155 = arith.constant 1 : i32
    %while3A_156 = arith.divsi %while3A_153, %while3A_155 : i32
    %while3A_157 = arith.muli %while3A_156, %while3A_155 : i32
    %while3A_158 = arith.addi %while3A, %while3A_157 : i32
    %while3A_159 = arith.constant 1 : i32
    %while3A_160 = scf.for %while3A_395 = %while3A to %while3A_158 step %while3A_159 iter_args(%while3A_396 = %while3A_152) -> (i32)  : i32 {
      %jit3A_397 = arith.constant 2 : i32
      %eq3A_398 = arith.constant 0 : i32
      %eq3A_399 = arith.cmpi eq, %jit3A_397, %eq3A_398 : i32
      %jit3A_400 = arith.constant 1 : i32
      %select_n3A_401 = arith.select %eq3A_399, %jit3A_400, %jit3A_397 : i32
      %rem3A_402 = arith.remsi %while3A_395, %select_n3A_401 : i32
      %ne3A_403 = arith.constant 0 : i32
      %ne3A_404 = arith.cmpi ne, %rem3A_402, %ne3A_403 : i32
      %lt3A_405 = arith.constant 0 : i32
      %lt3A_406 = arith.cmpi slt, %rem3A_402, %lt3A_405 : i32
      %lt3A_407 = arith.constant 0 : i32
      %lt3A_408 = arith.cmpi slt, %select_n3A_401, %lt3A_407 : i32
      %ne3A_409 = arith.xori %lt3A_406, %lt3A_408 : i1
      %and3A_410 = arith.andi %ne3A_409, %ne3A_404 : i1
      %add3A_411 = arith.addi %rem3A_402, %select_n3A_401 : i32
      %select_n3A_412 = arith.select %and3A_410, %add3A_411, %rem3A_402 : i32
      %eq3A_413 = arith.constant 0 : i32
      %eq3A_414 = arith.cmpi eq, %select_n3A_412, %eq3A_413 : i32
      %convert_element_type3A_415 = arith.extui %eq3A_414 : i1 to i32
      %cond3A_416 = arith.constant 0 : i32
      %cond3A_417 = arith.cmpi ne, %convert_element_type3A_415, %cond3A_416 : i32
      scf.if %cond3A_417 {
        %dma_wait3A = arith.constant 0 : i32
        %dma_wait3A_440 = arith.constant 0 : i32
        %dma_wait3A_441 = tpu.memref_slice %arg4[%dma_wait3A, %dma_wait3A_440] : memref<10240x128xf32, #tpu.memory_space<hbm>> -> memref<10240x128xf32, #tpu.memory_space<hbm>>
        tpu.wait_indirect_dma semaphore(%arg19 : memref<!tpu.dma_semaphore, #tpu.memory_space<semaphore_mem>>) src(%dma_wait3A_441 : memref<10240x128xf32, #tpu.memory_space<hbm>>) dst(%arg11 : memref<128x128xf32, #tpu.memory_space<vmem>>)
        %add3A_442 = arith.constant 1 : i32
        %add3A_443 = arith.addi %while3A_395, %add3A_442 : i32
        %lt3A_444 = arith.cmpi slt, %add3A_443, %select_n3A : i32
        %convert_element_type3A_445 = arith.extui %lt3A_444 : i1 to i32
        %cond3A_446 = arith.constant 0 : i32
        %cond3A_447 = arith.cmpi ne, %convert_element_type3A_445, %cond3A_446 : i32
        scf.if %cond3A_447 {
          %ge3A_457 = arith.constant 1 : i32
          %ge3A_458 = arith.cmpi sge, %while3A_395, %ge3A_457 : i32
          %convert_element_type3A_459 = arith.extui %ge3A_458 : i1 to i32
          %cond3A_460 = arith.constant 0 : i32
          %cond3A_461 = arith.cmpi ne, %convert_element_type3A_459, %cond3A_460 : i32
          scf.if %cond3A_461 {
            %dma_wait3A_578 = arith.constant 0 : i32
            %dma_wait3A_579 = arith.constant 0 : i32
            %dma_wait3A_580 = tpu.memref_slice %arg27[%dma_wait3A_578, %dma_wait3A_579] : memref<2560x128xf32, #tpu.memory_space<vmem_shared>> -> memref<2560x128xf32, #tpu.memory_space<vmem_shared>>
            tpu.wait_indirect_dma semaphore(%arg22 : memref<!tpu.dma_semaphore, #tpu.memory_space<semaphore_mem>>) src(%arg12 : memref<128x128xf32, #tpu.memory_space<vmem>>) dst(%dma_wait3A_580 : memref<2560x128xf32, #tpu.memory_space<vmem_shared>>)
          } else {
          }
          %add3A_462 = arith.constant 1 : i32
          %add3A_463 = arith.addi %while3A_395, %add3A_462 : i32
          %mul3A_464 = arith.constant 128 : i32
          %mul3A_465 = arith.muli %add3A_463, %mul3A_464 : i32
          %add3A_466 = arith.constant 0 : i32
          %add3A_467 = arith.addi %mul3A_465, %add3A_466 : i32
          %get3A = arith.index_cast %add3A_467 : i32 to index
          %get3A_468 = tpu.vector_load %arg13[%get3A] {strides = array<i32>} : memref<6400xi32, #tpu.memory_space<vmem>>, vector<16xi32>,
          %and3A_469 = arith.constant 16383 : i32
          %and3A_470 = vector.broadcast %and3A_469 : i32 to vector<16xi32>
          %and3A_471 = arith.andi %get3A_468, %and3A_470 : vector<16xi32>
          %swap3A = arith.constant 0 : index
          %swap3A_472 = tpu.vector_load %arg17[%swap3A] {strides = array<i32>} : memref<128xi32, #tpu.memory_space<vmem>>, vector<16xi32>,
          tpu.vector_store %arg17[%swap3A], %and3A_471 {strides = array<i32>} : memref<128xi32, #tpu.memory_space<vmem>>, vector<16xi32>,
          %shift_right_logical3A = arith.constant 14 : i32
          %shift_right_logical3A_473 = vector.broadcast %shift_right_logical3A : i32 to vector<16xi32>
          %shift_right_logical3A_474 = arith.shrui %get3A_468, %shift_right_logical3A_473 : vector<16xi32>
          %swap3A_475 = arith.constant 0 : index
          %swap3A_476 = tpu.vector_load %arg18[%swap3A_475] {strides = array<i32>} : memref<128xi32, #tpu.memory_space<vmem>>, vector<16xi32>,
          tpu.vector_store %arg18[%swap3A_475], %shift_right_logical3A_474 {strides = array<i32>} : memref<128xi32, #tpu.memory_space<vmem>>, vector<16xi32>,
          %add3A_477 = arith.constant 16 : i32
          %add3A_478 = arith.addi %mul3A_465, %add3A_477 : i32
          %get3A_479 = arith.index_cast %add3A_478 : i32 to index
          %get3A_480 = tpu.vector_load %arg13[%get3A_479] {strides = array<i32>} : memref<6400xi32, #tpu.memory_space<vmem>>, vector<16xi32>,
          %and3A_481 = arith.constant 16383 : i32
          %and3A_482 = vector.broadcast %and3A_481 : i32 to vector<16xi32>
          %and3A_483 = arith.andi %get3A_480, %and3A_482 : vector<16xi32>
          %swap3A_484 = arith.constant 16 : index
          %swap3A_485 = tpu.vector_load %arg17[%swap3A_484] {strides = array<i32>} : memref<128xi32, #tpu.memory_space<vmem>>, vector<16xi32>,
          tpu.vector_store %arg17[%swap3A_484], %and3A_483 {strides = array<i32>} : memref<128xi32, #tpu.memory_space<vmem>>, vector<16xi32>,
          %shift_right_logical3A_486 = arith.constant 14 : i32
          %shift_right_logical3A_487 = vector.broadcast %shift_right_logical3A_486 : i32 to vector<16xi32>
          %shift_right_logical3A_488 = arith.shrui %get3A_480, %shift_right_logical3A_487 : vector<16xi32>
          %swap3A_489 = arith.constant 16 : index
          %swap3A_490 = tpu.vector_load %arg18[%swap3A_489] {strides = array<i32>} : memref<128xi32, #tpu.memory_space<vmem>>, vector<16xi32>,
          tpu.vector_store %arg18[%swap3A_489], %shift_right_logical3A_488 {strides = array<i32>} : memref<128xi32, #tpu.memory_space<vmem>>, vector<16xi32>,
          %add3A_491 = arith.constant 32 : i32
          %add3A_492 = arith.addi %mul3A_465, %add3A_491 : i32
          %get3A_493 = arith.index_cast %add3A_492 : i32 to index
          %get3A_494 = tpu.vector_load %arg13[%get3A_493] {strides = array<i32>} : memref<6400xi32, #tpu.memory_space<vmem>>, vector<16xi32>,
          %and3A_495 = arith.constant 16383 : i32
          %and3A_496 = vector.broadcast %and3A_495 : i32 to vector<16xi32>
          %and3A_497 = arith.andi %get3A_494, %and3A_496 : vector<16xi32>
          %swap3A_498 = arith.constant 32 : index
          %swap3A_499 = tpu.vector_load %arg17[%swap3A_498] {strides = array<i32>} : memref<128xi32, #tpu.memory_space<vmem>>, vector<16xi32>,
          tpu.vector_store %arg17[%swap3A_498], %and3A_497 {strides = array<i32>} : memref<128xi32, #tpu.memory_space<vmem>>, vector<16xi32>,
          %shift_right_logical3A_500 = arith.constant 14 : i32
          %shift_right_logical3A_501 = vector.broadcast %shift_right_logical3A_500 : i32 to vector<16xi32>
          %shift_right_logical3A_502 = arith.shrui %get3A_494, %shift_right_logical3A_501 : vector<16xi32>
          %swap3A_503 = arith.constant 32 : index
          %swap3A_504 = tpu.vector_load %arg18[%swap3A_503] {strides = array<i32>} : memref<128xi32, #tpu.memory_space<vmem>>, vector<16xi32>,
          tpu.vector_store %arg18[%swap3A_503], %shift_right_logical3A_502 {strides = array<i32>} : memref<128xi32, #tpu.memory_space<vmem>>, vector<16xi32>,
          %add3A_505 = arith.constant 48 : i32
          %add3A_506 = arith.addi %mul3A_465, %add3A_505 : i32
          %get3A_507 = arith.index_cast %add3A_506 : i32 to index
          %get3A_508 = tpu.vector_load %arg13[%get3A_507] {strides = array<i32>} : memref<6400xi32, #tpu.memory_space<vmem>>, vector<16xi32>,
          %and3A_509 = arith.constant 16383 : i32
          %and3A_510 = vector.broadcast %and3A_509 : i32 to vector<16xi32>
          %and3A_511 = arith.andi %get3A_508, %and3A_510 : vector<16xi32>
          %swap3A_512 = arith.constant 48 : index
          %swap3A_513 = tpu.vector_load %arg17[%swap3A_512] {strides = array<i32>} : memref<128xi32, #tpu.memory_space<vmem>>, vector<16xi32>,
          tpu.vector_store %arg17[%swap3A_512], %and3A_511 {strides = array<i32>} : memref<128xi32, #tpu.memory_space<vmem>>, vector<16xi32>,
          %shift_right_logical3A_514 = arith.constant 14 : i32
          %shift_right_logical3A_515 = vector.broadcast %shift_right_logical3A_514 : i32 to vector<16xi32>
          %shift_right_logical3A_516 = arith.shrui %get3A_508, %shift_right_logical3A_515 : vector<16xi32>
          %swap3A_517 = arith.constant 48 : index
          %swap3A_518 = tpu.vector_load %arg18[%swap3A_517] {strides = array<i32>} : memref<128xi32, #tpu.memory_space<vmem>>, vector<16xi32>,
          tpu.vector_store %arg18[%swap3A_517], %shift_right_logical3A_516 {strides = array<i32>} : memref<128xi32, #tpu.memory_space<vmem>>, vector<16xi32>,
          %add3A_519 = arith.constant 64 : i32
          %add3A_520 = arith.addi %mul3A_465, %add3A_519 : i32
          %get3A_521 = arith.index_cast %add3A_520 : i32 to index
          %get3A_522 = tpu.vector_load %arg13[%get3A_521] {strides = array<i32>} : memref<6400xi32, #tpu.memory_space<vmem>>, vector<16xi32>,
          %and3A_523 = arith.constant 16383 : i32
          %and3A_524 = vector.broadcast %and3A_523 : i32 to vector<16xi32>
          %and3A_525 = arith.andi %get3A_522, %and3A_524 : vector<16xi32>
          %swap3A_526 = arith.constant 64 : index
          %swap3A_527 = tpu.vector_load %arg17[%swap3A_526] {strides = array<i32>} : memref<128xi32, #tpu.memory_space<vmem>>, vector<16xi32>,
          tpu.vector_store %arg17[%swap3A_526], %and3A_525 {strides = array<i32>} : memref<128xi32, #tpu.memory_space<vmem>>, vector<16xi32>,
          %shift_right_logical3A_528 = arith.constant 14 : i32
          %shift_right_logical3A_529 = vector.broadcast %shift_right_logical3A_528 : i32 to vector<16xi32>
          %shift_right_logical3A_530 = arith.shrui %get3A_522, %shift_right_logical3A_529 : vector<16xi32>
          %swap3A_531 = arith.constant 64 : index
          %swap3A_532 = tpu.vector_load %arg18[%swap3A_531] {strides = array<i32>} : memref<128xi32, #tpu.memory_space<vmem>>, vector<16xi32>,
          tpu.vector_store %arg18[%swap3A_531], %shift_right_logical3A_530 {strides = array<i32>} : memref<128xi32, #tpu.memory_space<vmem>>, vector<16xi32>,
          %add3A_533 = arith.constant 80 : i32
          %add3A_534 = arith.addi %mul3A_465, %add3A_533 : i32
          %get3A_535 = arith.index_cast %add3A_534 : i32 to index
          %get3A_536 = tpu.vector_load %arg13[%get3A_535] {strides = array<i32>} : memref<6400xi32, #tpu.memory_space<vmem>>, vector<16xi32>,
          %and3A_537 = arith.constant 16383 : i32
          %and3A_538 = vector.broadcast %and3A_537 : i32 to vector<16xi32>
          %and3A_539 = arith.andi %get3A_536, %and3A_538 : vector<16xi32>
          %swap3A_540 = arith.constant 80 : index
          %swap3A_541 = tpu.vector_load %arg17[%swap3A_540] {strides = array<i32>} : memref<128xi32, #tpu.memory_space<vmem>>, vector<16xi32>,
          tpu.vector_store %arg17[%swap3A_540], %and3A_539 {strides = array<i32>} : memref<128xi32, #tpu.memory_space<vmem>>, vector<16xi32>,
          %shift_right_logical3A_542 = arith.constant 14 : i32
          %shift_right_logical3A_543 = vector.broadcast %shift_right_logical3A_542 : i32 to vector<16xi32>
          %shift_right_logical3A_544 = arith.shrui %get3A_536, %shift_right_logical3A_543 : vector<16xi32>
          %swap3A_545 = arith.constant 80 : index
          %swap3A_546 = tpu.vector_load %arg18[%swap3A_545] {strides = array<i32>} : memref<128xi32, #tpu.memory_space<vmem>>, vector<16xi32>,
          tpu.vector_store %arg18[%swap3A_545], %shift_right_logical3A_544 {strides = array<i32>} : memref<128xi32, #tpu.memory_space<vmem>>, vector<16xi32>,
          %add3A_547 = arith.constant 96 : i32
          %add3A_548 = arith.addi %mul3A_465, %add3A_547 : i32
          %get3A_549 = arith.index_cast %add3A_548 : i32 to index
          %get3A_550 = tpu.vector_load %arg13[%get3A_549] {strides = array<i32>} : memref<6400xi32, #tpu.memory_space<vmem>>, vector<16xi32>,
          %and3A_551 = arith.constant 16383 : i32
          %and3A_552 = vector.broadcast %and3A_551 : i32 to vector<16xi32>
          %and3A_553 = arith.andi %get3A_550, %and3A_552 : vector<16xi32>
          %swap3A_554 = arith.constant 96 : index
          %swap3A_555 = tpu.vector_load %arg17[%swap3A_554] {strides = array<i32>} : memref<128xi32, #tpu.memory_space<vmem>>, vector<16xi32>,
          tpu.vector_store %arg17[%swap3A_554], %and3A_553 {strides = array<i32>} : memref<128xi32, #tpu.memory_space<vmem>>, vector<16xi32>,
          %shift_right_logical3A_556 = arith.constant 14 : i32
          %shift_right_logical3A_557 = vector.broadcast %shift_right_logical3A_556 : i32 to vector<16xi32>
          %shift_right_logical3A_558 = arith.shrui %get3A_550, %shift_right_logical3A_557 : vector<16xi32>
          %swap3A_559 = arith.constant 96 : index
          %swap3A_560 = tpu.vector_load %arg18[%swap3A_559] {strides = array<i32>} : memref<128xi32, #tpu.memory_space<vmem>>, vector<16xi32>,
          tpu.vector_store %arg18[%swap3A_559], %shift_right_logical3A_558 {strides = array<i32>} : memref<128xi32, #tpu.memory_space<vmem>>, vector<16xi32>,
          %add3A_561 = arith.constant 112 : i32
          %add3A_562 = arith.addi %mul3A_465, %add3A_561 : i32
          %get3A_563 = arith.index_cast %add3A_562 : i32 to index
          %get3A_564 = tpu.vector_load %arg13[%get3A_563] {strides = array<i32>} : memref<6400xi32, #tpu.memory_space<vmem>>, vector<16xi32>,
          %and3A_565 = arith.constant 16383 : i32
          %and3A_566 = vector.broadcast %and3A_565 : i32 to vector<16xi32>
          %and3A_567 = arith.andi %get3A_564, %and3A_566 : vector<16xi32>
          %swap3A_568 = arith.constant 112 : index
          %swap3A_569 = tpu.vector_load %arg17[%swap3A_568] {strides = array<i32>} : memref<128xi32, #tpu.memory_space<vmem>>, vector<16xi32>,
          tpu.vector_store %arg17[%swap3A_568], %and3A_567 {strides = array<i32>} : memref<128xi32, #tpu.memory_space<vmem>>, vector<16xi32>,
          %shift_right_logical3A_570 = arith.constant 14 : i32
          %shift_right_logical3A_571 = vector.broadcast %shift_right_logical3A_570 : i32 to vector<16xi32>
          %shift_right_logical3A_572 = arith.shrui %get3A_564, %shift_right_logical3A_571 : vector<16xi32>
          %swap3A_573 = arith.constant 112 : index
          %swap3A_574 = tpu.vector_load %arg18[%swap3A_573] {strides = array<i32>} : memref<128xi32, #tpu.memory_space<vmem>>, vector<16xi32>,
          tpu.vector_store %arg18[%swap3A_573], %shift_right_logical3A_572 {strides = array<i32>} : memref<128xi32, #tpu.memory_space<vmem>>, vector<16xi32>,
          %dma_start3A_575 = arith.constant 0 : i32
          %dma_start3A_576 = arith.constant 0 : i32
          %dma_start3A_577 = tpu.memref_slice %arg4[%dma_start3A_575, %dma_start3A_576] : memref<10240x128xf32, #tpu.memory_space<hbm>> -> memref<10240x128xf32, #tpu.memory_space<hbm>>
          tpu.enqueue_indirect_dma source(%dma_start3A_577 : memref<10240x128xf32, #tpu.memory_space<hbm>>) target(%arg12 : memref<128x128xf32, #tpu.memory_space<vmem>>) offsets(%arg17 : memref<128xi32, #tpu.memory_space<vmem>>) semaphore(%arg20 : memref<!tpu.dma_semaphore, #tpu.memory_space<semaphore_mem>>)
        } else {
        }
        %scan3A_448 = arith.constant 0 : i32
        %scan3A_449 = arith.constant 0 : i32
        %scan3A_450 = arith.constant 64 : i32
        %scan3A_451 = arith.addi %scan3A_449, %scan3A_450 : i32
        %scan3A_452 = arith.constant 1 : i32
        %scan3A_453 = scf.for %scan3A_457 = %scan3A_449 to %scan3A_451 step %scan3A_452 iter_args(%scan3A_458 = %scan3A_448) -> (i32)  : i32 {
          %mul3A_459 = arith.constant 2 : i32
          %mul3A_460 = arith.muli %scan3A_457, %mul3A_459 : i32
          %mul3A_461 = arith.constant 128 : i32
          %mul3A_462 = arith.muli %while3A_395, %mul3A_461 : i32
          %add3A_463 = arith.addi %mul3A_462, %mul3A_460 : i32
          %broadcast_in_dim3A_464 = vector.broadcast %add3A_463 : i32 to vector<16xi32>
          %gather3A = tpu.vector_load_idx %arg14[%broadcast_in_dim3A_464] : memref<6400xf32, #tpu.memory_space<vmem>>[vector<16xi32>], vector<16xf32>,
          %mul3A_465 = arith.constant 128 : i32
          %mul3A_466 = arith.muli %while3A_395, %mul3A_465 : i32
          %add3A_467 = arith.addi %mul3A_466, %mul3A_460 : i32
          %add3A_468 = arith.constant 1 : i32
          %add3A_469 = arith.addi %add3A_467, %add3A_468 : i32
          %broadcast_in_dim3A_470 = vector.broadcast %add3A_469 : i32 to vector<16xi32>
          %gather3A_471 = tpu.vector_load_idx %arg14[%broadcast_in_dim3A_470] : memref<6400xf32, #tpu.memory_space<vmem>>[vector<16xi32>], vector<16xf32>,
          %get3A = arith.index_cast %mul3A_460 : i32 to index
          %get3A_472 = arith.constant 0 : index
          %get3A_473 = tpu.vector_load %arg11[%get3A, %get3A_472] {strides = array<i32>} : memref<128x128xf32, #tpu.memory_space<vmem>>, vector<16xf32>,
          %mul3A_474 = arith.mulf %get3A_473, %gather3A : vector<16xf32>
          %swap3A = arith.index_cast %mul3A_460 : i32 to index
          %swap3A_475 = arith.constant 0 : index
          %swap3A_476 = tpu.vector_load %arg11[%swap3A, %swap3A_475] {strides = array<i32>} : memref<128x128xf32, #tpu.memory_space<vmem>>, vector<16xf32>,
          tpu.vector_store %arg11[%swap3A, %swap3A_475], %mul3A_474 {strides = array<i32>} : memref<128x128xf32, #tpu.memory_space<vmem>>, vector<16xf32>,
          %get3A_477 = arith.index_cast %mul3A_460 : i32 to index
          %get3A_478 = arith.constant 16 : index
          %get3A_479 = tpu.vector_load %arg11[%get3A_477, %get3A_478] {strides = array<i32>} : memref<128x128xf32, #tpu.memory_space<vmem>>, vector<16xf32>,
          %mul3A_480 = arith.mulf %get3A_479, %gather3A : vector<16xf32>
          %swap3A_481 = arith.index_cast %mul3A_460 : i32 to index
          %swap3A_482 = arith.constant 16 : index
          %swap3A_483 = tpu.vector_load %arg11[%swap3A_481, %swap3A_482] {strides = array<i32>} : memref<128x128xf32, #tpu.memory_space<vmem>>, vector<16xf32>,
          tpu.vector_store %arg11[%swap3A_481, %swap3A_482], %mul3A_480 {strides = array<i32>} : memref<128x128xf32, #tpu.memory_space<vmem>>, vector<16xf32>,
          %get3A_484 = arith.index_cast %mul3A_460 : i32 to index
          %get3A_485 = arith.constant 32 : index
          %get3A_486 = tpu.vector_load %arg11[%get3A_484, %get3A_485] {strides = array<i32>} : memref<128x128xf32, #tpu.memory_space<vmem>>, vector<16xf32>,
          %mul3A_487 = arith.mulf %get3A_486, %gather3A : vector<16xf32>
          %swap3A_488 = arith.index_cast %mul3A_460 : i32 to index
          %swap3A_489 = arith.constant 32 : index
          %swap3A_490 = tpu.vector_load %arg11[%swap3A_488, %swap3A_489] {strides = array<i32>} : memref<128x128xf32, #tpu.memory_space<vmem>>, vector<16xf32>,
          tpu.vector_store %arg11[%swap3A_488, %swap3A_489], %mul3A_487 {strides = array<i32>} : memref<128x128xf32, #tpu.memory_space<vmem>>, vector<16xf32>,
          %get3A_491 = arith.index_cast %mul3A_460 : i32 to index
          %get3A_492 = arith.constant 48 : index
          %get3A_493 = tpu.vector_load %arg11[%get3A_491, %get3A_492] {strides = array<i32>} : memref<128x128xf32, #tpu.memory_space<vmem>>, vector<16xf32>,
          %mul3A_494 = arith.mulf %get3A_493, %gather3A : vector<16xf32>
          %swap3A_495 = arith.index_cast %mul3A_460 : i32 to index
          %swap3A_496 = arith.constant 48 : index
          %swap3A_497 = tpu.vector_load %arg11[%swap3A_495, %swap3A_496] {strides = array<i32>} : memref<128x128xf32, #tpu.memory_space<vmem>>, vector<16xf32>,
          tpu.vector_store %arg11[%swap3A_495, %swap3A_496], %mul3A_494 {strides = array<i32>} : memref<128x128xf32, #tpu.memory_space<vmem>>, vector<16xf32>,
          %get3A_498 = arith.index_cast %mul3A_460 : i32 to index
          %get3A_499 = arith.constant 64 : index
          %get3A_500 = tpu.vector_load %arg11[%get3A_498, %get3A_499] {strides = array<i32>} : memref<128x128xf32, #tpu.memory_space<vmem>>, vector<16xf32>,
          %mul3A_501 = arith.mulf %get3A_500, %gather3A : vector<16xf32>
          %swap3A_502 = arith.index_cast %mul3A_460 : i32 to index
          %swap3A_503 = arith.constant 64 : index
          %swap3A_504 = tpu.vector_load %arg11[%swap3A_502, %swap3A_503] {strides = array<i32>} : memref<128x128xf32, #tpu.memory_space<vmem>>, vector<16xf32>,
          tpu.vector_store %arg11[%swap3A_502, %swap3A_503], %mul3A_501 {strides = array<i32>} : memref<128x128xf32, #tpu.memory_space<vmem>>, vector<16xf32>,
          %get3A_505 = arith.index_cast %mul3A_460 : i32 to index
          %get3A_506 = arith.constant 80 : index
          %get3A_507 = tpu.vector_load %arg11[%get3A_505, %get3A_506] {strides = array<i32>} : memref<128x128xf32, #tpu.memory_space<vmem>>, vector<16xf32>,
          %mul3A_508 = arith.mulf %get3A_507, %gather3A : vector<16xf32>
          %swap3A_509 = arith.index_cast %mul3A_460 : i32 to index
          %swap3A_510 = arith.constant 80 : index
          %swap3A_511 = tpu.vector_load %arg11[%swap3A_509, %swap3A_510] {strides = array<i32>} : memref<128x128xf32, #tpu.memory_space<vmem>>, vector<16xf32>,
          tpu.vector_store %arg11[%swap3A_509, %swap3A_510], %mul3A_508 {strides = array<i32>} : memref<128x128xf32, #tpu.memory_space<vmem>>, vector<16xf32>,
          %get3A_512 = arith.index_cast %mul3A_460 : i32 to index
          %get3A_513 = arith.constant 96 : index
          %get3A_514 = tpu.vector_load %arg11[%get3A_512, %get3A_513] {strides = array<i32>} : memref<128x128xf32, #tpu.memory_space<vmem>>, vector<16xf32>,
          %mul3A_515 = arith.mulf %get3A_514, %gather3A : vector<16xf32>
          %swap3A_516 = arith.index_cast %mul3A_460 : i32 to index
          %swap3A_517 = arith.constant 96 : index
          %swap3A_518 = tpu.vector_load %arg11[%swap3A_516, %swap3A_517] {strides = array<i32>} : memref<128x128xf32, #tpu.memory_space<vmem>>, vector<16xf32>,
          tpu.vector_store %arg11[%swap3A_516, %swap3A_517], %mul3A_515 {strides = array<i32>} : memref<128x128xf32, #tpu.memory_space<vmem>>, vector<16xf32>,
          %get3A_519 = arith.index_cast %mul3A_460 : i32 to index
          %get3A_520 = arith.constant 112 : index
          %get3A_521 = tpu.vector_load %arg11[%get3A_519, %get3A_520] {strides = array<i32>} : memref<128x128xf32, #tpu.memory_space<vmem>>, vector<16xf32>,
          %mul3A_522 = arith.mulf %get3A_521, %gather3A : vector<16xf32>
          %swap3A_523 = arith.index_cast %mul3A_460 : i32 to index
          %swap3A_524 = arith.constant 112 : index
          %swap3A_525 = tpu.vector_load %arg11[%swap3A_523, %swap3A_524] {strides = array<i32>} : memref<128x128xf32, #tpu.memory_space<vmem>>, vector<16xf32>,
          tpu.vector_store %arg11[%swap3A_523, %swap3A_524], %mul3A_522 {strides = array<i32>} : memref<128x128xf32, #tpu.memory_space<vmem>>, vector<16xf32>,
          %add3A_526 = arith.constant 1 : i32
          %add3A_527 = arith.addi %mul3A_460, %add3A_526 : i32
          %get3A_528 = arith.index_cast %add3A_527 : i32 to index
          %get3A_529 = arith.constant 0 : index
          %get3A_530 = tpu.vector_load %arg11[%get3A_528, %get3A_529] {strides = array<i32>} : memref<128x128xf32, #tpu.memory_space<vmem>>, vector<16xf32>,
          %mul3A_531 = arith.mulf %get3A_530, %gather3A_471 : vector<16xf32>
          %add3A_532 = arith.constant 1 : i32
          %add3A_533 = arith.addi %mul3A_460, %add3A_532 : i32
          %swap3A_534 = arith.index_cast %add3A_533 : i32 to index
          %swap3A_535 = arith.constant 0 : index
          %swap3A_536 = tpu.vector_load %arg11[%swap3A_534, %swap3A_535] {strides = array<i32>} : memref<128x128xf32, #tpu.memory_space<vmem>>, vector<16xf32>,
          tpu.vector_store %arg11[%swap3A_534, %swap3A_535], %mul3A_531 {strides = array<i32>} : memref<128x128xf32, #tpu.memory_space<vmem>>, vector<16xf32>,
          %add3A_537 = arith.constant 1 : i32
          %add3A_538 = arith.addi %mul3A_460, %add3A_537 : i32
          %get3A_539 = arith.index_cast %add3A_538 : i32 to index
          %get3A_540 = arith.constant 16 : index
          %get3A_541 = tpu.vector_load %arg11[%get3A_539, %get3A_540] {strides = array<i32>} : memref<128x128xf32, #tpu.memory_space<vmem>>, vector<16xf32>,
          %mul3A_542 = arith.mulf %get3A_541, %gather3A_471 : vector<16xf32>
          %add3A_543 = arith.constant 1 : i32
          %add3A_544 = arith.addi %mul3A_460, %add3A_543 : i32
          %swap3A_545 = arith.index_cast %add3A_544 : i32 to index
          %swap3A_546 = arith.constant 16 : index
          %swap3A_547 = tpu.vector_load %arg11[%swap3A_545, %swap3A_546] {strides = array<i32>} : memref<128x128xf32, #tpu.memory_space<vmem>>, vector<16xf32>,
          tpu.vector_store %arg11[%swap3A_545, %swap3A_546], %mul3A_542 {strides = array<i32>} : memref<128x128xf32, #tpu.memory_space<vmem>>, vector<16xf32>,
          %add3A_548 = arith.constant 1 : i32
          %add3A_549 = arith.addi %mul3A_460, %add3A_548 : i32
          %get3A_550 = arith.index_cast %add3A_549 : i32 to index
          %get3A_551 = arith.constant 32 : index
          %get3A_552 = tpu.vector_load %arg11[%get3A_550, %get3A_551] {strides = array<i32>} : memref<128x128xf32, #tpu.memory_space<vmem>>, vector<16xf32>,
          %mul3A_553 = arith.mulf %get3A_552, %gather3A_471 : vector<16xf32>
          %add3A_554 = arith.constant 1 : i32
          %add3A_555 = arith.addi %mul3A_460, %add3A_554 : i32
          %swap3A_556 = arith.index_cast %add3A_555 : i32 to index
          %swap3A_557 = arith.constant 32 : index
          %swap3A_558 = tpu.vector_load %arg11[%swap3A_556, %swap3A_557] {strides = array<i32>} : memref<128x128xf32, #tpu.memory_space<vmem>>, vector<16xf32>,
          tpu.vector_store %arg11[%swap3A_556, %swap3A_557], %mul3A_553 {strides = array<i32>} : memref<128x128xf32, #tpu.memory_space<vmem>>, vector<16xf32>,
          %add3A_559 = arith.constant 1 : i32
          %add3A_560 = arith.addi %mul3A_460, %add3A_559 : i32
          %get3A_561 = arith.index_cast %add3A_560 : i32 to index
          %get3A_562 = arith.constant 48 : index
          %get3A_563 = tpu.vector_load %arg11[%get3A_561, %get3A_562] {strides = array<i32>} : memref<128x128xf32, #tpu.memory_space<vmem>>, vector<16xf32>,
          %mul3A_564 = arith.mulf %get3A_563, %gather3A_471 : vector<16xf32>
          %add3A_565 = arith.constant 1 : i32
          %add3A_566 = arith.addi %mul3A_460, %add3A_565 : i32
          %swap3A_567 = arith.index_cast %add3A_566 : i32 to index
          %swap3A_568 = arith.constant 48 : index
          %swap3A_569 = tpu.vector_load %arg11[%swap3A_567, %swap3A_568] {strides = array<i32>} : memref<128x128xf32, #tpu.memory_space<vmem>>, vector<16xf32>,
          tpu.vector_store %arg11[%swap3A_567, %swap3A_568], %mul3A_564 {strides = array<i32>} : memref<128x128xf32, #tpu.memory_space<vmem>>, vector<16xf32>,
          %add3A_570 = arith.constant 1 : i32
          %add3A_571 = arith.addi %mul3A_460, %add3A_570 : i32
          %get3A_572 = arith.index_cast %add3A_571 : i32 to index
          %get3A_573 = arith.constant 64 : index
          %get3A_574 = tpu.vector_load %arg11[%get3A_572, %get3A_573] {strides = array<i32>} : memref<128x128xf32, #tpu.memory_space<vmem>>, vector<16xf32>,
          %mul3A_575 = arith.mulf %get3A_574, %gather3A_471 : vector<16xf32>
          %add3A_576 = arith.constant 1 : i32
          %add3A_577 = arith.addi %mul3A_460, %add3A_576 : i32
          %swap3A_578 = arith.index_cast %add3A_577 : i32 to index
          %swap3A_579 = arith.constant 64 : index
          %swap3A_580 = tpu.vector_load %arg11[%swap3A_578, %swap3A_579] {strides = array<i32>} : memref<128x128xf32, #tpu.memory_space<vmem>>, vector<16xf32>,
          tpu.vector_store %arg11[%swap3A_578, %swap3A_579], %mul3A_575 {strides = array<i32>} : memref<128x128xf32, #tpu.memory_space<vmem>>, vector<16xf32>,
          %add3A_581 = arith.constant 1 : i32
          %add3A_582 = arith.addi %mul3A_460, %add3A_581 : i32
          %get3A_583 = arith.index_cast %add3A_582 : i32 to index
          %get3A_584 = arith.constant 80 : index
          %get3A_585 = tpu.vector_load %arg11[%get3A_583, %get3A_584] {strides = array<i32>} : memref<128x128xf32, #tpu.memory_space<vmem>>, vector<16xf32>,
          %mul3A_586 = arith.mulf %get3A_585, %gather3A_471 : vector<16xf32>
          %add3A_587 = arith.constant 1 : i32
          %add3A_588 = arith.addi %mul3A_460, %add3A_587 : i32
          %swap3A_589 = arith.index_cast %add3A_588 : i32 to index
          %swap3A_590 = arith.constant 80 : index
          %swap3A_591 = tpu.vector_load %arg11[%swap3A_589, %swap3A_590] {strides = array<i32>} : memref<128x128xf32, #tpu.memory_space<vmem>>, vector<16xf32>,
          tpu.vector_store %arg11[%swap3A_589, %swap3A_590], %mul3A_586 {strides = array<i32>} : memref<128x128xf32, #tpu.memory_space<vmem>>, vector<16xf32>,
          %add3A_592 = arith.constant 1 : i32
          %add3A_593 = arith.addi %mul3A_460, %add3A_592 : i32
          %get3A_594 = arith.index_cast %add3A_593 : i32 to index
          %get3A_595 = arith.constant 96 : index
          %get3A_596 = tpu.vector_load %arg11[%get3A_594, %get3A_595] {strides = array<i32>} : memref<128x128xf32, #tpu.memory_space<vmem>>, vector<16xf32>,
          %mul3A_597 = arith.mulf %get3A_596, %gather3A_471 : vector<16xf32>
          %add3A_598 = arith.constant 1 : i32
          %add3A_599 = arith.addi %mul3A_460, %add3A_598 : i32
          %swap3A_600 = arith.index_cast %add3A_599 : i32 to index
          %swap3A_601 = arith.constant 96 : index
          %swap3A_602 = tpu.vector_load %arg11[%swap3A_600, %swap3A_601] {strides = array<i32>} : memref<128x128xf32, #tpu.memory_space<vmem>>, vector<16xf32>,
          tpu.vector_store %arg11[%swap3A_600, %swap3A_601], %mul3A_597 {strides = array<i32>} : memref<128x128xf32, #tpu.memory_space<vmem>>, vector<16xf32>,
          %add3A_603 = arith.constant 1 : i32
          %add3A_604 = arith.addi %mul3A_460, %add3A_603 : i32
          %get3A_605 = arith.index_cast %add3A_604 : i32 to index
          %get3A_606 = arith.constant 112 : index
          %get3A_607 = tpu.vector_load %arg11[%get3A_605, %get3A_606] {strides = array<i32>} : memref<128x128xf32, #tpu.memory_space<vmem>>, vector<16xf32>,
          %mul3A_608 = arith.mulf %get3A_607, %gather3A_471 : vector<16xf32>
          %add3A_609 = arith.constant 1 : i32
          %add3A_610 = arith.addi %mul3A_460, %add3A_609 : i32
          %swap3A_611 = arith.index_cast %add3A_610 : i32 to index
          %swap3A_612 = arith.constant 112 : index
          %swap3A_613 = tpu.vector_load %arg11[%swap3A_611, %swap3A_612] {strides = array<i32>} : memref<128x128xf32, #tpu.memory_space<vmem>>, vector<16xf32>,
          tpu.vector_store %arg11[%swap3A_611, %swap3A_612], %mul3A_608 {strides = array<i32>} : memref<128x128xf32, #tpu.memory_space<vmem>>, vector<16xf32>,
          %scan3A_614 = arith.constant 0 : i32
          scf.yield %scan3A_614 : i32
        }
        %scan3A_454 = arith.constant 64 : i32
        %dma_start3A = arith.constant 0 : i32
        %dma_start3A_455 = arith.constant 0 : i32
        %dma_start3A_456 = tpu.memref_slice %arg27[%dma_start3A, %dma_start3A_455] : memref<2560x128xf32, #tpu.memory_space<vmem_shared>> -> memref<2560x128xf32, #tpu.memory_space<vmem_shared>>
        tpu.enqueue_indirect_dma source(%arg11 : memref<128x128xf32, #tpu.memory_space<vmem>>) target(%dma_start3A_456 : memref<2560x128xf32, #tpu.memory_space<vmem_shared>>) offsets(%arg16 : memref<128xi32, #tpu.memory_space<vmem>>) semaphore(%arg21 : memref<!tpu.dma_semaphore, #tpu.memory_space<semaphore_mem>>) {add = true}
      } else {
      }
      %jit3A_418 = arith.constant 2 : i32
      %eq3A_419 = arith.constant 0 : i32
      %eq3A_420 = arith.cmpi eq, %jit3A_418, %eq3A_419 : i32
      %jit3A_421 = arith.constant 1 : i32
      %select_n3A_422 = arith.select %eq3A_420, %jit3A_421, %jit3A_418 : i32
      %rem3A_423 = arith.remsi %while3A_395, %select_n3A_422 : i32
      %ne3A_424 = arith.constant 0 : i32
      %ne3A_425 = arith.cmpi ne, %rem3A_423, %ne3A_424 : i32
      %lt3A_426 = arith.constant 0 : i32
      %lt3A_427 = arith.cmpi slt, %rem3A_423, %lt3A_426 : i32
      %lt3A_428 = arith.constant 0 : i32
      %lt3A_429 = arith.cmpi slt, %select_n3A_422, %lt3A_428 : i32
      %ne3A_430 = arith.xori %lt3A_427, %lt3A_429 : i1
      %and3A_431 = arith.andi %ne3A_430, %ne3A_425 : i1
      %add3A_432 = arith.addi %rem3A_423, %select_n3A_422 : i32
      %select_n3A_433 = arith.select %and3A_431, %add3A_432, %rem3A_423 : i32
      %eq3A_434 = arith.constant 1 : i32
      %eq3A_435 = arith.cmpi eq, %select_n3A_433, %eq3A_434 : i32
      %convert_element_type3A_436 = arith.extui %eq3A_435 : i1 to i32
      %cond3A_437 = arith.constant 0 : i32
      %cond3A_438 = arith.cmpi ne, %convert_element_type3A_436, %cond3A_437 : i32
      scf.if %cond3A_438 {
        %dma_wait3A = arith.constant 0 : i32
        %dma_wait3A_440 = arith.constant 0 : i32
        %dma_wait3A_441 = tpu.memref_slice %arg4[%dma_wait3A, %dma_wait3A_440] : memref<10240x128xf32, #tpu.memory_space<hbm>> -> memref<10240x128xf32, #tpu.memory_space<hbm>>
        tpu.wait_indirect_dma semaphore(%arg20 : memref<!tpu.dma_semaphore, #tpu.memory_space<semaphore_mem>>) src(%dma_wait3A_441 : memref<10240x128xf32, #tpu.memory_space<hbm>>) dst(%arg12 : memref<128x128xf32, #tpu.memory_space<vmem>>)
        %add3A_442 = arith.constant 1 : i32
        %add3A_443 = arith.addi %while3A_395, %add3A_442 : i32
        %lt3A_444 = arith.cmpi slt, %add3A_443, %select_n3A : i32
        %convert_element_type3A_445 = arith.extui %lt3A_444 : i1 to i32
        %cond3A_446 = arith.constant 0 : i32
        %cond3A_447 = arith.cmpi ne, %convert_element_type3A_445, %cond3A_446 : i32
        scf.if %cond3A_447 {
          %ge3A_457 = arith.constant 1 : i32
          %ge3A_458 = arith.cmpi sge, %while3A_395, %ge3A_457 : i32
          %convert_element_type3A_459 = arith.extui %ge3A_458 : i1 to i32
          %cond3A_460 = arith.constant 0 : i32
          %cond3A_461 = arith.cmpi ne, %convert_element_type3A_459, %cond3A_460 : i32
          scf.if %cond3A_461 {
            %dma_wait3A_578 = arith.constant 0 : i32
            %dma_wait3A_579 = arith.constant 0 : i32
            %dma_wait3A_580 = tpu.memref_slice %arg27[%dma_wait3A_578, %dma_wait3A_579] : memref<2560x128xf32, #tpu.memory_space<vmem_shared>> -> memref<2560x128xf32, #tpu.memory_space<vmem_shared>>
            tpu.wait_indirect_dma semaphore(%arg21 : memref<!tpu.dma_semaphore, #tpu.memory_space<semaphore_mem>>) src(%arg11 : memref<128x128xf32, #tpu.memory_space<vmem>>) dst(%dma_wait3A_580 : memref<2560x128xf32, #tpu.memory_space<vmem_shared>>)
          } else {
          }
          %add3A_462 = arith.constant 1 : i32
          %add3A_463 = arith.addi %while3A_395, %add3A_462 : i32
          %mul3A_464 = arith.constant 128 : i32
          %mul3A_465 = arith.muli %add3A_463, %mul3A_464 : i32
          %add3A_466 = arith.constant 0 : i32
          %add3A_467 = arith.addi %mul3A_465, %add3A_466 : i32
          %get3A = arith.index_cast %add3A_467 : i32 to index
          %get3A_468 = tpu.vector_load %arg13[%get3A] {strides = array<i32>} : memref<6400xi32, #tpu.memory_space<vmem>>, vector<16xi32>,
          %and3A_469 = arith.constant 16383 : i32
          %and3A_470 = vector.broadcast %and3A_469 : i32 to vector<16xi32>
          %and3A_471 = arith.andi %get3A_468, %and3A_470 : vector<16xi32>
          %swap3A = arith.constant 0 : index
          %swap3A_472 = tpu.vector_load %arg15[%swap3A] {strides = array<i32>} : memref<128xi32, #tpu.memory_space<vmem>>, vector<16xi32>,
          tpu.vector_store %arg15[%swap3A], %and3A_471 {strides = array<i32>} : memref<128xi32, #tpu.memory_space<vmem>>, vector<16xi32>,
          %shift_right_logical3A = arith.constant 14 : i32
          %shift_right_logical3A_473 = vector.broadcast %shift_right_logical3A : i32 to vector<16xi32>
          %shift_right_logical3A_474 = arith.shrui %get3A_468, %shift_right_logical3A_473 : vector<16xi32>
          %swap3A_475 = arith.constant 0 : index
          %swap3A_476 = tpu.vector_load %arg16[%swap3A_475] {strides = array<i32>} : memref<128xi32, #tpu.memory_space<vmem>>, vector<16xi32>,
          tpu.vector_store %arg16[%swap3A_475], %shift_right_logical3A_474 {strides = array<i32>} : memref<128xi32, #tpu.memory_space<vmem>>, vector<16xi32>,
          %add3A_477 = arith.constant 16 : i32
          %add3A_478 = arith.addi %mul3A_465, %add3A_477 : i32
          %get3A_479 = arith.index_cast %add3A_478 : i32 to index
          %get3A_480 = tpu.vector_load %arg13[%get3A_479] {strides = array<i32>} : memref<6400xi32, #tpu.memory_space<vmem>>, vector<16xi32>,
          %and3A_481 = arith.constant 16383 : i32
          %and3A_482 = vector.broadcast %and3A_481 : i32 to vector<16xi32>
          %and3A_483 = arith.andi %get3A_480, %and3A_482 : vector<16xi32>
          %swap3A_484 = arith.constant 16 : index
          %swap3A_485 = tpu.vector_load %arg15[%swap3A_484] {strides = array<i32>} : memref<128xi32, #tpu.memory_space<vmem>>, vector<16xi32>,
          tpu.vector_store %arg15[%swap3A_484], %and3A_483 {strides = array<i32>} : memref<128xi32, #tpu.memory_space<vmem>>, vector<16xi32>,
          %shift_right_logical3A_486 = arith.constant 14 : i32
          %shift_right_logical3A_487 = vector.broadcast %shift_right_logical3A_486 : i32 to vector<16xi32>
          %shift_right_logical3A_488 = arith.shrui %get3A_480, %shift_right_logical3A_487 : vector<16xi32>
          %swap3A_489 = arith.constant 16 : index
          %swap3A_490 = tpu.vector_load %arg16[%swap3A_489] {strides = array<i32>} : memref<128xi32, #tpu.memory_space<vmem>>, vector<16xi32>,
          tpu.vector_store %arg16[%swap3A_489], %shift_right_logical3A_488 {strides = array<i32>} : memref<128xi32, #tpu.memory_space<vmem>>, vector<16xi32>,
          %add3A_491 = arith.constant 32 : i32
          %add3A_492 = arith.addi %mul3A_465, %add3A_491 : i32
          %get3A_493 = arith.index_cast %add3A_492 : i32 to index
          %get3A_494 = tpu.vector_load %arg13[%get3A_493] {strides = array<i32>} : memref<6400xi32, #tpu.memory_space<vmem>>, vector<16xi32>,
          %and3A_495 = arith.constant 16383 : i32
          %and3A_496 = vector.broadcast %and3A_495 : i32 to vector<16xi32>
          %and3A_497 = arith.andi %get3A_494, %and3A_496 : vector<16xi32>
          %swap3A_498 = arith.constant 32 : index
          %swap3A_499 = tpu.vector_load %arg15[%swap3A_498] {strides = array<i32>} : memref<128xi32, #tpu.memory_space<vmem>>, vector<16xi32>,
          tpu.vector_store %arg15[%swap3A_498], %and3A_497 {strides = array<i32>} : memref<128xi32, #tpu.memory_space<vmem>>, vector<16xi32>,
          %shift_right_logical3A_500 = arith.constant 14 : i32
          %shift_right_logical3A_501 = vector.broadcast %shift_right_logical3A_500 : i32 to vector<16xi32>
          %shift_right_logical3A_502 = arith.shrui %get3A_494, %shift_right_logical3A_501 : vector<16xi32>
          %swap3A_503 = arith.constant 32 : index
          %swap3A_504 = tpu.vector_load %arg16[%swap3A_503] {strides = array<i32>} : memref<128xi32, #tpu.memory_space<vmem>>, vector<16xi32>,
          tpu.vector_store %arg16[%swap3A_503], %shift_right_logical3A_502 {strides = array<i32>} : memref<128xi32, #tpu.memory_space<vmem>>, vector<16xi32>,
          %add3A_505 = arith.constant 48 : i32
          %add3A_506 = arith.addi %mul3A_465, %add3A_505 : i32
          %get3A_507 = arith.index_cast %add3A_506 : i32 to index
          %get3A_508 = tpu.vector_load %arg13[%get3A_507] {strides = array<i32>} : memref<6400xi32, #tpu.memory_space<vmem>>, vector<16xi32>,
          %and3A_509 = arith.constant 16383 : i32
          %and3A_510 = vector.broadcast %and3A_509 : i32 to vector<16xi32>
          %and3A_511 = arith.andi %get3A_508, %and3A_510 : vector<16xi32>
          %swap3A_512 = arith.constant 48 : index
          %swap3A_513 = tpu.vector_load %arg15[%swap3A_512] {strides = array<i32>} : memref<128xi32, #tpu.memory_space<vmem>>, vector<16xi32>,
          tpu.vector_store %arg15[%swap3A_512], %and3A_511 {strides = array<i32>} : memref<128xi32, #tpu.memory_space<vmem>>, vector<16xi32>,
          %shift_right_logical3A_514 = arith.constant 14 : i32
          %shift_right_logical3A_515 = vector.broadcast %shift_right_logical3A_514 : i32 to vector<16xi32>
          %shift_right_logical3A_516 = arith.shrui %get3A_508, %shift_right_logical3A_515 : vector<16xi32>
          %swap3A_517 = arith.constant 48 : index
          %swap3A_518 = tpu.vector_load %arg16[%swap3A_517] {strides = array<i32>} : memref<128xi32, #tpu.memory_space<vmem>>, vector<16xi32>,
          tpu.vector_store %arg16[%swap3A_517], %shift_right_logical3A_516 {strides = array<i32>} : memref<128xi32, #tpu.memory_space<vmem>>, vector<16xi32>,
          %add3A_519 = arith.constant 64 : i32
          %add3A_520 = arith.addi %mul3A_465, %add3A_519 : i32
          %get3A_521 = arith.index_cast %add3A_520 : i32 to index
          %get3A_522 = tpu.vector_load %arg13[%get3A_521] {strides = array<i32>} : memref<6400xi32, #tpu.memory_space<vmem>>, vector<16xi32>,
          %and3A_523 = arith.constant 16383 : i32
          %and3A_524 = vector.broadcast %and3A_523 : i32 to vector<16xi32>
          %and3A_525 = arith.andi %get3A_522, %and3A_524 : vector<16xi32>
          %swap3A_526 = arith.constant 64 : index
          %swap3A_527 = tpu.vector_load %arg15[%swap3A_526] {strides = array<i32>} : memref<128xi32, #tpu.memory_space<vmem>>, vector<16xi32>,
          tpu.vector_store %arg15[%swap3A_526], %and3A_525 {strides = array<i32>} : memref<128xi32, #tpu.memory_space<vmem>>, vector<16xi32>,
          %shift_right_logical3A_528 = arith.constant 14 : i32
          %shift_right_logical3A_529 = vector.broadcast %shift_right_logical3A_528 : i32 to vector<16xi32>
          %shift_right_logical3A_530 = arith.shrui %get3A_522, %shift_right_logical3A_529 : vector<16xi32>
          %swap3A_531 = arith.constant 64 : index
          %swap3A_532 = tpu.vector_load %arg16[%swap3A_531] {strides = array<i32>} : memref<128xi32, #tpu.memory_space<vmem>>, vector<16xi32>,
          tpu.vector_store %arg16[%swap3A_531], %shift_right_logical3A_530 {strides = array<i32>} : memref<128xi32, #tpu.memory_space<vmem>>, vector<16xi32>,
          %add3A_533 = arith.constant 80 : i32
          %add3A_534 = arith.addi %mul3A_465, %add3A_533 : i32
          %get3A_535 = arith.index_cast %add3A_534 : i32 to index
          %get3A_536 = tpu.vector_load %arg13[%get3A_535] {strides = array<i32>} : memref<6400xi32, #tpu.memory_space<vmem>>, vector<16xi32>,
          %and3A_537 = arith.constant 16383 : i32
          %and3A_538 = vector.broadcast %and3A_537 : i32 to vector<16xi32>
          %and3A_539 = arith.andi %get3A_536, %and3A_538 : vector<16xi32>
          %swap3A_540 = arith.constant 80 : index
          %swap3A_541 = tpu.vector_load %arg15[%swap3A_540] {strides = array<i32>} : memref<128xi32, #tpu.memory_space<vmem>>, vector<16xi32>,
          tpu.vector_store %arg15[%swap3A_540], %and3A_539 {strides = array<i32>} : memref<128xi32, #tpu.memory_space<vmem>>, vector<16xi32>,
          %shift_right_logical3A_542 = arith.constant 14 : i32
          %shift_right_logical3A_543 = vector.broadcast %shift_right_logical3A_542 : i32 to vector<16xi32>
          %shift_right_logical3A_544 = arith.shrui %get3A_536, %shift_right_logical3A_543 : vector<16xi32>
          %swap3A_545 = arith.constant 80 : index
          %swap3A_546 = tpu.vector_load %arg16[%swap3A_545] {strides = array<i32>} : memref<128xi32, #tpu.memory_space<vmem>>, vector<16xi32>,
          tpu.vector_store %arg16[%swap3A_545], %shift_right_logical3A_544 {strides = array<i32>} : memref<128xi32, #tpu.memory_space<vmem>>, vector<16xi32>,
          %add3A_547 = arith.constant 96 : i32
          %add3A_548 = arith.addi %mul3A_465, %add3A_547 : i32
          %get3A_549 = arith.index_cast %add3A_548 : i32 to index
          %get3A_550 = tpu.vector_load %arg13[%get3A_549] {strides = array<i32>} : memref<6400xi32, #tpu.memory_space<vmem>>, vector<16xi32>,
          %and3A_551 = arith.constant 16383 : i32
          %and3A_552 = vector.broadcast %and3A_551 : i32 to vector<16xi32>
          %and3A_553 = arith.andi %get3A_550, %and3A_552 : vector<16xi32>
          %swap3A_554 = arith.constant 96 : index
          %swap3A_555 = tpu.vector_load %arg15[%swap3A_554] {strides = array<i32>} : memref<128xi32, #tpu.memory_space<vmem>>, vector<16xi32>,
          tpu.vector_store %arg15[%swap3A_554], %and3A_553 {strides = array<i32>} : memref<128xi32, #tpu.memory_space<vmem>>, vector<16xi32>,
          %shift_right_logical3A_556 = arith.constant 14 : i32
          %shift_right_logical3A_557 = vector.broadcast %shift_right_logical3A_556 : i32 to vector<16xi32>
          %shift_right_logical3A_558 = arith.shrui %get3A_550, %shift_right_logical3A_557 : vector<16xi32>
          %swap3A_559 = arith.constant 96 : index
          %swap3A_560 = tpu.vector_load %arg16[%swap3A_559] {strides = array<i32>} : memref<128xi32, #tpu.memory_space<vmem>>, vector<16xi32>,
          tpu.vector_store %arg16[%swap3A_559], %shift_right_logical3A_558 {strides = array<i32>} : memref<128xi32, #tpu.memory_space<vmem>>, vector<16xi32>,
          %add3A_561 = arith.constant 112 : i32
          %add3A_562 = arith.addi %mul3A_465, %add3A_561 : i32
          %get3A_563 = arith.index_cast %add3A_562 : i32 to index
          %get3A_564 = tpu.vector_load %arg13[%get3A_563] {strides = array<i32>} : memref<6400xi32, #tpu.memory_space<vmem>>, vector<16xi32>,
          %and3A_565 = arith.constant 16383 : i32
          %and3A_566 = vector.broadcast %and3A_565 : i32 to vector<16xi32>
          %and3A_567 = arith.andi %get3A_564, %and3A_566 : vector<16xi32>
          %swap3A_568 = arith.constant 112 : index
          %swap3A_569 = tpu.vector_load %arg15[%swap3A_568] {strides = array<i32>} : memref<128xi32, #tpu.memory_space<vmem>>, vector<16xi32>,
          tpu.vector_store %arg15[%swap3A_568], %and3A_567 {strides = array<i32>} : memref<128xi32, #tpu.memory_space<vmem>>, vector<16xi32>,
          %shift_right_logical3A_570 = arith.constant 14 : i32
          %shift_right_logical3A_571 = vector.broadcast %shift_right_logical3A_570 : i32 to vector<16xi32>
          %shift_right_logical3A_572 = arith.shrui %get3A_564, %shift_right_logical3A_571 : vector<16xi32>
          %swap3A_573 = arith.constant 112 : index
          %swap3A_574 = tpu.vector_load %arg16[%swap3A_573] {strides = array<i32>} : memref<128xi32, #tpu.memory_space<vmem>>, vector<16xi32>,
          tpu.vector_store %arg16[%swap3A_573], %shift_right_logical3A_572 {strides = array<i32>} : memref<128xi32, #tpu.memory_space<vmem>>, vector<16xi32>,
          %dma_start3A_575 = arith.constant 0 : i32
          %dma_start3A_576 = arith.constant 0 : i32
          %dma_start3A_577 = tpu.memref_slice %arg4[%dma_start3A_575, %dma_start3A_576] : memref<10240x128xf32, #tpu.memory_space<hbm>> -> memref<10240x128xf32, #tpu.memory_space<hbm>>
          tpu.enqueue_indirect_dma source(%dma_start3A_577 : memref<10240x128xf32, #tpu.memory_space<hbm>>) target(%arg11 : memref<128x128xf32, #tpu.memory_space<vmem>>) offsets(%arg15 : memref<128xi32, #tpu.memory_space<vmem>>) semaphore(%arg19 : memref<!tpu.dma_semaphore, #tpu.memory_space<semaphore_mem>>)
        } else {
        }
        %scan3A_448 = arith.constant 0 : i32
        %scan3A_449 = arith.constant 0 : i32
        %scan3A_450 = arith.constant 64 : i32
        %scan3A_451 = arith.addi %scan3A_449, %scan3A_450 : i32
        %scan3A_452 = arith.constant 1 : i32
        %scan3A_453 = scf.for %scan3A_457 = %scan3A_449 to %scan3A_451 step %scan3A_452 iter_args(%scan3A_458 = %scan3A_448) -> (i32)  : i32 {
          %mul3A_459 = arith.constant 2 : i32
          %mul3A_460 = arith.muli %scan3A_457, %mul3A_459 : i32
          %mul3A_461 = arith.constant 128 : i32
          %mul3A_462 = arith.muli %while3A_395, %mul3A_461 : i32
          %add3A_463 = arith.addi %mul3A_462, %mul3A_460 : i32
          %broadcast_in_dim3A_464 = vector.broadcast %add3A_463 : i32 to vector<16xi32>
          %gather3A = tpu.vector_load_idx %arg14[%broadcast_in_dim3A_464] : memref<6400xf32, #tpu.memory_space<vmem>>[vector<16xi32>], vector<16xf32>,
          %mul3A_465 = arith.constant 128 : i32
          %mul3A_466 = arith.muli %while3A_395, %mul3A_465 : i32
          %add3A_467 = arith.addi %mul3A_466, %mul3A_460 : i32
          %add3A_468 = arith.constant 1 : i32
          %add3A_469 = arith.addi %add3A_467, %add3A_468 : i32
          %broadcast_in_dim3A_470 = vector.broadcast %add3A_469 : i32 to vector<16xi32>
          %gather3A_471 = tpu.vector_load_idx %arg14[%broadcast_in_dim3A_470] : memref<6400xf32, #tpu.memory_space<vmem>>[vector<16xi32>], vector<16xf32>,
          %get3A = arith.index_cast %mul3A_460 : i32 to index
          %get3A_472 = arith.constant 0 : index
          %get3A_473 = tpu.vector_load %arg12[%get3A, %get3A_472] {strides = array<i32>} : memref<128x128xf32, #tpu.memory_space<vmem>>, vector<16xf32>,
          %mul3A_474 = arith.mulf %get3A_473, %gather3A : vector<16xf32>
          %swap3A = arith.index_cast %mul3A_460 : i32 to index
          %swap3A_475 = arith.constant 0 : index
          %swap3A_476 = tpu.vector_load %arg12[%swap3A, %swap3A_475] {strides = array<i32>} : memref<128x128xf32, #tpu.memory_space<vmem>>, vector<16xf32>,
          tpu.vector_store %arg12[%swap3A, %swap3A_475], %mul3A_474 {strides = array<i32>} : memref<128x128xf32, #tpu.memory_space<vmem>>, vector<16xf32>,
          %get3A_477 = arith.index_cast %mul3A_460 : i32 to index
          %get3A_478 = arith.constant 16 : index
          %get3A_479 = tpu.vector_load %arg12[%get3A_477, %get3A_478] {strides = array<i32>} : memref<128x128xf32, #tpu.memory_space<vmem>>, vector<16xf32>,
          %mul3A_480 = arith.mulf %get3A_479, %gather3A : vector<16xf32>
          %swap3A_481 = arith.index_cast %mul3A_460 : i32 to index
          %swap3A_482 = arith.constant 16 : index
          %swap3A_483 = tpu.vector_load %arg12[%swap3A_481, %swap3A_482] {strides = array<i32>} : memref<128x128xf32, #tpu.memory_space<vmem>>, vector<16xf32>,
          tpu.vector_store %arg12[%swap3A_481, %swap3A_482], %mul3A_480 {strides = array<i32>} : memref<128x128xf32, #tpu.memory_space<vmem>>, vector<16xf32>,
          %get3A_484 = arith.index_cast %mul3A_460 : i32 to index
          %get3A_485 = arith.constant 32 : index
          %get3A_486 = tpu.vector_load %arg12[%get3A_484, %get3A_485] {strides = array<i32>} : memref<128x128xf32, #tpu.memory_space<vmem>>, vector<16xf32>,
          %mul3A_487 = arith.mulf %get3A_486, %gather3A : vector<16xf32>
          %swap3A_488 = arith.index_cast %mul3A_460 : i32 to index
          %swap3A_489 = arith.constant 32 : index
          %swap3A_490 = tpu.vector_load %arg12[%swap3A_488, %swap3A_489] {strides = array<i32>} : memref<128x128xf32, #tpu.memory_space<vmem>>, vector<16xf32>,
          tpu.vector_store %arg12[%swap3A_488, %swap3A_489], %mul3A_487 {strides = array<i32>} : memref<128x128xf32, #tpu.memory_space<vmem>>, vector<16xf32>,
          %get3A_491 = arith.index_cast %mul3A_460 : i32 to index
          %get3A_492 = arith.constant 48 : index
          %get3A_493 = tpu.vector_load %arg12[%get3A_491, %get3A_492] {strides = array<i32>} : memref<128x128xf32, #tpu.memory_space<vmem>>, vector<16xf32>,
          %mul3A_494 = arith.mulf %get3A_493, %gather3A : vector<16xf32>
          %swap3A_495 = arith.index_cast %mul3A_460 : i32 to index
          %swap3A_496 = arith.constant 48 : index
          %swap3A_497 = tpu.vector_load %arg12[%swap3A_495, %swap3A_496] {strides = array<i32>} : memref<128x128xf32, #tpu.memory_space<vmem>>, vector<16xf32>,
          tpu.vector_store %arg12[%swap3A_495, %swap3A_496], %mul3A_494 {strides = array<i32>} : memref<128x128xf32, #tpu.memory_space<vmem>>, vector<16xf32>,
          %get3A_498 = arith.index_cast %mul3A_460 : i32 to index
          %get3A_499 = arith.constant 64 : index
          %get3A_500 = tpu.vector_load %arg12[%get3A_498, %get3A_499] {strides = array<i32>} : memref<128x128xf32, #tpu.memory_space<vmem>>, vector<16xf32>,
          %mul3A_501 = arith.mulf %get3A_500, %gather3A : vector<16xf32>
          %swap3A_502 = arith.index_cast %mul3A_460 : i32 to index
          %swap3A_503 = arith.constant 64 : index
          %swap3A_504 = tpu.vector_load %arg12[%swap3A_502, %swap3A_503] {strides = array<i32>} : memref<128x128xf32, #tpu.memory_space<vmem>>, vector<16xf32>,
          tpu.vector_store %arg12[%swap3A_502, %swap3A_503], %mul3A_501 {strides = array<i32>} : memref<128x128xf32, #tpu.memory_space<vmem>>, vector<16xf32>,
          %get3A_505 = arith.index_cast %mul3A_460 : i32 to index
          %get3A_506 = arith.constant 80 : index
          %get3A_507 = tpu.vector_load %arg12[%get3A_505, %get3A_506] {strides = array<i32>} : memref<128x128xf32, #tpu.memory_space<vmem>>, vector<16xf32>,
          %mul3A_508 = arith.mulf %get3A_507, %gather3A : vector<16xf32>
          %swap3A_509 = arith.index_cast %mul3A_460 : i32 to index
          %swap3A_510 = arith.constant 80 : index
          %swap3A_511 = tpu.vector_load %arg12[%swap3A_509, %swap3A_510] {strides = array<i32>} : memref<128x128xf32, #tpu.memory_space<vmem>>, vector<16xf32>,
          tpu.vector_store %arg12[%swap3A_509, %swap3A_510], %mul3A_508 {strides = array<i32>} : memref<128x128xf32, #tpu.memory_space<vmem>>, vector<16xf32>,
          %get3A_512 = arith.index_cast %mul3A_460 : i32 to index
          %get3A_513 = arith.constant 96 : index
          %get3A_514 = tpu.vector_load %arg12[%get3A_512, %get3A_513] {strides = array<i32>} : memref<128x128xf32, #tpu.memory_space<vmem>>, vector<16xf32>,
          %mul3A_515 = arith.mulf %get3A_514, %gather3A : vector<16xf32>
          %swap3A_516 = arith.index_cast %mul3A_460 : i32 to index
          %swap3A_517 = arith.constant 96 : index
          %swap3A_518 = tpu.vector_load %arg12[%swap3A_516, %swap3A_517] {strides = array<i32>} : memref<128x128xf32, #tpu.memory_space<vmem>>, vector<16xf32>,
          tpu.vector_store %arg12[%swap3A_516, %swap3A_517], %mul3A_515 {strides = array<i32>} : memref<128x128xf32, #tpu.memory_space<vmem>>, vector<16xf32>,
          %get3A_519 = arith.index_cast %mul3A_460 : i32 to index
          %get3A_520 = arith.constant 112 : index
          %get3A_521 = tpu.vector_load %arg12[%get3A_519, %get3A_520] {strides = array<i32>} : memref<128x128xf32, #tpu.memory_space<vmem>>, vector<16xf32>,
          %mul3A_522 = arith.mulf %get3A_521, %gather3A : vector<16xf32>
          %swap3A_523 = arith.index_cast %mul3A_460 : i32 to index
          %swap3A_524 = arith.constant 112 : index
          %swap3A_525 = tpu.vector_load %arg12[%swap3A_523, %swap3A_524] {strides = array<i32>} : memref<128x128xf32, #tpu.memory_space<vmem>>, vector<16xf32>,
          tpu.vector_store %arg12[%swap3A_523, %swap3A_524], %mul3A_522 {strides = array<i32>} : memref<128x128xf32, #tpu.memory_space<vmem>>, vector<16xf32>,
          %add3A_526 = arith.constant 1 : i32
          %add3A_527 = arith.addi %mul3A_460, %add3A_526 : i32
          %get3A_528 = arith.index_cast %add3A_527 : i32 to index
          %get3A_529 = arith.constant 0 : index
          %get3A_530 = tpu.vector_load %arg12[%get3A_528, %get3A_529] {strides = array<i32>} : memref<128x128xf32, #tpu.memory_space<vmem>>, vector<16xf32>,
          %mul3A_531 = arith.mulf %get3A_530, %gather3A_471 : vector<16xf32>
          %add3A_532 = arith.constant 1 : i32
          %add3A_533 = arith.addi %mul3A_460, %add3A_532 : i32
          %swap3A_534 = arith.index_cast %add3A_533 : i32 to index
          %swap3A_535 = arith.constant 0 : index
          %swap3A_536 = tpu.vector_load %arg12[%swap3A_534, %swap3A_535] {strides = array<i32>} : memref<128x128xf32, #tpu.memory_space<vmem>>, vector<16xf32>,
          tpu.vector_store %arg12[%swap3A_534, %swap3A_535], %mul3A_531 {strides = array<i32>} : memref<128x128xf32, #tpu.memory_space<vmem>>, vector<16xf32>,
          %add3A_537 = arith.constant 1 : i32
          %add3A_538 = arith.addi %mul3A_460, %add3A_537 : i32
          %get3A_539 = arith.index_cast %add3A_538 : i32 to index
          %get3A_540 = arith.constant 16 : index
          %get3A_541 = tpu.vector_load %arg12[%get3A_539, %get3A_540] {strides = array<i32>} : memref<128x128xf32, #tpu.memory_space<vmem>>, vector<16xf32>,
          %mul3A_542 = arith.mulf %get3A_541, %gather3A_471 : vector<16xf32>
          %add3A_543 = arith.constant 1 : i32
          %add3A_544 = arith.addi %mul3A_460, %add3A_543 : i32
          %swap3A_545 = arith.index_cast %add3A_544 : i32 to index
          %swap3A_546 = arith.constant 16 : index
          %swap3A_547 = tpu.vector_load %arg12[%swap3A_545, %swap3A_546] {strides = array<i32>} : memref<128x128xf32, #tpu.memory_space<vmem>>, vector<16xf32>,
          tpu.vector_store %arg12[%swap3A_545, %swap3A_546], %mul3A_542 {strides = array<i32>} : memref<128x128xf32, #tpu.memory_space<vmem>>, vector<16xf32>,
          %add3A_548 = arith.constant 1 : i32
          %add3A_549 = arith.addi %mul3A_460, %add3A_548 : i32
          %get3A_550 = arith.index_cast %add3A_549 : i32 to index
          %get3A_551 = arith.constant 32 : index
          %get3A_552 = tpu.vector_load %arg12[%get3A_550, %get3A_551] {strides = array<i32>} : memref<128x128xf32, #tpu.memory_space<vmem>>, vector<16xf32>,
          %mul3A_553 = arith.mulf %get3A_552, %gather3A_471 : vector<16xf32>
          %add3A_554 = arith.constant 1 : i32
          %add3A_555 = arith.addi %mul3A_460, %add3A_554 : i32
          %swap3A_556 = arith.index_cast %add3A_555 : i32 to index
          %swap3A_557 = arith.constant 32 : index
          %swap3A_558 = tpu.vector_load %arg12[%swap3A_556, %swap3A_557] {strides = array<i32>} : memref<128x128xf32, #tpu.memory_space<vmem>>, vector<16xf32>,
          tpu.vector_store %arg12[%swap3A_556, %swap3A_557], %mul3A_553 {strides = array<i32>} : memref<128x128xf32, #tpu.memory_space<vmem>>, vector<16xf32>,
          %add3A_559 = arith.constant 1 : i32
          %add3A_560 = arith.addi %mul3A_460, %add3A_559 : i32
          %get3A_561 = arith.index_cast %add3A_560 : i32 to index
          %get3A_562 = arith.constant 48 : index
          %get3A_563 = tpu.vector_load %arg12[%get3A_561, %get3A_562] {strides = array<i32>} : memref<128x128xf32, #tpu.memory_space<vmem>>, vector<16xf32>,
          %mul3A_564 = arith.mulf %get3A_563, %gather3A_471 : vector<16xf32>
          %add3A_565 = arith.constant 1 : i32
          %add3A_566 = arith.addi %mul3A_460, %add3A_565 : i32
          %swap3A_567 = arith.index_cast %add3A_566 : i32 to index
          %swap3A_568 = arith.constant 48 : index
          %swap3A_569 = tpu.vector_load %arg12[%swap3A_567, %swap3A_568] {strides = array<i32>} : memref<128x128xf32, #tpu.memory_space<vmem>>, vector<16xf32>,
          tpu.vector_store %arg12[%swap3A_567, %swap3A_568], %mul3A_564 {strides = array<i32>} : memref<128x128xf32, #tpu.memory_space<vmem>>, vector<16xf32>,
          %add3A_570 = arith.constant 1 : i32
          %add3A_571 = arith.addi %mul3A_460, %add3A_570 : i32
          %get3A_572 = arith.index_cast %add3A_571 : i32 to index
          %get3A_573 = arith.constant 64 : index
          %get3A_574 = tpu.vector_load %arg12[%get3A_572, %get3A_573] {strides = array<i32>} : memref<128x128xf32, #tpu.memory_space<vmem>>, vector<16xf32>,
          %mul3A_575 = arith.mulf %get3A_574, %gather3A_471 : vector<16xf32>
          %add3A_576 = arith.constant 1 : i32
          %add3A_577 = arith.addi %mul3A_460, %add3A_576 : i32
          %swap3A_578 = arith.index_cast %add3A_577 : i32 to index
          %swap3A_579 = arith.constant 64 : index
          %swap3A_580 = tpu.vector_load %arg12[%swap3A_578, %swap3A_579] {strides = array<i32>} : memref<128x128xf32, #tpu.memory_space<vmem>>, vector<16xf32>,
          tpu.vector_store %arg12[%swap3A_578, %swap3A_579], %mul3A_575 {strides = array<i32>} : memref<128x128xf32, #tpu.memory_space<vmem>>, vector<16xf32>,
          %add3A_581 = arith.constant 1 : i32
          %add3A_582 = arith.addi %mul3A_460, %add3A_581 : i32
          %get3A_583 = arith.index_cast %add3A_582 : i32 to index
          %get3A_584 = arith.constant 80 : index
          %get3A_585 = tpu.vector_load %arg12[%get3A_583, %get3A_584] {strides = array<i32>} : memref<128x128xf32, #tpu.memory_space<vmem>>, vector<16xf32>,
          %mul3A_586 = arith.mulf %get3A_585, %gather3A_471 : vector<16xf32>
          %add3A_587 = arith.constant 1 : i32
          %add3A_588 = arith.addi %mul3A_460, %add3A_587 : i32
          %swap3A_589 = arith.index_cast %add3A_588 : i32 to index
          %swap3A_590 = arith.constant 80 : index
          %swap3A_591 = tpu.vector_load %arg12[%swap3A_589, %swap3A_590] {strides = array<i32>} : memref<128x128xf32, #tpu.memory_space<vmem>>, vector<16xf32>,
          tpu.vector_store %arg12[%swap3A_589, %swap3A_590], %mul3A_586 {strides = array<i32>} : memref<128x128xf32, #tpu.memory_space<vmem>>, vector<16xf32>,
          %add3A_592 = arith.constant 1 : i32
          %add3A_593 = arith.addi %mul3A_460, %add3A_592 : i32
          %get3A_594 = arith.index_cast %add3A_593 : i32 to index
          %get3A_595 = arith.constant 96 : index
          %get3A_596 = tpu.vector_load %arg12[%get3A_594, %get3A_595] {strides = array<i32>} : memref<128x128xf32, #tpu.memory_space<vmem>>, vector<16xf32>,
          %mul3A_597 = arith.mulf %get3A_596, %gather3A_471 : vector<16xf32>
          %add3A_598 = arith.constant 1 : i32
          %add3A_599 = arith.addi %mul3A_460, %add3A_598 : i32
          %swap3A_600 = arith.index_cast %add3A_599 : i32 to index
          %swap3A_601 = arith.constant 96 : index
          %swap3A_602 = tpu.vector_load %arg12[%swap3A_600, %swap3A_601] {strides = array<i32>} : memref<128x128xf32, #tpu.memory_space<vmem>>, vector<16xf32>,
          tpu.vector_store %arg12[%swap3A_600, %swap3A_601], %mul3A_597 {strides = array<i32>} : memref<128x128xf32, #tpu.memory_space<vmem>>, vector<16xf32>,
          %add3A_603 = arith.constant 1 : i32
          %add3A_604 = arith.addi %mul3A_460, %add3A_603 : i32
          %get3A_605 = arith.index_cast %add3A_604 : i32 to index
          %get3A_606 = arith.constant 112 : index
          %get3A_607 = tpu.vector_load %arg12[%get3A_605, %get3A_606] {strides = array<i32>} : memref<128x128xf32, #tpu.memory_space<vmem>>, vector<16xf32>,
          %mul3A_608 = arith.mulf %get3A_607, %gather3A_471 : vector<16xf32>
          %add3A_609 = arith.constant 1 : i32
          %add3A_610 = arith.addi %mul3A_460, %add3A_609 : i32
          %swap3A_611 = arith.index_cast %add3A_610 : i32 to index
          %swap3A_612 = arith.constant 112 : index
          %swap3A_613 = tpu.vector_load %arg12[%swap3A_611, %swap3A_612] {strides = array<i32>} : memref<128x128xf32, #tpu.memory_space<vmem>>, vector<16xf32>,
          tpu.vector_store %arg12[%swap3A_611, %swap3A_612], %mul3A_608 {strides = array<i32>} : memref<128x128xf32, #tpu.memory_space<vmem>>, vector<16xf32>,
          %scan3A_614 = arith.constant 0 : i32
          scf.yield %scan3A_614 : i32
        }
        %scan3A_454 = arith.constant 64 : i32
        %dma_start3A = arith.constant 0 : i32
        %dma_start3A_455 = arith.constant 0 : i32
        %dma_start3A_456 = tpu.memref_slice %arg27[%dma_start3A, %dma_start3A_455] : memref<2560x128xf32, #tpu.memory_space<vmem_shared>> -> memref<2560x128xf32, #tpu.memory_space<vmem_shared>>
        tpu.enqueue_indirect_dma source(%arg12 : memref<128x128xf32, #tpu.memory_space<vmem>>) target(%dma_start3A_456 : memref<2560x128xf32, #tpu.memory_space<vmem_shared>>) offsets(%arg18 : memref<128xi32, #tpu.memory_space<vmem>>) semaphore(%arg22 : memref<!tpu.dma_semaphore, #tpu.memory_space<semaphore_mem>>) {add = true}
      } else {
      }
      %while3A_439 = arith.constant 0 : i32
      scf.yield %while3A_439 : i32
    }
    %while3A_161 = arith.constant 1 : i32
    %while3A_162 = scf.for %while3A_395 = %while3A_158 to %while3A_154 step %while3A_161 iter_args(%while3A_396 = %while3A_160) -> (i32)  : i32 {
      %jit3A_397 = arith.constant 2 : i32
      %eq3A_398 = arith.constant 0 : i32
      %eq3A_399 = arith.cmpi eq, %jit3A_397, %eq3A_398 : i32
      %jit3A_400 = arith.constant 1 : i32
      %select_n3A_401 = arith.select %eq3A_399, %jit3A_400, %jit3A_397 : i32
      %rem3A_402 = arith.remsi %while3A_395, %select_n3A_401 : i32
      %ne3A_403 = arith.constant 0 : i32
      %ne3A_404 = arith.cmpi ne, %rem3A_402, %ne3A_403 : i32
      %lt3A_405 = arith.constant 0 : i32
      %lt3A_406 = arith.cmpi slt, %rem3A_402, %lt3A_405 : i32
      %lt3A_407 = arith.constant 0 : i32
      %lt3A_408 = arith.cmpi slt, %select_n3A_401, %lt3A_407 : i32
      %ne3A_409 = arith.xori %lt3A_406, %lt3A_408 : i1
      %and3A_410 = arith.andi %ne3A_409, %ne3A_404 : i1
      %add3A_411 = arith.addi %rem3A_402, %select_n3A_401 : i32
      %select_n3A_412 = arith.select %and3A_410, %add3A_411, %rem3A_402 : i32
      %eq3A_413 = arith.constant 0 : i32
      %eq3A_414 = arith.cmpi eq, %select_n3A_412, %eq3A_413 : i32
      %convert_element_type3A_415 = arith.extui %eq3A_414 : i1 to i32
      %cond3A_416 = arith.constant 0 : i32
      %cond3A_417 = arith.cmpi ne, %convert_element_type3A_415, %cond3A_416 : i32
      scf.if %cond3A_417 {
        %dma_wait3A = arith.constant 0 : i32
        %dma_wait3A_440 = arith.constant 0 : i32
        %dma_wait3A_441 = tpu.memref_slice %arg4[%dma_wait3A, %dma_wait3A_440] : memref<10240x128xf32, #tpu.memory_space<hbm>> -> memref<10240x128xf32, #tpu.memory_space<hbm>>
        tpu.wait_indirect_dma semaphore(%arg19 : memref<!tpu.dma_semaphore, #tpu.memory_space<semaphore_mem>>) src(%dma_wait3A_441 : memref<10240x128xf32, #tpu.memory_space<hbm>>) dst(%arg11 : memref<128x128xf32, #tpu.memory_space<vmem>>)
        %add3A_442 = arith.constant 1 : i32
        %add3A_443 = arith.addi %while3A_395, %add3A_442 : i32
        %lt3A_444 = arith.cmpi slt, %add3A_443, %select_n3A : i32
        %convert_element_type3A_445 = arith.extui %lt3A_444 : i1 to i32
        %cond3A_446 = arith.constant 0 : i32
        %cond3A_447 = arith.cmpi ne, %convert_element_type3A_445, %cond3A_446 : i32
        scf.if %cond3A_447 {
          %ge3A_457 = arith.constant 1 : i32
          %ge3A_458 = arith.cmpi sge, %while3A_395, %ge3A_457 : i32
          %convert_element_type3A_459 = arith.extui %ge3A_458 : i1 to i32
          %cond3A_460 = arith.constant 0 : i32
          %cond3A_461 = arith.cmpi ne, %convert_element_type3A_459, %cond3A_460 : i32
          scf.if %cond3A_461 {
            %dma_wait3A_578 = arith.constant 0 : i32
            %dma_wait3A_579 = arith.constant 0 : i32
            %dma_wait3A_580 = tpu.memref_slice %arg27[%dma_wait3A_578, %dma_wait3A_579] : memref<2560x128xf32, #tpu.memory_space<vmem_shared>> -> memref<2560x128xf32, #tpu.memory_space<vmem_shared>>
            tpu.wait_indirect_dma semaphore(%arg22 : memref<!tpu.dma_semaphore, #tpu.memory_space<semaphore_mem>>) src(%arg12 : memref<128x128xf32, #tpu.memory_space<vmem>>) dst(%dma_wait3A_580 : memref<2560x128xf32, #tpu.memory_space<vmem_shared>>)
          } else {
          }
          %add3A_462 = arith.constant 1 : i32
          %add3A_463 = arith.addi %while3A_395, %add3A_462 : i32
          %mul3A_464 = arith.constant 128 : i32
          %mul3A_465 = arith.muli %add3A_463, %mul3A_464 : i32
          %add3A_466 = arith.constant 0 : i32
          %add3A_467 = arith.addi %mul3A_465, %add3A_466 : i32
          %get3A = arith.index_cast %add3A_467 : i32 to index
          %get3A_468 = tpu.vector_load %arg13[%get3A] {strides = array<i32>} : memref<6400xi32, #tpu.memory_space<vmem>>, vector<16xi32>,
          %and3A_469 = arith.constant 16383 : i32
          %and3A_470 = vector.broadcast %and3A_469 : i32 to vector<16xi32>
          %and3A_471 = arith.andi %get3A_468, %and3A_470 : vector<16xi32>
          %swap3A = arith.constant 0 : index
          %swap3A_472 = tpu.vector_load %arg17[%swap3A] {strides = array<i32>} : memref<128xi32, #tpu.memory_space<vmem>>, vector<16xi32>,
          tpu.vector_store %arg17[%swap3A], %and3A_471 {strides = array<i32>} : memref<128xi32, #tpu.memory_space<vmem>>, vector<16xi32>,
          %shift_right_logical3A = arith.constant 14 : i32
          %shift_right_logical3A_473 = vector.broadcast %shift_right_logical3A : i32 to vector<16xi32>
          %shift_right_logical3A_474 = arith.shrui %get3A_468, %shift_right_logical3A_473 : vector<16xi32>
          %swap3A_475 = arith.constant 0 : index
          %swap3A_476 = tpu.vector_load %arg18[%swap3A_475] {strides = array<i32>} : memref<128xi32, #tpu.memory_space<vmem>>, vector<16xi32>,
          tpu.vector_store %arg18[%swap3A_475], %shift_right_logical3A_474 {strides = array<i32>} : memref<128xi32, #tpu.memory_space<vmem>>, vector<16xi32>,
          %add3A_477 = arith.constant 16 : i32
          %add3A_478 = arith.addi %mul3A_465, %add3A_477 : i32
          %get3A_479 = arith.index_cast %add3A_478 : i32 to index
          %get3A_480 = tpu.vector_load %arg13[%get3A_479] {strides = array<i32>} : memref<6400xi32, #tpu.memory_space<vmem>>, vector<16xi32>,
          %and3A_481 = arith.constant 16383 : i32
          %and3A_482 = vector.broadcast %and3A_481 : i32 to vector<16xi32>
          %and3A_483 = arith.andi %get3A_480, %and3A_482 : vector<16xi32>
          %swap3A_484 = arith.constant 16 : index
          %swap3A_485 = tpu.vector_load %arg17[%swap3A_484] {strides = array<i32>} : memref<128xi32, #tpu.memory_space<vmem>>, vector<16xi32>,
          tpu.vector_store %arg17[%swap3A_484], %and3A_483 {strides = array<i32>} : memref<128xi32, #tpu.memory_space<vmem>>, vector<16xi32>,
          %shift_right_logical3A_486 = arith.constant 14 : i32
          %shift_right_logical3A_487 = vector.broadcast %shift_right_logical3A_486 : i32 to vector<16xi32>
          %shift_right_logical3A_488 = arith.shrui %get3A_480, %shift_right_logical3A_487 : vector<16xi32>
          %swap3A_489 = arith.constant 16 : index
          %swap3A_490 = tpu.vector_load %arg18[%swap3A_489] {strides = array<i32>} : memref<128xi32, #tpu.memory_space<vmem>>, vector<16xi32>,
          tpu.vector_store %arg18[%swap3A_489], %shift_right_logical3A_488 {strides = array<i32>} : memref<128xi32, #tpu.memory_space<vmem>>, vector<16xi32>,
          %add3A_491 = arith.constant 32 : i32
          %add3A_492 = arith.addi %mul3A_465, %add3A_491 : i32
          %get3A_493 = arith.index_cast %add3A_492 : i32 to index
          %get3A_494 = tpu.vector_load %arg13[%get3A_493] {strides = array<i32>} : memref<6400xi32, #tpu.memory_space<vmem>>, vector<16xi32>,
          %and3A_495 = arith.constant 16383 : i32
          %and3A_496 = vector.broadcast %and3A_495 : i32 to vector<16xi32>
          %and3A_497 = arith.andi %get3A_494, %and3A_496 : vector<16xi32>
          %swap3A_498 = arith.constant 32 : index
          %swap3A_499 = tpu.vector_load %arg17[%swap3A_498] {strides = array<i32>} : memref<128xi32, #tpu.memory_space<vmem>>, vector<16xi32>,
          tpu.vector_store %arg17[%swap3A_498], %and3A_497 {strides = array<i32>} : memref<128xi32, #tpu.memory_space<vmem>>, vector<16xi32>,
          %shift_right_logical3A_500 = arith.constant 14 : i32
          %shift_right_logical3A_501 = vector.broadcast %shift_right_logical3A_500 : i32 to vector<16xi32>
          %shift_right_logical3A_502 = arith.shrui %get3A_494, %shift_right_logical3A_501 : vector<16xi32>
          %swap3A_503 = arith.constant 32 : index
          %swap3A_504 = tpu.vector_load %arg18[%swap3A_503] {strides = array<i32>} : memref<128xi32, #tpu.memory_space<vmem>>, vector<16xi32>,
          tpu.vector_store %arg18[%swap3A_503], %shift_right_logical3A_502 {strides = array<i32>} : memref<128xi32, #tpu.memory_space<vmem>>, vector<16xi32>,
          %add3A_505 = arith.constant 48 : i32
          %add3A_506 = arith.addi %mul3A_465, %add3A_505 : i32
          %get3A_507 = arith.index_cast %add3A_506 : i32 to index
          %get3A_508 = tpu.vector_load %arg13[%get3A_507] {strides = array<i32>} : memref<6400xi32, #tpu.memory_space<vmem>>, vector<16xi32>,
          %and3A_509 = arith.constant 16383 : i32
          %and3A_510 = vector.broadcast %and3A_509 : i32 to vector<16xi32>
          %and3A_511 = arith.andi %get3A_508, %and3A_510 : vector<16xi32>
          %swap3A_512 = arith.constant 48 : index
          %swap3A_513 = tpu.vector_load %arg17[%swap3A_512] {strides = array<i32>} : memref<128xi32, #tpu.memory_space<vmem>>, vector<16xi32>,
          tpu.vector_store %arg17[%swap3A_512], %and3A_511 {strides = array<i32>} : memref<128xi32, #tpu.memory_space<vmem>>, vector<16xi32>,
          %shift_right_logical3A_514 = arith.constant 14 : i32
          %shift_right_logical3A_515 = vector.broadcast %shift_right_logical3A_514 : i32 to vector<16xi32>
          %shift_right_logical3A_516 = arith.shrui %get3A_508, %shift_right_logical3A_515 : vector<16xi32>
          %swap3A_517 = arith.constant 48 : index
          %swap3A_518 = tpu.vector_load %arg18[%swap3A_517] {strides = array<i32>} : memref<128xi32, #tpu.memory_space<vmem>>, vector<16xi32>,
          tpu.vector_store %arg18[%swap3A_517], %shift_right_logical3A_516 {strides = array<i32>} : memref<128xi32, #tpu.memory_space<vmem>>, vector<16xi32>,
          %add3A_519 = arith.constant 64 : i32
          %add3A_520 = arith.addi %mul3A_465, %add3A_519 : i32
          %get3A_521 = arith.index_cast %add3A_520 : i32 to index
          %get3A_522 = tpu.vector_load %arg13[%get3A_521] {strides = array<i32>} : memref<6400xi32, #tpu.memory_space<vmem>>, vector<16xi32>,
          %and3A_523 = arith.constant 16383 : i32
          %and3A_524 = vector.broadcast %and3A_523 : i32 to vector<16xi32>
          %and3A_525 = arith.andi %get3A_522, %and3A_524 : vector<16xi32>
          %swap3A_526 = arith.constant 64 : index
          %swap3A_527 = tpu.vector_load %arg17[%swap3A_526] {strides = array<i32>} : memref<128xi32, #tpu.memory_space<vmem>>, vector<16xi32>,
          tpu.vector_store %arg17[%swap3A_526], %and3A_525 {strides = array<i32>} : memref<128xi32, #tpu.memory_space<vmem>>, vector<16xi32>,
          %shift_right_logical3A_528 = arith.constant 14 : i32
          %shift_right_logical3A_529 = vector.broadcast %shift_right_logical3A_528 : i32 to vector<16xi32>
          %shift_right_logical3A_530 = arith.shrui %get3A_522, %shift_right_logical3A_529 : vector<16xi32>
          %swap3A_531 = arith.constant 64 : index
          %swap3A_532 = tpu.vector_load %arg18[%swap3A_531] {strides = array<i32>} : memref<128xi32, #tpu.memory_space<vmem>>, vector<16xi32>,
          tpu.vector_store %arg18[%swap3A_531], %shift_right_logical3A_530 {strides = array<i32>} : memref<128xi32, #tpu.memory_space<vmem>>, vector<16xi32>,
          %add3A_533 = arith.constant 80 : i32
          %add3A_534 = arith.addi %mul3A_465, %add3A_533 : i32
          %get3A_535 = arith.index_cast %add3A_534 : i32 to index
          %get3A_536 = tpu.vector_load %arg13[%get3A_535] {strides = array<i32>} : memref<6400xi32, #tpu.memory_space<vmem>>, vector<16xi32>,
          %and3A_537 = arith.constant 16383 : i32
          %and3A_538 = vector.broadcast %and3A_537 : i32 to vector<16xi32>
          %and3A_539 = arith.andi %get3A_536, %and3A_538 : vector<16xi32>
          %swap3A_540 = arith.constant 80 : index
          %swap3A_541 = tpu.vector_load %arg17[%swap3A_540] {strides = array<i32>} : memref<128xi32, #tpu.memory_space<vmem>>, vector<16xi32>,
          tpu.vector_store %arg17[%swap3A_540], %and3A_539 {strides = array<i32>} : memref<128xi32, #tpu.memory_space<vmem>>, vector<16xi32>,
          %shift_right_logical3A_542 = arith.constant 14 : i32
          %shift_right_logical3A_543 = vector.broadcast %shift_right_logical3A_542 : i32 to vector<16xi32>
          %shift_right_logical3A_544 = arith.shrui %get3A_536, %shift_right_logical3A_543 : vector<16xi32>
          %swap3A_545 = arith.constant 80 : index
          %swap3A_546 = tpu.vector_load %arg18[%swap3A_545] {strides = array<i32>} : memref<128xi32, #tpu.memory_space<vmem>>, vector<16xi32>,
          tpu.vector_store %arg18[%swap3A_545], %shift_right_logical3A_544 {strides = array<i32>} : memref<128xi32, #tpu.memory_space<vmem>>, vector<16xi32>,
          %add3A_547 = arith.constant 96 : i32
          %add3A_548 = arith.addi %mul3A_465, %add3A_547 : i32
          %get3A_549 = arith.index_cast %add3A_548 : i32 to index
          %get3A_550 = tpu.vector_load %arg13[%get3A_549] {strides = array<i32>} : memref<6400xi32, #tpu.memory_space<vmem>>, vector<16xi32>,
          %and3A_551 = arith.constant 16383 : i32
          %and3A_552 = vector.broadcast %and3A_551 : i32 to vector<16xi32>
          %and3A_553 = arith.andi %get3A_550, %and3A_552 : vector<16xi32>
          %swap3A_554 = arith.constant 96 : index
          %swap3A_555 = tpu.vector_load %arg17[%swap3A_554] {strides = array<i32>} : memref<128xi32, #tpu.memory_space<vmem>>, vector<16xi32>,
          tpu.vector_store %arg17[%swap3A_554], %and3A_553 {strides = array<i32>} : memref<128xi32, #tpu.memory_space<vmem>>, vector<16xi32>,
          %shift_right_logical3A_556 = arith.constant 14 : i32
          %shift_right_logical3A_557 = vector.broadcast %shift_right_logical3A_556 : i32 to vector<16xi32>
          %shift_right_logical3A_558 = arith.shrui %get3A_550, %shift_right_logical3A_557 : vector<16xi32>
          %swap3A_559 = arith.constant 96 : index
          %swap3A_560 = tpu.vector_load %arg18[%swap3A_559] {strides = array<i32>} : memref<128xi32, #tpu.memory_space<vmem>>, vector<16xi32>,
          tpu.vector_store %arg18[%swap3A_559], %shift_right_logical3A_558 {strides = array<i32>} : memref<128xi32, #tpu.memory_space<vmem>>, vector<16xi32>,
          %add3A_561 = arith.constant 112 : i32
          %add3A_562 = arith.addi %mul3A_465, %add3A_561 : i32
          %get3A_563 = arith.index_cast %add3A_562 : i32 to index
          %get3A_564 = tpu.vector_load %arg13[%get3A_563] {strides = array<i32>} : memref<6400xi32, #tpu.memory_space<vmem>>, vector<16xi32>,
          %and3A_565 = arith.constant 16383 : i32
          %and3A_566 = vector.broadcast %and3A_565 : i32 to vector<16xi32>
          %and3A_567 = arith.andi %get3A_564, %and3A_566 : vector<16xi32>
          %swap3A_568 = arith.constant 112 : index
          %swap3A_569 = tpu.vector_load %arg17[%swap3A_568] {strides = array<i32>} : memref<128xi32, #tpu.memory_space<vmem>>, vector<16xi32>,
          tpu.vector_store %arg17[%swap3A_568], %and3A_567 {strides = array<i32>} : memref<128xi32, #tpu.memory_space<vmem>>, vector<16xi32>,
          %shift_right_logical3A_570 = arith.constant 14 : i32
          %shift_right_logical3A_571 = vector.broadcast %shift_right_logical3A_570 : i32 to vector<16xi32>
          %shift_right_logical3A_572 = arith.shrui %get3A_564, %shift_right_logical3A_571 : vector<16xi32>
          %swap3A_573 = arith.constant 112 : index
          %swap3A_574 = tpu.vector_load %arg18[%swap3A_573] {strides = array<i32>} : memref<128xi32, #tpu.memory_space<vmem>>, vector<16xi32>,
          tpu.vector_store %arg18[%swap3A_573], %shift_right_logical3A_572 {strides = array<i32>} : memref<128xi32, #tpu.memory_space<vmem>>, vector<16xi32>,
          %dma_start3A_575 = arith.constant 0 : i32
          %dma_start3A_576 = arith.constant 0 : i32
          %dma_start3A_577 = tpu.memref_slice %arg4[%dma_start3A_575, %dma_start3A_576] : memref<10240x128xf32, #tpu.memory_space<hbm>> -> memref<10240x128xf32, #tpu.memory_space<hbm>>
          tpu.enqueue_indirect_dma source(%dma_start3A_577 : memref<10240x128xf32, #tpu.memory_space<hbm>>) target(%arg12 : memref<128x128xf32, #tpu.memory_space<vmem>>) offsets(%arg17 : memref<128xi32, #tpu.memory_space<vmem>>) semaphore(%arg20 : memref<!tpu.dma_semaphore, #tpu.memory_space<semaphore_mem>>)
        } else {
        }
        %scan3A_448 = arith.constant 0 : i32
        %scan3A_449 = arith.constant 0 : i32
        %scan3A_450 = arith.constant 64 : i32
        %scan3A_451 = arith.addi %scan3A_449, %scan3A_450 : i32
        %scan3A_452 = arith.constant 1 : i32
        %scan3A_453 = scf.for %scan3A_457 = %scan3A_449 to %scan3A_451 step %scan3A_452 iter_args(%scan3A_458 = %scan3A_448) -> (i32)  : i32 {
          %mul3A_459 = arith.constant 2 : i32
          %mul3A_460 = arith.muli %scan3A_457, %mul3A_459 : i32
          %mul3A_461 = arith.constant 128 : i32
          %mul3A_462 = arith.muli %while3A_395, %mul3A_461 : i32
          %add3A_463 = arith.addi %mul3A_462, %mul3A_460 : i32
          %broadcast_in_dim3A_464 = vector.broadcast %add3A_463 : i32 to vector<16xi32>
          %gather3A = tpu.vector_load_idx %arg14[%broadcast_in_dim3A_464] : memref<6400xf32, #tpu.memory_space<vmem>>[vector<16xi32>], vector<16xf32>,
          %mul3A_465 = arith.constant 128 : i32
          %mul3A_466 = arith.muli %while3A_395, %mul3A_465 : i32
          %add3A_467 = arith.addi %mul3A_466, %mul3A_460 : i32
          %add3A_468 = arith.constant 1 : i32
          %add3A_469 = arith.addi %add3A_467, %add3A_468 : i32
          %broadcast_in_dim3A_470 = vector.broadcast %add3A_469 : i32 to vector<16xi32>
          %gather3A_471 = tpu.vector_load_idx %arg14[%broadcast_in_dim3A_470] : memref<6400xf32, #tpu.memory_space<vmem>>[vector<16xi32>], vector<16xf32>,
          %get3A = arith.index_cast %mul3A_460 : i32 to index
          %get3A_472 = arith.constant 0 : index
          %get3A_473 = tpu.vector_load %arg11[%get3A, %get3A_472] {strides = array<i32>} : memref<128x128xf32, #tpu.memory_space<vmem>>, vector<16xf32>,
          %mul3A_474 = arith.mulf %get3A_473, %gather3A : vector<16xf32>
          %swap3A = arith.index_cast %mul3A_460 : i32 to index
          %swap3A_475 = arith.constant 0 : index
          %swap3A_476 = tpu.vector_load %arg11[%swap3A, %swap3A_475] {strides = array<i32>} : memref<128x128xf32, #tpu.memory_space<vmem>>, vector<16xf32>,
          tpu.vector_store %arg11[%swap3A, %swap3A_475], %mul3A_474 {strides = array<i32>} : memref<128x128xf32, #tpu.memory_space<vmem>>, vector<16xf32>,
          %get3A_477 = arith.index_cast %mul3A_460 : i32 to index
          %get3A_478 = arith.constant 16 : index
          %get3A_479 = tpu.vector_load %arg11[%get3A_477, %get3A_478] {strides = array<i32>} : memref<128x128xf32, #tpu.memory_space<vmem>>, vector<16xf32>,
          %mul3A_480 = arith.mulf %get3A_479, %gather3A : vector<16xf32>
          %swap3A_481 = arith.index_cast %mul3A_460 : i32 to index
          %swap3A_482 = arith.constant 16 : index
          %swap3A_483 = tpu.vector_load %arg11[%swap3A_481, %swap3A_482] {strides = array<i32>} : memref<128x128xf32, #tpu.memory_space<vmem>>, vector<16xf32>,
          tpu.vector_store %arg11[%swap3A_481, %swap3A_482], %mul3A_480 {strides = array<i32>} : memref<128x128xf32, #tpu.memory_space<vmem>>, vector<16xf32>,
          %get3A_484 = arith.index_cast %mul3A_460 : i32 to index
          %get3A_485 = arith.constant 32 : index
          %get3A_486 = tpu.vector_load %arg11[%get3A_484, %get3A_485] {strides = array<i32>} : memref<128x128xf32, #tpu.memory_space<vmem>>, vector<16xf32>,
          %mul3A_487 = arith.mulf %get3A_486, %gather3A : vector<16xf32>
          %swap3A_488 = arith.index_cast %mul3A_460 : i32 to index
          %swap3A_489 = arith.constant 32 : index
          %swap3A_490 = tpu.vector_load %arg11[%swap3A_488, %swap3A_489] {strides = array<i32>} : memref<128x128xf32, #tpu.memory_space<vmem>>, vector<16xf32>,
          tpu.vector_store %arg11[%swap3A_488, %swap3A_489], %mul3A_487 {strides = array<i32>} : memref<128x128xf32, #tpu.memory_space<vmem>>, vector<16xf32>,
          %get3A_491 = arith.index_cast %mul3A_460 : i32 to index
          %get3A_492 = arith.constant 48 : index
          %get3A_493 = tpu.vector_load %arg11[%get3A_491, %get3A_492] {strides = array<i32>} : memref<128x128xf32, #tpu.memory_space<vmem>>, vector<16xf32>,
          %mul3A_494 = arith.mulf %get3A_493, %gather3A : vector<16xf32>
          %swap3A_495 = arith.index_cast %mul3A_460 : i32 to index
          %swap3A_496 = arith.constant 48 : index
          %swap3A_497 = tpu.vector_load %arg11[%swap3A_495, %swap3A_496] {strides = array<i32>} : memref<128x128xf32, #tpu.memory_space<vmem>>, vector<16xf32>,
          tpu.vector_store %arg11[%swap3A_495, %swap3A_496], %mul3A_494 {strides = array<i32>} : memref<128x128xf32, #tpu.memory_space<vmem>>, vector<16xf32>,
          %get3A_498 = arith.index_cast %mul3A_460 : i32 to index
          %get3A_499 = arith.constant 64 : index
          %get3A_500 = tpu.vector_load %arg11[%get3A_498, %get3A_499] {strides = array<i32>} : memref<128x128xf32, #tpu.memory_space<vmem>>, vector<16xf32>,
          %mul3A_501 = arith.mulf %get3A_500, %gather3A : vector<16xf32>
          %swap3A_502 = arith.index_cast %mul3A_460 : i32 to index
          %swap3A_503 = arith.constant 64 : index
          %swap3A_504 = tpu.vector_load %arg11[%swap3A_502, %swap3A_503] {strides = array<i32>} : memref<128x128xf32, #tpu.memory_space<vmem>>, vector<16xf32>,
          tpu.vector_store %arg11[%swap3A_502, %swap3A_503], %mul3A_501 {strides = array<i32>} : memref<128x128xf32, #tpu.memory_space<vmem>>, vector<16xf32>,
          %get3A_505 = arith.index_cast %mul3A_460 : i32 to index
          %get3A_506 = arith.constant 80 : index
          %get3A_507 = tpu.vector_load %arg11[%get3A_505, %get3A_506] {strides = array<i32>} : memref<128x128xf32, #tpu.memory_space<vmem>>, vector<16xf32>,
          %mul3A_508 = arith.mulf %get3A_507, %gather3A : vector<16xf32>
          %swap3A_509 = arith.index_cast %mul3A_460 : i32 to index
          %swap3A_510 = arith.constant 80 : index
          %swap3A_511 = tpu.vector_load %arg11[%swap3A_509, %swap3A_510] {strides = array<i32>} : memref<128x128xf32, #tpu.memory_space<vmem>>, vector<16xf32>,
          tpu.vector_store %arg11[%swap3A_509, %swap3A_510], %mul3A_508 {strides = array<i32>} : memref<128x128xf32, #tpu.memory_space<vmem>>, vector<16xf32>,
          %get3A_512 = arith.index_cast %mul3A_460 : i32 to index
          %get3A_513 = arith.constant 96 : index
          %get3A_514 = tpu.vector_load %arg11[%get3A_512, %get3A_513] {strides = array<i32>} : memref<128x128xf32, #tpu.memory_space<vmem>>, vector<16xf32>,
          %mul3A_515 = arith.mulf %get3A_514, %gather3A : vector<16xf32>
          %swap3A_516 = arith.index_cast %mul3A_460 : i32 to index
          %swap3A_517 = arith.constant 96 : index
          %swap3A_518 = tpu.vector_load %arg11[%swap3A_516, %swap3A_517] {strides = array<i32>} : memref<128x128xf32, #tpu.memory_space<vmem>>, vector<16xf32>,
          tpu.vector_store %arg11[%swap3A_516, %swap3A_517], %mul3A_515 {strides = array<i32>} : memref<128x128xf32, #tpu.memory_space<vmem>>, vector<16xf32>,
          %get3A_519 = arith.index_cast %mul3A_460 : i32 to index
          %get3A_520 = arith.constant 112 : index
          %get3A_521 = tpu.vector_load %arg11[%get3A_519, %get3A_520] {strides = array<i32>} : memref<128x128xf32, #tpu.memory_space<vmem>>, vector<16xf32>,
          %mul3A_522 = arith.mulf %get3A_521, %gather3A : vector<16xf32>
          %swap3A_523 = arith.index_cast %mul3A_460 : i32 to index
          %swap3A_524 = arith.constant 112 : index
          %swap3A_525 = tpu.vector_load %arg11[%swap3A_523, %swap3A_524] {strides = array<i32>} : memref<128x128xf32, #tpu.memory_space<vmem>>, vector<16xf32>,
          tpu.vector_store %arg11[%swap3A_523, %swap3A_524], %mul3A_522 {strides = array<i32>} : memref<128x128xf32, #tpu.memory_space<vmem>>, vector<16xf32>,
          %add3A_526 = arith.constant 1 : i32
          %add3A_527 = arith.addi %mul3A_460, %add3A_526 : i32
          %get3A_528 = arith.index_cast %add3A_527 : i32 to index
          %get3A_529 = arith.constant 0 : index
          %get3A_530 = tpu.vector_load %arg11[%get3A_528, %get3A_529] {strides = array<i32>} : memref<128x128xf32, #tpu.memory_space<vmem>>, vector<16xf32>,
          %mul3A_531 = arith.mulf %get3A_530, %gather3A_471 : vector<16xf32>
          %add3A_532 = arith.constant 1 : i32
          %add3A_533 = arith.addi %mul3A_460, %add3A_532 : i32
          %swap3A_534 = arith.index_cast %add3A_533 : i32 to index
          %swap3A_535 = arith.constant 0 : index
          %swap3A_536 = tpu.vector_load %arg11[%swap3A_534, %swap3A_535] {strides = array<i32>} : memref<128x128xf32, #tpu.memory_space<vmem>>, vector<16xf32>,
          tpu.vector_store %arg11[%swap3A_534, %swap3A_535], %mul3A_531 {strides = array<i32>} : memref<128x128xf32, #tpu.memory_space<vmem>>, vector<16xf32>,
          %add3A_537 = arith.constant 1 : i32
          %add3A_538 = arith.addi %mul3A_460, %add3A_537 : i32
          %get3A_539 = arith.index_cast %add3A_538 : i32 to index
          %get3A_540 = arith.constant 16 : index
          %get3A_541 = tpu.vector_load %arg11[%get3A_539, %get3A_540] {strides = array<i32>} : memref<128x128xf32, #tpu.memory_space<vmem>>, vector<16xf32>,
          %mul3A_542 = arith.mulf %get3A_541, %gather3A_471 : vector<16xf32>
          %add3A_543 = arith.constant 1 : i32
          %add3A_544 = arith.addi %mul3A_460, %add3A_543 : i32
          %swap3A_545 = arith.index_cast %add3A_544 : i32 to index
          %swap3A_546 = arith.constant 16 : index
          %swap3A_547 = tpu.vector_load %arg11[%swap3A_545, %swap3A_546] {strides = array<i32>} : memref<128x128xf32, #tpu.memory_space<vmem>>, vector<16xf32>,
          tpu.vector_store %arg11[%swap3A_545, %swap3A_546], %mul3A_542 {strides = array<i32>} : memref<128x128xf32, #tpu.memory_space<vmem>>, vector<16xf32>,
          %add3A_548 = arith.constant 1 : i32
          %add3A_549 = arith.addi %mul3A_460, %add3A_548 : i32
          %get3A_550 = arith.index_cast %add3A_549 : i32 to index
          %get3A_551 = arith.constant 32 : index
          %get3A_552 = tpu.vector_load %arg11[%get3A_550, %get3A_551] {strides = array<i32>} : memref<128x128xf32, #tpu.memory_space<vmem>>, vector<16xf32>,
          %mul3A_553 = arith.mulf %get3A_552, %gather3A_471 : vector<16xf32>
          %add3A_554 = arith.constant 1 : i32
          %add3A_555 = arith.addi %mul3A_460, %add3A_554 : i32
          %swap3A_556 = arith.index_cast %add3A_555 : i32 to index
          %swap3A_557 = arith.constant 32 : index
          %swap3A_558 = tpu.vector_load %arg11[%swap3A_556, %swap3A_557] {strides = array<i32>} : memref<128x128xf32, #tpu.memory_space<vmem>>, vector<16xf32>,
          tpu.vector_store %arg11[%swap3A_556, %swap3A_557], %mul3A_553 {strides = array<i32>} : memref<128x128xf32, #tpu.memory_space<vmem>>, vector<16xf32>,
          %add3A_559 = arith.constant 1 : i32
          %add3A_560 = arith.addi %mul3A_460, %add3A_559 : i32
          %get3A_561 = arith.index_cast %add3A_560 : i32 to index
          %get3A_562 = arith.constant 48 : index
          %get3A_563 = tpu.vector_load %arg11[%get3A_561, %get3A_562] {strides = array<i32>} : memref<128x128xf32, #tpu.memory_space<vmem>>, vector<16xf32>,
          %mul3A_564 = arith.mulf %get3A_563, %gather3A_471 : vector<16xf32>
          %add3A_565 = arith.constant 1 : i32
          %add3A_566 = arith.addi %mul3A_460, %add3A_565 : i32
          %swap3A_567 = arith.index_cast %add3A_566 : i32 to index
          %swap3A_568 = arith.constant 48 : index
          %swap3A_569 = tpu.vector_load %arg11[%swap3A_567, %swap3A_568] {strides = array<i32>} : memref<128x128xf32, #tpu.memory_space<vmem>>, vector<16xf32>,
          tpu.vector_store %arg11[%swap3A_567, %swap3A_568], %mul3A_564 {strides = array<i32>} : memref<128x128xf32, #tpu.memory_space<vmem>>, vector<16xf32>,
          %add3A_570 = arith.constant 1 : i32
          %add3A_571 = arith.addi %mul3A_460, %add3A_570 : i32
          %get3A_572 = arith.index_cast %add3A_571 : i32 to index
          %get3A_573 = arith.constant 64 : index
          %get3A_574 = tpu.vector_load %arg11[%get3A_572, %get3A_573] {strides = array<i32>} : memref<128x128xf32, #tpu.memory_space<vmem>>, vector<16xf32>,
          %mul3A_575 = arith.mulf %get3A_574, %gather3A_471 : vector<16xf32>
          %add3A_576 = arith.constant 1 : i32
          %add3A_577 = arith.addi %mul3A_460, %add3A_576 : i32
          %swap3A_578 = arith.index_cast %add3A_577 : i32 to index
          %swap3A_579 = arith.constant 64 : index
          %swap3A_580 = tpu.vector_load %arg11[%swap3A_578, %swap3A_579] {strides = array<i32>} : memref<128x128xf32, #tpu.memory_space<vmem>>, vector<16xf32>,
          tpu.vector_store %arg11[%swap3A_578, %swap3A_579], %mul3A_575 {strides = array<i32>} : memref<128x128xf32, #tpu.memory_space<vmem>>, vector<16xf32>,
          %add3A_581 = arith.constant 1 : i32
          %add3A_582 = arith.addi %mul3A_460, %add3A_581 : i32
          %get3A_583 = arith.index_cast %add3A_582 : i32 to index
          %get3A_584 = arith.constant 80 : index
          %get3A_585 = tpu.vector_load %arg11[%get3A_583, %get3A_584] {strides = array<i32>} : memref<128x128xf32, #tpu.memory_space<vmem>>, vector<16xf32>,
          %mul3A_586 = arith.mulf %get3A_585, %gather3A_471 : vector<16xf32>
          %add3A_587 = arith.constant 1 : i32
          %add3A_588 = arith.addi %mul3A_460, %add3A_587 : i32
          %swap3A_589 = arith.index_cast %add3A_588 : i32 to index
          %swap3A_590 = arith.constant 80 : index
          %swap3A_591 = tpu.vector_load %arg11[%swap3A_589, %swap3A_590] {strides = array<i32>} : memref<128x128xf32, #tpu.memory_space<vmem>>, vector<16xf32>,
          tpu.vector_store %arg11[%swap3A_589, %swap3A_590], %mul3A_586 {strides = array<i32>} : memref<128x128xf32, #tpu.memory_space<vmem>>, vector<16xf32>,
          %add3A_592 = arith.constant 1 : i32
          %add3A_593 = arith.addi %mul3A_460, %add3A_592 : i32
          %get3A_594 = arith.index_cast %add3A_593 : i32 to index
          %get3A_595 = arith.constant 96 : index
          %get3A_596 = tpu.vector_load %arg11[%get3A_594, %get3A_595] {strides = array<i32>} : memref<128x128xf32, #tpu.memory_space<vmem>>, vector<16xf32>,
          %mul3A_597 = arith.mulf %get3A_596, %gather3A_471 : vector<16xf32>
          %add3A_598 = arith.constant 1 : i32
          %add3A_599 = arith.addi %mul3A_460, %add3A_598 : i32
          %swap3A_600 = arith.index_cast %add3A_599 : i32 to index
          %swap3A_601 = arith.constant 96 : index
          %swap3A_602 = tpu.vector_load %arg11[%swap3A_600, %swap3A_601] {strides = array<i32>} : memref<128x128xf32, #tpu.memory_space<vmem>>, vector<16xf32>,
          tpu.vector_store %arg11[%swap3A_600, %swap3A_601], %mul3A_597 {strides = array<i32>} : memref<128x128xf32, #tpu.memory_space<vmem>>, vector<16xf32>,
          %add3A_603 = arith.constant 1 : i32
          %add3A_604 = arith.addi %mul3A_460, %add3A_603 : i32
          %get3A_605 = arith.index_cast %add3A_604 : i32 to index
          %get3A_606 = arith.constant 112 : index
          %get3A_607 = tpu.vector_load %arg11[%get3A_605, %get3A_606] {strides = array<i32>} : memref<128x128xf32, #tpu.memory_space<vmem>>, vector<16xf32>,
          %mul3A_608 = arith.mulf %get3A_607, %gather3A_471 : vector<16xf32>
          %add3A_609 = arith.constant 1 : i32
          %add3A_610 = arith.addi %mul3A_460, %add3A_609 : i32
          %swap3A_611 = arith.index_cast %add3A_610 : i32 to index
          %swap3A_612 = arith.constant 112 : index
          %swap3A_613 = tpu.vector_load %arg11[%swap3A_611, %swap3A_612] {strides = array<i32>} : memref<128x128xf32, #tpu.memory_space<vmem>>, vector<16xf32>,
          tpu.vector_store %arg11[%swap3A_611, %swap3A_612], %mul3A_608 {strides = array<i32>} : memref<128x128xf32, #tpu.memory_space<vmem>>, vector<16xf32>,
          %scan3A_614 = arith.constant 0 : i32
          scf.yield %scan3A_614 : i32
        }
        %scan3A_454 = arith.constant 64 : i32
        %dma_start3A = arith.constant 0 : i32
        %dma_start3A_455 = arith.constant 0 : i32
        %dma_start3A_456 = tpu.memref_slice %arg27[%dma_start3A, %dma_start3A_455] : memref<2560x128xf32, #tpu.memory_space<vmem_shared>> -> memref<2560x128xf32, #tpu.memory_space<vmem_shared>>
        tpu.enqueue_indirect_dma source(%arg11 : memref<128x128xf32, #tpu.memory_space<vmem>>) target(%dma_start3A_456 : memref<2560x128xf32, #tpu.memory_space<vmem_shared>>) offsets(%arg16 : memref<128xi32, #tpu.memory_space<vmem>>) semaphore(%arg21 : memref<!tpu.dma_semaphore, #tpu.memory_space<semaphore_mem>>) {add = true}
      } else {
      }
      %jit3A_418 = arith.constant 2 : i32
      %eq3A_419 = arith.constant 0 : i32
      %eq3A_420 = arith.cmpi eq, %jit3A_418, %eq3A_419 : i32
      %jit3A_421 = arith.constant 1 : i32
      %select_n3A_422 = arith.select %eq3A_420, %jit3A_421, %jit3A_418 : i32
      %rem3A_423 = arith.remsi %while3A_395, %select_n3A_422 : i32
      %ne3A_424 = arith.constant 0 : i32
      %ne3A_425 = arith.cmpi ne, %rem3A_423, %ne3A_424 : i32
      %lt3A_426 = arith.constant 0 : i32
      %lt3A_427 = arith.cmpi slt, %rem3A_423, %lt3A_426 : i32
      %lt3A_428 = arith.constant 0 : i32
      %lt3A_429 = arith.cmpi slt, %select_n3A_422, %lt3A_428 : i32
      %ne3A_430 = arith.xori %lt3A_427, %lt3A_429 : i1
      %and3A_431 = arith.andi %ne3A_430, %ne3A_425 : i1
      %add3A_432 = arith.addi %rem3A_423, %select_n3A_422 : i32
      %select_n3A_433 = arith.select %and3A_431, %add3A_432, %rem3A_423 : i32
      %eq3A_434 = arith.constant 1 : i32
      %eq3A_435 = arith.cmpi eq, %select_n3A_433, %eq3A_434 : i32
      %convert_element_type3A_436 = arith.extui %eq3A_435 : i1 to i32
      %cond3A_437 = arith.constant 0 : i32
      %cond3A_438 = arith.cmpi ne, %convert_element_type3A_436, %cond3A_437 : i32
      scf.if %cond3A_438 {
        %dma_wait3A = arith.constant 0 : i32
        %dma_wait3A_440 = arith.constant 0 : i32
        %dma_wait3A_441 = tpu.memref_slice %arg4[%dma_wait3A, %dma_wait3A_440] : memref<10240x128xf32, #tpu.memory_space<hbm>> -> memref<10240x128xf32, #tpu.memory_space<hbm>>
        tpu.wait_indirect_dma semaphore(%arg20 : memref<!tpu.dma_semaphore, #tpu.memory_space<semaphore_mem>>) src(%dma_wait3A_441 : memref<10240x128xf32, #tpu.memory_space<hbm>>) dst(%arg12 : memref<128x128xf32, #tpu.memory_space<vmem>>)
        %add3A_442 = arith.constant 1 : i32
        %add3A_443 = arith.addi %while3A_395, %add3A_442 : i32
        %lt3A_444 = arith.cmpi slt, %add3A_443, %select_n3A : i32
        %convert_element_type3A_445 = arith.extui %lt3A_444 : i1 to i32
        %cond3A_446 = arith.constant 0 : i32
        %cond3A_447 = arith.cmpi ne, %convert_element_type3A_445, %cond3A_446 : i32
        scf.if %cond3A_447 {
          %ge3A_457 = arith.constant 1 : i32
          %ge3A_458 = arith.cmpi sge, %while3A_395, %ge3A_457 : i32
          %convert_element_type3A_459 = arith.extui %ge3A_458 : i1 to i32
          %cond3A_460 = arith.constant 0 : i32
          %cond3A_461 = arith.cmpi ne, %convert_element_type3A_459, %cond3A_460 : i32
          scf.if %cond3A_461 {
            %dma_wait3A_578 = arith.constant 0 : i32
            %dma_wait3A_579 = arith.constant 0 : i32
            %dma_wait3A_580 = tpu.memref_slice %arg27[%dma_wait3A_578, %dma_wait3A_579] : memref<2560x128xf32, #tpu.memory_space<vmem_shared>> -> memref<2560x128xf32, #tpu.memory_space<vmem_shared>>
            tpu.wait_indirect_dma semaphore(%arg21 : memref<!tpu.dma_semaphore, #tpu.memory_space<semaphore_mem>>) src(%arg11 : memref<128x128xf32, #tpu.memory_space<vmem>>) dst(%dma_wait3A_580 : memref<2560x128xf32, #tpu.memory_space<vmem_shared>>)
          } else {
          }
          %add3A_462 = arith.constant 1 : i32
          %add3A_463 = arith.addi %while3A_395, %add3A_462 : i32
          %mul3A_464 = arith.constant 128 : i32
          %mul3A_465 = arith.muli %add3A_463, %mul3A_464 : i32
          %add3A_466 = arith.constant 0 : i32
          %add3A_467 = arith.addi %mul3A_465, %add3A_466 : i32
          %get3A = arith.index_cast %add3A_467 : i32 to index
          %get3A_468 = tpu.vector_load %arg13[%get3A] {strides = array<i32>} : memref<6400xi32, #tpu.memory_space<vmem>>, vector<16xi32>,
          %and3A_469 = arith.constant 16383 : i32
          %and3A_470 = vector.broadcast %and3A_469 : i32 to vector<16xi32>
          %and3A_471 = arith.andi %get3A_468, %and3A_470 : vector<16xi32>
          %swap3A = arith.constant 0 : index
          %swap3A_472 = tpu.vector_load %arg15[%swap3A] {strides = array<i32>} : memref<128xi32, #tpu.memory_space<vmem>>, vector<16xi32>,
          tpu.vector_store %arg15[%swap3A], %and3A_471 {strides = array<i32>} : memref<128xi32, #tpu.memory_space<vmem>>, vector<16xi32>,
          %shift_right_logical3A = arith.constant 14 : i32
          %shift_right_logical3A_473 = vector.broadcast %shift_right_logical3A : i32 to vector<16xi32>
          %shift_right_logical3A_474 = arith.shrui %get3A_468, %shift_right_logical3A_473 : vector<16xi32>
          %swap3A_475 = arith.constant 0 : index
          %swap3A_476 = tpu.vector_load %arg16[%swap3A_475] {strides = array<i32>} : memref<128xi32, #tpu.memory_space<vmem>>, vector<16xi32>,
          tpu.vector_store %arg16[%swap3A_475], %shift_right_logical3A_474 {strides = array<i32>} : memref<128xi32, #tpu.memory_space<vmem>>, vector<16xi32>,
          %add3A_477 = arith.constant 16 : i32
          %add3A_478 = arith.addi %mul3A_465, %add3A_477 : i32
          %get3A_479 = arith.index_cast %add3A_478 : i32 to index
          %get3A_480 = tpu.vector_load %arg13[%get3A_479] {strides = array<i32>} : memref<6400xi32, #tpu.memory_space<vmem>>, vector<16xi32>,
          %and3A_481 = arith.constant 16383 : i32
          %and3A_482 = vector.broadcast %and3A_481 : i32 to vector<16xi32>
          %and3A_483 = arith.andi %get3A_480, %and3A_482 : vector<16xi32>
          %swap3A_484 = arith.constant 16 : index
          %swap3A_485 = tpu.vector_load %arg15[%swap3A_484] {strides = array<i32>} : memref<128xi32, #tpu.memory_space<vmem>>, vector<16xi32>,
          tpu.vector_store %arg15[%swap3A_484], %and3A_483 {strides = array<i32>} : memref<128xi32, #tpu.memory_space<vmem>>, vector<16xi32>,
          %shift_right_logical3A_486 = arith.constant 14 : i32
          %shift_right_logical3A_487 = vector.broadcast %shift_right_logical3A_486 : i32 to vector<16xi32>
          %shift_right_logical3A_488 = arith.shrui %get3A_480, %shift_right_logical3A_487 : vector<16xi32>
          %swap3A_489 = arith.constant 16 : index
          %swap3A_490 = tpu.vector_load %arg16[%swap3A_489] {strides = array<i32>} : memref<128xi32, #tpu.memory_space<vmem>>, vector<16xi32>,
          tpu.vector_store %arg16[%swap3A_489], %shift_right_logical3A_488 {strides = array<i32>} : memref<128xi32, #tpu.memory_space<vmem>>, vector<16xi32>,
          %add3A_491 = arith.constant 32 : i32
          %add3A_492 = arith.addi %mul3A_465, %add3A_491 : i32
          %get3A_493 = arith.index_cast %add3A_492 : i32 to index
          %get3A_494 = tpu.vector_load %arg13[%get3A_493] {strides = array<i32>} : memref<6400xi32, #tpu.memory_space<vmem>>, vector<16xi32>,
          %and3A_495 = arith.constant 16383 : i32
          %and3A_496 = vector.broadcast %and3A_495 : i32 to vector<16xi32>
          %and3A_497 = arith.andi %get3A_494, %and3A_496 : vector<16xi32>
          %swap3A_498 = arith.constant 32 : index
          %swap3A_499 = tpu.vector_load %arg15[%swap3A_498] {strides = array<i32>} : memref<128xi32, #tpu.memory_space<vmem>>, vector<16xi32>,
          tpu.vector_store %arg15[%swap3A_498], %and3A_497 {strides = array<i32>} : memref<128xi32, #tpu.memory_space<vmem>>, vector<16xi32>,
          %shift_right_logical3A_500 = arith.constant 14 : i32
          %shift_right_logical3A_501 = vector.broadcast %shift_right_logical3A_500 : i32 to vector<16xi32>
          %shift_right_logical3A_502 = arith.shrui %get3A_494, %shift_right_logical3A_501 : vector<16xi32>
          %swap3A_503 = arith.constant 32 : index
          %swap3A_504 = tpu.vector_load %arg16[%swap3A_503] {strides = array<i32>} : memref<128xi32, #tpu.memory_space<vmem>>, vector<16xi32>,
          tpu.vector_store %arg16[%swap3A_503], %shift_right_logical3A_502 {strides = array<i32>} : memref<128xi32, #tpu.memory_space<vmem>>, vector<16xi32>,
          %add3A_505 = arith.constant 48 : i32
          %add3A_506 = arith.addi %mul3A_465, %add3A_505 : i32
          %get3A_507 = arith.index_cast %add3A_506 : i32 to index
          %get3A_508 = tpu.vector_load %arg13[%get3A_507] {strides = array<i32>} : memref<6400xi32, #tpu.memory_space<vmem>>, vector<16xi32>,
          %and3A_509 = arith.constant 16383 : i32
          %and3A_510 = vector.broadcast %and3A_509 : i32 to vector<16xi32>
          %and3A_511 = arith.andi %get3A_508, %and3A_510 : vector<16xi32>
          %swap3A_512 = arith.constant 48 : index
          %swap3A_513 = tpu.vector_load %arg15[%swap3A_512] {strides = array<i32>} : memref<128xi32, #tpu.memory_space<vmem>>, vector<16xi32>,
          tpu.vector_store %arg15[%swap3A_512], %and3A_511 {strides = array<i32>} : memref<128xi32, #tpu.memory_space<vmem>>, vector<16xi32>,
          %shift_right_logical3A_514 = arith.constant 14 : i32
          %shift_right_logical3A_515 = vector.broadcast %shift_right_logical3A_514 : i32 to vector<16xi32>
          %shift_right_logical3A_516 = arith.shrui %get3A_508, %shift_right_logical3A_515 : vector<16xi32>
          %swap3A_517 = arith.constant 48 : index
          %swap3A_518 = tpu.vector_load %arg16[%swap3A_517] {strides = array<i32>} : memref<128xi32, #tpu.memory_space<vmem>>, vector<16xi32>,
          tpu.vector_store %arg16[%swap3A_517], %shift_right_logical3A_516 {strides = array<i32>} : memref<128xi32, #tpu.memory_space<vmem>>, vector<16xi32>,
          %add3A_519 = arith.constant 64 : i32
          %add3A_520 = arith.addi %mul3A_465, %add3A_519 : i32
          %get3A_521 = arith.index_cast %add3A_520 : i32 to index
          %get3A_522 = tpu.vector_load %arg13[%get3A_521] {strides = array<i32>} : memref<6400xi32, #tpu.memory_space<vmem>>, vector<16xi32>,
          %and3A_523 = arith.constant 16383 : i32
          %and3A_524 = vector.broadcast %and3A_523 : i32 to vector<16xi32>
          %and3A_525 = arith.andi %get3A_522, %and3A_524 : vector<16xi32>
          %swap3A_526 = arith.constant 64 : index
          %swap3A_527 = tpu.vector_load %arg15[%swap3A_526] {strides = array<i32>} : memref<128xi32, #tpu.memory_space<vmem>>, vector<16xi32>,
          tpu.vector_store %arg15[%swap3A_526], %and3A_525 {strides = array<i32>} : memref<128xi32, #tpu.memory_space<vmem>>, vector<16xi32>,
          %shift_right_logical3A_528 = arith.constant 14 : i32
          %shift_right_logical3A_529 = vector.broadcast %shift_right_logical3A_528 : i32 to vector<16xi32>
          %shift_right_logical3A_530 = arith.shrui %get3A_522, %shift_right_logical3A_529 : vector<16xi32>
          %swap3A_531 = arith.constant 64 : index
          %swap3A_532 = tpu.vector_load %arg16[%swap3A_531] {strides = array<i32>} : memref<128xi32, #tpu.memory_space<vmem>>, vector<16xi32>,
          tpu.vector_store %arg16[%swap3A_531], %shift_right_logical3A_530 {strides = array<i32>} : memref<128xi32, #tpu.memory_space<vmem>>, vector<16xi32>,
          %add3A_533 = arith.constant 80 : i32
          %add3A_534 = arith.addi %mul3A_465, %add3A_533 : i32
          %get3A_535 = arith.index_cast %add3A_534 : i32 to index
          %get3A_536 = tpu.vector_load %arg13[%get3A_535] {strides = array<i32>} : memref<6400xi32, #tpu.memory_space<vmem>>, vector<16xi32>,
          %and3A_537 = arith.constant 16383 : i32
          %and3A_538 = vector.broadcast %and3A_537 : i32 to vector<16xi32>
          %and3A_539 = arith.andi %get3A_536, %and3A_538 : vector<16xi32>
          %swap3A_540 = arith.constant 80 : index
          %swap3A_541 = tpu.vector_load %arg15[%swap3A_540] {strides = array<i32>} : memref<128xi32, #tpu.memory_space<vmem>>, vector<16xi32>,
          tpu.vector_store %arg15[%swap3A_540], %and3A_539 {strides = array<i32>} : memref<128xi32, #tpu.memory_space<vmem>>, vector<16xi32>,
          %shift_right_logical3A_542 = arith.constant 14 : i32
          %shift_right_logical3A_543 = vector.broadcast %shift_right_logical3A_542 : i32 to vector<16xi32>
          %shift_right_logical3A_544 = arith.shrui %get3A_536, %shift_right_logical3A_543 : vector<16xi32>
          %swap3A_545 = arith.constant 80 : index
          %swap3A_546 = tpu.vector_load %arg16[%swap3A_545] {strides = array<i32>} : memref<128xi32, #tpu.memory_space<vmem>>, vector<16xi32>,
          tpu.vector_store %arg16[%swap3A_545], %shift_right_logical3A_544 {strides = array<i32>} : memref<128xi32, #tpu.memory_space<vmem>>, vector<16xi32>,
          %add3A_547 = arith.constant 96 : i32
          %add3A_548 = arith.addi %mul3A_465, %add3A_547 : i32
          %get3A_549 = arith.index_cast %add3A_548 : i32 to index
          %get3A_550 = tpu.vector_load %arg13[%get3A_549] {strides = array<i32>} : memref<6400xi32, #tpu.memory_space<vmem>>, vector<16xi32>,
          %and3A_551 = arith.constant 16383 : i32
          %and3A_552 = vector.broadcast %and3A_551 : i32 to vector<16xi32>
          %and3A_553 = arith.andi %get3A_550, %and3A_552 : vector<16xi32>
          %swap3A_554 = arith.constant 96 : index
          %swap3A_555 = tpu.vector_load %arg15[%swap3A_554] {strides = array<i32>} : memref<128xi32, #tpu.memory_space<vmem>>, vector<16xi32>,
          tpu.vector_store %arg15[%swap3A_554], %and3A_553 {strides = array<i32>} : memref<128xi32, #tpu.memory_space<vmem>>, vector<16xi32>,
          %shift_right_logical3A_556 = arith.constant 14 : i32
          %shift_right_logical3A_557 = vector.broadcast %shift_right_logical3A_556 : i32 to vector<16xi32>
          %shift_right_logical3A_558 = arith.shrui %get3A_550, %shift_right_logical3A_557 : vector<16xi32>
          %swap3A_559 = arith.constant 96 : index
          %swap3A_560 = tpu.vector_load %arg16[%swap3A_559] {strides = array<i32>} : memref<128xi32, #tpu.memory_space<vmem>>, vector<16xi32>,
          tpu.vector_store %arg16[%swap3A_559], %shift_right_logical3A_558 {strides = array<i32>} : memref<128xi32, #tpu.memory_space<vmem>>, vector<16xi32>,
          %add3A_561 = arith.constant 112 : i32
          %add3A_562 = arith.addi %mul3A_465, %add3A_561 : i32
          %get3A_563 = arith.index_cast %add3A_562 : i32 to index
          %get3A_564 = tpu.vector_load %arg13[%get3A_563] {strides = array<i32>} : memref<6400xi32, #tpu.memory_space<vmem>>, vector<16xi32>,
          %and3A_565 = arith.constant 16383 : i32
          %and3A_566 = vector.broadcast %and3A_565 : i32 to vector<16xi32>
          %and3A_567 = arith.andi %get3A_564, %and3A_566 : vector<16xi32>
          %swap3A_568 = arith.constant 112 : index
          %swap3A_569 = tpu.vector_load %arg15[%swap3A_568] {strides = array<i32>} : memref<128xi32, #tpu.memory_space<vmem>>, vector<16xi32>,
          tpu.vector_store %arg15[%swap3A_568], %and3A_567 {strides = array<i32>} : memref<128xi32, #tpu.memory_space<vmem>>, vector<16xi32>,
          %shift_right_logical3A_570 = arith.constant 14 : i32
          %shift_right_logical3A_571 = vector.broadcast %shift_right_logical3A_570 : i32 to vector<16xi32>
          %shift_right_logical3A_572 = arith.shrui %get3A_564, %shift_right_logical3A_571 : vector<16xi32>
          %swap3A_573 = arith.constant 112 : index
          %swap3A_574 = tpu.vector_load %arg16[%swap3A_573] {strides = array<i32>} : memref<128xi32, #tpu.memory_space<vmem>>, vector<16xi32>,
          tpu.vector_store %arg16[%swap3A_573], %shift_right_logical3A_572 {strides = array<i32>} : memref<128xi32, #tpu.memory_space<vmem>>, vector<16xi32>,
          %dma_start3A_575 = arith.constant 0 : i32
          %dma_start3A_576 = arith.constant 0 : i32
          %dma_start3A_577 = tpu.memref_slice %arg4[%dma_start3A_575, %dma_start3A_576] : memref<10240x128xf32, #tpu.memory_space<hbm>> -> memref<10240x128xf32, #tpu.memory_space<hbm>>
          tpu.enqueue_indirect_dma source(%dma_start3A_577 : memref<10240x128xf32, #tpu.memory_space<hbm>>) target(%arg11 : memref<128x128xf32, #tpu.memory_space<vmem>>) offsets(%arg15 : memref<128xi32, #tpu.memory_space<vmem>>) semaphore(%arg19 : memref<!tpu.dma_semaphore, #tpu.memory_space<semaphore_mem>>)
        } else {
        }
        %scan3A_448 = arith.constant 0 : i32
        %scan3A_449 = arith.constant 0 : i32
        %scan3A_450 = arith.constant 64 : i32
        %scan3A_451 = arith.addi %scan3A_449, %scan3A_450 : i32
        %scan3A_452 = arith.constant 1 : i32
        %scan3A_453 = scf.for %scan3A_457 = %scan3A_449 to %scan3A_451 step %scan3A_452 iter_args(%scan3A_458 = %scan3A_448) -> (i32)  : i32 {
          %mul3A_459 = arith.constant 2 : i32
          %mul3A_460 = arith.muli %scan3A_457, %mul3A_459 : i32
          %mul3A_461 = arith.constant 128 : i32
          %mul3A_462 = arith.muli %while3A_395, %mul3A_461 : i32
          %add3A_463 = arith.addi %mul3A_462, %mul3A_460 : i32
          %broadcast_in_dim3A_464 = vector.broadcast %add3A_463 : i32 to vector<16xi32>
          %gather3A = tpu.vector_load_idx %arg14[%broadcast_in_dim3A_464] : memref<6400xf32, #tpu.memory_space<vmem>>[vector<16xi32>], vector<16xf32>,
          %mul3A_465 = arith.constant 128 : i32
          %mul3A_466 = arith.muli %while3A_395, %mul3A_465 : i32
          %add3A_467 = arith.addi %mul3A_466, %mul3A_460 : i32
          %add3A_468 = arith.constant 1 : i32
          %add3A_469 = arith.addi %add3A_467, %add3A_468 : i32
          %broadcast_in_dim3A_470 = vector.broadcast %add3A_469 : i32 to vector<16xi32>
          %gather3A_471 = tpu.vector_load_idx %arg14[%broadcast_in_dim3A_470] : memref<6400xf32, #tpu.memory_space<vmem>>[vector<16xi32>], vector<16xf32>,
          %get3A = arith.index_cast %mul3A_460 : i32 to index
          %get3A_472 = arith.constant 0 : index
          %get3A_473 = tpu.vector_load %arg12[%get3A, %get3A_472] {strides = array<i32>} : memref<128x128xf32, #tpu.memory_space<vmem>>, vector<16xf32>,
          %mul3A_474 = arith.mulf %get3A_473, %gather3A : vector<16xf32>
          %swap3A = arith.index_cast %mul3A_460 : i32 to index
          %swap3A_475 = arith.constant 0 : index
          %swap3A_476 = tpu.vector_load %arg12[%swap3A, %swap3A_475] {strides = array<i32>} : memref<128x128xf32, #tpu.memory_space<vmem>>, vector<16xf32>,
          tpu.vector_store %arg12[%swap3A, %swap3A_475], %mul3A_474 {strides = array<i32>} : memref<128x128xf32, #tpu.memory_space<vmem>>, vector<16xf32>,
          %get3A_477 = arith.index_cast %mul3A_460 : i32 to index
          %get3A_478 = arith.constant 16 : index
          %get3A_479 = tpu.vector_load %arg12[%get3A_477, %get3A_478] {strides = array<i32>} : memref<128x128xf32, #tpu.memory_space<vmem>>, vector<16xf32>,
          %mul3A_480 = arith.mulf %get3A_479, %gather3A : vector<16xf32>
          %swap3A_481 = arith.index_cast %mul3A_460 : i32 to index
          %swap3A_482 = arith.constant 16 : index
          %swap3A_483 = tpu.vector_load %arg12[%swap3A_481, %swap3A_482] {strides = array<i32>} : memref<128x128xf32, #tpu.memory_space<vmem>>, vector<16xf32>,
          tpu.vector_store %arg12[%swap3A_481, %swap3A_482], %mul3A_480 {strides = array<i32>} : memref<128x128xf32, #tpu.memory_space<vmem>>, vector<16xf32>,
          %get3A_484 = arith.index_cast %mul3A_460 : i32 to index
          %get3A_485 = arith.constant 32 : index
          %get3A_486 = tpu.vector_load %arg12[%get3A_484, %get3A_485] {strides = array<i32>} : memref<128x128xf32, #tpu.memory_space<vmem>>, vector<16xf32>,
          %mul3A_487 = arith.mulf %get3A_486, %gather3A : vector<16xf32>
          %swap3A_488 = arith.index_cast %mul3A_460 : i32 to index
          %swap3A_489 = arith.constant 32 : index
          %swap3A_490 = tpu.vector_load %arg12[%swap3A_488, %swap3A_489] {strides = array<i32>} : memref<128x128xf32, #tpu.memory_space<vmem>>, vector<16xf32>,
          tpu.vector_store %arg12[%swap3A_488, %swap3A_489], %mul3A_487 {strides = array<i32>} : memref<128x128xf32, #tpu.memory_space<vmem>>, vector<16xf32>,
          %get3A_491 = arith.index_cast %mul3A_460 : i32 to index
          %get3A_492 = arith.constant 48 : index
          %get3A_493 = tpu.vector_load %arg12[%get3A_491, %get3A_492] {strides = array<i32>} : memref<128x128xf32, #tpu.memory_space<vmem>>, vector<16xf32>,
          %mul3A_494 = arith.mulf %get3A_493, %gather3A : vector<16xf32>
          %swap3A_495 = arith.index_cast %mul3A_460 : i32 to index
          %swap3A_496 = arith.constant 48 : index
          %swap3A_497 = tpu.vector_load %arg12[%swap3A_495, %swap3A_496] {strides = array<i32>} : memref<128x128xf32, #tpu.memory_space<vmem>>, vector<16xf32>,
          tpu.vector_store %arg12[%swap3A_495, %swap3A_496], %mul3A_494 {strides = array<i32>} : memref<128x128xf32, #tpu.memory_space<vmem>>, vector<16xf32>,
          %get3A_498 = arith.index_cast %mul3A_460 : i32 to index
          %get3A_499 = arith.constant 64 : index
          %get3A_500 = tpu.vector_load %arg12[%get3A_498, %get3A_499] {strides = array<i32>} : memref<128x128xf32, #tpu.memory_space<vmem>>, vector<16xf32>,
          %mul3A_501 = arith.mulf %get3A_500, %gather3A : vector<16xf32>
          %swap3A_502 = arith.index_cast %mul3A_460 : i32 to index
          %swap3A_503 = arith.constant 64 : index
          %swap3A_504 = tpu.vector_load %arg12[%swap3A_502, %swap3A_503] {strides = array<i32>} : memref<128x128xf32, #tpu.memory_space<vmem>>, vector<16xf32>,
          tpu.vector_store %arg12[%swap3A_502, %swap3A_503], %mul3A_501 {strides = array<i32>} : memref<128x128xf32, #tpu.memory_space<vmem>>, vector<16xf32>,
          %get3A_505 = arith.index_cast %mul3A_460 : i32 to index
          %get3A_506 = arith.constant 80 : index
          %get3A_507 = tpu.vector_load %arg12[%get3A_505, %get3A_506] {strides = array<i32>} : memref<128x128xf32, #tpu.memory_space<vmem>>, vector<16xf32>,
          %mul3A_508 = arith.mulf %get3A_507, %gather3A : vector<16xf32>
          %swap3A_509 = arith.index_cast %mul3A_460 : i32 to index
          %swap3A_510 = arith.constant 80 : index
          %swap3A_511 = tpu.vector_load %arg12[%swap3A_509, %swap3A_510] {strides = array<i32>} : memref<128x128xf32, #tpu.memory_space<vmem>>, vector<16xf32>,
          tpu.vector_store %arg12[%swap3A_509, %swap3A_510], %mul3A_508 {strides = array<i32>} : memref<128x128xf32, #tpu.memory_space<vmem>>, vector<16xf32>,
          %get3A_512 = arith.index_cast %mul3A_460 : i32 to index
          %get3A_513 = arith.constant 96 : index
          %get3A_514 = tpu.vector_load %arg12[%get3A_512, %get3A_513] {strides = array<i32>} : memref<128x128xf32, #tpu.memory_space<vmem>>, vector<16xf32>,
          %mul3A_515 = arith.mulf %get3A_514, %gather3A : vector<16xf32>
          %swap3A_516 = arith.index_cast %mul3A_460 : i32 to index
          %swap3A_517 = arith.constant 96 : index
          %swap3A_518 = tpu.vector_load %arg12[%swap3A_516, %swap3A_517] {strides = array<i32>} : memref<128x128xf32, #tpu.memory_space<vmem>>, vector<16xf32>,
          tpu.vector_store %arg12[%swap3A_516, %swap3A_517], %mul3A_515 {strides = array<i32>} : memref<128x128xf32, #tpu.memory_space<vmem>>, vector<16xf32>,
          %get3A_519 = arith.index_cast %mul3A_460 : i32 to index
          %get3A_520 = arith.constant 112 : index
          %get3A_521 = tpu.vector_load %arg12[%get3A_519, %get3A_520] {strides = array<i32>} : memref<128x128xf32, #tpu.memory_space<vmem>>, vector<16xf32>,
          %mul3A_522 = arith.mulf %get3A_521, %gather3A : vector<16xf32>
          %swap3A_523 = arith.index_cast %mul3A_460 : i32 to index
          %swap3A_524 = arith.constant 112 : index
          %swap3A_525 = tpu.vector_load %arg12[%swap3A_523, %swap3A_524] {strides = array<i32>} : memref<128x128xf32, #tpu.memory_space<vmem>>, vector<16xf32>,
          tpu.vector_store %arg12[%swap3A_523, %swap3A_524], %mul3A_522 {strides = array<i32>} : memref<128x128xf32, #tpu.memory_space<vmem>>, vector<16xf32>,
          %add3A_526 = arith.constant 1 : i32
          %add3A_527 = arith.addi %mul3A_460, %add3A_526 : i32
          %get3A_528 = arith.index_cast %add3A_527 : i32 to index
          %get3A_529 = arith.constant 0 : index
          %get3A_530 = tpu.vector_load %arg12[%get3A_528, %get3A_529] {strides = array<i32>} : memref<128x128xf32, #tpu.memory_space<vmem>>, vector<16xf32>,
          %mul3A_531 = arith.mulf %get3A_530, %gather3A_471 : vector<16xf32>
          %add3A_532 = arith.constant 1 : i32
          %add3A_533 = arith.addi %mul3A_460, %add3A_532 : i32
          %swap3A_534 = arith.index_cast %add3A_533 : i32 to index
          %swap3A_535 = arith.constant 0 : index
          %swap3A_536 = tpu.vector_load %arg12[%swap3A_534, %swap3A_535] {strides = array<i32>} : memref<128x128xf32, #tpu.memory_space<vmem>>, vector<16xf32>,
          tpu.vector_store %arg12[%swap3A_534, %swap3A_535], %mul3A_531 {strides = array<i32>} : memref<128x128xf32, #tpu.memory_space<vmem>>, vector<16xf32>,
          %add3A_537 = arith.constant 1 : i32
          %add3A_538 = arith.addi %mul3A_460, %add3A_537 : i32
          %get3A_539 = arith.index_cast %add3A_538 : i32 to index
          %get3A_540 = arith.constant 16 : index
          %get3A_541 = tpu.vector_load %arg12[%get3A_539, %get3A_540] {strides = array<i32>} : memref<128x128xf32, #tpu.memory_space<vmem>>, vector<16xf32>,
          %mul3A_542 = arith.mulf %get3A_541, %gather3A_471 : vector<16xf32>
          %add3A_543 = arith.constant 1 : i32
          %add3A_544 = arith.addi %mul3A_460, %add3A_543 : i32
          %swap3A_545 = arith.index_cast %add3A_544 : i32 to index
          %swap3A_546 = arith.constant 16 : index
          %swap3A_547 = tpu.vector_load %arg12[%swap3A_545, %swap3A_546] {strides = array<i32>} : memref<128x128xf32, #tpu.memory_space<vmem>>, vector<16xf32>,
          tpu.vector_store %arg12[%swap3A_545, %swap3A_546], %mul3A_542 {strides = array<i32>} : memref<128x128xf32, #tpu.memory_space<vmem>>, vector<16xf32>,
          %add3A_548 = arith.constant 1 : i32
          %add3A_549 = arith.addi %mul3A_460, %add3A_548 : i32
          %get3A_550 = arith.index_cast %add3A_549 : i32 to index
          %get3A_551 = arith.constant 32 : index
          %get3A_552 = tpu.vector_load %arg12[%get3A_550, %get3A_551] {strides = array<i32>} : memref<128x128xf32, #tpu.memory_space<vmem>>, vector<16xf32>,
          %mul3A_553 = arith.mulf %get3A_552, %gather3A_471 : vector<16xf32>
          %add3A_554 = arith.constant 1 : i32
          %add3A_555 = arith.addi %mul3A_460, %add3A_554 : i32
          %swap3A_556 = arith.index_cast %add3A_555 : i32 to index
          %swap3A_557 = arith.constant 32 : index
          %swap3A_558 = tpu.vector_load %arg12[%swap3A_556, %swap3A_557] {strides = array<i32>} : memref<128x128xf32, #tpu.memory_space<vmem>>, vector<16xf32>,
          tpu.vector_store %arg12[%swap3A_556, %swap3A_557], %mul3A_553 {strides = array<i32>} : memref<128x128xf32, #tpu.memory_space<vmem>>, vector<16xf32>,
          %add3A_559 = arith.constant 1 : i32
          %add3A_560 = arith.addi %mul3A_460, %add3A_559 : i32
          %get3A_561 = arith.index_cast %add3A_560 : i32 to index
          %get3A_562 = arith.constant 48 : index
          %get3A_563 = tpu.vector_load %arg12[%get3A_561, %get3A_562] {strides = array<i32>} : memref<128x128xf32, #tpu.memory_space<vmem>>, vector<16xf32>,
          %mul3A_564 = arith.mulf %get3A_563, %gather3A_471 : vector<16xf32>
          %add3A_565 = arith.constant 1 : i32
          %add3A_566 = arith.addi %mul3A_460, %add3A_565 : i32
          %swap3A_567 = arith.index_cast %add3A_566 : i32 to index
          %swap3A_568 = arith.constant 48 : index
          %swap3A_569 = tpu.vector_load %arg12[%swap3A_567, %swap3A_568] {strides = array<i32>} : memref<128x128xf32, #tpu.memory_space<vmem>>, vector<16xf32>,
          tpu.vector_store %arg12[%swap3A_567, %swap3A_568], %mul3A_564 {strides = array<i32>} : memref<128x128xf32, #tpu.memory_space<vmem>>, vector<16xf32>,
          %add3A_570 = arith.constant 1 : i32
          %add3A_571 = arith.addi %mul3A_460, %add3A_570 : i32
          %get3A_572 = arith.index_cast %add3A_571 : i32 to index
          %get3A_573 = arith.constant 64 : index
          %get3A_574 = tpu.vector_load %arg12[%get3A_572, %get3A_573] {strides = array<i32>} : memref<128x128xf32, #tpu.memory_space<vmem>>, vector<16xf32>,
          %mul3A_575 = arith.mulf %get3A_574, %gather3A_471 : vector<16xf32>
          %add3A_576 = arith.constant 1 : i32
          %add3A_577 = arith.addi %mul3A_460, %add3A_576 : i32
          %swap3A_578 = arith.index_cast %add3A_577 : i32 to index
          %swap3A_579 = arith.constant 64 : index
          %swap3A_580 = tpu.vector_load %arg12[%swap3A_578, %swap3A_579] {strides = array<i32>} : memref<128x128xf32, #tpu.memory_space<vmem>>, vector<16xf32>,
          tpu.vector_store %arg12[%swap3A_578, %swap3A_579], %mul3A_575 {strides = array<i32>} : memref<128x128xf32, #tpu.memory_space<vmem>>, vector<16xf32>,
          %add3A_581 = arith.constant 1 : i32
          %add3A_582 = arith.addi %mul3A_460, %add3A_581 : i32
          %get3A_583 = arith.index_cast %add3A_582 : i32 to index
          %get3A_584 = arith.constant 80 : index
          %get3A_585 = tpu.vector_load %arg12[%get3A_583, %get3A_584] {strides = array<i32>} : memref<128x128xf32, #tpu.memory_space<vmem>>, vector<16xf32>,
          %mul3A_586 = arith.mulf %get3A_585, %gather3A_471 : vector<16xf32>
          %add3A_587 = arith.constant 1 : i32
          %add3A_588 = arith.addi %mul3A_460, %add3A_587 : i32
          %swap3A_589 = arith.index_cast %add3A_588 : i32 to index
          %swap3A_590 = arith.constant 80 : index
          %swap3A_591 = tpu.vector_load %arg12[%swap3A_589, %swap3A_590] {strides = array<i32>} : memref<128x128xf32, #tpu.memory_space<vmem>>, vector<16xf32>,
          tpu.vector_store %arg12[%swap3A_589, %swap3A_590], %mul3A_586 {strides = array<i32>} : memref<128x128xf32, #tpu.memory_space<vmem>>, vector<16xf32>,
          %add3A_592 = arith.constant 1 : i32
          %add3A_593 = arith.addi %mul3A_460, %add3A_592 : i32
          %get3A_594 = arith.index_cast %add3A_593 : i32 to index
          %get3A_595 = arith.constant 96 : index
          %get3A_596 = tpu.vector_load %arg12[%get3A_594, %get3A_595] {strides = array<i32>} : memref<128x128xf32, #tpu.memory_space<vmem>>, vector<16xf32>,
          %mul3A_597 = arith.mulf %get3A_596, %gather3A_471 : vector<16xf32>
          %add3A_598 = arith.constant 1 : i32
          %add3A_599 = arith.addi %mul3A_460, %add3A_598 : i32
          %swap3A_600 = arith.index_cast %add3A_599 : i32 to index
          %swap3A_601 = arith.constant 96 : index
          %swap3A_602 = tpu.vector_load %arg12[%swap3A_600, %swap3A_601] {strides = array<i32>} : memref<128x128xf32, #tpu.memory_space<vmem>>, vector<16xf32>,
          tpu.vector_store %arg12[%swap3A_600, %swap3A_601], %mul3A_597 {strides = array<i32>} : memref<128x128xf32, #tpu.memory_space<vmem>>, vector<16xf32>,
          %add3A_603 = arith.constant 1 : i32
          %add3A_604 = arith.addi %mul3A_460, %add3A_603 : i32
          %get3A_605 = arith.index_cast %add3A_604 : i32 to index
          %get3A_606 = arith.constant 112 : index
          %get3A_607 = tpu.vector_load %arg12[%get3A_605, %get3A_606] {strides = array<i32>} : memref<128x128xf32, #tpu.memory_space<vmem>>, vector<16xf32>,
          %mul3A_608 = arith.mulf %get3A_607, %gather3A_471 : vector<16xf32>
          %add3A_609 = arith.constant 1 : i32
          %add3A_610 = arith.addi %mul3A_460, %add3A_609 : i32
          %swap3A_611 = arith.index_cast %add3A_610 : i32 to index
          %swap3A_612 = arith.constant 112 : index
          %swap3A_613 = tpu.vector_load %arg12[%swap3A_611, %swap3A_612] {strides = array<i32>} : memref<128x128xf32, #tpu.memory_space<vmem>>, vector<16xf32>,
          tpu.vector_store %arg12[%swap3A_611, %swap3A_612], %mul3A_608 {strides = array<i32>} : memref<128x128xf32, #tpu.memory_space<vmem>>, vector<16xf32>,
          %scan3A_614 = arith.constant 0 : i32
          scf.yield %scan3A_614 : i32
        }
        %scan3A_454 = arith.constant 64 : i32
        %dma_start3A = arith.constant 0 : i32
        %dma_start3A_455 = arith.constant 0 : i32
        %dma_start3A_456 = tpu.memref_slice %arg27[%dma_start3A, %dma_start3A_455] : memref<2560x128xf32, #tpu.memory_space<vmem_shared>> -> memref<2560x128xf32, #tpu.memory_space<vmem_shared>>
        tpu.enqueue_indirect_dma source(%arg12 : memref<128x128xf32, #tpu.memory_space<vmem>>) target(%dma_start3A_456 : memref<2560x128xf32, #tpu.memory_space<vmem_shared>>) offsets(%arg18 : memref<128xi32, #tpu.memory_space<vmem>>) semaphore(%arg22 : memref<!tpu.dma_semaphore, #tpu.memory_space<semaphore_mem>>) {add = true}
      } else {
      }
      %while3A_439 = arith.constant 0 : i32
      scf.yield %while3A_439 : i32
    }
    %jit3A_163 = arith.constant 2 : i32
    %eq3A_164 = arith.constant 0 : i32
    %eq3A_165 = arith.cmpi eq, %jit3A_163, %eq3A_164 : i32
    %jit3A_166 = arith.constant 1 : i32
    %select_n3A_167 = arith.select %eq3A_165, %jit3A_166, %jit3A_163 : i32
    %rem3A_168 = arith.remsi %sub3A_147, %select_n3A_167 : i32
    %ne3A_169 = arith.constant 0 : i32
    %ne3A_170 = arith.cmpi ne, %rem3A_168, %ne3A_169 : i32
    %lt3A = arith.constant 0 : i32
    %lt3A_171 = arith.cmpi slt, %rem3A_168, %lt3A : i32
    %lt3A_172 = arith.constant 0 : i32
    %lt3A_173 = arith.cmpi slt, %select_n3A_167, %lt3A_172 : i32
    %ne3A_174 = arith.xori %lt3A_171, %lt3A_173 : i1
    %and3A_175 = arith.andi %ne3A_174, %ne3A_170 : i1
    %add3A_176 = arith.addi %rem3A_168, %select_n3A_167 : i32
    %select_n3A_177 = arith.select %and3A_175, %add3A_176, %rem3A_168 : i32
    %ge3A = arith.constant 1 : i32
    %ge3A_178 = arith.cmpi sge, %select_n3A, %ge3A : i32
    %eq3A_179 = arith.constant 0 : i32
    %eq3A_180 = arith.cmpi eq, %select_n3A_177, %eq3A_179 : i32
    %and3A_181 = arith.andi %ge3A_178, %eq3A_180 : i1
    %convert_element_type3A_182 = arith.extui %and3A_181 : i1 to i32
    %cond3A_183 = arith.constant 0 : i32
    %cond3A_184 = arith.cmpi ne, %convert_element_type3A_182, %cond3A_183 : i32
    scf.if %cond3A_184 {
      %dma_wait3A = arith.constant 0 : i32
      %dma_wait3A_395 = arith.constant 0 : i32
      %dma_wait3A_396 = tpu.memref_slice %arg27[%dma_wait3A, %dma_wait3A_395] : memref<2560x128xf32, #tpu.memory_space<vmem_shared>> -> memref<2560x128xf32, #tpu.memory_space<vmem_shared>>
      tpu.wait_indirect_dma semaphore(%arg21 : memref<!tpu.dma_semaphore, #tpu.memory_space<semaphore_mem>>) src(%arg11 : memref<128x128xf32, #tpu.memory_space<vmem>>) dst(%dma_wait3A_396 : memref<2560x128xf32, #tpu.memory_space<vmem_shared>>)
    } else {
    }
    %ge3A_185 = arith.constant 1 : i32
    %ge3A_186 = arith.cmpi sge, %select_n3A, %ge3A_185 : i32
    %eq3A_187 = arith.constant 1 : i32
    %eq3A_188 = arith.cmpi eq, %select_n3A_177, %eq3A_187 : i32
    %and3A_189 = arith.andi %ge3A_186, %eq3A_188 : i1
    %convert_element_type3A_190 = arith.extui %and3A_189 : i1 to i32
    %cond3A_191 = arith.constant 0 : i32
    %cond3A_192 = arith.cmpi ne, %convert_element_type3A_190, %cond3A_191 : i32
    scf.if %cond3A_192 {
      %dma_wait3A = arith.constant 0 : i32
      %dma_wait3A_395 = arith.constant 0 : i32
      %dma_wait3A_396 = tpu.memref_slice %arg27[%dma_wait3A, %dma_wait3A_395] : memref<2560x128xf32, #tpu.memory_space<vmem_shared>> -> memref<2560x128xf32, #tpu.memory_space<vmem_shared>>
      tpu.wait_indirect_dma semaphore(%arg22 : memref<!tpu.dma_semaphore, #tpu.memory_space<semaphore_mem>>) src(%arg12 : memref<128x128xf32, #tpu.memory_space<vmem>>) dst(%dma_wait3A_396 : memref<2560x128xf32, #tpu.memory_space<vmem_shared>>)
    } else {
    }
    %ge3A_193 = arith.constant 2 : i32
    %ge3A_194 = arith.cmpi sge, %select_n3A, %ge3A_193 : i32
    %eq3A_195 = arith.constant 0 : i32
    %eq3A_196 = arith.cmpi eq, %select_n3A_177, %eq3A_195 : i32
    %and3A_197 = arith.andi %ge3A_194, %eq3A_196 : i1
    %convert_element_type3A_198 = arith.extui %and3A_197 : i1 to i32
    %cond3A_199 = arith.constant 0 : i32
    %cond3A_200 = arith.cmpi ne, %convert_element_type3A_198, %cond3A_199 : i32
    scf.if %cond3A_200 {
      %dma_wait3A = arith.constant 0 : i32
      %dma_wait3A_395 = arith.constant 0 : i32
      %dma_wait3A_396 = tpu.memref_slice %arg27[%dma_wait3A, %dma_wait3A_395] : memref<2560x128xf32, #tpu.memory_space<vmem_shared>> -> memref<2560x128xf32, #tpu.memory_space<vmem_shared>>
      tpu.wait_indirect_dma semaphore(%arg22 : memref<!tpu.dma_semaphore, #tpu.memory_space<semaphore_mem>>) src(%arg12 : memref<128x128xf32, #tpu.memory_space<vmem>>) dst(%dma_wait3A_396 : memref<2560x128xf32, #tpu.memory_space<vmem_shared>>)
    } else {
    }
    %ge3A_201 = arith.constant 2 : i32
    %ge3A_202 = arith.cmpi sge, %select_n3A, %ge3A_201 : i32
    %eq3A_203 = arith.constant 1 : i32
    %eq3A_204 = arith.cmpi eq, %select_n3A_177, %eq3A_203 : i32
    %and3A_205 = arith.andi %ge3A_202, %eq3A_204 : i1
    %convert_element_type3A_206 = arith.extui %and3A_205 : i1 to i32
    %cond3A_207 = arith.constant 0 : i32
    %cond3A_208 = arith.cmpi ne, %convert_element_type3A_206, %cond3A_207 : i32
    scf.if %cond3A_208 {
      %dma_wait3A = arith.constant 0 : i32
      %dma_wait3A_395 = arith.constant 0 : i32
      %dma_wait3A_396 = tpu.memref_slice %arg27[%dma_wait3A, %dma_wait3A_395] : memref<2560x128xf32, #tpu.memory_space<vmem_shared>> -> memref<2560x128xf32, #tpu.memory_space<vmem_shared>>
      tpu.wait_indirect_dma semaphore(%arg21 : memref<!tpu.dma_semaphore, #tpu.memory_space<semaphore_mem>>) src(%arg11 : memref<128x128xf32, #tpu.memory_space<vmem>>) dst(%dma_wait3A_396 : memref<2560x128xf32, #tpu.memory_space<vmem_shared>>)
    } else {
    }
    %barrier3A_209 = arith.constant 0 : index
    tpu.barrier barrier_id(%barrier3A_209)
    %add3A_210 = arith.addi %add3A_45, %mul3A_47 : i32
    "tpu.region"() ({
      %run_scoped3A = tpu.sem_alloc : memref<!tpu.dma_semaphore, #tpu.memory_space<semaphore_mem>>
      %dma_start3A = arith.constant 0 : i32
      %dma_start3A_395 = tpu.memref_slice %arg5[%add3A_210, %dma_start3A] : memref<10240x128xf32, #tpu.memory_space<hbm>> -> memref<160x128xf32, #tpu.memory_space<hbm>>
      %dma_start3A_396 = arith.constant 0 : i32
      %dma_start3A_397 = tpu.memref_slice %arg27[%mul3A_47, %dma_start3A_396] : memref<2560x128xf32, #tpu.memory_space<vmem_shared>> -> memref<160x128xf32, #tpu.memory_space<vmem_shared>>
      tpu.enqueue_dma source(%dma_start3A_397 : memref<160x128xf32, #tpu.memory_space<vmem_shared>>) target(%dma_start3A_395 : memref<160x128xf32, #tpu.memory_space<hbm>>) target_semaphore(%run_scoped3A : memref<!tpu.dma_semaphore, #tpu.memory_space<semaphore_mem>>)
      %dma_wait3A = arith.constant 0 : i32
      %dma_wait3A_398 = tpu.memref_slice %arg5[%add3A_210, %dma_wait3A] : memref<10240x128xf32, #tpu.memory_space<hbm>> -> memref<160x128xf32, #tpu.memory_space<hbm>>
      %dma_wait3A_399 = arith.constant 0 : i32
      %dma_wait3A_400 = tpu.memref_slice %arg27[%mul3A_47, %dma_wait3A_399] : memref<2560x128xf32, #tpu.memory_space<vmem_shared>> -> memref<160x128xf32, #tpu.memory_space<vmem_shared>>
      tpu.wait_dma2 semaphore(%run_scoped3A : memref<!tpu.dma_semaphore, #tpu.memory_space<semaphore_mem>>) src(%dma_wait3A_400 : memref<160x128xf32, #tpu.memory_space<vmem_shared>>) dst(%dma_wait3A_398 : memref<160x128xf32, #tpu.memory_space<hbm>>)
      tpu.yield
    }) : () -> ()
    %barrier3A_211 = arith.constant 0 : index
    tpu.barrier barrier_id(%barrier3A_211)
    %mul3A_212 = arith.constant 5120 : i32
    %mul3A_213 = arith.muli %arg0, %mul3A_212 : i32
    %add3A_214 = arith.constant 2560 : i32
    %add3A_215 = arith.addi %mul3A_213, %add3A_214 : i32
    %mul3A_216 = arith.constant 160 : i32
    %mul3A_217 = arith.muli %arg1, %mul3A_216 : i32
    %scan3A_218 = arith.constant 0 : i32
    %scan3A_219 = arith.constant 0 : i32
    %scan3A_220 = arith.constant 128 : i32
    %scan3A_221 = arith.addi %scan3A_219, %scan3A_220 : i32
    %scan3A_222 = arith.constant 1 : i32
    %scan3A_223 = scf.for %scan3A_395 = %scan3A_219 to %scan3A_221 step %scan3A_222 iter_args(%scan3A_396 = %scan3A_218) -> (i32)  : i32 {
      %broadcast_in_dim3A_397 = arith.constant 0.000000e+00 : f32
      %broadcast_in_dim3A_398 = vector.broadcast %broadcast_in_dim3A_397 : f32 to vector<16xf32>
      %swap3A = arith.index_cast %scan3A_395 : i32 to index
      %swap3A_399 = arith.constant 0 : index
      %swap3A_400 = tpu.vector_load %arg11[%swap3A, %swap3A_399] {strides = array<i32>} : memref<128x128xf32, #tpu.memory_space<vmem>>, vector<16xf32>,
      tpu.vector_store %arg11[%swap3A, %swap3A_399], %broadcast_in_dim3A_398 {strides = array<i32>} : memref<128x128xf32, #tpu.memory_space<vmem>>, vector<16xf32>,
      %broadcast_in_dim3A_401 = arith.constant 0.000000e+00 : f32
      %broadcast_in_dim3A_402 = vector.broadcast %broadcast_in_dim3A_401 : f32 to vector<16xf32>
      %swap3A_403 = arith.index_cast %scan3A_395 : i32 to index
      %swap3A_404 = arith.constant 16 : index
      %swap3A_405 = tpu.vector_load %arg11[%swap3A_403, %swap3A_404] {strides = array<i32>} : memref<128x128xf32, #tpu.memory_space<vmem>>, vector<16xf32>,
      tpu.vector_store %arg11[%swap3A_403, %swap3A_404], %broadcast_in_dim3A_402 {strides = array<i32>} : memref<128x128xf32, #tpu.memory_space<vmem>>, vector<16xf32>,
      %broadcast_in_dim3A_406 = arith.constant 0.000000e+00 : f32
      %broadcast_in_dim3A_407 = vector.broadcast %broadcast_in_dim3A_406 : f32 to vector<16xf32>
      %swap3A_408 = arith.index_cast %scan3A_395 : i32 to index
      %swap3A_409 = arith.constant 32 : index
      %swap3A_410 = tpu.vector_load %arg11[%swap3A_408, %swap3A_409] {strides = array<i32>} : memref<128x128xf32, #tpu.memory_space<vmem>>, vector<16xf32>,
      tpu.vector_store %arg11[%swap3A_408, %swap3A_409], %broadcast_in_dim3A_407 {strides = array<i32>} : memref<128x128xf32, #tpu.memory_space<vmem>>, vector<16xf32>,
      %broadcast_in_dim3A_411 = arith.constant 0.000000e+00 : f32
      %broadcast_in_dim3A_412 = vector.broadcast %broadcast_in_dim3A_411 : f32 to vector<16xf32>
      %swap3A_413 = arith.index_cast %scan3A_395 : i32 to index
      %swap3A_414 = arith.constant 48 : index
      %swap3A_415 = tpu.vector_load %arg11[%swap3A_413, %swap3A_414] {strides = array<i32>} : memref<128x128xf32, #tpu.memory_space<vmem>>, vector<16xf32>,
      tpu.vector_store %arg11[%swap3A_413, %swap3A_414], %broadcast_in_dim3A_412 {strides = array<i32>} : memref<128x128xf32, #tpu.memory_space<vmem>>, vector<16xf32>,
      %broadcast_in_dim3A_416 = arith.constant 0.000000e+00 : f32
      %broadcast_in_dim3A_417 = vector.broadcast %broadcast_in_dim3A_416 : f32 to vector<16xf32>
      %swap3A_418 = arith.index_cast %scan3A_395 : i32 to index
      %swap3A_419 = arith.constant 64 : index
      %swap3A_420 = tpu.vector_load %arg11[%swap3A_418, %swap3A_419] {strides = array<i32>} : memref<128x128xf32, #tpu.memory_space<vmem>>, vector<16xf32>,
      tpu.vector_store %arg11[%swap3A_418, %swap3A_419], %broadcast_in_dim3A_417 {strides = array<i32>} : memref<128x128xf32, #tpu.memory_space<vmem>>, vector<16xf32>,
      %broadcast_in_dim3A_421 = arith.constant 0.000000e+00 : f32
      %broadcast_in_dim3A_422 = vector.broadcast %broadcast_in_dim3A_421 : f32 to vector<16xf32>
      %swap3A_423 = arith.index_cast %scan3A_395 : i32 to index
      %swap3A_424 = arith.constant 80 : index
      %swap3A_425 = tpu.vector_load %arg11[%swap3A_423, %swap3A_424] {strides = array<i32>} : memref<128x128xf32, #tpu.memory_space<vmem>>, vector<16xf32>,
      tpu.vector_store %arg11[%swap3A_423, %swap3A_424], %broadcast_in_dim3A_422 {strides = array<i32>} : memref<128x128xf32, #tpu.memory_space<vmem>>, vector<16xf32>,
      %broadcast_in_dim3A_426 = arith.constant 0.000000e+00 : f32
      %broadcast_in_dim3A_427 = vector.broadcast %broadcast_in_dim3A_426 : f32 to vector<16xf32>
      %swap3A_428 = arith.index_cast %scan3A_395 : i32 to index
      %swap3A_429 = arith.constant 96 : index
      %swap3A_430 = tpu.vector_load %arg11[%swap3A_428, %swap3A_429] {strides = array<i32>} : memref<128x128xf32, #tpu.memory_space<vmem>>, vector<16xf32>,
      tpu.vector_store %arg11[%swap3A_428, %swap3A_429], %broadcast_in_dim3A_427 {strides = array<i32>} : memref<128x128xf32, #tpu.memory_space<vmem>>, vector<16xf32>,
      %broadcast_in_dim3A_431 = arith.constant 0.000000e+00 : f32
      %broadcast_in_dim3A_432 = vector.broadcast %broadcast_in_dim3A_431 : f32 to vector<16xf32>
      %swap3A_433 = arith.index_cast %scan3A_395 : i32 to index
      %swap3A_434 = arith.constant 112 : index
      %swap3A_435 = tpu.vector_load %arg11[%swap3A_433, %swap3A_434] {strides = array<i32>} : memref<128x128xf32, #tpu.memory_space<vmem>>, vector<16xf32>,
      tpu.vector_store %arg11[%swap3A_433, %swap3A_434], %broadcast_in_dim3A_432 {strides = array<i32>} : memref<128x128xf32, #tpu.memory_space<vmem>>, vector<16xf32>,
      %scan3A_436 = arith.constant 0 : i32
      scf.yield %scan3A_436 : i32
    }
    %scan3A_224 = arith.constant 128 : i32
    "tpu.region"() ({
      %run_scoped3A = tpu.sem_alloc : memref<!tpu.dma_semaphore, #tpu.memory_space<semaphore_mem>>
      %dma_start3A = arith.constant 0 : i32
      %dma_start3A_395 = tpu.memref_slice %arg27[%mul3A_217, %dma_start3A] : memref<2560x128xf32, #tpu.memory_space<vmem_shared>> -> memref<128x128xf32, #tpu.memory_space<vmem_shared>>
      %dma_start3A_396 = arith.constant 0 : i32
      %dma_start3A_397 = tpu.memref_slice %arg27[%mul3A_217, %dma_start3A_396] : memref<2560x128xf32, #tpu.memory_space<vmem_shared>> -> memref<128x128xf32, #tpu.memory_space<vmem_shared>>
      tpu.enqueue_dma source(%arg11 : memref<128x128xf32, #tpu.memory_space<vmem>>) target(%dma_start3A_397 : memref<128x128xf32, #tpu.memory_space<vmem_shared>>) target_semaphore(%run_scoped3A : memref<!tpu.dma_semaphore, #tpu.memory_space<semaphore_mem>>)
      %dma_wait3A = arith.constant 0 : i32
      %dma_wait3A_398 = tpu.memref_slice %arg27[%mul3A_217, %dma_wait3A] : memref<2560x128xf32, #tpu.memory_space<vmem_shared>> -> memref<128x128xf32, #tpu.memory_space<vmem_shared>>
      %dma_wait3A_399 = arith.constant 0 : i32
      %dma_wait3A_400 = tpu.memref_slice %arg27[%mul3A_217, %dma_wait3A_399] : memref<2560x128xf32, #tpu.memory_space<vmem_shared>> -> memref<128x128xf32, #tpu.memory_space<vmem_shared>>
      tpu.wait_dma2 semaphore(%run_scoped3A : memref<!tpu.dma_semaphore, #tpu.memory_space<semaphore_mem>>) src(%arg11 : memref<128x128xf32, #tpu.memory_space<vmem>>) dst(%dma_wait3A_400 : memref<128x128xf32, #tpu.memory_space<vmem_shared>>)
      tpu.yield
    }) : () -> ()
    %add3A_225 = arith.constant 128 : i32
    %add3A_226 = arith.addi %mul3A_217, %add3A_225 : i32
    "tpu.region"() ({
      %run_scoped3A = tpu.sem_alloc : memref<!tpu.dma_semaphore, #tpu.memory_space<semaphore_mem>>
      %dma_start3A = arith.constant 0 : i32
      %dma_start3A_395 = arith.constant 0 : i32
      %dma_start3A_396 = tpu.memref_slice %arg11[%dma_start3A, %dma_start3A_395] : memref<128x128xf32, #tpu.memory_space<vmem>> -> memref<32x128xf32, #tpu.memory_space<vmem>>
      %dma_start3A_397 = arith.constant 0 : i32
      %dma_start3A_398 = tpu.memref_slice %arg27[%add3A_226, %dma_start3A_397] : memref<2560x128xf32, #tpu.memory_space<vmem_shared>> -> memref<32x128xf32, #tpu.memory_space<vmem_shared>>
      %dma_start3A_399 = arith.constant 0 : i32
      %dma_start3A_400 = tpu.memref_slice %arg27[%add3A_226, %dma_start3A_399] : memref<2560x128xf32, #tpu.memory_space<vmem_shared>> -> memref<32x128xf32, #tpu.memory_space<vmem_shared>>
      %dma_start3A_401 = arith.constant 0 : i32
      %dma_start3A_402 = arith.constant 0 : i32
      %dma_start3A_403 = tpu.memref_slice %arg11[%dma_start3A_401, %dma_start3A_402] : memref<128x128xf32, #tpu.memory_space<vmem>> -> memref<32x128xf32, #tpu.memory_space<vmem>>
      tpu.enqueue_dma source(%dma_start3A_403 : memref<32x128xf32, #tpu.memory_space<vmem>>) target(%dma_start3A_400 : memref<32x128xf32, #tpu.memory_space<vmem_shared>>) target_semaphore(%run_scoped3A : memref<!tpu.dma_semaphore, #tpu.memory_space<semaphore_mem>>)
      %dma_wait3A = arith.constant 0 : i32
      %dma_wait3A_404 = arith.constant 0 : i32
      %dma_wait3A_405 = tpu.memref_slice %arg11[%dma_wait3A, %dma_wait3A_404] : memref<128x128xf32, #tpu.memory_space<vmem>> -> memref<32x128xf32, #tpu.memory_space<vmem>>
      %dma_wait3A_406 = arith.constant 0 : i32
      %dma_wait3A_407 = tpu.memref_slice %arg27[%add3A_226, %dma_wait3A_406] : memref<2560x128xf32, #tpu.memory_space<vmem_shared>> -> memref<32x128xf32, #tpu.memory_space<vmem_shared>>
      %dma_wait3A_408 = arith.constant 0 : i32
      %dma_wait3A_409 = tpu.memref_slice %arg27[%add3A_226, %dma_wait3A_408] : memref<2560x128xf32, #tpu.memory_space<vmem_shared>> -> memref<32x128xf32, #tpu.memory_space<vmem_shared>>
      %dma_wait3A_410 = arith.constant 0 : i32
      %dma_wait3A_411 = arith.constant 0 : i32
      %dma_wait3A_412 = tpu.memref_slice %arg11[%dma_wait3A_410, %dma_wait3A_411] : memref<128x128xf32, #tpu.memory_space<vmem>> -> memref<32x128xf32, #tpu.memory_space<vmem>>
      tpu.wait_dma2 semaphore(%run_scoped3A : memref<!tpu.dma_semaphore, #tpu.memory_space<semaphore_mem>>) src(%dma_wait3A_412 : memref<32x128xf32, #tpu.memory_space<vmem>>) dst(%dma_wait3A_409 : memref<32x128xf32, #tpu.memory_space<vmem_shared>>)
      tpu.yield
    }) : () -> ()
    %barrier3A_227 = arith.constant 0 : index
    tpu.barrier barrier_id(%barrier3A_227)
    %scan3A_228 = arith.constant 0 : i32
    %scan3A_229 = arith.constant 0 : i32
    %scan3A_230 = arith.constant 1280 : i32
    %scan3A_231 = arith.addi %scan3A_229, %scan3A_230 : i32
    %scan3A_232 = arith.constant 1 : i32
    %scan3A_233 = scf.for %scan3A_395 = %scan3A_229 to %scan3A_231 step %scan3A_232 iter_args(%scan3A_396 = %scan3A_228) -> (i32)  : i32 {
      %jit3A_397 = arith.constant 8 : i32
      %div3A_398 = arith.divsi %scan3A_395, %jit3A_397 : i32
      %sign3A_399 = arith.constant 0 : i32
      %sign3A_400 = arith.cmpi sgt, %scan3A_395, %sign3A_399 : i32
      %sign3A_401 = arith.extui %sign3A_400 : i1 to i32
      %sign3A_402 = arith.constant 0 : i32
      %sign3A_403 = arith.cmpi slt, %scan3A_395, %sign3A_402 : i32
      %sign3A_404 = arith.extui %sign3A_403 : i1 to i32
      %sign3A_405 = arith.subi %sign3A_401, %sign3A_404 : i32
      %sign3A_406 = arith.constant 0 : i32
      %sign3A_407 = arith.cmpi sgt, %jit3A_397, %sign3A_406 : i32
      %sign3A_408 = arith.extui %sign3A_407 : i1 to i32
      %sign3A_409 = arith.constant 0 : i32
      %sign3A_410 = arith.cmpi slt, %jit3A_397, %sign3A_409 : i32
      %sign3A_411 = arith.extui %sign3A_410 : i1 to i32
      %sign3A_412 = arith.subi %sign3A_408, %sign3A_411 : i32
      %ne3A_413 = arith.cmpi ne, %sign3A_405, %sign3A_412 : i32
      %rem3A_414 = arith.remsi %scan3A_395, %jit3A_397 : i32
      %ne3A_415 = arith.constant 0 : i32
      %ne3A_416 = arith.cmpi ne, %rem3A_414, %ne3A_415 : i32
      %and3A_417 = arith.andi %ne3A_413, %ne3A_416 : i1
      %sub3A_418 = arith.constant 1 : i32
      %sub3A_419 = arith.subi %div3A_398, %sub3A_418 : i32
      %select_n3A_420 = arith.select %and3A_417, %sub3A_419, %div3A_398 : i32
      %jit3A_421 = arith.constant 8 : i32
      %eq3A_422 = arith.constant 0 : i32
      %eq3A_423 = arith.cmpi eq, %jit3A_421, %eq3A_422 : i32
      %jit3A_424 = arith.constant 1 : i32
      %select_n3A_425 = arith.select %eq3A_423, %jit3A_424, %jit3A_421 : i32
      %rem3A_426 = arith.remsi %scan3A_395, %select_n3A_425 : i32
      %ne3A_427 = arith.constant 0 : i32
      %ne3A_428 = arith.cmpi ne, %rem3A_426, %ne3A_427 : i32
      %lt3A_429 = arith.constant 0 : i32
      %lt3A_430 = arith.cmpi slt, %rem3A_426, %lt3A_429 : i32
      %lt3A_431 = arith.constant 0 : i32
      %lt3A_432 = arith.cmpi slt, %select_n3A_425, %lt3A_431 : i32
      %ne3A_433 = arith.xori %lt3A_430, %lt3A_432 : i1
      %and3A_434 = arith.andi %ne3A_433, %ne3A_428 : i1
      %add3A_435 = arith.addi %rem3A_426, %select_n3A_425 : i32
      %select_n3A_436 = arith.select %and3A_434, %add3A_435, %rem3A_426 : i32
      %mul3A_437 = arith.constant 16 : i32
      %mul3A_438 = arith.muli %select_n3A_436, %mul3A_437 : i32
      %get3A = arith.index_cast %select_n3A_420 : i32 to index
      %get3A_439 = arith.index_cast %mul3A_438 : i32 to index
      %get3A_440 = tpu.vector_load %arg8[%get3A, %get3A_439] {strides = array<i32>} : memref<160x128xi32, #tpu.memory_space<vmem>>, vector<16xi32>,
      %and3A_441 = arith.constant 16383 : i32
      %and3A_442 = vector.broadcast %and3A_441 : i32 to vector<16xi32>
      %and3A_443 = arith.andi %get3A_440, %and3A_442 : vector<16xi32>
      %shift_right_logical3A = arith.constant 14 : i32
      %shift_right_logical3A_444 = vector.broadcast %shift_right_logical3A : i32 to vector<16xi32>
      %shift_right_logical3A_445 = arith.shrui %get3A_440, %shift_right_logical3A_444 : vector<16xi32>
      %mul3A_446 = arith.constant 16 : i32
      %mul3A_447 = arith.muli %select_n3A_436, %mul3A_446 : i32
      %get3A_448 = arith.index_cast %select_n3A_420 : i32 to index
      %get3A_449 = arith.index_cast %mul3A_447 : i32 to index
      %get3A_450 = tpu.vector_load %arg9[%get3A_448, %get3A_449] {strides = array<i32>} : memref<160x128xf32, #tpu.memory_space<vmem>>, vector<16xf32>,
      %broadcast_in_dim3A_451 = vector.broadcast %add3A_215 : i32 to vector<16xi32>
      %sub3A_452 = arith.subi %shift_right_logical3A_445, %broadcast_in_dim3A_451 : vector<16xi32>
      %ge3A_453 = arith.constant 0 : i32
      %ge3A_454 = vector.broadcast %ge3A_453 : i32 to vector<16xi32>
      %ge3A_455 = arith.cmpi sge, %sub3A_452, %ge3A_454 : vector<16xi32>
      %lt3A_456 = arith.constant 2560 : i32
      %lt3A_457 = vector.broadcast %lt3A_456 : i32 to vector<16xi32>
      %lt3A_458 = arith.cmpi slt, %sub3A_452, %lt3A_457 : vector<16xi32>
      %and3A_459 = arith.andi %ge3A_455, %lt3A_458 : vector<16xi1>
      %convert_element_type3A_460 = arith.extui %and3A_459 : vector<16xi1> to vector<16xi32>
      %broadcast_in_dim3A_461 = arith.constant true
      %broadcast_in_dim3A_462 = vector.broadcast %broadcast_in_dim3A_461 : i1 to vector<16xi1>
      %masked_cumsum3A = tpu.scan <sum>, %convert_element_type3A_460 masked %broadcast_in_dim3A_462 : vector<16xi32>, vector<16xi1> -> vector<16xi32>
      %sub3A_463 = arith.constant 1 : i32
      %sub3A_464 = arith.subi %scan3A_396, %sub3A_463 : i32
      %broadcast_in_dim3A_465 = vector.broadcast %sub3A_464 : i32 to vector<16xi32>
      %add3A_466 = arith.addi %masked_cumsum3A, %broadcast_in_dim3A_465 : vector<16xi32>
      %shift_left3A = arith.constant 14 : i32
      %shift_left3A_467 = vector.broadcast %shift_left3A : i32 to vector<16xi32>
      %shift_left3A_468 = arith.shli %sub3A_452, %shift_left3A_467 : vector<16xi32>
      %or3A = arith.ori %and3A_443, %shift_left3A_468 : vector<16xi32>
      tpu.vector_store_idx %arg13[%add3A_466], %or3A masked %and3A_459 : memref<6400xi32, #tpu.memory_space<vmem>>[vector<16xi32>], vector<16xi32>, vector<16xi1>
      tpu.vector_store_idx %arg14[%add3A_466], %get3A_450 masked %and3A_459 : memref<6400xf32, #tpu.memory_space<vmem>>[vector<16xi32>], vector<16xf32>, vector<16xi1>
      %reduce_sum3A = arith.constant true
      %reduce_sum3A_469 = vector.broadcast %reduce_sum3A : i1 to vector<16xi1>
      %reduce_sum3A_470 = tpu.scan <sum>, %convert_element_type3A_460 masked %reduce_sum3A_469 : vector<16xi32>, vector<16xi1> -> vector<16xi32>
      %reduce_sum3A_471 = vector.extract %reduce_sum3A_470[15] : i32 from vector<16xi32>
      %add3A_472 = arith.addi %scan3A_396, %reduce_sum3A_471 : i32
      scf.yield %add3A_472 : i32
    }
    %scan3A_234 = arith.constant 1280 : i32
    %add3A_235 = arith.constant 0 : i32
    %add3A_236 = arith.addi %scan3A_233, %add3A_235 : i32
    %broadcast_in_dim3A_237 = vector.broadcast %add3A_236 : i32 to vector<16xi32>
    %add3A_238 = arith.addi %broadcast_in_dim3A_237, %iota3A : vector<16xi32>
    %broadcast_in_dim3A_239 = arith.constant 0 : i32
    %broadcast_in_dim3A_240 = vector.broadcast %broadcast_in_dim3A_239 : i32 to vector<16xi32>
    tpu.vector_store_idx %arg13[%add3A_238], %broadcast_in_dim3A_240 : memref<6400xi32, #tpu.memory_space<vmem>>[vector<16xi32>], vector<16xi32>,
    %broadcast_in_dim3A_241 = arith.constant 0.000000e+00 : f32
    %broadcast_in_dim3A_242 = vector.broadcast %broadcast_in_dim3A_241 : f32 to vector<16xf32>
    tpu.vector_store_idx %arg14[%add3A_238], %broadcast_in_dim3A_242 : memref<6400xf32, #tpu.memory_space<vmem>>[vector<16xi32>], vector<16xf32>,
    %add3A_243 = arith.constant 16 : i32
    %add3A_244 = arith.addi %scan3A_233, %add3A_243 : i32
    %broadcast_in_dim3A_245 = vector.broadcast %add3A_244 : i32 to vector<16xi32>
    %add3A_246 = arith.addi %broadcast_in_dim3A_245, %iota3A : vector<16xi32>
    %broadcast_in_dim3A_247 = arith.constant 0 : i32
    %broadcast_in_dim3A_248 = vector.broadcast %broadcast_in_dim3A_247 : i32 to vector<16xi32>
    tpu.vector_store_idx %arg13[%add3A_246], %broadcast_in_dim3A_248 : memref<6400xi32, #tpu.memory_space<vmem>>[vector<16xi32>], vector<16xi32>,
    %broadcast_in_dim3A_249 = arith.constant 0.000000e+00 : f32
    %broadcast_in_dim3A_250 = vector.broadcast %broadcast_in_dim3A_249 : f32 to vector<16xf32>
    tpu.vector_store_idx %arg14[%add3A_246], %broadcast_in_dim3A_250 : memref<6400xf32, #tpu.memory_space<vmem>>[vector<16xi32>], vector<16xf32>,
    %add3A_251 = arith.constant 32 : i32
    %add3A_252 = arith.addi %scan3A_233, %add3A_251 : i32
    %broadcast_in_dim3A_253 = vector.broadcast %add3A_252 : i32 to vector<16xi32>
    %add3A_254 = arith.addi %broadcast_in_dim3A_253, %iota3A : vector<16xi32>
    %broadcast_in_dim3A_255 = arith.constant 0 : i32
    %broadcast_in_dim3A_256 = vector.broadcast %broadcast_in_dim3A_255 : i32 to vector<16xi32>
    tpu.vector_store_idx %arg13[%add3A_254], %broadcast_in_dim3A_256 : memref<6400xi32, #tpu.memory_space<vmem>>[vector<16xi32>], vector<16xi32>,
    %broadcast_in_dim3A_257 = arith.constant 0.000000e+00 : f32
    %broadcast_in_dim3A_258 = vector.broadcast %broadcast_in_dim3A_257 : f32 to vector<16xf32>
    tpu.vector_store_idx %arg14[%add3A_254], %broadcast_in_dim3A_258 : memref<6400xf32, #tpu.memory_space<vmem>>[vector<16xi32>], vector<16xf32>,
    %add3A_259 = arith.constant 48 : i32
    %add3A_260 = arith.addi %scan3A_233, %add3A_259 : i32
    %broadcast_in_dim3A_261 = vector.broadcast %add3A_260 : i32 to vector<16xi32>
    %add3A_262 = arith.addi %broadcast_in_dim3A_261, %iota3A : vector<16xi32>
    %broadcast_in_dim3A_263 = arith.constant 0 : i32
    %broadcast_in_dim3A_264 = vector.broadcast %broadcast_in_dim3A_263 : i32 to vector<16xi32>
    tpu.vector_store_idx %arg13[%add3A_262], %broadcast_in_dim3A_264 : memref<6400xi32, #tpu.memory_space<vmem>>[vector<16xi32>], vector<16xi32>,
    %broadcast_in_dim3A_265 = arith.constant 0.000000e+00 : f32
    %broadcast_in_dim3A_266 = vector.broadcast %broadcast_in_dim3A_265 : f32 to vector<16xf32>
    tpu.vector_store_idx %arg14[%add3A_262], %broadcast_in_dim3A_266 : memref<6400xf32, #tpu.memory_space<vmem>>[vector<16xi32>], vector<16xf32>,
    %add3A_267 = arith.constant 64 : i32
    %add3A_268 = arith.addi %scan3A_233, %add3A_267 : i32
    %broadcast_in_dim3A_269 = vector.broadcast %add3A_268 : i32 to vector<16xi32>
    %add3A_270 = arith.addi %broadcast_in_dim3A_269, %iota3A : vector<16xi32>
    %broadcast_in_dim3A_271 = arith.constant 0 : i32
    %broadcast_in_dim3A_272 = vector.broadcast %broadcast_in_dim3A_271 : i32 to vector<16xi32>
    tpu.vector_store_idx %arg13[%add3A_270], %broadcast_in_dim3A_272 : memref<6400xi32, #tpu.memory_space<vmem>>[vector<16xi32>], vector<16xi32>,
    %broadcast_in_dim3A_273 = arith.constant 0.000000e+00 : f32
    %broadcast_in_dim3A_274 = vector.broadcast %broadcast_in_dim3A_273 : f32 to vector<16xf32>
    tpu.vector_store_idx %arg14[%add3A_270], %broadcast_in_dim3A_274 : memref<6400xf32, #tpu.memory_space<vmem>>[vector<16xi32>], vector<16xf32>,
    %add3A_275 = arith.constant 80 : i32
    %add3A_276 = arith.addi %scan3A_233, %add3A_275 : i32
    %broadcast_in_dim3A_277 = vector.broadcast %add3A_276 : i32 to vector<16xi32>
    %add3A_278 = arith.addi %broadcast_in_dim3A_277, %iota3A : vector<16xi32>
    %broadcast_in_dim3A_279 = arith.constant 0 : i32
    %broadcast_in_dim3A_280 = vector.broadcast %broadcast_in_dim3A_279 : i32 to vector<16xi32>
    tpu.vector_store_idx %arg13[%add3A_278], %broadcast_in_dim3A_280 : memref<6400xi32, #tpu.memory_space<vmem>>[vector<16xi32>], vector<16xi32>,
    %broadcast_in_dim3A_281 = arith.constant 0.000000e+00 : f32
    %broadcast_in_dim3A_282 = vector.broadcast %broadcast_in_dim3A_281 : f32 to vector<16xf32>
    tpu.vector_store_idx %arg14[%add3A_278], %broadcast_in_dim3A_282 : memref<6400xf32, #tpu.memory_space<vmem>>[vector<16xi32>], vector<16xf32>,
    %add3A_283 = arith.constant 96 : i32
    %add3A_284 = arith.addi %scan3A_233, %add3A_283 : i32
    %broadcast_in_dim3A_285 = vector.broadcast %add3A_284 : i32 to vector<16xi32>
    %add3A_286 = arith.addi %broadcast_in_dim3A_285, %iota3A : vector<16xi32>
    %broadcast_in_dim3A_287 = arith.constant 0 : i32
    %broadcast_in_dim3A_288 = vector.broadcast %broadcast_in_dim3A_287 : i32 to vector<16xi32>
    tpu.vector_store_idx %arg13[%add3A_286], %broadcast_in_dim3A_288 : memref<6400xi32, #tpu.memory_space<vmem>>[vector<16xi32>], vector<16xi32>,
    %broadcast_in_dim3A_289 = arith.constant 0.000000e+00 : f32
    %broadcast_in_dim3A_290 = vector.broadcast %broadcast_in_dim3A_289 : f32 to vector<16xf32>
    tpu.vector_store_idx %arg14[%add3A_286], %broadcast_in_dim3A_290 : memref<6400xf32, #tpu.memory_space<vmem>>[vector<16xi32>], vector<16xf32>,
    %add3A_291 = arith.constant 112 : i32
    %add3A_292 = arith.addi %scan3A_233, %add3A_291 : i32
    %broadcast_in_dim3A_293 = vector.broadcast %add3A_292 : i32 to vector<16xi32>
    %add3A_294 = arith.addi %broadcast_in_dim3A_293, %iota3A : vector<16xi32>
    %broadcast_in_dim3A_295 = arith.constant 0 : i32
    %broadcast_in_dim3A_296 = vector.broadcast %broadcast_in_dim3A_295 : i32 to vector<16xi32>
    tpu.vector_store_idx %arg13[%add3A_294], %broadcast_in_dim3A_296 : memref<6400xi32, #tpu.memory_space<vmem>>[vector<16xi32>], vector<16xi32>,
    %broadcast_in_dim3A_297 = arith.constant 0.000000e+00 : f32
    %broadcast_in_dim3A_298 = vector.broadcast %broadcast_in_dim3A_297 : f32 to vector<16xf32>
    tpu.vector_store_idx %arg14[%add3A_294], %broadcast_in_dim3A_298 : memref<6400xf32, #tpu.memory_space<vmem>>[vector<16xi32>], vector<16xf32>,
    %add3A_299 = arith.constant 127 : i32
    %add3A_300 = arith.addi %scan3A_233, %add3A_299 : i32
    %jit3A_301 = arith.constant 128 : i32
    %div3A_302 = arith.divsi %add3A_300, %jit3A_301 : i32
    %sign3A_303 = arith.constant 0 : i32
    %sign3A_304 = arith.cmpi sgt, %add3A_300, %sign3A_303 : i32
    %sign3A_305 = arith.extui %sign3A_304 : i1 to i32
    %sign3A_306 = arith.constant 0 : i32
    %sign3A_307 = arith.cmpi slt, %add3A_300, %sign3A_306 : i32
    %sign3A_308 = arith.extui %sign3A_307 : i1 to i32
    %sign3A_309 = arith.subi %sign3A_305, %sign3A_308 : i32
    %sign3A_310 = arith.constant 0 : i32
    %sign3A_311 = arith.cmpi sgt, %jit3A_301, %sign3A_310 : i32
    %sign3A_312 = arith.extui %sign3A_311 : i1 to i32
    %sign3A_313 = arith.constant 0 : i32
    %sign3A_314 = arith.cmpi slt, %jit3A_301, %sign3A_313 : i32
    %sign3A_315 = arith.extui %sign3A_314 : i1 to i32
    %sign3A_316 = arith.subi %sign3A_312, %sign3A_315 : i32
    %ne3A_317 = arith.cmpi ne, %sign3A_309, %sign3A_316 : i32
    %rem3A_318 = arith.remsi %add3A_300, %jit3A_301 : i32
    %ne3A_319 = arith.constant 0 : i32
    %ne3A_320 = arith.cmpi ne, %rem3A_318, %ne3A_319 : i32
    %and3A_321 = arith.andi %ne3A_317, %ne3A_320 : i1
    %sub3A_322 = arith.constant 1 : i32
    %sub3A_323 = arith.subi %div3A_302, %sub3A_322 : i32
    %select_n3A_324 = arith.select %and3A_321, %sub3A_323, %div3A_302 : i32
    %sub3A_325 = arith.constant 1 : i32
    %sub3A_326 = arith.subi %select_n3A_324, %sub3A_325 : i32
    %gt3A_327 = arith.constant 0 : i32
    %gt3A_328 = arith.cmpi sgt, %select_n3A_324, %gt3A_327 : i32
    %convert_element_type3A_329 = arith.extui %gt3A_328 : i1 to i32
    %cond3A_330 = arith.constant 0 : i32
    %cond3A_331 = arith.cmpi ne, %convert_element_type3A_329, %cond3A_330 : i32
    scf.if %cond3A_331 {
      %get3A = arith.constant 0 : index
      %get3A_395 = tpu.vector_load %arg13[%get3A] {strides = array<i32>} : memref<6400xi32, #tpu.memory_space<vmem>>, vector<16xi32>,
      %and3A_396 = arith.constant 16383 : i32
      %and3A_397 = vector.broadcast %and3A_396 : i32 to vector<16xi32>
      %and3A_398 = arith.andi %get3A_395, %and3A_397 : vector<16xi32>
      %swap3A = arith.constant 0 : index
      %swap3A_399 = tpu.vector_load %arg15[%swap3A] {strides = array<i32>} : memref<128xi32, #tpu.memory_space<vmem>>, vector<16xi32>,
      tpu.vector_store %arg15[%swap3A], %and3A_398 {strides = array<i32>} : memref<128xi32, #tpu.memory_space<vmem>>, vector<16xi32>,
      %shift_right_logical3A = arith.constant 14 : i32
      %shift_right_logical3A_400 = vector.broadcast %shift_right_logical3A : i32 to vector<16xi32>
      %shift_right_logical3A_401 = arith.shrui %get3A_395, %shift_right_logical3A_400 : vector<16xi32>
      %swap3A_402 = arith.constant 0 : index
      %swap3A_403 = tpu.vector_load %arg16[%swap3A_402] {strides = array<i32>} : memref<128xi32, #tpu.memory_space<vmem>>, vector<16xi32>,
      tpu.vector_store %arg16[%swap3A_402], %shift_right_logical3A_401 {strides = array<i32>} : memref<128xi32, #tpu.memory_space<vmem>>, vector<16xi32>,
      %get3A_404 = arith.constant 16 : index
      %get3A_405 = tpu.vector_load %arg13[%get3A_404] {strides = array<i32>} : memref<6400xi32, #tpu.memory_space<vmem>>, vector<16xi32>,
      %and3A_406 = arith.constant 16383 : i32
      %and3A_407 = vector.broadcast %and3A_406 : i32 to vector<16xi32>
      %and3A_408 = arith.andi %get3A_405, %and3A_407 : vector<16xi32>
      %swap3A_409 = arith.constant 16 : index
      %swap3A_410 = tpu.vector_load %arg15[%swap3A_409] {strides = array<i32>} : memref<128xi32, #tpu.memory_space<vmem>>, vector<16xi32>,
      tpu.vector_store %arg15[%swap3A_409], %and3A_408 {strides = array<i32>} : memref<128xi32, #tpu.memory_space<vmem>>, vector<16xi32>,
      %shift_right_logical3A_411 = arith.constant 14 : i32
      %shift_right_logical3A_412 = vector.broadcast %shift_right_logical3A_411 : i32 to vector<16xi32>
      %shift_right_logical3A_413 = arith.shrui %get3A_405, %shift_right_logical3A_412 : vector<16xi32>
      %swap3A_414 = arith.constant 16 : index
      %swap3A_415 = tpu.vector_load %arg16[%swap3A_414] {strides = array<i32>} : memref<128xi32, #tpu.memory_space<vmem>>, vector<16xi32>,
      tpu.vector_store %arg16[%swap3A_414], %shift_right_logical3A_413 {strides = array<i32>} : memref<128xi32, #tpu.memory_space<vmem>>, vector<16xi32>,
      %get3A_416 = arith.constant 32 : index
      %get3A_417 = tpu.vector_load %arg13[%get3A_416] {strides = array<i32>} : memref<6400xi32, #tpu.memory_space<vmem>>, vector<16xi32>,
      %and3A_418 = arith.constant 16383 : i32
      %and3A_419 = vector.broadcast %and3A_418 : i32 to vector<16xi32>
      %and3A_420 = arith.andi %get3A_417, %and3A_419 : vector<16xi32>
      %swap3A_421 = arith.constant 32 : index
      %swap3A_422 = tpu.vector_load %arg15[%swap3A_421] {strides = array<i32>} : memref<128xi32, #tpu.memory_space<vmem>>, vector<16xi32>,
      tpu.vector_store %arg15[%swap3A_421], %and3A_420 {strides = array<i32>} : memref<128xi32, #tpu.memory_space<vmem>>, vector<16xi32>,
      %shift_right_logical3A_423 = arith.constant 14 : i32
      %shift_right_logical3A_424 = vector.broadcast %shift_right_logical3A_423 : i32 to vector<16xi32>
      %shift_right_logical3A_425 = arith.shrui %get3A_417, %shift_right_logical3A_424 : vector<16xi32>
      %swap3A_426 = arith.constant 32 : index
      %swap3A_427 = tpu.vector_load %arg16[%swap3A_426] {strides = array<i32>} : memref<128xi32, #tpu.memory_space<vmem>>, vector<16xi32>,
      tpu.vector_store %arg16[%swap3A_426], %shift_right_logical3A_425 {strides = array<i32>} : memref<128xi32, #tpu.memory_space<vmem>>, vector<16xi32>,
      %get3A_428 = arith.constant 48 : index
      %get3A_429 = tpu.vector_load %arg13[%get3A_428] {strides = array<i32>} : memref<6400xi32, #tpu.memory_space<vmem>>, vector<16xi32>,
      %and3A_430 = arith.constant 16383 : i32
      %and3A_431 = vector.broadcast %and3A_430 : i32 to vector<16xi32>
      %and3A_432 = arith.andi %get3A_429, %and3A_431 : vector<16xi32>
      %swap3A_433 = arith.constant 48 : index
      %swap3A_434 = tpu.vector_load %arg15[%swap3A_433] {strides = array<i32>} : memref<128xi32, #tpu.memory_space<vmem>>, vector<16xi32>,
      tpu.vector_store %arg15[%swap3A_433], %and3A_432 {strides = array<i32>} : memref<128xi32, #tpu.memory_space<vmem>>, vector<16xi32>,
      %shift_right_logical3A_435 = arith.constant 14 : i32
      %shift_right_logical3A_436 = vector.broadcast %shift_right_logical3A_435 : i32 to vector<16xi32>
      %shift_right_logical3A_437 = arith.shrui %get3A_429, %shift_right_logical3A_436 : vector<16xi32>
      %swap3A_438 = arith.constant 48 : index
      %swap3A_439 = tpu.vector_load %arg16[%swap3A_438] {strides = array<i32>} : memref<128xi32, #tpu.memory_space<vmem>>, vector<16xi32>,
      tpu.vector_store %arg16[%swap3A_438], %shift_right_logical3A_437 {strides = array<i32>} : memref<128xi32, #tpu.memory_space<vmem>>, vector<16xi32>,
      %get3A_440 = arith.constant 64 : index
      %get3A_441 = tpu.vector_load %arg13[%get3A_440] {strides = array<i32>} : memref<6400xi32, #tpu.memory_space<vmem>>, vector<16xi32>,
      %and3A_442 = arith.constant 16383 : i32
      %and3A_443 = vector.broadcast %and3A_442 : i32 to vector<16xi32>
      %and3A_444 = arith.andi %get3A_441, %and3A_443 : vector<16xi32>
      %swap3A_445 = arith.constant 64 : index
      %swap3A_446 = tpu.vector_load %arg15[%swap3A_445] {strides = array<i32>} : memref<128xi32, #tpu.memory_space<vmem>>, vector<16xi32>,
      tpu.vector_store %arg15[%swap3A_445], %and3A_444 {strides = array<i32>} : memref<128xi32, #tpu.memory_space<vmem>>, vector<16xi32>,
      %shift_right_logical3A_447 = arith.constant 14 : i32
      %shift_right_logical3A_448 = vector.broadcast %shift_right_logical3A_447 : i32 to vector<16xi32>
      %shift_right_logical3A_449 = arith.shrui %get3A_441, %shift_right_logical3A_448 : vector<16xi32>
      %swap3A_450 = arith.constant 64 : index
      %swap3A_451 = tpu.vector_load %arg16[%swap3A_450] {strides = array<i32>} : memref<128xi32, #tpu.memory_space<vmem>>, vector<16xi32>,
      tpu.vector_store %arg16[%swap3A_450], %shift_right_logical3A_449 {strides = array<i32>} : memref<128xi32, #tpu.memory_space<vmem>>, vector<16xi32>,
      %get3A_452 = arith.constant 80 : index
      %get3A_453 = tpu.vector_load %arg13[%get3A_452] {strides = array<i32>} : memref<6400xi32, #tpu.memory_space<vmem>>, vector<16xi32>,
      %and3A_454 = arith.constant 16383 : i32
      %and3A_455 = vector.broadcast %and3A_454 : i32 to vector<16xi32>
      %and3A_456 = arith.andi %get3A_453, %and3A_455 : vector<16xi32>
      %swap3A_457 = arith.constant 80 : index
      %swap3A_458 = tpu.vector_load %arg15[%swap3A_457] {strides = array<i32>} : memref<128xi32, #tpu.memory_space<vmem>>, vector<16xi32>,
      tpu.vector_store %arg15[%swap3A_457], %and3A_456 {strides = array<i32>} : memref<128xi32, #tpu.memory_space<vmem>>, vector<16xi32>,
      %shift_right_logical3A_459 = arith.constant 14 : i32
      %shift_right_logical3A_460 = vector.broadcast %shift_right_logical3A_459 : i32 to vector<16xi32>
      %shift_right_logical3A_461 = arith.shrui %get3A_453, %shift_right_logical3A_460 : vector<16xi32>
      %swap3A_462 = arith.constant 80 : index
      %swap3A_463 = tpu.vector_load %arg16[%swap3A_462] {strides = array<i32>} : memref<128xi32, #tpu.memory_space<vmem>>, vector<16xi32>,
      tpu.vector_store %arg16[%swap3A_462], %shift_right_logical3A_461 {strides = array<i32>} : memref<128xi32, #tpu.memory_space<vmem>>, vector<16xi32>,
      %get3A_464 = arith.constant 96 : index
      %get3A_465 = tpu.vector_load %arg13[%get3A_464] {strides = array<i32>} : memref<6400xi32, #tpu.memory_space<vmem>>, vector<16xi32>,
      %and3A_466 = arith.constant 16383 : i32
      %and3A_467 = vector.broadcast %and3A_466 : i32 to vector<16xi32>
      %and3A_468 = arith.andi %get3A_465, %and3A_467 : vector<16xi32>
      %swap3A_469 = arith.constant 96 : index
      %swap3A_470 = tpu.vector_load %arg15[%swap3A_469] {strides = array<i32>} : memref<128xi32, #tpu.memory_space<vmem>>, vector<16xi32>,
      tpu.vector_store %arg15[%swap3A_469], %and3A_468 {strides = array<i32>} : memref<128xi32, #tpu.memory_space<vmem>>, vector<16xi32>,
      %shift_right_logical3A_471 = arith.constant 14 : i32
      %shift_right_logical3A_472 = vector.broadcast %shift_right_logical3A_471 : i32 to vector<16xi32>
      %shift_right_logical3A_473 = arith.shrui %get3A_465, %shift_right_logical3A_472 : vector<16xi32>
      %swap3A_474 = arith.constant 96 : index
      %swap3A_475 = tpu.vector_load %arg16[%swap3A_474] {strides = array<i32>} : memref<128xi32, #tpu.memory_space<vmem>>, vector<16xi32>,
      tpu.vector_store %arg16[%swap3A_474], %shift_right_logical3A_473 {strides = array<i32>} : memref<128xi32, #tpu.memory_space<vmem>>, vector<16xi32>,
      %get3A_476 = arith.constant 112 : index
      %get3A_477 = tpu.vector_load %arg13[%get3A_476] {strides = array<i32>} : memref<6400xi32, #tpu.memory_space<vmem>>, vector<16xi32>,
      %and3A_478 = arith.constant 16383 : i32
      %and3A_479 = vector.broadcast %and3A_478 : i32 to vector<16xi32>
      %and3A_480 = arith.andi %get3A_477, %and3A_479 : vector<16xi32>
      %swap3A_481 = arith.constant 112 : index
      %swap3A_482 = tpu.vector_load %arg15[%swap3A_481] {strides = array<i32>} : memref<128xi32, #tpu.memory_space<vmem>>, vector<16xi32>,
      tpu.vector_store %arg15[%swap3A_481], %and3A_480 {strides = array<i32>} : memref<128xi32, #tpu.memory_space<vmem>>, vector<16xi32>,
      %shift_right_logical3A_483 = arith.constant 14 : i32
      %shift_right_logical3A_484 = vector.broadcast %shift_right_logical3A_483 : i32 to vector<16xi32>
      %shift_right_logical3A_485 = arith.shrui %get3A_477, %shift_right_logical3A_484 : vector<16xi32>
      %swap3A_486 = arith.constant 112 : index
      %swap3A_487 = tpu.vector_load %arg16[%swap3A_486] {strides = array<i32>} : memref<128xi32, #tpu.memory_space<vmem>>, vector<16xi32>,
      tpu.vector_store %arg16[%swap3A_486], %shift_right_logical3A_485 {strides = array<i32>} : memref<128xi32, #tpu.memory_space<vmem>>, vector<16xi32>,
      %dma_start3A = arith.constant 0 : i32
      %dma_start3A_488 = arith.constant 0 : i32
      %dma_start3A_489 = tpu.memref_slice %arg4[%dma_start3A, %dma_start3A_488] : memref<10240x128xf32, #tpu.memory_space<hbm>> -> memref<10240x128xf32, #tpu.memory_space<hbm>>
      tpu.enqueue_indirect_dma source(%dma_start3A_489 : memref<10240x128xf32, #tpu.memory_space<hbm>>) target(%arg11 : memref<128x128xf32, #tpu.memory_space<vmem>>) offsets(%arg15 : memref<128xi32, #tpu.memory_space<vmem>>) semaphore(%arg19 : memref<!tpu.dma_semaphore, #tpu.memory_space<semaphore_mem>>)
    } else {
    }
    %while3A_332 = arith.constant 0 : i32
    %while3A_333 = arith.constant 0 : i32
    %while3A_334 = arith.subi %select_n3A_324, %while3A_332 : i32
    %while3A_335 = arith.addi %while3A_332, %while3A_334 : i32
    %while3A_336 = arith.constant 1 : i32
    %while3A_337 = arith.divsi %while3A_334, %while3A_336 : i32
    %while3A_338 = arith.muli %while3A_337, %while3A_336 : i32
    %while3A_339 = arith.addi %while3A_332, %while3A_338 : i32
    %while3A_340 = arith.constant 1 : i32
    %while3A_341 = scf.for %while3A_395 = %while3A_332 to %while3A_339 step %while3A_340 iter_args(%while3A_396 = %while3A_333) -> (i32)  : i32 {
      %jit3A_397 = arith.constant 2 : i32
      %eq3A_398 = arith.constant 0 : i32
      %eq3A_399 = arith.cmpi eq, %jit3A_397, %eq3A_398 : i32
      %jit3A_400 = arith.constant 1 : i32
      %select_n3A_401 = arith.select %eq3A_399, %jit3A_400, %jit3A_397 : i32
      %rem3A_402 = arith.remsi %while3A_395, %select_n3A_401 : i32
      %ne3A_403 = arith.constant 0 : i32
      %ne3A_404 = arith.cmpi ne, %rem3A_402, %ne3A_403 : i32
      %lt3A_405 = arith.constant 0 : i32
      %lt3A_406 = arith.cmpi slt, %rem3A_402, %lt3A_405 : i32
      %lt3A_407 = arith.constant 0 : i32
      %lt3A_408 = arith.cmpi slt, %select_n3A_401, %lt3A_407 : i32
      %ne3A_409 = arith.xori %lt3A_406, %lt3A_408 : i1
      %and3A_410 = arith.andi %ne3A_409, %ne3A_404 : i1
      %add3A_411 = arith.addi %rem3A_402, %select_n3A_401 : i32
      %select_n3A_412 = arith.select %and3A_410, %add3A_411, %rem3A_402 : i32
      %eq3A_413 = arith.constant 0 : i32
      %eq3A_414 = arith.cmpi eq, %select_n3A_412, %eq3A_413 : i32
      %convert_element_type3A_415 = arith.extui %eq3A_414 : i1 to i32
      %cond3A_416 = arith.constant 0 : i32
      %cond3A_417 = arith.cmpi ne, %convert_element_type3A_415, %cond3A_416 : i32
      scf.if %cond3A_417 {
        %dma_wait3A = arith.constant 0 : i32
        %dma_wait3A_440 = arith.constant 0 : i32
        %dma_wait3A_441 = tpu.memref_slice %arg4[%dma_wait3A, %dma_wait3A_440] : memref<10240x128xf32, #tpu.memory_space<hbm>> -> memref<10240x128xf32, #tpu.memory_space<hbm>>
        tpu.wait_indirect_dma semaphore(%arg19 : memref<!tpu.dma_semaphore, #tpu.memory_space<semaphore_mem>>) src(%dma_wait3A_441 : memref<10240x128xf32, #tpu.memory_space<hbm>>) dst(%arg11 : memref<128x128xf32, #tpu.memory_space<vmem>>)
        %add3A_442 = arith.constant 1 : i32
        %add3A_443 = arith.addi %while3A_395, %add3A_442 : i32
        %lt3A_444 = arith.cmpi slt, %add3A_443, %select_n3A_324 : i32
        %convert_element_type3A_445 = arith.extui %lt3A_444 : i1 to i32
        %cond3A_446 = arith.constant 0 : i32
        %cond3A_447 = arith.cmpi ne, %convert_element_type3A_445, %cond3A_446 : i32
        scf.if %cond3A_447 {
          %ge3A_457 = arith.constant 1 : i32
          %ge3A_458 = arith.cmpi sge, %while3A_395, %ge3A_457 : i32
          %convert_element_type3A_459 = arith.extui %ge3A_458 : i1 to i32
          %cond3A_460 = arith.constant 0 : i32
          %cond3A_461 = arith.cmpi ne, %convert_element_type3A_459, %cond3A_460 : i32
          scf.if %cond3A_461 {
            %dma_wait3A_578 = arith.constant 0 : i32
            %dma_wait3A_579 = arith.constant 0 : i32
            %dma_wait3A_580 = tpu.memref_slice %arg27[%dma_wait3A_578, %dma_wait3A_579] : memref<2560x128xf32, #tpu.memory_space<vmem_shared>> -> memref<2560x128xf32, #tpu.memory_space<vmem_shared>>
            tpu.wait_indirect_dma semaphore(%arg22 : memref<!tpu.dma_semaphore, #tpu.memory_space<semaphore_mem>>) src(%arg12 : memref<128x128xf32, #tpu.memory_space<vmem>>) dst(%dma_wait3A_580 : memref<2560x128xf32, #tpu.memory_space<vmem_shared>>)
          } else {
          }
          %add3A_462 = arith.constant 1 : i32
          %add3A_463 = arith.addi %while3A_395, %add3A_462 : i32
          %mul3A_464 = arith.constant 128 : i32
          %mul3A_465 = arith.muli %add3A_463, %mul3A_464 : i32
          %add3A_466 = arith.constant 0 : i32
          %add3A_467 = arith.addi %mul3A_465, %add3A_466 : i32
          %get3A = arith.index_cast %add3A_467 : i32 to index
          %get3A_468 = tpu.vector_load %arg13[%get3A] {strides = array<i32>} : memref<6400xi32, #tpu.memory_space<vmem>>, vector<16xi32>,
          %and3A_469 = arith.constant 16383 : i32
          %and3A_470 = vector.broadcast %and3A_469 : i32 to vector<16xi32>
          %and3A_471 = arith.andi %get3A_468, %and3A_470 : vector<16xi32>
          %swap3A = arith.constant 0 : index
          %swap3A_472 = tpu.vector_load %arg17[%swap3A] {strides = array<i32>} : memref<128xi32, #tpu.memory_space<vmem>>, vector<16xi32>,
          tpu.vector_store %arg17[%swap3A], %and3A_471 {strides = array<i32>} : memref<128xi32, #tpu.memory_space<vmem>>, vector<16xi32>,
          %shift_right_logical3A = arith.constant 14 : i32
          %shift_right_logical3A_473 = vector.broadcast %shift_right_logical3A : i32 to vector<16xi32>
          %shift_right_logical3A_474 = arith.shrui %get3A_468, %shift_right_logical3A_473 : vector<16xi32>
          %swap3A_475 = arith.constant 0 : index
          %swap3A_476 = tpu.vector_load %arg18[%swap3A_475] {strides = array<i32>} : memref<128xi32, #tpu.memory_space<vmem>>, vector<16xi32>,
          tpu.vector_store %arg18[%swap3A_475], %shift_right_logical3A_474 {strides = array<i32>} : memref<128xi32, #tpu.memory_space<vmem>>, vector<16xi32>,
          %add3A_477 = arith.constant 16 : i32
          %add3A_478 = arith.addi %mul3A_465, %add3A_477 : i32
          %get3A_479 = arith.index_cast %add3A_478 : i32 to index
          %get3A_480 = tpu.vector_load %arg13[%get3A_479] {strides = array<i32>} : memref<6400xi32, #tpu.memory_space<vmem>>, vector<16xi32>,
          %and3A_481 = arith.constant 16383 : i32
          %and3A_482 = vector.broadcast %and3A_481 : i32 to vector<16xi32>
          %and3A_483 = arith.andi %get3A_480, %and3A_482 : vector<16xi32>
          %swap3A_484 = arith.constant 16 : index
          %swap3A_485 = tpu.vector_load %arg17[%swap3A_484] {strides = array<i32>} : memref<128xi32, #tpu.memory_space<vmem>>, vector<16xi32>,
          tpu.vector_store %arg17[%swap3A_484], %and3A_483 {strides = array<i32>} : memref<128xi32, #tpu.memory_space<vmem>>, vector<16xi32>,
          %shift_right_logical3A_486 = arith.constant 14 : i32
          %shift_right_logical3A_487 = vector.broadcast %shift_right_logical3A_486 : i32 to vector<16xi32>
          %shift_right_logical3A_488 = arith.shrui %get3A_480, %shift_right_logical3A_487 : vector<16xi32>
          %swap3A_489 = arith.constant 16 : index
          %swap3A_490 = tpu.vector_load %arg18[%swap3A_489] {strides = array<i32>} : memref<128xi32, #tpu.memory_space<vmem>>, vector<16xi32>,
          tpu.vector_store %arg18[%swap3A_489], %shift_right_logical3A_488 {strides = array<i32>} : memref<128xi32, #tpu.memory_space<vmem>>, vector<16xi32>,
          %add3A_491 = arith.constant 32 : i32
          %add3A_492 = arith.addi %mul3A_465, %add3A_491 : i32
          %get3A_493 = arith.index_cast %add3A_492 : i32 to index
          %get3A_494 = tpu.vector_load %arg13[%get3A_493] {strides = array<i32>} : memref<6400xi32, #tpu.memory_space<vmem>>, vector<16xi32>,
          %and3A_495 = arith.constant 16383 : i32
          %and3A_496 = vector.broadcast %and3A_495 : i32 to vector<16xi32>
          %and3A_497 = arith.andi %get3A_494, %and3A_496 : vector<16xi32>
          %swap3A_498 = arith.constant 32 : index
          %swap3A_499 = tpu.vector_load %arg17[%swap3A_498] {strides = array<i32>} : memref<128xi32, #tpu.memory_space<vmem>>, vector<16xi32>,
          tpu.vector_store %arg17[%swap3A_498], %and3A_497 {strides = array<i32>} : memref<128xi32, #tpu.memory_space<vmem>>, vector<16xi32>,
          %shift_right_logical3A_500 = arith.constant 14 : i32
          %shift_right_logical3A_501 = vector.broadcast %shift_right_logical3A_500 : i32 to vector<16xi32>
          %shift_right_logical3A_502 = arith.shrui %get3A_494, %shift_right_logical3A_501 : vector<16xi32>
          %swap3A_503 = arith.constant 32 : index
          %swap3A_504 = tpu.vector_load %arg18[%swap3A_503] {strides = array<i32>} : memref<128xi32, #tpu.memory_space<vmem>>, vector<16xi32>,
          tpu.vector_store %arg18[%swap3A_503], %shift_right_logical3A_502 {strides = array<i32>} : memref<128xi32, #tpu.memory_space<vmem>>, vector<16xi32>,
          %add3A_505 = arith.constant 48 : i32
          %add3A_506 = arith.addi %mul3A_465, %add3A_505 : i32
          %get3A_507 = arith.index_cast %add3A_506 : i32 to index
          %get3A_508 = tpu.vector_load %arg13[%get3A_507] {strides = array<i32>} : memref<6400xi32, #tpu.memory_space<vmem>>, vector<16xi32>,
          %and3A_509 = arith.constant 16383 : i32
          %and3A_510 = vector.broadcast %and3A_509 : i32 to vector<16xi32>
          %and3A_511 = arith.andi %get3A_508, %and3A_510 : vector<16xi32>
          %swap3A_512 = arith.constant 48 : index
          %swap3A_513 = tpu.vector_load %arg17[%swap3A_512] {strides = array<i32>} : memref<128xi32, #tpu.memory_space<vmem>>, vector<16xi32>,
          tpu.vector_store %arg17[%swap3A_512], %and3A_511 {strides = array<i32>} : memref<128xi32, #tpu.memory_space<vmem>>, vector<16xi32>,
          %shift_right_logical3A_514 = arith.constant 14 : i32
          %shift_right_logical3A_515 = vector.broadcast %shift_right_logical3A_514 : i32 to vector<16xi32>
          %shift_right_logical3A_516 = arith.shrui %get3A_508, %shift_right_logical3A_515 : vector<16xi32>
          %swap3A_517 = arith.constant 48 : index
          %swap3A_518 = tpu.vector_load %arg18[%swap3A_517] {strides = array<i32>} : memref<128xi32, #tpu.memory_space<vmem>>, vector<16xi32>,
          tpu.vector_store %arg18[%swap3A_517], %shift_right_logical3A_516 {strides = array<i32>} : memref<128xi32, #tpu.memory_space<vmem>>, vector<16xi32>,
          %add3A_519 = arith.constant 64 : i32
          %add3A_520 = arith.addi %mul3A_465, %add3A_519 : i32
          %get3A_521 = arith.index_cast %add3A_520 : i32 to index
          %get3A_522 = tpu.vector_load %arg13[%get3A_521] {strides = array<i32>} : memref<6400xi32, #tpu.memory_space<vmem>>, vector<16xi32>,
          %and3A_523 = arith.constant 16383 : i32
          %and3A_524 = vector.broadcast %and3A_523 : i32 to vector<16xi32>
          %and3A_525 = arith.andi %get3A_522, %and3A_524 : vector<16xi32>
          %swap3A_526 = arith.constant 64 : index
          %swap3A_527 = tpu.vector_load %arg17[%swap3A_526] {strides = array<i32>} : memref<128xi32, #tpu.memory_space<vmem>>, vector<16xi32>,
          tpu.vector_store %arg17[%swap3A_526], %and3A_525 {strides = array<i32>} : memref<128xi32, #tpu.memory_space<vmem>>, vector<16xi32>,
          %shift_right_logical3A_528 = arith.constant 14 : i32
          %shift_right_logical3A_529 = vector.broadcast %shift_right_logical3A_528 : i32 to vector<16xi32>
          %shift_right_logical3A_530 = arith.shrui %get3A_522, %shift_right_logical3A_529 : vector<16xi32>
          %swap3A_531 = arith.constant 64 : index
          %swap3A_532 = tpu.vector_load %arg18[%swap3A_531] {strides = array<i32>} : memref<128xi32, #tpu.memory_space<vmem>>, vector<16xi32>,
          tpu.vector_store %arg18[%swap3A_531], %shift_right_logical3A_530 {strides = array<i32>} : memref<128xi32, #tpu.memory_space<vmem>>, vector<16xi32>,
          %add3A_533 = arith.constant 80 : i32
          %add3A_534 = arith.addi %mul3A_465, %add3A_533 : i32
          %get3A_535 = arith.index_cast %add3A_534 : i32 to index
          %get3A_536 = tpu.vector_load %arg13[%get3A_535] {strides = array<i32>} : memref<6400xi32, #tpu.memory_space<vmem>>, vector<16xi32>,
          %and3A_537 = arith.constant 16383 : i32
          %and3A_538 = vector.broadcast %and3A_537 : i32 to vector<16xi32>
          %and3A_539 = arith.andi %get3A_536, %and3A_538 : vector<16xi32>
          %swap3A_540 = arith.constant 80 : index
          %swap3A_541 = tpu.vector_load %arg17[%swap3A_540] {strides = array<i32>} : memref<128xi32, #tpu.memory_space<vmem>>, vector<16xi32>,
          tpu.vector_store %arg17[%swap3A_540], %and3A_539 {strides = array<i32>} : memref<128xi32, #tpu.memory_space<vmem>>, vector<16xi32>,
          %shift_right_logical3A_542 = arith.constant 14 : i32
          %shift_right_logical3A_543 = vector.broadcast %shift_right_logical3A_542 : i32 to vector<16xi32>
          %shift_right_logical3A_544 = arith.shrui %get3A_536, %shift_right_logical3A_543 : vector<16xi32>
          %swap3A_545 = arith.constant 80 : index
          %swap3A_546 = tpu.vector_load %arg18[%swap3A_545] {strides = array<i32>} : memref<128xi32, #tpu.memory_space<vmem>>, vector<16xi32>,
          tpu.vector_store %arg18[%swap3A_545], %shift_right_logical3A_544 {strides = array<i32>} : memref<128xi32, #tpu.memory_space<vmem>>, vector<16xi32>,
          %add3A_547 = arith.constant 96 : i32
          %add3A_548 = arith.addi %mul3A_465, %add3A_547 : i32
          %get3A_549 = arith.index_cast %add3A_548 : i32 to index
          %get3A_550 = tpu.vector_load %arg13[%get3A_549] {strides = array<i32>} : memref<6400xi32, #tpu.memory_space<vmem>>, vector<16xi32>,
          %and3A_551 = arith.constant 16383 : i32
          %and3A_552 = vector.broadcast %and3A_551 : i32 to vector<16xi32>
          %and3A_553 = arith.andi %get3A_550, %and3A_552 : vector<16xi32>
          %swap3A_554 = arith.constant 96 : index
          %swap3A_555 = tpu.vector_load %arg17[%swap3A_554] {strides = array<i32>} : memref<128xi32, #tpu.memory_space<vmem>>, vector<16xi32>,
          tpu.vector_store %arg17[%swap3A_554], %and3A_553 {strides = array<i32>} : memref<128xi32, #tpu.memory_space<vmem>>, vector<16xi32>,
          %shift_right_logical3A_556 = arith.constant 14 : i32
          %shift_right_logical3A_557 = vector.broadcast %shift_right_logical3A_556 : i32 to vector<16xi32>
          %shift_right_logical3A_558 = arith.shrui %get3A_550, %shift_right_logical3A_557 : vector<16xi32>
          %swap3A_559 = arith.constant 96 : index
          %swap3A_560 = tpu.vector_load %arg18[%swap3A_559] {strides = array<i32>} : memref<128xi32, #tpu.memory_space<vmem>>, vector<16xi32>,
          tpu.vector_store %arg18[%swap3A_559], %shift_right_logical3A_558 {strides = array<i32>} : memref<128xi32, #tpu.memory_space<vmem>>, vector<16xi32>,
          %add3A_561 = arith.constant 112 : i32
          %add3A_562 = arith.addi %mul3A_465, %add3A_561 : i32
          %get3A_563 = arith.index_cast %add3A_562 : i32 to index
          %get3A_564 = tpu.vector_load %arg13[%get3A_563] {strides = array<i32>} : memref<6400xi32, #tpu.memory_space<vmem>>, vector<16xi32>,
          %and3A_565 = arith.constant 16383 : i32
          %and3A_566 = vector.broadcast %and3A_565 : i32 to vector<16xi32>
          %and3A_567 = arith.andi %get3A_564, %and3A_566 : vector<16xi32>
          %swap3A_568 = arith.constant 112 : index
          %swap3A_569 = tpu.vector_load %arg17[%swap3A_568] {strides = array<i32>} : memref<128xi32, #tpu.memory_space<vmem>>, vector<16xi32>,
          tpu.vector_store %arg17[%swap3A_568], %and3A_567 {strides = array<i32>} : memref<128xi32, #tpu.memory_space<vmem>>, vector<16xi32>,
          %shift_right_logical3A_570 = arith.constant 14 : i32
          %shift_right_logical3A_571 = vector.broadcast %shift_right_logical3A_570 : i32 to vector<16xi32>
          %shift_right_logical3A_572 = arith.shrui %get3A_564, %shift_right_logical3A_571 : vector<16xi32>
          %swap3A_573 = arith.constant 112 : index
          %swap3A_574 = tpu.vector_load %arg18[%swap3A_573] {strides = array<i32>} : memref<128xi32, #tpu.memory_space<vmem>>, vector<16xi32>,
          tpu.vector_store %arg18[%swap3A_573], %shift_right_logical3A_572 {strides = array<i32>} : memref<128xi32, #tpu.memory_space<vmem>>, vector<16xi32>,
          %dma_start3A_575 = arith.constant 0 : i32
          %dma_start3A_576 = arith.constant 0 : i32
          %dma_start3A_577 = tpu.memref_slice %arg4[%dma_start3A_575, %dma_start3A_576] : memref<10240x128xf32, #tpu.memory_space<hbm>> -> memref<10240x128xf32, #tpu.memory_space<hbm>>
          tpu.enqueue_indirect_dma source(%dma_start3A_577 : memref<10240x128xf32, #tpu.memory_space<hbm>>) target(%arg12 : memref<128x128xf32, #tpu.memory_space<vmem>>) offsets(%arg17 : memref<128xi32, #tpu.memory_space<vmem>>) semaphore(%arg20 : memref<!tpu.dma_semaphore, #tpu.memory_space<semaphore_mem>>)
        } else {
        }
        %scan3A_448 = arith.constant 0 : i32
        %scan3A_449 = arith.constant 0 : i32
        %scan3A_450 = arith.constant 64 : i32
        %scan3A_451 = arith.addi %scan3A_449, %scan3A_450 : i32
        %scan3A_452 = arith.constant 1 : i32
        %scan3A_453 = scf.for %scan3A_457 = %scan3A_449 to %scan3A_451 step %scan3A_452 iter_args(%scan3A_458 = %scan3A_448) -> (i32)  : i32 {
          %mul3A_459 = arith.constant 2 : i32
          %mul3A_460 = arith.muli %scan3A_457, %mul3A_459 : i32
          %mul3A_461 = arith.constant 128 : i32
          %mul3A_462 = arith.muli %while3A_395, %mul3A_461 : i32
          %add3A_463 = arith.addi %mul3A_462, %mul3A_460 : i32
          %broadcast_in_dim3A_464 = vector.broadcast %add3A_463 : i32 to vector<16xi32>
          %gather3A = tpu.vector_load_idx %arg14[%broadcast_in_dim3A_464] : memref<6400xf32, #tpu.memory_space<vmem>>[vector<16xi32>], vector<16xf32>,
          %mul3A_465 = arith.constant 128 : i32
          %mul3A_466 = arith.muli %while3A_395, %mul3A_465 : i32
          %add3A_467 = arith.addi %mul3A_466, %mul3A_460 : i32
          %add3A_468 = arith.constant 1 : i32
          %add3A_469 = arith.addi %add3A_467, %add3A_468 : i32
          %broadcast_in_dim3A_470 = vector.broadcast %add3A_469 : i32 to vector<16xi32>
          %gather3A_471 = tpu.vector_load_idx %arg14[%broadcast_in_dim3A_470] : memref<6400xf32, #tpu.memory_space<vmem>>[vector<16xi32>], vector<16xf32>,
          %get3A = arith.index_cast %mul3A_460 : i32 to index
          %get3A_472 = arith.constant 0 : index
          %get3A_473 = tpu.vector_load %arg11[%get3A, %get3A_472] {strides = array<i32>} : memref<128x128xf32, #tpu.memory_space<vmem>>, vector<16xf32>,
          %mul3A_474 = arith.mulf %get3A_473, %gather3A : vector<16xf32>
          %swap3A = arith.index_cast %mul3A_460 : i32 to index
          %swap3A_475 = arith.constant 0 : index
          %swap3A_476 = tpu.vector_load %arg11[%swap3A, %swap3A_475] {strides = array<i32>} : memref<128x128xf32, #tpu.memory_space<vmem>>, vector<16xf32>,
          tpu.vector_store %arg11[%swap3A, %swap3A_475], %mul3A_474 {strides = array<i32>} : memref<128x128xf32, #tpu.memory_space<vmem>>, vector<16xf32>,
          %get3A_477 = arith.index_cast %mul3A_460 : i32 to index
          %get3A_478 = arith.constant 16 : index
          %get3A_479 = tpu.vector_load %arg11[%get3A_477, %get3A_478] {strides = array<i32>} : memref<128x128xf32, #tpu.memory_space<vmem>>, vector<16xf32>,
          %mul3A_480 = arith.mulf %get3A_479, %gather3A : vector<16xf32>
          %swap3A_481 = arith.index_cast %mul3A_460 : i32 to index
          %swap3A_482 = arith.constant 16 : index
          %swap3A_483 = tpu.vector_load %arg11[%swap3A_481, %swap3A_482] {strides = array<i32>} : memref<128x128xf32, #tpu.memory_space<vmem>>, vector<16xf32>,
          tpu.vector_store %arg11[%swap3A_481, %swap3A_482], %mul3A_480 {strides = array<i32>} : memref<128x128xf32, #tpu.memory_space<vmem>>, vector<16xf32>,
          %get3A_484 = arith.index_cast %mul3A_460 : i32 to index
          %get3A_485 = arith.constant 32 : index
          %get3A_486 = tpu.vector_load %arg11[%get3A_484, %get3A_485] {strides = array<i32>} : memref<128x128xf32, #tpu.memory_space<vmem>>, vector<16xf32>,
          %mul3A_487 = arith.mulf %get3A_486, %gather3A : vector<16xf32>
          %swap3A_488 = arith.index_cast %mul3A_460 : i32 to index
          %swap3A_489 = arith.constant 32 : index
          %swap3A_490 = tpu.vector_load %arg11[%swap3A_488, %swap3A_489] {strides = array<i32>} : memref<128x128xf32, #tpu.memory_space<vmem>>, vector<16xf32>,
          tpu.vector_store %arg11[%swap3A_488, %swap3A_489], %mul3A_487 {strides = array<i32>} : memref<128x128xf32, #tpu.memory_space<vmem>>, vector<16xf32>,
          %get3A_491 = arith.index_cast %mul3A_460 : i32 to index
          %get3A_492 = arith.constant 48 : index
          %get3A_493 = tpu.vector_load %arg11[%get3A_491, %get3A_492] {strides = array<i32>} : memref<128x128xf32, #tpu.memory_space<vmem>>, vector<16xf32>,
          %mul3A_494 = arith.mulf %get3A_493, %gather3A : vector<16xf32>
          %swap3A_495 = arith.index_cast %mul3A_460 : i32 to index
          %swap3A_496 = arith.constant 48 : index
          %swap3A_497 = tpu.vector_load %arg11[%swap3A_495, %swap3A_496] {strides = array<i32>} : memref<128x128xf32, #tpu.memory_space<vmem>>, vector<16xf32>,
          tpu.vector_store %arg11[%swap3A_495, %swap3A_496], %mul3A_494 {strides = array<i32>} : memref<128x128xf32, #tpu.memory_space<vmem>>, vector<16xf32>,
          %get3A_498 = arith.index_cast %mul3A_460 : i32 to index
          %get3A_499 = arith.constant 64 : index
          %get3A_500 = tpu.vector_load %arg11[%get3A_498, %get3A_499] {strides = array<i32>} : memref<128x128xf32, #tpu.memory_space<vmem>>, vector<16xf32>,
          %mul3A_501 = arith.mulf %get3A_500, %gather3A : vector<16xf32>
          %swap3A_502 = arith.index_cast %mul3A_460 : i32 to index
          %swap3A_503 = arith.constant 64 : index
          %swap3A_504 = tpu.vector_load %arg11[%swap3A_502, %swap3A_503] {strides = array<i32>} : memref<128x128xf32, #tpu.memory_space<vmem>>, vector<16xf32>,
          tpu.vector_store %arg11[%swap3A_502, %swap3A_503], %mul3A_501 {strides = array<i32>} : memref<128x128xf32, #tpu.memory_space<vmem>>, vector<16xf32>,
          %get3A_505 = arith.index_cast %mul3A_460 : i32 to index
          %get3A_506 = arith.constant 80 : index
          %get3A_507 = tpu.vector_load %arg11[%get3A_505, %get3A_506] {strides = array<i32>} : memref<128x128xf32, #tpu.memory_space<vmem>>, vector<16xf32>,
          %mul3A_508 = arith.mulf %get3A_507, %gather3A : vector<16xf32>
          %swap3A_509 = arith.index_cast %mul3A_460 : i32 to index
          %swap3A_510 = arith.constant 80 : index
          %swap3A_511 = tpu.vector_load %arg11[%swap3A_509, %swap3A_510] {strides = array<i32>} : memref<128x128xf32, #tpu.memory_space<vmem>>, vector<16xf32>,
          tpu.vector_store %arg11[%swap3A_509, %swap3A_510], %mul3A_508 {strides = array<i32>} : memref<128x128xf32, #tpu.memory_space<vmem>>, vector<16xf32>,
          %get3A_512 = arith.index_cast %mul3A_460 : i32 to index
          %get3A_513 = arith.constant 96 : index
          %get3A_514 = tpu.vector_load %arg11[%get3A_512, %get3A_513] {strides = array<i32>} : memref<128x128xf32, #tpu.memory_space<vmem>>, vector<16xf32>,
          %mul3A_515 = arith.mulf %get3A_514, %gather3A : vector<16xf32>
          %swap3A_516 = arith.index_cast %mul3A_460 : i32 to index
          %swap3A_517 = arith.constant 96 : index
          %swap3A_518 = tpu.vector_load %arg11[%swap3A_516, %swap3A_517] {strides = array<i32>} : memref<128x128xf32, #tpu.memory_space<vmem>>, vector<16xf32>,
          tpu.vector_store %arg11[%swap3A_516, %swap3A_517], %mul3A_515 {strides = array<i32>} : memref<128x128xf32, #tpu.memory_space<vmem>>, vector<16xf32>,
          %get3A_519 = arith.index_cast %mul3A_460 : i32 to index
          %get3A_520 = arith.constant 112 : index
          %get3A_521 = tpu.vector_load %arg11[%get3A_519, %get3A_520] {strides = array<i32>} : memref<128x128xf32, #tpu.memory_space<vmem>>, vector<16xf32>,
          %mul3A_522 = arith.mulf %get3A_521, %gather3A : vector<16xf32>
          %swap3A_523 = arith.index_cast %mul3A_460 : i32 to index
          %swap3A_524 = arith.constant 112 : index
          %swap3A_525 = tpu.vector_load %arg11[%swap3A_523, %swap3A_524] {strides = array<i32>} : memref<128x128xf32, #tpu.memory_space<vmem>>, vector<16xf32>,
          tpu.vector_store %arg11[%swap3A_523, %swap3A_524], %mul3A_522 {strides = array<i32>} : memref<128x128xf32, #tpu.memory_space<vmem>>, vector<16xf32>,
          %add3A_526 = arith.constant 1 : i32
          %add3A_527 = arith.addi %mul3A_460, %add3A_526 : i32
          %get3A_528 = arith.index_cast %add3A_527 : i32 to index
          %get3A_529 = arith.constant 0 : index
          %get3A_530 = tpu.vector_load %arg11[%get3A_528, %get3A_529] {strides = array<i32>} : memref<128x128xf32, #tpu.memory_space<vmem>>, vector<16xf32>,
          %mul3A_531 = arith.mulf %get3A_530, %gather3A_471 : vector<16xf32>
          %add3A_532 = arith.constant 1 : i32
          %add3A_533 = arith.addi %mul3A_460, %add3A_532 : i32
          %swap3A_534 = arith.index_cast %add3A_533 : i32 to index
          %swap3A_535 = arith.constant 0 : index
          %swap3A_536 = tpu.vector_load %arg11[%swap3A_534, %swap3A_535] {strides = array<i32>} : memref<128x128xf32, #tpu.memory_space<vmem>>, vector<16xf32>,
          tpu.vector_store %arg11[%swap3A_534, %swap3A_535], %mul3A_531 {strides = array<i32>} : memref<128x128xf32, #tpu.memory_space<vmem>>, vector<16xf32>,
          %add3A_537 = arith.constant 1 : i32
          %add3A_538 = arith.addi %mul3A_460, %add3A_537 : i32
          %get3A_539 = arith.index_cast %add3A_538 : i32 to index
          %get3A_540 = arith.constant 16 : index
          %get3A_541 = tpu.vector_load %arg11[%get3A_539, %get3A_540] {strides = array<i32>} : memref<128x128xf32, #tpu.memory_space<vmem>>, vector<16xf32>,
          %mul3A_542 = arith.mulf %get3A_541, %gather3A_471 : vector<16xf32>
          %add3A_543 = arith.constant 1 : i32
          %add3A_544 = arith.addi %mul3A_460, %add3A_543 : i32
          %swap3A_545 = arith.index_cast %add3A_544 : i32 to index
          %swap3A_546 = arith.constant 16 : index
          %swap3A_547 = tpu.vector_load %arg11[%swap3A_545, %swap3A_546] {strides = array<i32>} : memref<128x128xf32, #tpu.memory_space<vmem>>, vector<16xf32>,
          tpu.vector_store %arg11[%swap3A_545, %swap3A_546], %mul3A_542 {strides = array<i32>} : memref<128x128xf32, #tpu.memory_space<vmem>>, vector<16xf32>,
          %add3A_548 = arith.constant 1 : i32
          %add3A_549 = arith.addi %mul3A_460, %add3A_548 : i32
          %get3A_550 = arith.index_cast %add3A_549 : i32 to index
          %get3A_551 = arith.constant 32 : index
          %get3A_552 = tpu.vector_load %arg11[%get3A_550, %get3A_551] {strides = array<i32>} : memref<128x128xf32, #tpu.memory_space<vmem>>, vector<16xf32>,
          %mul3A_553 = arith.mulf %get3A_552, %gather3A_471 : vector<16xf32>
          %add3A_554 = arith.constant 1 : i32
          %add3A_555 = arith.addi %mul3A_460, %add3A_554 : i32
          %swap3A_556 = arith.index_cast %add3A_555 : i32 to index
          %swap3A_557 = arith.constant 32 : index
          %swap3A_558 = tpu.vector_load %arg11[%swap3A_556, %swap3A_557] {strides = array<i32>} : memref<128x128xf32, #tpu.memory_space<vmem>>, vector<16xf32>,
          tpu.vector_store %arg11[%swap3A_556, %swap3A_557], %mul3A_553 {strides = array<i32>} : memref<128x128xf32, #tpu.memory_space<vmem>>, vector<16xf32>,
          %add3A_559 = arith.constant 1 : i32
          %add3A_560 = arith.addi %mul3A_460, %add3A_559 : i32
          %get3A_561 = arith.index_cast %add3A_560 : i32 to index
          %get3A_562 = arith.constant 48 : index
          %get3A_563 = tpu.vector_load %arg11[%get3A_561, %get3A_562] {strides = array<i32>} : memref<128x128xf32, #tpu.memory_space<vmem>>, vector<16xf32>,
          %mul3A_564 = arith.mulf %get3A_563, %gather3A_471 : vector<16xf32>
          %add3A_565 = arith.constant 1 : i32
          %add3A_566 = arith.addi %mul3A_460, %add3A_565 : i32
          %swap3A_567 = arith.index_cast %add3A_566 : i32 to index
          %swap3A_568 = arith.constant 48 : index
          %swap3A_569 = tpu.vector_load %arg11[%swap3A_567, %swap3A_568] {strides = array<i32>} : memref<128x128xf32, #tpu.memory_space<vmem>>, vector<16xf32>,
          tpu.vector_store %arg11[%swap3A_567, %swap3A_568], %mul3A_564 {strides = array<i32>} : memref<128x128xf32, #tpu.memory_space<vmem>>, vector<16xf32>,
          %add3A_570 = arith.constant 1 : i32
          %add3A_571 = arith.addi %mul3A_460, %add3A_570 : i32
          %get3A_572 = arith.index_cast %add3A_571 : i32 to index
          %get3A_573 = arith.constant 64 : index
          %get3A_574 = tpu.vector_load %arg11[%get3A_572, %get3A_573] {strides = array<i32>} : memref<128x128xf32, #tpu.memory_space<vmem>>, vector<16xf32>,
          %mul3A_575 = arith.mulf %get3A_574, %gather3A_471 : vector<16xf32>
          %add3A_576 = arith.constant 1 : i32
          %add3A_577 = arith.addi %mul3A_460, %add3A_576 : i32
          %swap3A_578 = arith.index_cast %add3A_577 : i32 to index
          %swap3A_579 = arith.constant 64 : index
          %swap3A_580 = tpu.vector_load %arg11[%swap3A_578, %swap3A_579] {strides = array<i32>} : memref<128x128xf32, #tpu.memory_space<vmem>>, vector<16xf32>,
          tpu.vector_store %arg11[%swap3A_578, %swap3A_579], %mul3A_575 {strides = array<i32>} : memref<128x128xf32, #tpu.memory_space<vmem>>, vector<16xf32>,
          %add3A_581 = arith.constant 1 : i32
          %add3A_582 = arith.addi %mul3A_460, %add3A_581 : i32
          %get3A_583 = arith.index_cast %add3A_582 : i32 to index
          %get3A_584 = arith.constant 80 : index
          %get3A_585 = tpu.vector_load %arg11[%get3A_583, %get3A_584] {strides = array<i32>} : memref<128x128xf32, #tpu.memory_space<vmem>>, vector<16xf32>,
          %mul3A_586 = arith.mulf %get3A_585, %gather3A_471 : vector<16xf32>
          %add3A_587 = arith.constant 1 : i32
          %add3A_588 = arith.addi %mul3A_460, %add3A_587 : i32
          %swap3A_589 = arith.index_cast %add3A_588 : i32 to index
          %swap3A_590 = arith.constant 80 : index
          %swap3A_591 = tpu.vector_load %arg11[%swap3A_589, %swap3A_590] {strides = array<i32>} : memref<128x128xf32, #tpu.memory_space<vmem>>, vector<16xf32>,
          tpu.vector_store %arg11[%swap3A_589, %swap3A_590], %mul3A_586 {strides = array<i32>} : memref<128x128xf32, #tpu.memory_space<vmem>>, vector<16xf32>,
          %add3A_592 = arith.constant 1 : i32
          %add3A_593 = arith.addi %mul3A_460, %add3A_592 : i32
          %get3A_594 = arith.index_cast %add3A_593 : i32 to index
          %get3A_595 = arith.constant 96 : index
          %get3A_596 = tpu.vector_load %arg11[%get3A_594, %get3A_595] {strides = array<i32>} : memref<128x128xf32, #tpu.memory_space<vmem>>, vector<16xf32>,
          %mul3A_597 = arith.mulf %get3A_596, %gather3A_471 : vector<16xf32>
          %add3A_598 = arith.constant 1 : i32
          %add3A_599 = arith.addi %mul3A_460, %add3A_598 : i32
          %swap3A_600 = arith.index_cast %add3A_599 : i32 to index
          %swap3A_601 = arith.constant 96 : index
          %swap3A_602 = tpu.vector_load %arg11[%swap3A_600, %swap3A_601] {strides = array<i32>} : memref<128x128xf32, #tpu.memory_space<vmem>>, vector<16xf32>,
          tpu.vector_store %arg11[%swap3A_600, %swap3A_601], %mul3A_597 {strides = array<i32>} : memref<128x128xf32, #tpu.memory_space<vmem>>, vector<16xf32>,
          %add3A_603 = arith.constant 1 : i32
          %add3A_604 = arith.addi %mul3A_460, %add3A_603 : i32
          %get3A_605 = arith.index_cast %add3A_604 : i32 to index
          %get3A_606 = arith.constant 112 : index
          %get3A_607 = tpu.vector_load %arg11[%get3A_605, %get3A_606] {strides = array<i32>} : memref<128x128xf32, #tpu.memory_space<vmem>>, vector<16xf32>,
          %mul3A_608 = arith.mulf %get3A_607, %gather3A_471 : vector<16xf32>
          %add3A_609 = arith.constant 1 : i32
          %add3A_610 = arith.addi %mul3A_460, %add3A_609 : i32
          %swap3A_611 = arith.index_cast %add3A_610 : i32 to index
          %swap3A_612 = arith.constant 112 : index
          %swap3A_613 = tpu.vector_load %arg11[%swap3A_611, %swap3A_612] {strides = array<i32>} : memref<128x128xf32, #tpu.memory_space<vmem>>, vector<16xf32>,
          tpu.vector_store %arg11[%swap3A_611, %swap3A_612], %mul3A_608 {strides = array<i32>} : memref<128x128xf32, #tpu.memory_space<vmem>>, vector<16xf32>,
          %scan3A_614 = arith.constant 0 : i32
          scf.yield %scan3A_614 : i32
        }
        %scan3A_454 = arith.constant 64 : i32
        %dma_start3A = arith.constant 0 : i32
        %dma_start3A_455 = arith.constant 0 : i32
        %dma_start3A_456 = tpu.memref_slice %arg27[%dma_start3A, %dma_start3A_455] : memref<2560x128xf32, #tpu.memory_space<vmem_shared>> -> memref<2560x128xf32, #tpu.memory_space<vmem_shared>>
        tpu.enqueue_indirect_dma source(%arg11 : memref<128x128xf32, #tpu.memory_space<vmem>>) target(%dma_start3A_456 : memref<2560x128xf32, #tpu.memory_space<vmem_shared>>) offsets(%arg16 : memref<128xi32, #tpu.memory_space<vmem>>) semaphore(%arg21 : memref<!tpu.dma_semaphore, #tpu.memory_space<semaphore_mem>>) {add = true}
      } else {
      }
      %jit3A_418 = arith.constant 2 : i32
      %eq3A_419 = arith.constant 0 : i32
      %eq3A_420 = arith.cmpi eq, %jit3A_418, %eq3A_419 : i32
      %jit3A_421 = arith.constant 1 : i32
      %select_n3A_422 = arith.select %eq3A_420, %jit3A_421, %jit3A_418 : i32
      %rem3A_423 = arith.remsi %while3A_395, %select_n3A_422 : i32
      %ne3A_424 = arith.constant 0 : i32
      %ne3A_425 = arith.cmpi ne, %rem3A_423, %ne3A_424 : i32
      %lt3A_426 = arith.constant 0 : i32
      %lt3A_427 = arith.cmpi slt, %rem3A_423, %lt3A_426 : i32
      %lt3A_428 = arith.constant 0 : i32
      %lt3A_429 = arith.cmpi slt, %select_n3A_422, %lt3A_428 : i32
      %ne3A_430 = arith.xori %lt3A_427, %lt3A_429 : i1
      %and3A_431 = arith.andi %ne3A_430, %ne3A_425 : i1
      %add3A_432 = arith.addi %rem3A_423, %select_n3A_422 : i32
      %select_n3A_433 = arith.select %and3A_431, %add3A_432, %rem3A_423 : i32
      %eq3A_434 = arith.constant 1 : i32
      %eq3A_435 = arith.cmpi eq, %select_n3A_433, %eq3A_434 : i32
      %convert_element_type3A_436 = arith.extui %eq3A_435 : i1 to i32
      %cond3A_437 = arith.constant 0 : i32
      %cond3A_438 = arith.cmpi ne, %convert_element_type3A_436, %cond3A_437 : i32
      scf.if %cond3A_438 {
        %dma_wait3A = arith.constant 0 : i32
        %dma_wait3A_440 = arith.constant 0 : i32
        %dma_wait3A_441 = tpu.memref_slice %arg4[%dma_wait3A, %dma_wait3A_440] : memref<10240x128xf32, #tpu.memory_space<hbm>> -> memref<10240x128xf32, #tpu.memory_space<hbm>>
        tpu.wait_indirect_dma semaphore(%arg20 : memref<!tpu.dma_semaphore, #tpu.memory_space<semaphore_mem>>) src(%dma_wait3A_441 : memref<10240x128xf32, #tpu.memory_space<hbm>>) dst(%arg12 : memref<128x128xf32, #tpu.memory_space<vmem>>)
        %add3A_442 = arith.constant 1 : i32
        %add3A_443 = arith.addi %while3A_395, %add3A_442 : i32
        %lt3A_444 = arith.cmpi slt, %add3A_443, %select_n3A_324 : i32
        %convert_element_type3A_445 = arith.extui %lt3A_444 : i1 to i32
        %cond3A_446 = arith.constant 0 : i32
        %cond3A_447 = arith.cmpi ne, %convert_element_type3A_445, %cond3A_446 : i32
        scf.if %cond3A_447 {
          %ge3A_457 = arith.constant 1 : i32
          %ge3A_458 = arith.cmpi sge, %while3A_395, %ge3A_457 : i32
          %convert_element_type3A_459 = arith.extui %ge3A_458 : i1 to i32
          %cond3A_460 = arith.constant 0 : i32
          %cond3A_461 = arith.cmpi ne, %convert_element_type3A_459, %cond3A_460 : i32
          scf.if %cond3A_461 {
            %dma_wait3A_578 = arith.constant 0 : i32
            %dma_wait3A_579 = arith.constant 0 : i32
            %dma_wait3A_580 = tpu.memref_slice %arg27[%dma_wait3A_578, %dma_wait3A_579] : memref<2560x128xf32, #tpu.memory_space<vmem_shared>> -> memref<2560x128xf32, #tpu.memory_space<vmem_shared>>
            tpu.wait_indirect_dma semaphore(%arg21 : memref<!tpu.dma_semaphore, #tpu.memory_space<semaphore_mem>>) src(%arg11 : memref<128x128xf32, #tpu.memory_space<vmem>>) dst(%dma_wait3A_580 : memref<2560x128xf32, #tpu.memory_space<vmem_shared>>)
          } else {
          }
          %add3A_462 = arith.constant 1 : i32
          %add3A_463 = arith.addi %while3A_395, %add3A_462 : i32
          %mul3A_464 = arith.constant 128 : i32
          %mul3A_465 = arith.muli %add3A_463, %mul3A_464 : i32
          %add3A_466 = arith.constant 0 : i32
          %add3A_467 = arith.addi %mul3A_465, %add3A_466 : i32
          %get3A = arith.index_cast %add3A_467 : i32 to index
          %get3A_468 = tpu.vector_load %arg13[%get3A] {strides = array<i32>} : memref<6400xi32, #tpu.memory_space<vmem>>, vector<16xi32>,
          %and3A_469 = arith.constant 16383 : i32
          %and3A_470 = vector.broadcast %and3A_469 : i32 to vector<16xi32>
          %and3A_471 = arith.andi %get3A_468, %and3A_470 : vector<16xi32>
          %swap3A = arith.constant 0 : index
          %swap3A_472 = tpu.vector_load %arg15[%swap3A] {strides = array<i32>} : memref<128xi32, #tpu.memory_space<vmem>>, vector<16xi32>,
          tpu.vector_store %arg15[%swap3A], %and3A_471 {strides = array<i32>} : memref<128xi32, #tpu.memory_space<vmem>>, vector<16xi32>,
          %shift_right_logical3A = arith.constant 14 : i32
          %shift_right_logical3A_473 = vector.broadcast %shift_right_logical3A : i32 to vector<16xi32>
          %shift_right_logical3A_474 = arith.shrui %get3A_468, %shift_right_logical3A_473 : vector<16xi32>
          %swap3A_475 = arith.constant 0 : index
          %swap3A_476 = tpu.vector_load %arg16[%swap3A_475] {strides = array<i32>} : memref<128xi32, #tpu.memory_space<vmem>>, vector<16xi32>,
          tpu.vector_store %arg16[%swap3A_475], %shift_right_logical3A_474 {strides = array<i32>} : memref<128xi32, #tpu.memory_space<vmem>>, vector<16xi32>,
          %add3A_477 = arith.constant 16 : i32
          %add3A_478 = arith.addi %mul3A_465, %add3A_477 : i32
          %get3A_479 = arith.index_cast %add3A_478 : i32 to index
          %get3A_480 = tpu.vector_load %arg13[%get3A_479] {strides = array<i32>} : memref<6400xi32, #tpu.memory_space<vmem>>, vector<16xi32>,
          %and3A_481 = arith.constant 16383 : i32
          %and3A_482 = vector.broadcast %and3A_481 : i32 to vector<16xi32>
          %and3A_483 = arith.andi %get3A_480, %and3A_482 : vector<16xi32>
          %swap3A_484 = arith.constant 16 : index
          %swap3A_485 = tpu.vector_load %arg15[%swap3A_484] {strides = array<i32>} : memref<128xi32, #tpu.memory_space<vmem>>, vector<16xi32>,
          tpu.vector_store %arg15[%swap3A_484], %and3A_483 {strides = array<i32>} : memref<128xi32, #tpu.memory_space<vmem>>, vector<16xi32>,
          %shift_right_logical3A_486 = arith.constant 14 : i32
          %shift_right_logical3A_487 = vector.broadcast %shift_right_logical3A_486 : i32 to vector<16xi32>
          %shift_right_logical3A_488 = arith.shrui %get3A_480, %shift_right_logical3A_487 : vector<16xi32>
          %swap3A_489 = arith.constant 16 : index
          %swap3A_490 = tpu.vector_load %arg16[%swap3A_489] {strides = array<i32>} : memref<128xi32, #tpu.memory_space<vmem>>, vector<16xi32>,
          tpu.vector_store %arg16[%swap3A_489], %shift_right_logical3A_488 {strides = array<i32>} : memref<128xi32, #tpu.memory_space<vmem>>, vector<16xi32>,
          %add3A_491 = arith.constant 32 : i32
          %add3A_492 = arith.addi %mul3A_465, %add3A_491 : i32
          %get3A_493 = arith.index_cast %add3A_492 : i32 to index
          %get3A_494 = tpu.vector_load %arg13[%get3A_493] {strides = array<i32>} : memref<6400xi32, #tpu.memory_space<vmem>>, vector<16xi32>,
          %and3A_495 = arith.constant 16383 : i32
          %and3A_496 = vector.broadcast %and3A_495 : i32 to vector<16xi32>
          %and3A_497 = arith.andi %get3A_494, %and3A_496 : vector<16xi32>
          %swap3A_498 = arith.constant 32 : index
          %swap3A_499 = tpu.vector_load %arg15[%swap3A_498] {strides = array<i32>} : memref<128xi32, #tpu.memory_space<vmem>>, vector<16xi32>,
          tpu.vector_store %arg15[%swap3A_498], %and3A_497 {strides = array<i32>} : memref<128xi32, #tpu.memory_space<vmem>>, vector<16xi32>,
          %shift_right_logical3A_500 = arith.constant 14 : i32
          %shift_right_logical3A_501 = vector.broadcast %shift_right_logical3A_500 : i32 to vector<16xi32>
          %shift_right_logical3A_502 = arith.shrui %get3A_494, %shift_right_logical3A_501 : vector<16xi32>
          %swap3A_503 = arith.constant 32 : index
          %swap3A_504 = tpu.vector_load %arg16[%swap3A_503] {strides = array<i32>} : memref<128xi32, #tpu.memory_space<vmem>>, vector<16xi32>,
          tpu.vector_store %arg16[%swap3A_503], %shift_right_logical3A_502 {strides = array<i32>} : memref<128xi32, #tpu.memory_space<vmem>>, vector<16xi32>,
          %add3A_505 = arith.constant 48 : i32
          %add3A_506 = arith.addi %mul3A_465, %add3A_505 : i32
          %get3A_507 = arith.index_cast %add3A_506 : i32 to index
          %get3A_508 = tpu.vector_load %arg13[%get3A_507] {strides = array<i32>} : memref<6400xi32, #tpu.memory_space<vmem>>, vector<16xi32>,
          %and3A_509 = arith.constant 16383 : i32
          %and3A_510 = vector.broadcast %and3A_509 : i32 to vector<16xi32>
          %and3A_511 = arith.andi %get3A_508, %and3A_510 : vector<16xi32>
          %swap3A_512 = arith.constant 48 : index
          %swap3A_513 = tpu.vector_load %arg15[%swap3A_512] {strides = array<i32>} : memref<128xi32, #tpu.memory_space<vmem>>, vector<16xi32>,
          tpu.vector_store %arg15[%swap3A_512], %and3A_511 {strides = array<i32>} : memref<128xi32, #tpu.memory_space<vmem>>, vector<16xi32>,
          %shift_right_logical3A_514 = arith.constant 14 : i32
          %shift_right_logical3A_515 = vector.broadcast %shift_right_logical3A_514 : i32 to vector<16xi32>
          %shift_right_logical3A_516 = arith.shrui %get3A_508, %shift_right_logical3A_515 : vector<16xi32>
          %swap3A_517 = arith.constant 48 : index
          %swap3A_518 = tpu.vector_load %arg16[%swap3A_517] {strides = array<i32>} : memref<128xi32, #tpu.memory_space<vmem>>, vector<16xi32>,
          tpu.vector_store %arg16[%swap3A_517], %shift_right_logical3A_516 {strides = array<i32>} : memref<128xi32, #tpu.memory_space<vmem>>, vector<16xi32>,
          %add3A_519 = arith.constant 64 : i32
          %add3A_520 = arith.addi %mul3A_465, %add3A_519 : i32
          %get3A_521 = arith.index_cast %add3A_520 : i32 to index
          %get3A_522 = tpu.vector_load %arg13[%get3A_521] {strides = array<i32>} : memref<6400xi32, #tpu.memory_space<vmem>>, vector<16xi32>,
          %and3A_523 = arith.constant 16383 : i32
          %and3A_524 = vector.broadcast %and3A_523 : i32 to vector<16xi32>
          %and3A_525 = arith.andi %get3A_522, %and3A_524 : vector<16xi32>
          %swap3A_526 = arith.constant 64 : index
          %swap3A_527 = tpu.vector_load %arg15[%swap3A_526] {strides = array<i32>} : memref<128xi32, #tpu.memory_space<vmem>>, vector<16xi32>,
          tpu.vector_store %arg15[%swap3A_526], %and3A_525 {strides = array<i32>} : memref<128xi32, #tpu.memory_space<vmem>>, vector<16xi32>,
          %shift_right_logical3A_528 = arith.constant 14 : i32
          %shift_right_logical3A_529 = vector.broadcast %shift_right_logical3A_528 : i32 to vector<16xi32>
          %shift_right_logical3A_530 = arith.shrui %get3A_522, %shift_right_logical3A_529 : vector<16xi32>
          %swap3A_531 = arith.constant 64 : index
          %swap3A_532 = tpu.vector_load %arg16[%swap3A_531] {strides = array<i32>} : memref<128xi32, #tpu.memory_space<vmem>>, vector<16xi32>,
          tpu.vector_store %arg16[%swap3A_531], %shift_right_logical3A_530 {strides = array<i32>} : memref<128xi32, #tpu.memory_space<vmem>>, vector<16xi32>,
          %add3A_533 = arith.constant 80 : i32
          %add3A_534 = arith.addi %mul3A_465, %add3A_533 : i32
          %get3A_535 = arith.index_cast %add3A_534 : i32 to index
          %get3A_536 = tpu.vector_load %arg13[%get3A_535] {strides = array<i32>} : memref<6400xi32, #tpu.memory_space<vmem>>, vector<16xi32>,
          %and3A_537 = arith.constant 16383 : i32
          %and3A_538 = vector.broadcast %and3A_537 : i32 to vector<16xi32>
          %and3A_539 = arith.andi %get3A_536, %and3A_538 : vector<16xi32>
          %swap3A_540 = arith.constant 80 : index
          %swap3A_541 = tpu.vector_load %arg15[%swap3A_540] {strides = array<i32>} : memref<128xi32, #tpu.memory_space<vmem>>, vector<16xi32>,
          tpu.vector_store %arg15[%swap3A_540], %and3A_539 {strides = array<i32>} : memref<128xi32, #tpu.memory_space<vmem>>, vector<16xi32>,
          %shift_right_logical3A_542 = arith.constant 14 : i32
          %shift_right_logical3A_543 = vector.broadcast %shift_right_logical3A_542 : i32 to vector<16xi32>
          %shift_right_logical3A_544 = arith.shrui %get3A_536, %shift_right_logical3A_543 : vector<16xi32>
          %swap3A_545 = arith.constant 80 : index
          %swap3A_546 = tpu.vector_load %arg16[%swap3A_545] {strides = array<i32>} : memref<128xi32, #tpu.memory_space<vmem>>, vector<16xi32>,
          tpu.vector_store %arg16[%swap3A_545], %shift_right_logical3A_544 {strides = array<i32>} : memref<128xi32, #tpu.memory_space<vmem>>, vector<16xi32>,
          %add3A_547 = arith.constant 96 : i32
          %add3A_548 = arith.addi %mul3A_465, %add3A_547 : i32
          %get3A_549 = arith.index_cast %add3A_548 : i32 to index
          %get3A_550 = tpu.vector_load %arg13[%get3A_549] {strides = array<i32>} : memref<6400xi32, #tpu.memory_space<vmem>>, vector<16xi32>,
          %and3A_551 = arith.constant 16383 : i32
          %and3A_552 = vector.broadcast %and3A_551 : i32 to vector<16xi32>
          %and3A_553 = arith.andi %get3A_550, %and3A_552 : vector<16xi32>
          %swap3A_554 = arith.constant 96 : index
          %swap3A_555 = tpu.vector_load %arg15[%swap3A_554] {strides = array<i32>} : memref<128xi32, #tpu.memory_space<vmem>>, vector<16xi32>,
          tpu.vector_store %arg15[%swap3A_554], %and3A_553 {strides = array<i32>} : memref<128xi32, #tpu.memory_space<vmem>>, vector<16xi32>,
          %shift_right_logical3A_556 = arith.constant 14 : i32
          %shift_right_logical3A_557 = vector.broadcast %shift_right_logical3A_556 : i32 to vector<16xi32>
          %shift_right_logical3A_558 = arith.shrui %get3A_550, %shift_right_logical3A_557 : vector<16xi32>
          %swap3A_559 = arith.constant 96 : index
          %swap3A_560 = tpu.vector_load %arg16[%swap3A_559] {strides = array<i32>} : memref<128xi32, #tpu.memory_space<vmem>>, vector<16xi32>,
          tpu.vector_store %arg16[%swap3A_559], %shift_right_logical3A_558 {strides = array<i32>} : memref<128xi32, #tpu.memory_space<vmem>>, vector<16xi32>,
          %add3A_561 = arith.constant 112 : i32
          %add3A_562 = arith.addi %mul3A_465, %add3A_561 : i32
          %get3A_563 = arith.index_cast %add3A_562 : i32 to index
          %get3A_564 = tpu.vector_load %arg13[%get3A_563] {strides = array<i32>} : memref<6400xi32, #tpu.memory_space<vmem>>, vector<16xi32>,
          %and3A_565 = arith.constant 16383 : i32
          %and3A_566 = vector.broadcast %and3A_565 : i32 to vector<16xi32>
          %and3A_567 = arith.andi %get3A_564, %and3A_566 : vector<16xi32>
          %swap3A_568 = arith.constant 112 : index
          %swap3A_569 = tpu.vector_load %arg15[%swap3A_568] {strides = array<i32>} : memref<128xi32, #tpu.memory_space<vmem>>, vector<16xi32>,
          tpu.vector_store %arg15[%swap3A_568], %and3A_567 {strides = array<i32>} : memref<128xi32, #tpu.memory_space<vmem>>, vector<16xi32>,
          %shift_right_logical3A_570 = arith.constant 14 : i32
          %shift_right_logical3A_571 = vector.broadcast %shift_right_logical3A_570 : i32 to vector<16xi32>
          %shift_right_logical3A_572 = arith.shrui %get3A_564, %shift_right_logical3A_571 : vector<16xi32>
          %swap3A_573 = arith.constant 112 : index
          %swap3A_574 = tpu.vector_load %arg16[%swap3A_573] {strides = array<i32>} : memref<128xi32, #tpu.memory_space<vmem>>, vector<16xi32>,
          tpu.vector_store %arg16[%swap3A_573], %shift_right_logical3A_572 {strides = array<i32>} : memref<128xi32, #tpu.memory_space<vmem>>, vector<16xi32>,
          %dma_start3A_575 = arith.constant 0 : i32
          %dma_start3A_576 = arith.constant 0 : i32
          %dma_start3A_577 = tpu.memref_slice %arg4[%dma_start3A_575, %dma_start3A_576] : memref<10240x128xf32, #tpu.memory_space<hbm>> -> memref<10240x128xf32, #tpu.memory_space<hbm>>
          tpu.enqueue_indirect_dma source(%dma_start3A_577 : memref<10240x128xf32, #tpu.memory_space<hbm>>) target(%arg11 : memref<128x128xf32, #tpu.memory_space<vmem>>) offsets(%arg15 : memref<128xi32, #tpu.memory_space<vmem>>) semaphore(%arg19 : memref<!tpu.dma_semaphore, #tpu.memory_space<semaphore_mem>>)
        } else {
        }
        %scan3A_448 = arith.constant 0 : i32
        %scan3A_449 = arith.constant 0 : i32
        %scan3A_450 = arith.constant 64 : i32
        %scan3A_451 = arith.addi %scan3A_449, %scan3A_450 : i32
        %scan3A_452 = arith.constant 1 : i32
        %scan3A_453 = scf.for %scan3A_457 = %scan3A_449 to %scan3A_451 step %scan3A_452 iter_args(%scan3A_458 = %scan3A_448) -> (i32)  : i32 {
          %mul3A_459 = arith.constant 2 : i32
          %mul3A_460 = arith.muli %scan3A_457, %mul3A_459 : i32
          %mul3A_461 = arith.constant 128 : i32
          %mul3A_462 = arith.muli %while3A_395, %mul3A_461 : i32
          %add3A_463 = arith.addi %mul3A_462, %mul3A_460 : i32
          %broadcast_in_dim3A_464 = vector.broadcast %add3A_463 : i32 to vector<16xi32>
          %gather3A = tpu.vector_load_idx %arg14[%broadcast_in_dim3A_464] : memref<6400xf32, #tpu.memory_space<vmem>>[vector<16xi32>], vector<16xf32>,
          %mul3A_465 = arith.constant 128 : i32
          %mul3A_466 = arith.muli %while3A_395, %mul3A_465 : i32
          %add3A_467 = arith.addi %mul3A_466, %mul3A_460 : i32
          %add3A_468 = arith.constant 1 : i32
          %add3A_469 = arith.addi %add3A_467, %add3A_468 : i32
          %broadcast_in_dim3A_470 = vector.broadcast %add3A_469 : i32 to vector<16xi32>
          %gather3A_471 = tpu.vector_load_idx %arg14[%broadcast_in_dim3A_470] : memref<6400xf32, #tpu.memory_space<vmem>>[vector<16xi32>], vector<16xf32>,
          %get3A = arith.index_cast %mul3A_460 : i32 to index
          %get3A_472 = arith.constant 0 : index
          %get3A_473 = tpu.vector_load %arg12[%get3A, %get3A_472] {strides = array<i32>} : memref<128x128xf32, #tpu.memory_space<vmem>>, vector<16xf32>,
          %mul3A_474 = arith.mulf %get3A_473, %gather3A : vector<16xf32>
          %swap3A = arith.index_cast %mul3A_460 : i32 to index
          %swap3A_475 = arith.constant 0 : index
          %swap3A_476 = tpu.vector_load %arg12[%swap3A, %swap3A_475] {strides = array<i32>} : memref<128x128xf32, #tpu.memory_space<vmem>>, vector<16xf32>,
          tpu.vector_store %arg12[%swap3A, %swap3A_475], %mul3A_474 {strides = array<i32>} : memref<128x128xf32, #tpu.memory_space<vmem>>, vector<16xf32>,
          %get3A_477 = arith.index_cast %mul3A_460 : i32 to index
          %get3A_478 = arith.constant 16 : index
          %get3A_479 = tpu.vector_load %arg12[%get3A_477, %get3A_478] {strides = array<i32>} : memref<128x128xf32, #tpu.memory_space<vmem>>, vector<16xf32>,
          %mul3A_480 = arith.mulf %get3A_479, %gather3A : vector<16xf32>
          %swap3A_481 = arith.index_cast %mul3A_460 : i32 to index
          %swap3A_482 = arith.constant 16 : index
          %swap3A_483 = tpu.vector_load %arg12[%swap3A_481, %swap3A_482] {strides = array<i32>} : memref<128x128xf32, #tpu.memory_space<vmem>>, vector<16xf32>,
          tpu.vector_store %arg12[%swap3A_481, %swap3A_482], %mul3A_480 {strides = array<i32>} : memref<128x128xf32, #tpu.memory_space<vmem>>, vector<16xf32>,
          %get3A_484 = arith.index_cast %mul3A_460 : i32 to index
          %get3A_485 = arith.constant 32 : index
          %get3A_486 = tpu.vector_load %arg12[%get3A_484, %get3A_485] {strides = array<i32>} : memref<128x128xf32, #tpu.memory_space<vmem>>, vector<16xf32>,
          %mul3A_487 = arith.mulf %get3A_486, %gather3A : vector<16xf32>
          %swap3A_488 = arith.index_cast %mul3A_460 : i32 to index
          %swap3A_489 = arith.constant 32 : index
          %swap3A_490 = tpu.vector_load %arg12[%swap3A_488, %swap3A_489] {strides = array<i32>} : memref<128x128xf32, #tpu.memory_space<vmem>>, vector<16xf32>,
          tpu.vector_store %arg12[%swap3A_488, %swap3A_489], %mul3A_487 {strides = array<i32>} : memref<128x128xf32, #tpu.memory_space<vmem>>, vector<16xf32>,
          %get3A_491 = arith.index_cast %mul3A_460 : i32 to index
          %get3A_492 = arith.constant 48 : index
          %get3A_493 = tpu.vector_load %arg12[%get3A_491, %get3A_492] {strides = array<i32>} : memref<128x128xf32, #tpu.memory_space<vmem>>, vector<16xf32>,
          %mul3A_494 = arith.mulf %get3A_493, %gather3A : vector<16xf32>
          %swap3A_495 = arith.index_cast %mul3A_460 : i32 to index
          %swap3A_496 = arith.constant 48 : index
          %swap3A_497 = tpu.vector_load %arg12[%swap3A_495, %swap3A_496] {strides = array<i32>} : memref<128x128xf32, #tpu.memory_space<vmem>>, vector<16xf32>,
          tpu.vector_store %arg12[%swap3A_495, %swap3A_496], %mul3A_494 {strides = array<i32>} : memref<128x128xf32, #tpu.memory_space<vmem>>, vector<16xf32>,
          %get3A_498 = arith.index_cast %mul3A_460 : i32 to index
          %get3A_499 = arith.constant 64 : index
          %get3A_500 = tpu.vector_load %arg12[%get3A_498, %get3A_499] {strides = array<i32>} : memref<128x128xf32, #tpu.memory_space<vmem>>, vector<16xf32>,
          %mul3A_501 = arith.mulf %get3A_500, %gather3A : vector<16xf32>
          %swap3A_502 = arith.index_cast %mul3A_460 : i32 to index
          %swap3A_503 = arith.constant 64 : index
          %swap3A_504 = tpu.vector_load %arg12[%swap3A_502, %swap3A_503] {strides = array<i32>} : memref<128x128xf32, #tpu.memory_space<vmem>>, vector<16xf32>,
          tpu.vector_store %arg12[%swap3A_502, %swap3A_503], %mul3A_501 {strides = array<i32>} : memref<128x128xf32, #tpu.memory_space<vmem>>, vector<16xf32>,
          %get3A_505 = arith.index_cast %mul3A_460 : i32 to index
          %get3A_506 = arith.constant 80 : index
          %get3A_507 = tpu.vector_load %arg12[%get3A_505, %get3A_506] {strides = array<i32>} : memref<128x128xf32, #tpu.memory_space<vmem>>, vector<16xf32>,
          %mul3A_508 = arith.mulf %get3A_507, %gather3A : vector<16xf32>
          %swap3A_509 = arith.index_cast %mul3A_460 : i32 to index
          %swap3A_510 = arith.constant 80 : index
          %swap3A_511 = tpu.vector_load %arg12[%swap3A_509, %swap3A_510] {strides = array<i32>} : memref<128x128xf32, #tpu.memory_space<vmem>>, vector<16xf32>,
          tpu.vector_store %arg12[%swap3A_509, %swap3A_510], %mul3A_508 {strides = array<i32>} : memref<128x128xf32, #tpu.memory_space<vmem>>, vector<16xf32>,
          %get3A_512 = arith.index_cast %mul3A_460 : i32 to index
          %get3A_513 = arith.constant 96 : index
          %get3A_514 = tpu.vector_load %arg12[%get3A_512, %get3A_513] {strides = array<i32>} : memref<128x128xf32, #tpu.memory_space<vmem>>, vector<16xf32>,
          %mul3A_515 = arith.mulf %get3A_514, %gather3A : vector<16xf32>
          %swap3A_516 = arith.index_cast %mul3A_460 : i32 to index
          %swap3A_517 = arith.constant 96 : index
          %swap3A_518 = tpu.vector_load %arg12[%swap3A_516, %swap3A_517] {strides = array<i32>} : memref<128x128xf32, #tpu.memory_space<vmem>>, vector<16xf32>,
          tpu.vector_store %arg12[%swap3A_516, %swap3A_517], %mul3A_515 {strides = array<i32>} : memref<128x128xf32, #tpu.memory_space<vmem>>, vector<16xf32>,
          %get3A_519 = arith.index_cast %mul3A_460 : i32 to index
          %get3A_520 = arith.constant 112 : index
          %get3A_521 = tpu.vector_load %arg12[%get3A_519, %get3A_520] {strides = array<i32>} : memref<128x128xf32, #tpu.memory_space<vmem>>, vector<16xf32>,
          %mul3A_522 = arith.mulf %get3A_521, %gather3A : vector<16xf32>
          %swap3A_523 = arith.index_cast %mul3A_460 : i32 to index
          %swap3A_524 = arith.constant 112 : index
          %swap3A_525 = tpu.vector_load %arg12[%swap3A_523, %swap3A_524] {strides = array<i32>} : memref<128x128xf32, #tpu.memory_space<vmem>>, vector<16xf32>,
          tpu.vector_store %arg12[%swap3A_523, %swap3A_524], %mul3A_522 {strides = array<i32>} : memref<128x128xf32, #tpu.memory_space<vmem>>, vector<16xf32>,
          %add3A_526 = arith.constant 1 : i32
          %add3A_527 = arith.addi %mul3A_460, %add3A_526 : i32
          %get3A_528 = arith.index_cast %add3A_527 : i32 to index
          %get3A_529 = arith.constant 0 : index
          %get3A_530 = tpu.vector_load %arg12[%get3A_528, %get3A_529] {strides = array<i32>} : memref<128x128xf32, #tpu.memory_space<vmem>>, vector<16xf32>,
          %mul3A_531 = arith.mulf %get3A_530, %gather3A_471 : vector<16xf32>
          %add3A_532 = arith.constant 1 : i32
          %add3A_533 = arith.addi %mul3A_460, %add3A_532 : i32
          %swap3A_534 = arith.index_cast %add3A_533 : i32 to index
          %swap3A_535 = arith.constant 0 : index
          %swap3A_536 = tpu.vector_load %arg12[%swap3A_534, %swap3A_535] {strides = array<i32>} : memref<128x128xf32, #tpu.memory_space<vmem>>, vector<16xf32>,
          tpu.vector_store %arg12[%swap3A_534, %swap3A_535], %mul3A_531 {strides = array<i32>} : memref<128x128xf32, #tpu.memory_space<vmem>>, vector<16xf32>,
          %add3A_537 = arith.constant 1 : i32
          %add3A_538 = arith.addi %mul3A_460, %add3A_537 : i32
          %get3A_539 = arith.index_cast %add3A_538 : i32 to index
          %get3A_540 = arith.constant 16 : index
          %get3A_541 = tpu.vector_load %arg12[%get3A_539, %get3A_540] {strides = array<i32>} : memref<128x128xf32, #tpu.memory_space<vmem>>, vector<16xf32>,
          %mul3A_542 = arith.mulf %get3A_541, %gather3A_471 : vector<16xf32>
          %add3A_543 = arith.constant 1 : i32
          %add3A_544 = arith.addi %mul3A_460, %add3A_543 : i32
          %swap3A_545 = arith.index_cast %add3A_544 : i32 to index
          %swap3A_546 = arith.constant 16 : index
          %swap3A_547 = tpu.vector_load %arg12[%swap3A_545, %swap3A_546] {strides = array<i32>} : memref<128x128xf32, #tpu.memory_space<vmem>>, vector<16xf32>,
          tpu.vector_store %arg12[%swap3A_545, %swap3A_546], %mul3A_542 {strides = array<i32>} : memref<128x128xf32, #tpu.memory_space<vmem>>, vector<16xf32>,
          %add3A_548 = arith.constant 1 : i32
          %add3A_549 = arith.addi %mul3A_460, %add3A_548 : i32
          %get3A_550 = arith.index_cast %add3A_549 : i32 to index
          %get3A_551 = arith.constant 32 : index
          %get3A_552 = tpu.vector_load %arg12[%get3A_550, %get3A_551] {strides = array<i32>} : memref<128x128xf32, #tpu.memory_space<vmem>>, vector<16xf32>,
          %mul3A_553 = arith.mulf %get3A_552, %gather3A_471 : vector<16xf32>
          %add3A_554 = arith.constant 1 : i32
          %add3A_555 = arith.addi %mul3A_460, %add3A_554 : i32
          %swap3A_556 = arith.index_cast %add3A_555 : i32 to index
          %swap3A_557 = arith.constant 32 : index
          %swap3A_558 = tpu.vector_load %arg12[%swap3A_556, %swap3A_557] {strides = array<i32>} : memref<128x128xf32, #tpu.memory_space<vmem>>, vector<16xf32>,
          tpu.vector_store %arg12[%swap3A_556, %swap3A_557], %mul3A_553 {strides = array<i32>} : memref<128x128xf32, #tpu.memory_space<vmem>>, vector<16xf32>,
          %add3A_559 = arith.constant 1 : i32
          %add3A_560 = arith.addi %mul3A_460, %add3A_559 : i32
          %get3A_561 = arith.index_cast %add3A_560 : i32 to index
          %get3A_562 = arith.constant 48 : index
          %get3A_563 = tpu.vector_load %arg12[%get3A_561, %get3A_562] {strides = array<i32>} : memref<128x128xf32, #tpu.memory_space<vmem>>, vector<16xf32>,
          %mul3A_564 = arith.mulf %get3A_563, %gather3A_471 : vector<16xf32>
          %add3A_565 = arith.constant 1 : i32
          %add3A_566 = arith.addi %mul3A_460, %add3A_565 : i32
          %swap3A_567 = arith.index_cast %add3A_566 : i32 to index
          %swap3A_568 = arith.constant 48 : index
          %swap3A_569 = tpu.vector_load %arg12[%swap3A_567, %swap3A_568] {strides = array<i32>} : memref<128x128xf32, #tpu.memory_space<vmem>>, vector<16xf32>,
          tpu.vector_store %arg12[%swap3A_567, %swap3A_568], %mul3A_564 {strides = array<i32>} : memref<128x128xf32, #tpu.memory_space<vmem>>, vector<16xf32>,
          %add3A_570 = arith.constant 1 : i32
          %add3A_571 = arith.addi %mul3A_460, %add3A_570 : i32
          %get3A_572 = arith.index_cast %add3A_571 : i32 to index
          %get3A_573 = arith.constant 64 : index
          %get3A_574 = tpu.vector_load %arg12[%get3A_572, %get3A_573] {strides = array<i32>} : memref<128x128xf32, #tpu.memory_space<vmem>>, vector<16xf32>,
          %mul3A_575 = arith.mulf %get3A_574, %gather3A_471 : vector<16xf32>
          %add3A_576 = arith.constant 1 : i32
          %add3A_577 = arith.addi %mul3A_460, %add3A_576 : i32
          %swap3A_578 = arith.index_cast %add3A_577 : i32 to index
          %swap3A_579 = arith.constant 64 : index
          %swap3A_580 = tpu.vector_load %arg12[%swap3A_578, %swap3A_579] {strides = array<i32>} : memref<128x128xf32, #tpu.memory_space<vmem>>, vector<16xf32>,
          tpu.vector_store %arg12[%swap3A_578, %swap3A_579], %mul3A_575 {strides = array<i32>} : memref<128x128xf32, #tpu.memory_space<vmem>>, vector<16xf32>,
          %add3A_581 = arith.constant 1 : i32
          %add3A_582 = arith.addi %mul3A_460, %add3A_581 : i32
          %get3A_583 = arith.index_cast %add3A_582 : i32 to index
          %get3A_584 = arith.constant 80 : index
          %get3A_585 = tpu.vector_load %arg12[%get3A_583, %get3A_584] {strides = array<i32>} : memref<128x128xf32, #tpu.memory_space<vmem>>, vector<16xf32>,
          %mul3A_586 = arith.mulf %get3A_585, %gather3A_471 : vector<16xf32>
          %add3A_587 = arith.constant 1 : i32
          %add3A_588 = arith.addi %mul3A_460, %add3A_587 : i32
          %swap3A_589 = arith.index_cast %add3A_588 : i32 to index
          %swap3A_590 = arith.constant 80 : index
          %swap3A_591 = tpu.vector_load %arg12[%swap3A_589, %swap3A_590] {strides = array<i32>} : memref<128x128xf32, #tpu.memory_space<vmem>>, vector<16xf32>,
          tpu.vector_store %arg12[%swap3A_589, %swap3A_590], %mul3A_586 {strides = array<i32>} : memref<128x128xf32, #tpu.memory_space<vmem>>, vector<16xf32>,
          %add3A_592 = arith.constant 1 : i32
          %add3A_593 = arith.addi %mul3A_460, %add3A_592 : i32
          %get3A_594 = arith.index_cast %add3A_593 : i32 to index
          %get3A_595 = arith.constant 96 : index
          %get3A_596 = tpu.vector_load %arg12[%get3A_594, %get3A_595] {strides = array<i32>} : memref<128x128xf32, #tpu.memory_space<vmem>>, vector<16xf32>,
          %mul3A_597 = arith.mulf %get3A_596, %gather3A_471 : vector<16xf32>
          %add3A_598 = arith.constant 1 : i32
          %add3A_599 = arith.addi %mul3A_460, %add3A_598 : i32
          %swap3A_600 = arith.index_cast %add3A_599 : i32 to index
          %swap3A_601 = arith.constant 96 : index
          %swap3A_602 = tpu.vector_load %arg12[%swap3A_600, %swap3A_601] {strides = array<i32>} : memref<128x128xf32, #tpu.memory_space<vmem>>, vector<16xf32>,
          tpu.vector_store %arg12[%swap3A_600, %swap3A_601], %mul3A_597 {strides = array<i32>} : memref<128x128xf32, #tpu.memory_space<vmem>>, vector<16xf32>,
          %add3A_603 = arith.constant 1 : i32
          %add3A_604 = arith.addi %mul3A_460, %add3A_603 : i32
          %get3A_605 = arith.index_cast %add3A_604 : i32 to index
          %get3A_606 = arith.constant 112 : index
          %get3A_607 = tpu.vector_load %arg12[%get3A_605, %get3A_606] {strides = array<i32>} : memref<128x128xf32, #tpu.memory_space<vmem>>, vector<16xf32>,
          %mul3A_608 = arith.mulf %get3A_607, %gather3A_471 : vector<16xf32>
          %add3A_609 = arith.constant 1 : i32
          %add3A_610 = arith.addi %mul3A_460, %add3A_609 : i32
          %swap3A_611 = arith.index_cast %add3A_610 : i32 to index
          %swap3A_612 = arith.constant 112 : index
          %swap3A_613 = tpu.vector_load %arg12[%swap3A_611, %swap3A_612] {strides = array<i32>} : memref<128x128xf32, #tpu.memory_space<vmem>>, vector<16xf32>,
          tpu.vector_store %arg12[%swap3A_611, %swap3A_612], %mul3A_608 {strides = array<i32>} : memref<128x128xf32, #tpu.memory_space<vmem>>, vector<16xf32>,
          %scan3A_614 = arith.constant 0 : i32
          scf.yield %scan3A_614 : i32
        }
        %scan3A_454 = arith.constant 64 : i32
        %dma_start3A = arith.constant 0 : i32
        %dma_start3A_455 = arith.constant 0 : i32
        %dma_start3A_456 = tpu.memref_slice %arg27[%dma_start3A, %dma_start3A_455] : memref<2560x128xf32, #tpu.memory_space<vmem_shared>> -> memref<2560x128xf32, #tpu.memory_space<vmem_shared>>
        tpu.enqueue_indirect_dma source(%arg12 : memref<128x128xf32, #tpu.memory_space<vmem>>) target(%dma_start3A_456 : memref<2560x128xf32, #tpu.memory_space<vmem_shared>>) offsets(%arg18 : memref<128xi32, #tpu.memory_space<vmem>>) semaphore(%arg22 : memref<!tpu.dma_semaphore, #tpu.memory_space<semaphore_mem>>) {add = true}
      } else {
      }
      %while3A_439 = arith.constant 0 : i32
      scf.yield %while3A_439 : i32
    }
    %while3A_342 = arith.constant 1 : i32
    %while3A_343 = scf.for %while3A_395 = %while3A_339 to %while3A_335 step %while3A_342 iter_args(%while3A_396 = %while3A_341) -> (i32)  : i32 {
      %jit3A_397 = arith.constant 2 : i32
      %eq3A_398 = arith.constant 0 : i32
      %eq3A_399 = arith.cmpi eq, %jit3A_397, %eq3A_398 : i32
      %jit3A_400 = arith.constant 1 : i32
      %select_n3A_401 = arith.select %eq3A_399, %jit3A_400, %jit3A_397 : i32
      %rem3A_402 = arith.remsi %while3A_395, %select_n3A_401 : i32
      %ne3A_403 = arith.constant 0 : i32
      %ne3A_404 = arith.cmpi ne, %rem3A_402, %ne3A_403 : i32
      %lt3A_405 = arith.constant 0 : i32
      %lt3A_406 = arith.cmpi slt, %rem3A_402, %lt3A_405 : i32
      %lt3A_407 = arith.constant 0 : i32
      %lt3A_408 = arith.cmpi slt, %select_n3A_401, %lt3A_407 : i32
      %ne3A_409 = arith.xori %lt3A_406, %lt3A_408 : i1
      %and3A_410 = arith.andi %ne3A_409, %ne3A_404 : i1
      %add3A_411 = arith.addi %rem3A_402, %select_n3A_401 : i32
      %select_n3A_412 = arith.select %and3A_410, %add3A_411, %rem3A_402 : i32
      %eq3A_413 = arith.constant 0 : i32
      %eq3A_414 = arith.cmpi eq, %select_n3A_412, %eq3A_413 : i32
      %convert_element_type3A_415 = arith.extui %eq3A_414 : i1 to i32
      %cond3A_416 = arith.constant 0 : i32
      %cond3A_417 = arith.cmpi ne, %convert_element_type3A_415, %cond3A_416 : i32
      scf.if %cond3A_417 {
        %dma_wait3A = arith.constant 0 : i32
        %dma_wait3A_440 = arith.constant 0 : i32
        %dma_wait3A_441 = tpu.memref_slice %arg4[%dma_wait3A, %dma_wait3A_440] : memref<10240x128xf32, #tpu.memory_space<hbm>> -> memref<10240x128xf32, #tpu.memory_space<hbm>>
        tpu.wait_indirect_dma semaphore(%arg19 : memref<!tpu.dma_semaphore, #tpu.memory_space<semaphore_mem>>) src(%dma_wait3A_441 : memref<10240x128xf32, #tpu.memory_space<hbm>>) dst(%arg11 : memref<128x128xf32, #tpu.memory_space<vmem>>)
        %add3A_442 = arith.constant 1 : i32
        %add3A_443 = arith.addi %while3A_395, %add3A_442 : i32
        %lt3A_444 = arith.cmpi slt, %add3A_443, %select_n3A_324 : i32
        %convert_element_type3A_445 = arith.extui %lt3A_444 : i1 to i32
        %cond3A_446 = arith.constant 0 : i32
        %cond3A_447 = arith.cmpi ne, %convert_element_type3A_445, %cond3A_446 : i32
        scf.if %cond3A_447 {
          %ge3A_457 = arith.constant 1 : i32
          %ge3A_458 = arith.cmpi sge, %while3A_395, %ge3A_457 : i32
          %convert_element_type3A_459 = arith.extui %ge3A_458 : i1 to i32
          %cond3A_460 = arith.constant 0 : i32
          %cond3A_461 = arith.cmpi ne, %convert_element_type3A_459, %cond3A_460 : i32
          scf.if %cond3A_461 {
            %dma_wait3A_578 = arith.constant 0 : i32
            %dma_wait3A_579 = arith.constant 0 : i32
            %dma_wait3A_580 = tpu.memref_slice %arg27[%dma_wait3A_578, %dma_wait3A_579] : memref<2560x128xf32, #tpu.memory_space<vmem_shared>> -> memref<2560x128xf32, #tpu.memory_space<vmem_shared>>
            tpu.wait_indirect_dma semaphore(%arg22 : memref<!tpu.dma_semaphore, #tpu.memory_space<semaphore_mem>>) src(%arg12 : memref<128x128xf32, #tpu.memory_space<vmem>>) dst(%dma_wait3A_580 : memref<2560x128xf32, #tpu.memory_space<vmem_shared>>)
          } else {
          }
          %add3A_462 = arith.constant 1 : i32
          %add3A_463 = arith.addi %while3A_395, %add3A_462 : i32
          %mul3A_464 = arith.constant 128 : i32
          %mul3A_465 = arith.muli %add3A_463, %mul3A_464 : i32
          %add3A_466 = arith.constant 0 : i32
          %add3A_467 = arith.addi %mul3A_465, %add3A_466 : i32
          %get3A = arith.index_cast %add3A_467 : i32 to index
          %get3A_468 = tpu.vector_load %arg13[%get3A] {strides = array<i32>} : memref<6400xi32, #tpu.memory_space<vmem>>, vector<16xi32>,
          %and3A_469 = arith.constant 16383 : i32
          %and3A_470 = vector.broadcast %and3A_469 : i32 to vector<16xi32>
          %and3A_471 = arith.andi %get3A_468, %and3A_470 : vector<16xi32>
          %swap3A = arith.constant 0 : index
          %swap3A_472 = tpu.vector_load %arg17[%swap3A] {strides = array<i32>} : memref<128xi32, #tpu.memory_space<vmem>>, vector<16xi32>,
          tpu.vector_store %arg17[%swap3A], %and3A_471 {strides = array<i32>} : memref<128xi32, #tpu.memory_space<vmem>>, vector<16xi32>,
          %shift_right_logical3A = arith.constant 14 : i32
          %shift_right_logical3A_473 = vector.broadcast %shift_right_logical3A : i32 to vector<16xi32>
          %shift_right_logical3A_474 = arith.shrui %get3A_468, %shift_right_logical3A_473 : vector<16xi32>
          %swap3A_475 = arith.constant 0 : index
          %swap3A_476 = tpu.vector_load %arg18[%swap3A_475] {strides = array<i32>} : memref<128xi32, #tpu.memory_space<vmem>>, vector<16xi32>,
          tpu.vector_store %arg18[%swap3A_475], %shift_right_logical3A_474 {strides = array<i32>} : memref<128xi32, #tpu.memory_space<vmem>>, vector<16xi32>,
          %add3A_477 = arith.constant 16 : i32
          %add3A_478 = arith.addi %mul3A_465, %add3A_477 : i32
          %get3A_479 = arith.index_cast %add3A_478 : i32 to index
          %get3A_480 = tpu.vector_load %arg13[%get3A_479] {strides = array<i32>} : memref<6400xi32, #tpu.memory_space<vmem>>, vector<16xi32>,
          %and3A_481 = arith.constant 16383 : i32
          %and3A_482 = vector.broadcast %and3A_481 : i32 to vector<16xi32>
          %and3A_483 = arith.andi %get3A_480, %and3A_482 : vector<16xi32>
          %swap3A_484 = arith.constant 16 : index
          %swap3A_485 = tpu.vector_load %arg17[%swap3A_484] {strides = array<i32>} : memref<128xi32, #tpu.memory_space<vmem>>, vector<16xi32>,
          tpu.vector_store %arg17[%swap3A_484], %and3A_483 {strides = array<i32>} : memref<128xi32, #tpu.memory_space<vmem>>, vector<16xi32>,
          %shift_right_logical3A_486 = arith.constant 14 : i32
          %shift_right_logical3A_487 = vector.broadcast %shift_right_logical3A_486 : i32 to vector<16xi32>
          %shift_right_logical3A_488 = arith.shrui %get3A_480, %shift_right_logical3A_487 : vector<16xi32>
          %swap3A_489 = arith.constant 16 : index
          %swap3A_490 = tpu.vector_load %arg18[%swap3A_489] {strides = array<i32>} : memref<128xi32, #tpu.memory_space<vmem>>, vector<16xi32>,
          tpu.vector_store %arg18[%swap3A_489], %shift_right_logical3A_488 {strides = array<i32>} : memref<128xi32, #tpu.memory_space<vmem>>, vector<16xi32>,
          %add3A_491 = arith.constant 32 : i32
          %add3A_492 = arith.addi %mul3A_465, %add3A_491 : i32
          %get3A_493 = arith.index_cast %add3A_492 : i32 to index
          %get3A_494 = tpu.vector_load %arg13[%get3A_493] {strides = array<i32>} : memref<6400xi32, #tpu.memory_space<vmem>>, vector<16xi32>,
          %and3A_495 = arith.constant 16383 : i32
          %and3A_496 = vector.broadcast %and3A_495 : i32 to vector<16xi32>
          %and3A_497 = arith.andi %get3A_494, %and3A_496 : vector<16xi32>
          %swap3A_498 = arith.constant 32 : index
          %swap3A_499 = tpu.vector_load %arg17[%swap3A_498] {strides = array<i32>} : memref<128xi32, #tpu.memory_space<vmem>>, vector<16xi32>,
          tpu.vector_store %arg17[%swap3A_498], %and3A_497 {strides = array<i32>} : memref<128xi32, #tpu.memory_space<vmem>>, vector<16xi32>,
          %shift_right_logical3A_500 = arith.constant 14 : i32
          %shift_right_logical3A_501 = vector.broadcast %shift_right_logical3A_500 : i32 to vector<16xi32>
          %shift_right_logical3A_502 = arith.shrui %get3A_494, %shift_right_logical3A_501 : vector<16xi32>
          %swap3A_503 = arith.constant 32 : index
          %swap3A_504 = tpu.vector_load %arg18[%swap3A_503] {strides = array<i32>} : memref<128xi32, #tpu.memory_space<vmem>>, vector<16xi32>,
          tpu.vector_store %arg18[%swap3A_503], %shift_right_logical3A_502 {strides = array<i32>} : memref<128xi32, #tpu.memory_space<vmem>>, vector<16xi32>,
          %add3A_505 = arith.constant 48 : i32
          %add3A_506 = arith.addi %mul3A_465, %add3A_505 : i32
          %get3A_507 = arith.index_cast %add3A_506 : i32 to index
          %get3A_508 = tpu.vector_load %arg13[%get3A_507] {strides = array<i32>} : memref<6400xi32, #tpu.memory_space<vmem>>, vector<16xi32>,
          %and3A_509 = arith.constant 16383 : i32
          %and3A_510 = vector.broadcast %and3A_509 : i32 to vector<16xi32>
          %and3A_511 = arith.andi %get3A_508, %and3A_510 : vector<16xi32>
          %swap3A_512 = arith.constant 48 : index
          %swap3A_513 = tpu.vector_load %arg17[%swap3A_512] {strides = array<i32>} : memref<128xi32, #tpu.memory_space<vmem>>, vector<16xi32>,
          tpu.vector_store %arg17[%swap3A_512], %and3A_511 {strides = array<i32>} : memref<128xi32, #tpu.memory_space<vmem>>, vector<16xi32>,
          %shift_right_logical3A_514 = arith.constant 14 : i32
          %shift_right_logical3A_515 = vector.broadcast %shift_right_logical3A_514 : i32 to vector<16xi32>
          %shift_right_logical3A_516 = arith.shrui %get3A_508, %shift_right_logical3A_515 : vector<16xi32>
          %swap3A_517 = arith.constant 48 : index
          %swap3A_518 = tpu.vector_load %arg18[%swap3A_517] {strides = array<i32>} : memref<128xi32, #tpu.memory_space<vmem>>, vector<16xi32>,
          tpu.vector_store %arg18[%swap3A_517], %shift_right_logical3A_516 {strides = array<i32>} : memref<128xi32, #tpu.memory_space<vmem>>, vector<16xi32>,
          %add3A_519 = arith.constant 64 : i32
          %add3A_520 = arith.addi %mul3A_465, %add3A_519 : i32
          %get3A_521 = arith.index_cast %add3A_520 : i32 to index
          %get3A_522 = tpu.vector_load %arg13[%get3A_521] {strides = array<i32>} : memref<6400xi32, #tpu.memory_space<vmem>>, vector<16xi32>,
          %and3A_523 = arith.constant 16383 : i32
          %and3A_524 = vector.broadcast %and3A_523 : i32 to vector<16xi32>
          %and3A_525 = arith.andi %get3A_522, %and3A_524 : vector<16xi32>
          %swap3A_526 = arith.constant 64 : index
          %swap3A_527 = tpu.vector_load %arg17[%swap3A_526] {strides = array<i32>} : memref<128xi32, #tpu.memory_space<vmem>>, vector<16xi32>,
          tpu.vector_store %arg17[%swap3A_526], %and3A_525 {strides = array<i32>} : memref<128xi32, #tpu.memory_space<vmem>>, vector<16xi32>,
          %shift_right_logical3A_528 = arith.constant 14 : i32
          %shift_right_logical3A_529 = vector.broadcast %shift_right_logical3A_528 : i32 to vector<16xi32>
          %shift_right_logical3A_530 = arith.shrui %get3A_522, %shift_right_logical3A_529 : vector<16xi32>
          %swap3A_531 = arith.constant 64 : index
          %swap3A_532 = tpu.vector_load %arg18[%swap3A_531] {strides = array<i32>} : memref<128xi32, #tpu.memory_space<vmem>>, vector<16xi32>,
          tpu.vector_store %arg18[%swap3A_531], %shift_right_logical3A_530 {strides = array<i32>} : memref<128xi32, #tpu.memory_space<vmem>>, vector<16xi32>,
          %add3A_533 = arith.constant 80 : i32
          %add3A_534 = arith.addi %mul3A_465, %add3A_533 : i32
          %get3A_535 = arith.index_cast %add3A_534 : i32 to index
          %get3A_536 = tpu.vector_load %arg13[%get3A_535] {strides = array<i32>} : memref<6400xi32, #tpu.memory_space<vmem>>, vector<16xi32>,
          %and3A_537 = arith.constant 16383 : i32
          %and3A_538 = vector.broadcast %and3A_537 : i32 to vector<16xi32>
          %and3A_539 = arith.andi %get3A_536, %and3A_538 : vector<16xi32>
          %swap3A_540 = arith.constant 80 : index
          %swap3A_541 = tpu.vector_load %arg17[%swap3A_540] {strides = array<i32>} : memref<128xi32, #tpu.memory_space<vmem>>, vector<16xi32>,
          tpu.vector_store %arg17[%swap3A_540], %and3A_539 {strides = array<i32>} : memref<128xi32, #tpu.memory_space<vmem>>, vector<16xi32>,
          %shift_right_logical3A_542 = arith.constant 14 : i32
          %shift_right_logical3A_543 = vector.broadcast %shift_right_logical3A_542 : i32 to vector<16xi32>
          %shift_right_logical3A_544 = arith.shrui %get3A_536, %shift_right_logical3A_543 : vector<16xi32>
          %swap3A_545 = arith.constant 80 : index
          %swap3A_546 = tpu.vector_load %arg18[%swap3A_545] {strides = array<i32>} : memref<128xi32, #tpu.memory_space<vmem>>, vector<16xi32>,
          tpu.vector_store %arg18[%swap3A_545], %shift_right_logical3A_544 {strides = array<i32>} : memref<128xi32, #tpu.memory_space<vmem>>, vector<16xi32>,
          %add3A_547 = arith.constant 96 : i32
          %add3A_548 = arith.addi %mul3A_465, %add3A_547 : i32
          %get3A_549 = arith.index_cast %add3A_548 : i32 to index
          %get3A_550 = tpu.vector_load %arg13[%get3A_549] {strides = array<i32>} : memref<6400xi32, #tpu.memory_space<vmem>>, vector<16xi32>,
          %and3A_551 = arith.constant 16383 : i32
          %and3A_552 = vector.broadcast %and3A_551 : i32 to vector<16xi32>
          %and3A_553 = arith.andi %get3A_550, %and3A_552 : vector<16xi32>
          %swap3A_554 = arith.constant 96 : index
          %swap3A_555 = tpu.vector_load %arg17[%swap3A_554] {strides = array<i32>} : memref<128xi32, #tpu.memory_space<vmem>>, vector<16xi32>,
          tpu.vector_store %arg17[%swap3A_554], %and3A_553 {strides = array<i32>} : memref<128xi32, #tpu.memory_space<vmem>>, vector<16xi32>,
          %shift_right_logical3A_556 = arith.constant 14 : i32
          %shift_right_logical3A_557 = vector.broadcast %shift_right_logical3A_556 : i32 to vector<16xi32>
          %shift_right_logical3A_558 = arith.shrui %get3A_550, %shift_right_logical3A_557 : vector<16xi32>
          %swap3A_559 = arith.constant 96 : index
          %swap3A_560 = tpu.vector_load %arg18[%swap3A_559] {strides = array<i32>} : memref<128xi32, #tpu.memory_space<vmem>>, vector<16xi32>,
          tpu.vector_store %arg18[%swap3A_559], %shift_right_logical3A_558 {strides = array<i32>} : memref<128xi32, #tpu.memory_space<vmem>>, vector<16xi32>,
          %add3A_561 = arith.constant 112 : i32
          %add3A_562 = arith.addi %mul3A_465, %add3A_561 : i32
          %get3A_563 = arith.index_cast %add3A_562 : i32 to index
          %get3A_564 = tpu.vector_load %arg13[%get3A_563] {strides = array<i32>} : memref<6400xi32, #tpu.memory_space<vmem>>, vector<16xi32>,
          %and3A_565 = arith.constant 16383 : i32
          %and3A_566 = vector.broadcast %and3A_565 : i32 to vector<16xi32>
          %and3A_567 = arith.andi %get3A_564, %and3A_566 : vector<16xi32>
          %swap3A_568 = arith.constant 112 : index
          %swap3A_569 = tpu.vector_load %arg17[%swap3A_568] {strides = array<i32>} : memref<128xi32, #tpu.memory_space<vmem>>, vector<16xi32>,
          tpu.vector_store %arg17[%swap3A_568], %and3A_567 {strides = array<i32>} : memref<128xi32, #tpu.memory_space<vmem>>, vector<16xi32>,
          %shift_right_logical3A_570 = arith.constant 14 : i32
          %shift_right_logical3A_571 = vector.broadcast %shift_right_logical3A_570 : i32 to vector<16xi32>
          %shift_right_logical3A_572 = arith.shrui %get3A_564, %shift_right_logical3A_571 : vector<16xi32>
          %swap3A_573 = arith.constant 112 : index
          %swap3A_574 = tpu.vector_load %arg18[%swap3A_573] {strides = array<i32>} : memref<128xi32, #tpu.memory_space<vmem>>, vector<16xi32>,
          tpu.vector_store %arg18[%swap3A_573], %shift_right_logical3A_572 {strides = array<i32>} : memref<128xi32, #tpu.memory_space<vmem>>, vector<16xi32>,
          %dma_start3A_575 = arith.constant 0 : i32
          %dma_start3A_576 = arith.constant 0 : i32
          %dma_start3A_577 = tpu.memref_slice %arg4[%dma_start3A_575, %dma_start3A_576] : memref<10240x128xf32, #tpu.memory_space<hbm>> -> memref<10240x128xf32, #tpu.memory_space<hbm>>
          tpu.enqueue_indirect_dma source(%dma_start3A_577 : memref<10240x128xf32, #tpu.memory_space<hbm>>) target(%arg12 : memref<128x128xf32, #tpu.memory_space<vmem>>) offsets(%arg17 : memref<128xi32, #tpu.memory_space<vmem>>) semaphore(%arg20 : memref<!tpu.dma_semaphore, #tpu.memory_space<semaphore_mem>>)
        } else {
        }
        %scan3A_448 = arith.constant 0 : i32
        %scan3A_449 = arith.constant 0 : i32
        %scan3A_450 = arith.constant 64 : i32
        %scan3A_451 = arith.addi %scan3A_449, %scan3A_450 : i32
        %scan3A_452 = arith.constant 1 : i32
        %scan3A_453 = scf.for %scan3A_457 = %scan3A_449 to %scan3A_451 step %scan3A_452 iter_args(%scan3A_458 = %scan3A_448) -> (i32)  : i32 {
          %mul3A_459 = arith.constant 2 : i32
          %mul3A_460 = arith.muli %scan3A_457, %mul3A_459 : i32
          %mul3A_461 = arith.constant 128 : i32
          %mul3A_462 = arith.muli %while3A_395, %mul3A_461 : i32
          %add3A_463 = arith.addi %mul3A_462, %mul3A_460 : i32
          %broadcast_in_dim3A_464 = vector.broadcast %add3A_463 : i32 to vector<16xi32>
          %gather3A = tpu.vector_load_idx %arg14[%broadcast_in_dim3A_464] : memref<6400xf32, #tpu.memory_space<vmem>>[vector<16xi32>], vector<16xf32>,
          %mul3A_465 = arith.constant 128 : i32
          %mul3A_466 = arith.muli %while3A_395, %mul3A_465 : i32
          %add3A_467 = arith.addi %mul3A_466, %mul3A_460 : i32
          %add3A_468 = arith.constant 1 : i32
          %add3A_469 = arith.addi %add3A_467, %add3A_468 : i32
          %broadcast_in_dim3A_470 = vector.broadcast %add3A_469 : i32 to vector<16xi32>
          %gather3A_471 = tpu.vector_load_idx %arg14[%broadcast_in_dim3A_470] : memref<6400xf32, #tpu.memory_space<vmem>>[vector<16xi32>], vector<16xf32>,
          %get3A = arith.index_cast %mul3A_460 : i32 to index
          %get3A_472 = arith.constant 0 : index
          %get3A_473 = tpu.vector_load %arg11[%get3A, %get3A_472] {strides = array<i32>} : memref<128x128xf32, #tpu.memory_space<vmem>>, vector<16xf32>,
          %mul3A_474 = arith.mulf %get3A_473, %gather3A : vector<16xf32>
          %swap3A = arith.index_cast %mul3A_460 : i32 to index
          %swap3A_475 = arith.constant 0 : index
          %swap3A_476 = tpu.vector_load %arg11[%swap3A, %swap3A_475] {strides = array<i32>} : memref<128x128xf32, #tpu.memory_space<vmem>>, vector<16xf32>,
          tpu.vector_store %arg11[%swap3A, %swap3A_475], %mul3A_474 {strides = array<i32>} : memref<128x128xf32, #tpu.memory_space<vmem>>, vector<16xf32>,
          %get3A_477 = arith.index_cast %mul3A_460 : i32 to index
          %get3A_478 = arith.constant 16 : index
          %get3A_479 = tpu.vector_load %arg11[%get3A_477, %get3A_478] {strides = array<i32>} : memref<128x128xf32, #tpu.memory_space<vmem>>, vector<16xf32>,
          %mul3A_480 = arith.mulf %get3A_479, %gather3A : vector<16xf32>
          %swap3A_481 = arith.index_cast %mul3A_460 : i32 to index
          %swap3A_482 = arith.constant 16 : index
          %swap3A_483 = tpu.vector_load %arg11[%swap3A_481, %swap3A_482] {strides = array<i32>} : memref<128x128xf32, #tpu.memory_space<vmem>>, vector<16xf32>,
          tpu.vector_store %arg11[%swap3A_481, %swap3A_482], %mul3A_480 {strides = array<i32>} : memref<128x128xf32, #tpu.memory_space<vmem>>, vector<16xf32>,
          %get3A_484 = arith.index_cast %mul3A_460 : i32 to index
          %get3A_485 = arith.constant 32 : index
          %get3A_486 = tpu.vector_load %arg11[%get3A_484, %get3A_485] {strides = array<i32>} : memref<128x128xf32, #tpu.memory_space<vmem>>, vector<16xf32>,
          %mul3A_487 = arith.mulf %get3A_486, %gather3A : vector<16xf32>
          %swap3A_488 = arith.index_cast %mul3A_460 : i32 to index
          %swap3A_489 = arith.constant 32 : index
          %swap3A_490 = tpu.vector_load %arg11[%swap3A_488, %swap3A_489] {strides = array<i32>} : memref<128x128xf32, #tpu.memory_space<vmem>>, vector<16xf32>,
          tpu.vector_store %arg11[%swap3A_488, %swap3A_489], %mul3A_487 {strides = array<i32>} : memref<128x128xf32, #tpu.memory_space<vmem>>, vector<16xf32>,
          %get3A_491 = arith.index_cast %mul3A_460 : i32 to index
          %get3A_492 = arith.constant 48 : index
          %get3A_493 = tpu.vector_load %arg11[%get3A_491, %get3A_492] {strides = array<i32>} : memref<128x128xf32, #tpu.memory_space<vmem>>, vector<16xf32>,
          %mul3A_494 = arith.mulf %get3A_493, %gather3A : vector<16xf32>
          %swap3A_495 = arith.index_cast %mul3A_460 : i32 to index
          %swap3A_496 = arith.constant 48 : index
          %swap3A_497 = tpu.vector_load %arg11[%swap3A_495, %swap3A_496] {strides = array<i32>} : memref<128x128xf32, #tpu.memory_space<vmem>>, vector<16xf32>,
          tpu.vector_store %arg11[%swap3A_495, %swap3A_496], %mul3A_494 {strides = array<i32>} : memref<128x128xf32, #tpu.memory_space<vmem>>, vector<16xf32>,
          %get3A_498 = arith.index_cast %mul3A_460 : i32 to index
          %get3A_499 = arith.constant 64 : index
          %get3A_500 = tpu.vector_load %arg11[%get3A_498, %get3A_499] {strides = array<i32>} : memref<128x128xf32, #tpu.memory_space<vmem>>, vector<16xf32>,
          %mul3A_501 = arith.mulf %get3A_500, %gather3A : vector<16xf32>
          %swap3A_502 = arith.index_cast %mul3A_460 : i32 to index
          %swap3A_503 = arith.constant 64 : index
          %swap3A_504 = tpu.vector_load %arg11[%swap3A_502, %swap3A_503] {strides = array<i32>} : memref<128x128xf32, #tpu.memory_space<vmem>>, vector<16xf32>,
          tpu.vector_store %arg11[%swap3A_502, %swap3A_503], %mul3A_501 {strides = array<i32>} : memref<128x128xf32, #tpu.memory_space<vmem>>, vector<16xf32>,
          %get3A_505 = arith.index_cast %mul3A_460 : i32 to index
          %get3A_506 = arith.constant 80 : index
          %get3A_507 = tpu.vector_load %arg11[%get3A_505, %get3A_506] {strides = array<i32>} : memref<128x128xf32, #tpu.memory_space<vmem>>, vector<16xf32>,
          %mul3A_508 = arith.mulf %get3A_507, %gather3A : vector<16xf32>
          %swap3A_509 = arith.index_cast %mul3A_460 : i32 to index
          %swap3A_510 = arith.constant 80 : index
          %swap3A_511 = tpu.vector_load %arg11[%swap3A_509, %swap3A_510] {strides = array<i32>} : memref<128x128xf32, #tpu.memory_space<vmem>>, vector<16xf32>,
          tpu.vector_store %arg11[%swap3A_509, %swap3A_510], %mul3A_508 {strides = array<i32>} : memref<128x128xf32, #tpu.memory_space<vmem>>, vector<16xf32>,
          %get3A_512 = arith.index_cast %mul3A_460 : i32 to index
          %get3A_513 = arith.constant 96 : index
          %get3A_514 = tpu.vector_load %arg11[%get3A_512, %get3A_513] {strides = array<i32>} : memref<128x128xf32, #tpu.memory_space<vmem>>, vector<16xf32>,
          %mul3A_515 = arith.mulf %get3A_514, %gather3A : vector<16xf32>
          %swap3A_516 = arith.index_cast %mul3A_460 : i32 to index
          %swap3A_517 = arith.constant 96 : index
          %swap3A_518 = tpu.vector_load %arg11[%swap3A_516, %swap3A_517] {strides = array<i32>} : memref<128x128xf32, #tpu.memory_space<vmem>>, vector<16xf32>,
          tpu.vector_store %arg11[%swap3A_516, %swap3A_517], %mul3A_515 {strides = array<i32>} : memref<128x128xf32, #tpu.memory_space<vmem>>, vector<16xf32>,
          %get3A_519 = arith.index_cast %mul3A_460 : i32 to index
          %get3A_520 = arith.constant 112 : index
          %get3A_521 = tpu.vector_load %arg11[%get3A_519, %get3A_520] {strides = array<i32>} : memref<128x128xf32, #tpu.memory_space<vmem>>, vector<16xf32>,
          %mul3A_522 = arith.mulf %get3A_521, %gather3A : vector<16xf32>
          %swap3A_523 = arith.index_cast %mul3A_460 : i32 to index
          %swap3A_524 = arith.constant 112 : index
          %swap3A_525 = tpu.vector_load %arg11[%swap3A_523, %swap3A_524] {strides = array<i32>} : memref<128x128xf32, #tpu.memory_space<vmem>>, vector<16xf32>,
          tpu.vector_store %arg11[%swap3A_523, %swap3A_524], %mul3A_522 {strides = array<i32>} : memref<128x128xf32, #tpu.memory_space<vmem>>, vector<16xf32>,
          %add3A_526 = arith.constant 1 : i32
          %add3A_527 = arith.addi %mul3A_460, %add3A_526 : i32
          %get3A_528 = arith.index_cast %add3A_527 : i32 to index
          %get3A_529 = arith.constant 0 : index
          %get3A_530 = tpu.vector_load %arg11[%get3A_528, %get3A_529] {strides = array<i32>} : memref<128x128xf32, #tpu.memory_space<vmem>>, vector<16xf32>,
          %mul3A_531 = arith.mulf %get3A_530, %gather3A_471 : vector<16xf32>
          %add3A_532 = arith.constant 1 : i32
          %add3A_533 = arith.addi %mul3A_460, %add3A_532 : i32
          %swap3A_534 = arith.index_cast %add3A_533 : i32 to index
          %swap3A_535 = arith.constant 0 : index
          %swap3A_536 = tpu.vector_load %arg11[%swap3A_534, %swap3A_535] {strides = array<i32>} : memref<128x128xf32, #tpu.memory_space<vmem>>, vector<16xf32>,
          tpu.vector_store %arg11[%swap3A_534, %swap3A_535], %mul3A_531 {strides = array<i32>} : memref<128x128xf32, #tpu.memory_space<vmem>>, vector<16xf32>,
          %add3A_537 = arith.constant 1 : i32
          %add3A_538 = arith.addi %mul3A_460, %add3A_537 : i32
          %get3A_539 = arith.index_cast %add3A_538 : i32 to index
          %get3A_540 = arith.constant 16 : index
          %get3A_541 = tpu.vector_load %arg11[%get3A_539, %get3A_540] {strides = array<i32>} : memref<128x128xf32, #tpu.memory_space<vmem>>, vector<16xf32>,
          %mul3A_542 = arith.mulf %get3A_541, %gather3A_471 : vector<16xf32>
          %add3A_543 = arith.constant 1 : i32
          %add3A_544 = arith.addi %mul3A_460, %add3A_543 : i32
          %swap3A_545 = arith.index_cast %add3A_544 : i32 to index
          %swap3A_546 = arith.constant 16 : index
          %swap3A_547 = tpu.vector_load %arg11[%swap3A_545, %swap3A_546] {strides = array<i32>} : memref<128x128xf32, #tpu.memory_space<vmem>>, vector<16xf32>,
          tpu.vector_store %arg11[%swap3A_545, %swap3A_546], %mul3A_542 {strides = array<i32>} : memref<128x128xf32, #tpu.memory_space<vmem>>, vector<16xf32>,
          %add3A_548 = arith.constant 1 : i32
          %add3A_549 = arith.addi %mul3A_460, %add3A_548 : i32
          %get3A_550 = arith.index_cast %add3A_549 : i32 to index
          %get3A_551 = arith.constant 32 : index
          %get3A_552 = tpu.vector_load %arg11[%get3A_550, %get3A_551] {strides = array<i32>} : memref<128x128xf32, #tpu.memory_space<vmem>>, vector<16xf32>,
          %mul3A_553 = arith.mulf %get3A_552, %gather3A_471 : vector<16xf32>
          %add3A_554 = arith.constant 1 : i32
          %add3A_555 = arith.addi %mul3A_460, %add3A_554 : i32
          %swap3A_556 = arith.index_cast %add3A_555 : i32 to index
          %swap3A_557 = arith.constant 32 : index
          %swap3A_558 = tpu.vector_load %arg11[%swap3A_556, %swap3A_557] {strides = array<i32>} : memref<128x128xf32, #tpu.memory_space<vmem>>, vector<16xf32>,
          tpu.vector_store %arg11[%swap3A_556, %swap3A_557], %mul3A_553 {strides = array<i32>} : memref<128x128xf32, #tpu.memory_space<vmem>>, vector<16xf32>,
          %add3A_559 = arith.constant 1 : i32
          %add3A_560 = arith.addi %mul3A_460, %add3A_559 : i32
          %get3A_561 = arith.index_cast %add3A_560 : i32 to index
          %get3A_562 = arith.constant 48 : index
          %get3A_563 = tpu.vector_load %arg11[%get3A_561, %get3A_562] {strides = array<i32>} : memref<128x128xf32, #tpu.memory_space<vmem>>, vector<16xf32>,
          %mul3A_564 = arith.mulf %get3A_563, %gather3A_471 : vector<16xf32>
          %add3A_565 = arith.constant 1 : i32
          %add3A_566 = arith.addi %mul3A_460, %add3A_565 : i32
          %swap3A_567 = arith.index_cast %add3A_566 : i32 to index
          %swap3A_568 = arith.constant 48 : index
          %swap3A_569 = tpu.vector_load %arg11[%swap3A_567, %swap3A_568] {strides = array<i32>} : memref<128x128xf32, #tpu.memory_space<vmem>>, vector<16xf32>,
          tpu.vector_store %arg11[%swap3A_567, %swap3A_568], %mul3A_564 {strides = array<i32>} : memref<128x128xf32, #tpu.memory_space<vmem>>, vector<16xf32>,
          %add3A_570 = arith.constant 1 : i32
          %add3A_571 = arith.addi %mul3A_460, %add3A_570 : i32
          %get3A_572 = arith.index_cast %add3A_571 : i32 to index
          %get3A_573 = arith.constant 64 : index
          %get3A_574 = tpu.vector_load %arg11[%get3A_572, %get3A_573] {strides = array<i32>} : memref<128x128xf32, #tpu.memory_space<vmem>>, vector<16xf32>,
          %mul3A_575 = arith.mulf %get3A_574, %gather3A_471 : vector<16xf32>
          %add3A_576 = arith.constant 1 : i32
          %add3A_577 = arith.addi %mul3A_460, %add3A_576 : i32
          %swap3A_578 = arith.index_cast %add3A_577 : i32 to index
          %swap3A_579 = arith.constant 64 : index
          %swap3A_580 = tpu.vector_load %arg11[%swap3A_578, %swap3A_579] {strides = array<i32>} : memref<128x128xf32, #tpu.memory_space<vmem>>, vector<16xf32>,
          tpu.vector_store %arg11[%swap3A_578, %swap3A_579], %mul3A_575 {strides = array<i32>} : memref<128x128xf32, #tpu.memory_space<vmem>>, vector<16xf32>,
          %add3A_581 = arith.constant 1 : i32
          %add3A_582 = arith.addi %mul3A_460, %add3A_581 : i32
          %get3A_583 = arith.index_cast %add3A_582 : i32 to index
          %get3A_584 = arith.constant 80 : index
          %get3A_585 = tpu.vector_load %arg11[%get3A_583, %get3A_584] {strides = array<i32>} : memref<128x128xf32, #tpu.memory_space<vmem>>, vector<16xf32>,
          %mul3A_586 = arith.mulf %get3A_585, %gather3A_471 : vector<16xf32>
          %add3A_587 = arith.constant 1 : i32
          %add3A_588 = arith.addi %mul3A_460, %add3A_587 : i32
          %swap3A_589 = arith.index_cast %add3A_588 : i32 to index
          %swap3A_590 = arith.constant 80 : index
          %swap3A_591 = tpu.vector_load %arg11[%swap3A_589, %swap3A_590] {strides = array<i32>} : memref<128x128xf32, #tpu.memory_space<vmem>>, vector<16xf32>,
          tpu.vector_store %arg11[%swap3A_589, %swap3A_590], %mul3A_586 {strides = array<i32>} : memref<128x128xf32, #tpu.memory_space<vmem>>, vector<16xf32>,
          %add3A_592 = arith.constant 1 : i32
          %add3A_593 = arith.addi %mul3A_460, %add3A_592 : i32
          %get3A_594 = arith.index_cast %add3A_593 : i32 to index
          %get3A_595 = arith.constant 96 : index
          %get3A_596 = tpu.vector_load %arg11[%get3A_594, %get3A_595] {strides = array<i32>} : memref<128x128xf32, #tpu.memory_space<vmem>>, vector<16xf32>,
          %mul3A_597 = arith.mulf %get3A_596, %gather3A_471 : vector<16xf32>
          %add3A_598 = arith.constant 1 : i32
          %add3A_599 = arith.addi %mul3A_460, %add3A_598 : i32
          %swap3A_600 = arith.index_cast %add3A_599 : i32 to index
          %swap3A_601 = arith.constant 96 : index
          %swap3A_602 = tpu.vector_load %arg11[%swap3A_600, %swap3A_601] {strides = array<i32>} : memref<128x128xf32, #tpu.memory_space<vmem>>, vector<16xf32>,
          tpu.vector_store %arg11[%swap3A_600, %swap3A_601], %mul3A_597 {strides = array<i32>} : memref<128x128xf32, #tpu.memory_space<vmem>>, vector<16xf32>,
          %add3A_603 = arith.constant 1 : i32
          %add3A_604 = arith.addi %mul3A_460, %add3A_603 : i32
          %get3A_605 = arith.index_cast %add3A_604 : i32 to index
          %get3A_606 = arith.constant 112 : index
          %get3A_607 = tpu.vector_load %arg11[%get3A_605, %get3A_606] {strides = array<i32>} : memref<128x128xf32, #tpu.memory_space<vmem>>, vector<16xf32>,
          %mul3A_608 = arith.mulf %get3A_607, %gather3A_471 : vector<16xf32>
          %add3A_609 = arith.constant 1 : i32
          %add3A_610 = arith.addi %mul3A_460, %add3A_609 : i32
          %swap3A_611 = arith.index_cast %add3A_610 : i32 to index
          %swap3A_612 = arith.constant 112 : index
          %swap3A_613 = tpu.vector_load %arg11[%swap3A_611, %swap3A_612] {strides = array<i32>} : memref<128x128xf32, #tpu.memory_space<vmem>>, vector<16xf32>,
          tpu.vector_store %arg11[%swap3A_611, %swap3A_612], %mul3A_608 {strides = array<i32>} : memref<128x128xf32, #tpu.memory_space<vmem>>, vector<16xf32>,
          %scan3A_614 = arith.constant 0 : i32
          scf.yield %scan3A_614 : i32
        }
        %scan3A_454 = arith.constant 64 : i32
        %dma_start3A = arith.constant 0 : i32
        %dma_start3A_455 = arith.constant 0 : i32
        %dma_start3A_456 = tpu.memref_slice %arg27[%dma_start3A, %dma_start3A_455] : memref<2560x128xf32, #tpu.memory_space<vmem_shared>> -> memref<2560x128xf32, #tpu.memory_space<vmem_shared>>
        tpu.enqueue_indirect_dma source(%arg11 : memref<128x128xf32, #tpu.memory_space<vmem>>) target(%dma_start3A_456 : memref<2560x128xf32, #tpu.memory_space<vmem_shared>>) offsets(%arg16 : memref<128xi32, #tpu.memory_space<vmem>>) semaphore(%arg21 : memref<!tpu.dma_semaphore, #tpu.memory_space<semaphore_mem>>) {add = true}
      } else {
      }
      %jit3A_418 = arith.constant 2 : i32
      %eq3A_419 = arith.constant 0 : i32
      %eq3A_420 = arith.cmpi eq, %jit3A_418, %eq3A_419 : i32
      %jit3A_421 = arith.constant 1 : i32
      %select_n3A_422 = arith.select %eq3A_420, %jit3A_421, %jit3A_418 : i32
      %rem3A_423 = arith.remsi %while3A_395, %select_n3A_422 : i32
      %ne3A_424 = arith.constant 0 : i32
      %ne3A_425 = arith.cmpi ne, %rem3A_423, %ne3A_424 : i32
      %lt3A_426 = arith.constant 0 : i32
      %lt3A_427 = arith.cmpi slt, %rem3A_423, %lt3A_426 : i32
      %lt3A_428 = arith.constant 0 : i32
      %lt3A_429 = arith.cmpi slt, %select_n3A_422, %lt3A_428 : i32
      %ne3A_430 = arith.xori %lt3A_427, %lt3A_429 : i1
      %and3A_431 = arith.andi %ne3A_430, %ne3A_425 : i1
      %add3A_432 = arith.addi %rem3A_423, %select_n3A_422 : i32
      %select_n3A_433 = arith.select %and3A_431, %add3A_432, %rem3A_423 : i32
      %eq3A_434 = arith.constant 1 : i32
      %eq3A_435 = arith.cmpi eq, %select_n3A_433, %eq3A_434 : i32
      %convert_element_type3A_436 = arith.extui %eq3A_435 : i1 to i32
      %cond3A_437 = arith.constant 0 : i32
      %cond3A_438 = arith.cmpi ne, %convert_element_type3A_436, %cond3A_437 : i32
      scf.if %cond3A_438 {
        %dma_wait3A = arith.constant 0 : i32
        %dma_wait3A_440 = arith.constant 0 : i32
        %dma_wait3A_441 = tpu.memref_slice %arg4[%dma_wait3A, %dma_wait3A_440] : memref<10240x128xf32, #tpu.memory_space<hbm>> -> memref<10240x128xf32, #tpu.memory_space<hbm>>
        tpu.wait_indirect_dma semaphore(%arg20 : memref<!tpu.dma_semaphore, #tpu.memory_space<semaphore_mem>>) src(%dma_wait3A_441 : memref<10240x128xf32, #tpu.memory_space<hbm>>) dst(%arg12 : memref<128x128xf32, #tpu.memory_space<vmem>>)
        %add3A_442 = arith.constant 1 : i32
        %add3A_443 = arith.addi %while3A_395, %add3A_442 : i32
        %lt3A_444 = arith.cmpi slt, %add3A_443, %select_n3A_324 : i32
        %convert_element_type3A_445 = arith.extui %lt3A_444 : i1 to i32
        %cond3A_446 = arith.constant 0 : i32
        %cond3A_447 = arith.cmpi ne, %convert_element_type3A_445, %cond3A_446 : i32
        scf.if %cond3A_447 {
          %ge3A_457 = arith.constant 1 : i32
          %ge3A_458 = arith.cmpi sge, %while3A_395, %ge3A_457 : i32
          %convert_element_type3A_459 = arith.extui %ge3A_458 : i1 to i32
          %cond3A_460 = arith.constant 0 : i32
          %cond3A_461 = arith.cmpi ne, %convert_element_type3A_459, %cond3A_460 : i32
          scf.if %cond3A_461 {
            %dma_wait3A_578 = arith.constant 0 : i32
            %dma_wait3A_579 = arith.constant 0 : i32
            %dma_wait3A_580 = tpu.memref_slice %arg27[%dma_wait3A_578, %dma_wait3A_579] : memref<2560x128xf32, #tpu.memory_space<vmem_shared>> -> memref<2560x128xf32, #tpu.memory_space<vmem_shared>>
            tpu.wait_indirect_dma semaphore(%arg21 : memref<!tpu.dma_semaphore, #tpu.memory_space<semaphore_mem>>) src(%arg11 : memref<128x128xf32, #tpu.memory_space<vmem>>) dst(%dma_wait3A_580 : memref<2560x128xf32, #tpu.memory_space<vmem_shared>>)
          } else {
          }
          %add3A_462 = arith.constant 1 : i32
          %add3A_463 = arith.addi %while3A_395, %add3A_462 : i32
          %mul3A_464 = arith.constant 128 : i32
          %mul3A_465 = arith.muli %add3A_463, %mul3A_464 : i32
          %add3A_466 = arith.constant 0 : i32
          %add3A_467 = arith.addi %mul3A_465, %add3A_466 : i32
          %get3A = arith.index_cast %add3A_467 : i32 to index
          %get3A_468 = tpu.vector_load %arg13[%get3A] {strides = array<i32>} : memref<6400xi32, #tpu.memory_space<vmem>>, vector<16xi32>,
          %and3A_469 = arith.constant 16383 : i32
          %and3A_470 = vector.broadcast %and3A_469 : i32 to vector<16xi32>
          %and3A_471 = arith.andi %get3A_468, %and3A_470 : vector<16xi32>
          %swap3A = arith.constant 0 : index
          %swap3A_472 = tpu.vector_load %arg15[%swap3A] {strides = array<i32>} : memref<128xi32, #tpu.memory_space<vmem>>, vector<16xi32>,
          tpu.vector_store %arg15[%swap3A], %and3A_471 {strides = array<i32>} : memref<128xi32, #tpu.memory_space<vmem>>, vector<16xi32>,
          %shift_right_logical3A = arith.constant 14 : i32
          %shift_right_logical3A_473 = vector.broadcast %shift_right_logical3A : i32 to vector<16xi32>
          %shift_right_logical3A_474 = arith.shrui %get3A_468, %shift_right_logical3A_473 : vector<16xi32>
          %swap3A_475 = arith.constant 0 : index
          %swap3A_476 = tpu.vector_load %arg16[%swap3A_475] {strides = array<i32>} : memref<128xi32, #tpu.memory_space<vmem>>, vector<16xi32>,
          tpu.vector_store %arg16[%swap3A_475], %shift_right_logical3A_474 {strides = array<i32>} : memref<128xi32, #tpu.memory_space<vmem>>, vector<16xi32>,
          %add3A_477 = arith.constant 16 : i32
          %add3A_478 = arith.addi %mul3A_465, %add3A_477 : i32
          %get3A_479 = arith.index_cast %add3A_478 : i32 to index
          %get3A_480 = tpu.vector_load %arg13[%get3A_479] {strides = array<i32>} : memref<6400xi32, #tpu.memory_space<vmem>>, vector<16xi32>,
          %and3A_481 = arith.constant 16383 : i32
          %and3A_482 = vector.broadcast %and3A_481 : i32 to vector<16xi32>
          %and3A_483 = arith.andi %get3A_480, %and3A_482 : vector<16xi32>
          %swap3A_484 = arith.constant 16 : index
          %swap3A_485 = tpu.vector_load %arg15[%swap3A_484] {strides = array<i32>} : memref<128xi32, #tpu.memory_space<vmem>>, vector<16xi32>,
          tpu.vector_store %arg15[%swap3A_484], %and3A_483 {strides = array<i32>} : memref<128xi32, #tpu.memory_space<vmem>>, vector<16xi32>,
          %shift_right_logical3A_486 = arith.constant 14 : i32
          %shift_right_logical3A_487 = vector.broadcast %shift_right_logical3A_486 : i32 to vector<16xi32>
          %shift_right_logical3A_488 = arith.shrui %get3A_480, %shift_right_logical3A_487 : vector<16xi32>
          %swap3A_489 = arith.constant 16 : index
          %swap3A_490 = tpu.vector_load %arg16[%swap3A_489] {strides = array<i32>} : memref<128xi32, #tpu.memory_space<vmem>>, vector<16xi32>,
          tpu.vector_store %arg16[%swap3A_489], %shift_right_logical3A_488 {strides = array<i32>} : memref<128xi32, #tpu.memory_space<vmem>>, vector<16xi32>,
          %add3A_491 = arith.constant 32 : i32
          %add3A_492 = arith.addi %mul3A_465, %add3A_491 : i32
          %get3A_493 = arith.index_cast %add3A_492 : i32 to index
          %get3A_494 = tpu.vector_load %arg13[%get3A_493] {strides = array<i32>} : memref<6400xi32, #tpu.memory_space<vmem>>, vector<16xi32>,
          %and3A_495 = arith.constant 16383 : i32
          %and3A_496 = vector.broadcast %and3A_495 : i32 to vector<16xi32>
          %and3A_497 = arith.andi %get3A_494, %and3A_496 : vector<16xi32>
          %swap3A_498 = arith.constant 32 : index
          %swap3A_499 = tpu.vector_load %arg15[%swap3A_498] {strides = array<i32>} : memref<128xi32, #tpu.memory_space<vmem>>, vector<16xi32>,
          tpu.vector_store %arg15[%swap3A_498], %and3A_497 {strides = array<i32>} : memref<128xi32, #tpu.memory_space<vmem>>, vector<16xi32>,
          %shift_right_logical3A_500 = arith.constant 14 : i32
          %shift_right_logical3A_501 = vector.broadcast %shift_right_logical3A_500 : i32 to vector<16xi32>
          %shift_right_logical3A_502 = arith.shrui %get3A_494, %shift_right_logical3A_501 : vector<16xi32>
          %swap3A_503 = arith.constant 32 : index
          %swap3A_504 = tpu.vector_load %arg16[%swap3A_503] {strides = array<i32>} : memref<128xi32, #tpu.memory_space<vmem>>, vector<16xi32>,
          tpu.vector_store %arg16[%swap3A_503], %shift_right_logical3A_502 {strides = array<i32>} : memref<128xi32, #tpu.memory_space<vmem>>, vector<16xi32>,
          %add3A_505 = arith.constant 48 : i32
          %add3A_506 = arith.addi %mul3A_465, %add3A_505 : i32
          %get3A_507 = arith.index_cast %add3A_506 : i32 to index
          %get3A_508 = tpu.vector_load %arg13[%get3A_507] {strides = array<i32>} : memref<6400xi32, #tpu.memory_space<vmem>>, vector<16xi32>,
          %and3A_509 = arith.constant 16383 : i32
          %and3A_510 = vector.broadcast %and3A_509 : i32 to vector<16xi32>
          %and3A_511 = arith.andi %get3A_508, %and3A_510 : vector<16xi32>
          %swap3A_512 = arith.constant 48 : index
          %swap3A_513 = tpu.vector_load %arg15[%swap3A_512] {strides = array<i32>} : memref<128xi32, #tpu.memory_space<vmem>>, vector<16xi32>,
          tpu.vector_store %arg15[%swap3A_512], %and3A_511 {strides = array<i32>} : memref<128xi32, #tpu.memory_space<vmem>>, vector<16xi32>,
          %shift_right_logical3A_514 = arith.constant 14 : i32
          %shift_right_logical3A_515 = vector.broadcast %shift_right_logical3A_514 : i32 to vector<16xi32>
          %shift_right_logical3A_516 = arith.shrui %get3A_508, %shift_right_logical3A_515 : vector<16xi32>
          %swap3A_517 = arith.constant 48 : index
          %swap3A_518 = tpu.vector_load %arg16[%swap3A_517] {strides = array<i32>} : memref<128xi32, #tpu.memory_space<vmem>>, vector<16xi32>,
          tpu.vector_store %arg16[%swap3A_517], %shift_right_logical3A_516 {strides = array<i32>} : memref<128xi32, #tpu.memory_space<vmem>>, vector<16xi32>,
          %add3A_519 = arith.constant 64 : i32
          %add3A_520 = arith.addi %mul3A_465, %add3A_519 : i32
          %get3A_521 = arith.index_cast %add3A_520 : i32 to index
          %get3A_522 = tpu.vector_load %arg13[%get3A_521] {strides = array<i32>} : memref<6400xi32, #tpu.memory_space<vmem>>, vector<16xi32>,
          %and3A_523 = arith.constant 16383 : i32
          %and3A_524 = vector.broadcast %and3A_523 : i32 to vector<16xi32>
          %and3A_525 = arith.andi %get3A_522, %and3A_524 : vector<16xi32>
          %swap3A_526 = arith.constant 64 : index
          %swap3A_527 = tpu.vector_load %arg15[%swap3A_526] {strides = array<i32>} : memref<128xi32, #tpu.memory_space<vmem>>, vector<16xi32>,
          tpu.vector_store %arg15[%swap3A_526], %and3A_525 {strides = array<i32>} : memref<128xi32, #tpu.memory_space<vmem>>, vector<16xi32>,
          %shift_right_logical3A_528 = arith.constant 14 : i32
          %shift_right_logical3A_529 = vector.broadcast %shift_right_logical3A_528 : i32 to vector<16xi32>
          %shift_right_logical3A_530 = arith.shrui %get3A_522, %shift_right_logical3A_529 : vector<16xi32>
          %swap3A_531 = arith.constant 64 : index
          %swap3A_532 = tpu.vector_load %arg16[%swap3A_531] {strides = array<i32>} : memref<128xi32, #tpu.memory_space<vmem>>, vector<16xi32>,
          tpu.vector_store %arg16[%swap3A_531], %shift_right_logical3A_530 {strides = array<i32>} : memref<128xi32, #tpu.memory_space<vmem>>, vector<16xi32>,
          %add3A_533 = arith.constant 80 : i32
          %add3A_534 = arith.addi %mul3A_465, %add3A_533 : i32
          %get3A_535 = arith.index_cast %add3A_534 : i32 to index
          %get3A_536 = tpu.vector_load %arg13[%get3A_535] {strides = array<i32>} : memref<6400xi32, #tpu.memory_space<vmem>>, vector<16xi32>,
          %and3A_537 = arith.constant 16383 : i32
          %and3A_538 = vector.broadcast %and3A_537 : i32 to vector<16xi32>
          %and3A_539 = arith.andi %get3A_536, %and3A_538 : vector<16xi32>
          %swap3A_540 = arith.constant 80 : index
          %swap3A_541 = tpu.vector_load %arg15[%swap3A_540] {strides = array<i32>} : memref<128xi32, #tpu.memory_space<vmem>>, vector<16xi32>,
          tpu.vector_store %arg15[%swap3A_540], %and3A_539 {strides = array<i32>} : memref<128xi32, #tpu.memory_space<vmem>>, vector<16xi32>,
          %shift_right_logical3A_542 = arith.constant 14 : i32
          %shift_right_logical3A_543 = vector.broadcast %shift_right_logical3A_542 : i32 to vector<16xi32>
          %shift_right_logical3A_544 = arith.shrui %get3A_536, %shift_right_logical3A_543 : vector<16xi32>
          %swap3A_545 = arith.constant 80 : index
          %swap3A_546 = tpu.vector_load %arg16[%swap3A_545] {strides = array<i32>} : memref<128xi32, #tpu.memory_space<vmem>>, vector<16xi32>,
          tpu.vector_store %arg16[%swap3A_545], %shift_right_logical3A_544 {strides = array<i32>} : memref<128xi32, #tpu.memory_space<vmem>>, vector<16xi32>,
          %add3A_547 = arith.constant 96 : i32
          %add3A_548 = arith.addi %mul3A_465, %add3A_547 : i32
          %get3A_549 = arith.index_cast %add3A_548 : i32 to index
          %get3A_550 = tpu.vector_load %arg13[%get3A_549] {strides = array<i32>} : memref<6400xi32, #tpu.memory_space<vmem>>, vector<16xi32>,
          %and3A_551 = arith.constant 16383 : i32
          %and3A_552 = vector.broadcast %and3A_551 : i32 to vector<16xi32>
          %and3A_553 = arith.andi %get3A_550, %and3A_552 : vector<16xi32>
          %swap3A_554 = arith.constant 96 : index
          %swap3A_555 = tpu.vector_load %arg15[%swap3A_554] {strides = array<i32>} : memref<128xi32, #tpu.memory_space<vmem>>, vector<16xi32>,
          tpu.vector_store %arg15[%swap3A_554], %and3A_553 {strides = array<i32>} : memref<128xi32, #tpu.memory_space<vmem>>, vector<16xi32>,
          %shift_right_logical3A_556 = arith.constant 14 : i32
          %shift_right_logical3A_557 = vector.broadcast %shift_right_logical3A_556 : i32 to vector<16xi32>
          %shift_right_logical3A_558 = arith.shrui %get3A_550, %shift_right_logical3A_557 : vector<16xi32>
          %swap3A_559 = arith.constant 96 : index
          %swap3A_560 = tpu.vector_load %arg16[%swap3A_559] {strides = array<i32>} : memref<128xi32, #tpu.memory_space<vmem>>, vector<16xi32>,
          tpu.vector_store %arg16[%swap3A_559], %shift_right_logical3A_558 {strides = array<i32>} : memref<128xi32, #tpu.memory_space<vmem>>, vector<16xi32>,
          %add3A_561 = arith.constant 112 : i32
          %add3A_562 = arith.addi %mul3A_465, %add3A_561 : i32
          %get3A_563 = arith.index_cast %add3A_562 : i32 to index
          %get3A_564 = tpu.vector_load %arg13[%get3A_563] {strides = array<i32>} : memref<6400xi32, #tpu.memory_space<vmem>>, vector<16xi32>,
          %and3A_565 = arith.constant 16383 : i32
          %and3A_566 = vector.broadcast %and3A_565 : i32 to vector<16xi32>
          %and3A_567 = arith.andi %get3A_564, %and3A_566 : vector<16xi32>
          %swap3A_568 = arith.constant 112 : index
          %swap3A_569 = tpu.vector_load %arg15[%swap3A_568] {strides = array<i32>} : memref<128xi32, #tpu.memory_space<vmem>>, vector<16xi32>,
          tpu.vector_store %arg15[%swap3A_568], %and3A_567 {strides = array<i32>} : memref<128xi32, #tpu.memory_space<vmem>>, vector<16xi32>,
          %shift_right_logical3A_570 = arith.constant 14 : i32
          %shift_right_logical3A_571 = vector.broadcast %shift_right_logical3A_570 : i32 to vector<16xi32>
          %shift_right_logical3A_572 = arith.shrui %get3A_564, %shift_right_logical3A_571 : vector<16xi32>
          %swap3A_573 = arith.constant 112 : index
          %swap3A_574 = tpu.vector_load %arg16[%swap3A_573] {strides = array<i32>} : memref<128xi32, #tpu.memory_space<vmem>>, vector<16xi32>,
          tpu.vector_store %arg16[%swap3A_573], %shift_right_logical3A_572 {strides = array<i32>} : memref<128xi32, #tpu.memory_space<vmem>>, vector<16xi32>,
          %dma_start3A_575 = arith.constant 0 : i32
          %dma_start3A_576 = arith.constant 0 : i32
          %dma_start3A_577 = tpu.memref_slice %arg4[%dma_start3A_575, %dma_start3A_576] : memref<10240x128xf32, #tpu.memory_space<hbm>> -> memref<10240x128xf32, #tpu.memory_space<hbm>>
          tpu.enqueue_indirect_dma source(%dma_start3A_577 : memref<10240x128xf32, #tpu.memory_space<hbm>>) target(%arg11 : memref<128x128xf32, #tpu.memory_space<vmem>>) offsets(%arg15 : memref<128xi32, #tpu.memory_space<vmem>>) semaphore(%arg19 : memref<!tpu.dma_semaphore, #tpu.memory_space<semaphore_mem>>)
        } else {
        }
        %scan3A_448 = arith.constant 0 : i32
        %scan3A_449 = arith.constant 0 : i32
        %scan3A_450 = arith.constant 64 : i32
        %scan3A_451 = arith.addi %scan3A_449, %scan3A_450 : i32
        %scan3A_452 = arith.constant 1 : i32
        %scan3A_453 = scf.for %scan3A_457 = %scan3A_449 to %scan3A_451 step %scan3A_452 iter_args(%scan3A_458 = %scan3A_448) -> (i32)  : i32 {
          %mul3A_459 = arith.constant 2 : i32
          %mul3A_460 = arith.muli %scan3A_457, %mul3A_459 : i32
          %mul3A_461 = arith.constant 128 : i32
          %mul3A_462 = arith.muli %while3A_395, %mul3A_461 : i32
          %add3A_463 = arith.addi %mul3A_462, %mul3A_460 : i32
          %broadcast_in_dim3A_464 = vector.broadcast %add3A_463 : i32 to vector<16xi32>
          %gather3A = tpu.vector_load_idx %arg14[%broadcast_in_dim3A_464] : memref<6400xf32, #tpu.memory_space<vmem>>[vector<16xi32>], vector<16xf32>,
          %mul3A_465 = arith.constant 128 : i32
          %mul3A_466 = arith.muli %while3A_395, %mul3A_465 : i32
          %add3A_467 = arith.addi %mul3A_466, %mul3A_460 : i32
          %add3A_468 = arith.constant 1 : i32
          %add3A_469 = arith.addi %add3A_467, %add3A_468 : i32
          %broadcast_in_dim3A_470 = vector.broadcast %add3A_469 : i32 to vector<16xi32>
          %gather3A_471 = tpu.vector_load_idx %arg14[%broadcast_in_dim3A_470] : memref<6400xf32, #tpu.memory_space<vmem>>[vector<16xi32>], vector<16xf32>,
          %get3A = arith.index_cast %mul3A_460 : i32 to index
          %get3A_472 = arith.constant 0 : index
          %get3A_473 = tpu.vector_load %arg12[%get3A, %get3A_472] {strides = array<i32>} : memref<128x128xf32, #tpu.memory_space<vmem>>, vector<16xf32>,
          %mul3A_474 = arith.mulf %get3A_473, %gather3A : vector<16xf32>
          %swap3A = arith.index_cast %mul3A_460 : i32 to index
          %swap3A_475 = arith.constant 0 : index
          %swap3A_476 = tpu.vector_load %arg12[%swap3A, %swap3A_475] {strides = array<i32>} : memref<128x128xf32, #tpu.memory_space<vmem>>, vector<16xf32>,
          tpu.vector_store %arg12[%swap3A, %swap3A_475], %mul3A_474 {strides = array<i32>} : memref<128x128xf32, #tpu.memory_space<vmem>>, vector<16xf32>,
          %get3A_477 = arith.index_cast %mul3A_460 : i32 to index
          %get3A_478 = arith.constant 16 : index
          %get3A_479 = tpu.vector_load %arg12[%get3A_477, %get3A_478] {strides = array<i32>} : memref<128x128xf32, #tpu.memory_space<vmem>>, vector<16xf32>,
          %mul3A_480 = arith.mulf %get3A_479, %gather3A : vector<16xf32>
          %swap3A_481 = arith.index_cast %mul3A_460 : i32 to index
          %swap3A_482 = arith.constant 16 : index
          %swap3A_483 = tpu.vector_load %arg12[%swap3A_481, %swap3A_482] {strides = array<i32>} : memref<128x128xf32, #tpu.memory_space<vmem>>, vector<16xf32>,
          tpu.vector_store %arg12[%swap3A_481, %swap3A_482], %mul3A_480 {strides = array<i32>} : memref<128x128xf32, #tpu.memory_space<vmem>>, vector<16xf32>,
          %get3A_484 = arith.index_cast %mul3A_460 : i32 to index
          %get3A_485 = arith.constant 32 : index
          %get3A_486 = tpu.vector_load %arg12[%get3A_484, %get3A_485] {strides = array<i32>} : memref<128x128xf32, #tpu.memory_space<vmem>>, vector<16xf32>,
          %mul3A_487 = arith.mulf %get3A_486, %gather3A : vector<16xf32>
          %swap3A_488 = arith.index_cast %mul3A_460 : i32 to index
          %swap3A_489 = arith.constant 32 : index
          %swap3A_490 = tpu.vector_load %arg12[%swap3A_488, %swap3A_489] {strides = array<i32>} : memref<128x128xf32, #tpu.memory_space<vmem>>, vector<16xf32>,
          tpu.vector_store %arg12[%swap3A_488, %swap3A_489], %mul3A_487 {strides = array<i32>} : memref<128x128xf32, #tpu.memory_space<vmem>>, vector<16xf32>,
          %get3A_491 = arith.index_cast %mul3A_460 : i32 to index
          %get3A_492 = arith.constant 48 : index
          %get3A_493 = tpu.vector_load %arg12[%get3A_491, %get3A_492] {strides = array<i32>} : memref<128x128xf32, #tpu.memory_space<vmem>>, vector<16xf32>,
          %mul3A_494 = arith.mulf %get3A_493, %gather3A : vector<16xf32>
          %swap3A_495 = arith.index_cast %mul3A_460 : i32 to index
          %swap3A_496 = arith.constant 48 : index
          %swap3A_497 = tpu.vector_load %arg12[%swap3A_495, %swap3A_496] {strides = array<i32>} : memref<128x128xf32, #tpu.memory_space<vmem>>, vector<16xf32>,
          tpu.vector_store %arg12[%swap3A_495, %swap3A_496], %mul3A_494 {strides = array<i32>} : memref<128x128xf32, #tpu.memory_space<vmem>>, vector<16xf32>,
          %get3A_498 = arith.index_cast %mul3A_460 : i32 to index
          %get3A_499 = arith.constant 64 : index
          %get3A_500 = tpu.vector_load %arg12[%get3A_498, %get3A_499] {strides = array<i32>} : memref<128x128xf32, #tpu.memory_space<vmem>>, vector<16xf32>,
          %mul3A_501 = arith.mulf %get3A_500, %gather3A : vector<16xf32>
          %swap3A_502 = arith.index_cast %mul3A_460 : i32 to index
          %swap3A_503 = arith.constant 64 : index
          %swap3A_504 = tpu.vector_load %arg12[%swap3A_502, %swap3A_503] {strides = array<i32>} : memref<128x128xf32, #tpu.memory_space<vmem>>, vector<16xf32>,
          tpu.vector_store %arg12[%swap3A_502, %swap3A_503], %mul3A_501 {strides = array<i32>} : memref<128x128xf32, #tpu.memory_space<vmem>>, vector<16xf32>,
          %get3A_505 = arith.index_cast %mul3A_460 : i32 to index
          %get3A_506 = arith.constant 80 : index
          %get3A_507 = tpu.vector_load %arg12[%get3A_505, %get3A_506] {strides = array<i32>} : memref<128x128xf32, #tpu.memory_space<vmem>>, vector<16xf32>,
          %mul3A_508 = arith.mulf %get3A_507, %gather3A : vector<16xf32>
          %swap3A_509 = arith.index_cast %mul3A_460 : i32 to index
          %swap3A_510 = arith.constant 80 : index
          %swap3A_511 = tpu.vector_load %arg12[%swap3A_509, %swap3A_510] {strides = array<i32>} : memref<128x128xf32, #tpu.memory_space<vmem>>, vector<16xf32>,
          tpu.vector_store %arg12[%swap3A_509, %swap3A_510], %mul3A_508 {strides = array<i32>} : memref<128x128xf32, #tpu.memory_space<vmem>>, vector<16xf32>,
          %get3A_512 = arith.index_cast %mul3A_460 : i32 to index
          %get3A_513 = arith.constant 96 : index
          %get3A_514 = tpu.vector_load %arg12[%get3A_512, %get3A_513] {strides = array<i32>} : memref<128x128xf32, #tpu.memory_space<vmem>>, vector<16xf32>,
          %mul3A_515 = arith.mulf %get3A_514, %gather3A : vector<16xf32>
          %swap3A_516 = arith.index_cast %mul3A_460 : i32 to index
          %swap3A_517 = arith.constant 96 : index
          %swap3A_518 = tpu.vector_load %arg12[%swap3A_516, %swap3A_517] {strides = array<i32>} : memref<128x128xf32, #tpu.memory_space<vmem>>, vector<16xf32>,
          tpu.vector_store %arg12[%swap3A_516, %swap3A_517], %mul3A_515 {strides = array<i32>} : memref<128x128xf32, #tpu.memory_space<vmem>>, vector<16xf32>,
          %get3A_519 = arith.index_cast %mul3A_460 : i32 to index
          %get3A_520 = arith.constant 112 : index
          %get3A_521 = tpu.vector_load %arg12[%get3A_519, %get3A_520] {strides = array<i32>} : memref<128x128xf32, #tpu.memory_space<vmem>>, vector<16xf32>,
          %mul3A_522 = arith.mulf %get3A_521, %gather3A : vector<16xf32>
          %swap3A_523 = arith.index_cast %mul3A_460 : i32 to index
          %swap3A_524 = arith.constant 112 : index
          %swap3A_525 = tpu.vector_load %arg12[%swap3A_523, %swap3A_524] {strides = array<i32>} : memref<128x128xf32, #tpu.memory_space<vmem>>, vector<16xf32>,
          tpu.vector_store %arg12[%swap3A_523, %swap3A_524], %mul3A_522 {strides = array<i32>} : memref<128x128xf32, #tpu.memory_space<vmem>>, vector<16xf32>,
          %add3A_526 = arith.constant 1 : i32
          %add3A_527 = arith.addi %mul3A_460, %add3A_526 : i32
          %get3A_528 = arith.index_cast %add3A_527 : i32 to index
          %get3A_529 = arith.constant 0 : index
          %get3A_530 = tpu.vector_load %arg12[%get3A_528, %get3A_529] {strides = array<i32>} : memref<128x128xf32, #tpu.memory_space<vmem>>, vector<16xf32>,
          %mul3A_531 = arith.mulf %get3A_530, %gather3A_471 : vector<16xf32>
          %add3A_532 = arith.constant 1 : i32
          %add3A_533 = arith.addi %mul3A_460, %add3A_532 : i32
          %swap3A_534 = arith.index_cast %add3A_533 : i32 to index
          %swap3A_535 = arith.constant 0 : index
          %swap3A_536 = tpu.vector_load %arg12[%swap3A_534, %swap3A_535] {strides = array<i32>} : memref<128x128xf32, #tpu.memory_space<vmem>>, vector<16xf32>,
          tpu.vector_store %arg12[%swap3A_534, %swap3A_535], %mul3A_531 {strides = array<i32>} : memref<128x128xf32, #tpu.memory_space<vmem>>, vector<16xf32>,
          %add3A_537 = arith.constant 1 : i32
          %add3A_538 = arith.addi %mul3A_460, %add3A_537 : i32
          %get3A_539 = arith.index_cast %add3A_538 : i32 to index
          %get3A_540 = arith.constant 16 : index
          %get3A_541 = tpu.vector_load %arg12[%get3A_539, %get3A_540] {strides = array<i32>} : memref<128x128xf32, #tpu.memory_space<vmem>>, vector<16xf32>,
          %mul3A_542 = arith.mulf %get3A_541, %gather3A_471 : vector<16xf32>
          %add3A_543 = arith.constant 1 : i32
          %add3A_544 = arith.addi %mul3A_460, %add3A_543 : i32
          %swap3A_545 = arith.index_cast %add3A_544 : i32 to index
          %swap3A_546 = arith.constant 16 : index
          %swap3A_547 = tpu.vector_load %arg12[%swap3A_545, %swap3A_546] {strides = array<i32>} : memref<128x128xf32, #tpu.memory_space<vmem>>, vector<16xf32>,
          tpu.vector_store %arg12[%swap3A_545, %swap3A_546], %mul3A_542 {strides = array<i32>} : memref<128x128xf32, #tpu.memory_space<vmem>>, vector<16xf32>,
          %add3A_548 = arith.constant 1 : i32
          %add3A_549 = arith.addi %mul3A_460, %add3A_548 : i32
          %get3A_550 = arith.index_cast %add3A_549 : i32 to index
          %get3A_551 = arith.constant 32 : index
          %get3A_552 = tpu.vector_load %arg12[%get3A_550, %get3A_551] {strides = array<i32>} : memref<128x128xf32, #tpu.memory_space<vmem>>, vector<16xf32>,
          %mul3A_553 = arith.mulf %get3A_552, %gather3A_471 : vector<16xf32>
          %add3A_554 = arith.constant 1 : i32
          %add3A_555 = arith.addi %mul3A_460, %add3A_554 : i32
          %swap3A_556 = arith.index_cast %add3A_555 : i32 to index
          %swap3A_557 = arith.constant 32 : index
          %swap3A_558 = tpu.vector_load %arg12[%swap3A_556, %swap3A_557] {strides = array<i32>} : memref<128x128xf32, #tpu.memory_space<vmem>>, vector<16xf32>,
          tpu.vector_store %arg12[%swap3A_556, %swap3A_557], %mul3A_553 {strides = array<i32>} : memref<128x128xf32, #tpu.memory_space<vmem>>, vector<16xf32>,
          %add3A_559 = arith.constant 1 : i32
          %add3A_560 = arith.addi %mul3A_460, %add3A_559 : i32
          %get3A_561 = arith.index_cast %add3A_560 : i32 to index
          %get3A_562 = arith.constant 48 : index
          %get3A_563 = tpu.vector_load %arg12[%get3A_561, %get3A_562] {strides = array<i32>} : memref<128x128xf32, #tpu.memory_space<vmem>>, vector<16xf32>,
          %mul3A_564 = arith.mulf %get3A_563, %gather3A_471 : vector<16xf32>
          %add3A_565 = arith.constant 1 : i32
          %add3A_566 = arith.addi %mul3A_460, %add3A_565 : i32
          %swap3A_567 = arith.index_cast %add3A_566 : i32 to index
          %swap3A_568 = arith.constant 48 : index
          %swap3A_569 = tpu.vector_load %arg12[%swap3A_567, %swap3A_568] {strides = array<i32>} : memref<128x128xf32, #tpu.memory_space<vmem>>, vector<16xf32>,
          tpu.vector_store %arg12[%swap3A_567, %swap3A_568], %mul3A_564 {strides = array<i32>} : memref<128x128xf32, #tpu.memory_space<vmem>>, vector<16xf32>,
          %add3A_570 = arith.constant 1 : i32
          %add3A_571 = arith.addi %mul3A_460, %add3A_570 : i32
          %get3A_572 = arith.index_cast %add3A_571 : i32 to index
          %get3A_573 = arith.constant 64 : index
          %get3A_574 = tpu.vector_load %arg12[%get3A_572, %get3A_573] {strides = array<i32>} : memref<128x128xf32, #tpu.memory_space<vmem>>, vector<16xf32>,
          %mul3A_575 = arith.mulf %get3A_574, %gather3A_471 : vector<16xf32>
          %add3A_576 = arith.constant 1 : i32
          %add3A_577 = arith.addi %mul3A_460, %add3A_576 : i32
          %swap3A_578 = arith.index_cast %add3A_577 : i32 to index
          %swap3A_579 = arith.constant 64 : index
          %swap3A_580 = tpu.vector_load %arg12[%swap3A_578, %swap3A_579] {strides = array<i32>} : memref<128x128xf32, #tpu.memory_space<vmem>>, vector<16xf32>,
          tpu.vector_store %arg12[%swap3A_578, %swap3A_579], %mul3A_575 {strides = array<i32>} : memref<128x128xf32, #tpu.memory_space<vmem>>, vector<16xf32>,
          %add3A_581 = arith.constant 1 : i32
          %add3A_582 = arith.addi %mul3A_460, %add3A_581 : i32
          %get3A_583 = arith.index_cast %add3A_582 : i32 to index
          %get3A_584 = arith.constant 80 : index
          %get3A_585 = tpu.vector_load %arg12[%get3A_583, %get3A_584] {strides = array<i32>} : memref<128x128xf32, #tpu.memory_space<vmem>>, vector<16xf32>,
          %mul3A_586 = arith.mulf %get3A_585, %gather3A_471 : vector<16xf32>
          %add3A_587 = arith.constant 1 : i32
          %add3A_588 = arith.addi %mul3A_460, %add3A_587 : i32
          %swap3A_589 = arith.index_cast %add3A_588 : i32 to index
          %swap3A_590 = arith.constant 80 : index
          %swap3A_591 = tpu.vector_load %arg12[%swap3A_589, %swap3A_590] {strides = array<i32>} : memref<128x128xf32, #tpu.memory_space<vmem>>, vector<16xf32>,
          tpu.vector_store %arg12[%swap3A_589, %swap3A_590], %mul3A_586 {strides = array<i32>} : memref<128x128xf32, #tpu.memory_space<vmem>>, vector<16xf32>,
          %add3A_592 = arith.constant 1 : i32
          %add3A_593 = arith.addi %mul3A_460, %add3A_592 : i32
          %get3A_594 = arith.index_cast %add3A_593 : i32 to index
          %get3A_595 = arith.constant 96 : index
          %get3A_596 = tpu.vector_load %arg12[%get3A_594, %get3A_595] {strides = array<i32>} : memref<128x128xf32, #tpu.memory_space<vmem>>, vector<16xf32>,
          %mul3A_597 = arith.mulf %get3A_596, %gather3A_471 : vector<16xf32>
          %add3A_598 = arith.constant 1 : i32
          %add3A_599 = arith.addi %mul3A_460, %add3A_598 : i32
          %swap3A_600 = arith.index_cast %add3A_599 : i32 to index
          %swap3A_601 = arith.constant 96 : index
          %swap3A_602 = tpu.vector_load %arg12[%swap3A_600, %swap3A_601] {strides = array<i32>} : memref<128x128xf32, #tpu.memory_space<vmem>>, vector<16xf32>,
          tpu.vector_store %arg12[%swap3A_600, %swap3A_601], %mul3A_597 {strides = array<i32>} : memref<128x128xf32, #tpu.memory_space<vmem>>, vector<16xf32>,
          %add3A_603 = arith.constant 1 : i32
          %add3A_604 = arith.addi %mul3A_460, %add3A_603 : i32
          %get3A_605 = arith.index_cast %add3A_604 : i32 to index
          %get3A_606 = arith.constant 112 : index
          %get3A_607 = tpu.vector_load %arg12[%get3A_605, %get3A_606] {strides = array<i32>} : memref<128x128xf32, #tpu.memory_space<vmem>>, vector<16xf32>,
          %mul3A_608 = arith.mulf %get3A_607, %gather3A_471 : vector<16xf32>
          %add3A_609 = arith.constant 1 : i32
          %add3A_610 = arith.addi %mul3A_460, %add3A_609 : i32
          %swap3A_611 = arith.index_cast %add3A_610 : i32 to index
          %swap3A_612 = arith.constant 112 : index
          %swap3A_613 = tpu.vector_load %arg12[%swap3A_611, %swap3A_612] {strides = array<i32>} : memref<128x128xf32, #tpu.memory_space<vmem>>, vector<16xf32>,
          tpu.vector_store %arg12[%swap3A_611, %swap3A_612], %mul3A_608 {strides = array<i32>} : memref<128x128xf32, #tpu.memory_space<vmem>>, vector<16xf32>,
          %scan3A_614 = arith.constant 0 : i32
          scf.yield %scan3A_614 : i32
        }
        %scan3A_454 = arith.constant 64 : i32
        %dma_start3A = arith.constant 0 : i32
        %dma_start3A_455 = arith.constant 0 : i32
        %dma_start3A_456 = tpu.memref_slice %arg27[%dma_start3A, %dma_start3A_455] : memref<2560x128xf32, #tpu.memory_space<vmem_shared>> -> memref<2560x128xf32, #tpu.memory_space<vmem_shared>>
        tpu.enqueue_indirect_dma source(%arg12 : memref<128x128xf32, #tpu.memory_space<vmem>>) target(%dma_start3A_456 : memref<2560x128xf32, #tpu.memory_space<vmem_shared>>) offsets(%arg18 : memref<128xi32, #tpu.memory_space<vmem>>) semaphore(%arg22 : memref<!tpu.dma_semaphore, #tpu.memory_space<semaphore_mem>>) {add = true}
      } else {
      }
      %while3A_439 = arith.constant 0 : i32
      scf.yield %while3A_439 : i32
    }
    %jit3A_344 = arith.constant 2 : i32
    %eq3A_345 = arith.constant 0 : i32
    %eq3A_346 = arith.cmpi eq, %jit3A_344, %eq3A_345 : i32
    %jit3A_347 = arith.constant 1 : i32
    %select_n3A_348 = arith.select %eq3A_346, %jit3A_347, %jit3A_344 : i32
    %rem3A_349 = arith.remsi %sub3A_326, %select_n3A_348 : i32
    %ne3A_350 = arith.constant 0 : i32
    %ne3A_351 = arith.cmpi ne, %rem3A_349, %ne3A_350 : i32
    %lt3A_352 = arith.constant 0 : i32
    %lt3A_353 = arith.cmpi slt, %rem3A_349, %lt3A_352 : i32
    %lt3A_354 = arith.constant 0 : i32
    %lt3A_355 = arith.cmpi slt, %select_n3A_348, %lt3A_354 : i32
    %ne3A_356 = arith.xori %lt3A_353, %lt3A_355 : i1
    %and3A_357 = arith.andi %ne3A_356, %ne3A_351 : i1
    %add3A_358 = arith.addi %rem3A_349, %select_n3A_348 : i32
    %select_n3A_359 = arith.select %and3A_357, %add3A_358, %rem3A_349 : i32
    %ge3A_360 = arith.constant 1 : i32
    %ge3A_361 = arith.cmpi sge, %select_n3A_324, %ge3A_360 : i32
    %eq3A_362 = arith.constant 0 : i32
    %eq3A_363 = arith.cmpi eq, %select_n3A_359, %eq3A_362 : i32
    %and3A_364 = arith.andi %ge3A_361, %eq3A_363 : i1
    %convert_element_type3A_365 = arith.extui %and3A_364 : i1 to i32
    %cond3A_366 = arith.constant 0 : i32
    %cond3A_367 = arith.cmpi ne, %convert_element_type3A_365, %cond3A_366 : i32
    scf.if %cond3A_367 {
      %dma_wait3A = arith.constant 0 : i32
      %dma_wait3A_395 = arith.constant 0 : i32
      %dma_wait3A_396 = tpu.memref_slice %arg27[%dma_wait3A, %dma_wait3A_395] : memref<2560x128xf32, #tpu.memory_space<vmem_shared>> -> memref<2560x128xf32, #tpu.memory_space<vmem_shared>>
      tpu.wait_indirect_dma semaphore(%arg21 : memref<!tpu.dma_semaphore, #tpu.memory_space<semaphore_mem>>) src(%arg11 : memref<128x128xf32, #tpu.memory_space<vmem>>) dst(%dma_wait3A_396 : memref<2560x128xf32, #tpu.memory_space<vmem_shared>>)
    } else {
    }
    %ge3A_368 = arith.constant 1 : i32
    %ge3A_369 = arith.cmpi sge, %select_n3A_324, %ge3A_368 : i32
    %eq3A_370 = arith.constant 1 : i32
    %eq3A_371 = arith.cmpi eq, %select_n3A_359, %eq3A_370 : i32
    %and3A_372 = arith.andi %ge3A_369, %eq3A_371 : i1
    %convert_element_type3A_373 = arith.extui %and3A_372 : i1 to i32
    %cond3A_374 = arith.constant 0 : i32
    %cond3A_375 = arith.cmpi ne, %convert_element_type3A_373, %cond3A_374 : i32
    scf.if %cond3A_375 {
      %dma_wait3A = arith.constant 0 : i32
      %dma_wait3A_395 = arith.constant 0 : i32
      %dma_wait3A_396 = tpu.memref_slice %arg27[%dma_wait3A, %dma_wait3A_395] : memref<2560x128xf32, #tpu.memory_space<vmem_shared>> -> memref<2560x128xf32, #tpu.memory_space<vmem_shared>>
      tpu.wait_indirect_dma semaphore(%arg22 : memref<!tpu.dma_semaphore, #tpu.memory_space<semaphore_mem>>) src(%arg12 : memref<128x128xf32, #tpu.memory_space<vmem>>) dst(%dma_wait3A_396 : memref<2560x128xf32, #tpu.memory_space<vmem_shared>>)
    } else {
    }
    %ge3A_376 = arith.constant 2 : i32
    %ge3A_377 = arith.cmpi sge, %select_n3A_324, %ge3A_376 : i32
    %eq3A_378 = arith.constant 0 : i32
    %eq3A_379 = arith.cmpi eq, %select_n3A_359, %eq3A_378 : i32
    %and3A_380 = arith.andi %ge3A_377, %eq3A_379 : i1
    %convert_element_type3A_381 = arith.extui %and3A_380 : i1 to i32
    %cond3A_382 = arith.constant 0 : i32
    %cond3A_383 = arith.cmpi ne, %convert_element_type3A_381, %cond3A_382 : i32
    scf.if %cond3A_383 {
      %dma_wait3A = arith.constant 0 : i32
      %dma_wait3A_395 = arith.constant 0 : i32
      %dma_wait3A_396 = tpu.memref_slice %arg27[%dma_wait3A, %dma_wait3A_395] : memref<2560x128xf32, #tpu.memory_space<vmem_shared>> -> memref<2560x128xf32, #tpu.memory_space<vmem_shared>>
      tpu.wait_indirect_dma semaphore(%arg22 : memref<!tpu.dma_semaphore, #tpu.memory_space<semaphore_mem>>) src(%arg12 : memref<128x128xf32, #tpu.memory_space<vmem>>) dst(%dma_wait3A_396 : memref<2560x128xf32, #tpu.memory_space<vmem_shared>>)
    } else {
    }
    %ge3A_384 = arith.constant 2 : i32
    %ge3A_385 = arith.cmpi sge, %select_n3A_324, %ge3A_384 : i32
    %eq3A_386 = arith.constant 1 : i32
    %eq3A_387 = arith.cmpi eq, %select_n3A_359, %eq3A_386 : i32
    %and3A_388 = arith.andi %ge3A_385, %eq3A_387 : i1
    %convert_element_type3A_389 = arith.extui %and3A_388 : i1 to i32
    %cond3A_390 = arith.constant 0 : i32
    %cond3A_391 = arith.cmpi ne, %convert_element_type3A_389, %cond3A_390 : i32
    scf.if %cond3A_391 {
      %dma_wait3A = arith.constant 0 : i32
      %dma_wait3A_395 = arith.constant 0 : i32
      %dma_wait3A_396 = tpu.memref_slice %arg27[%dma_wait3A, %dma_wait3A_395] : memref<2560x128xf32, #tpu.memory_space<vmem_shared>> -> memref<2560x128xf32, #tpu.memory_space<vmem_shared>>
      tpu.wait_indirect_dma semaphore(%arg21 : memref<!tpu.dma_semaphore, #tpu.memory_space<semaphore_mem>>) src(%arg11 : memref<128x128xf32, #tpu.memory_space<vmem>>) dst(%dma_wait3A_396 : memref<2560x128xf32, #tpu.memory_space<vmem_shared>>)
    } else {
    }
    %barrier3A_392 = arith.constant 0 : index
    tpu.barrier barrier_id(%barrier3A_392)
    %add3A_393 = arith.addi %add3A_215, %mul3A_217 : i32
    "tpu.region"() ({
      %run_scoped3A = tpu.sem_alloc : memref<!tpu.dma_semaphore, #tpu.memory_space<semaphore_mem>>
      %dma_start3A = arith.constant 0 : i32
      %dma_start3A_395 = tpu.memref_slice %arg5[%add3A_393, %dma_start3A] : memref<10240x128xf32, #tpu.memory_space<hbm>> -> memref<160x128xf32, #tpu.memory_space<hbm>>
      %dma_start3A_396 = arith.constant 0 : i32
      %dma_start3A_397 = tpu.memref_slice %arg27[%mul3A_217, %dma_start3A_396] : memref<2560x128xf32, #tpu.memory_space<vmem_shared>> -> memref<160x128xf32, #tpu.memory_space<vmem_shared>>
      tpu.enqueue_dma source(%dma_start3A_397 : memref<160x128xf32, #tpu.memory_space<vmem_shared>>) target(%dma_start3A_395 : memref<160x128xf32, #tpu.memory_space<hbm>>) target_semaphore(%run_scoped3A : memref<!tpu.dma_semaphore, #tpu.memory_space<semaphore_mem>>)
      %dma_wait3A = arith.constant 0 : i32
      %dma_wait3A_398 = tpu.memref_slice %arg5[%add3A_393, %dma_wait3A] : memref<10240x128xf32, #tpu.memory_space<hbm>> -> memref<160x128xf32, #tpu.memory_space<hbm>>
      %dma_wait3A_399 = arith.constant 0 : i32
      %dma_wait3A_400 = tpu.memref_slice %arg27[%mul3A_217, %dma_wait3A_399] : memref<2560x128xf32, #tpu.memory_space<vmem_shared>> -> memref<160x128xf32, #tpu.memory_space<vmem_shared>>
      tpu.wait_dma2 semaphore(%run_scoped3A : memref<!tpu.dma_semaphore, #tpu.memory_space<semaphore_mem>>) src(%dma_wait3A_400 : memref<160x128xf32, #tpu.memory_space<vmem_shared>>) dst(%dma_wait3A_398 : memref<160x128xf32, #tpu.memory_space<hbm>>)
      tpu.yield
    }) : () -> ()
    %barrier3A_394 = arith.constant 0 : index
    tpu.barrier barrier_id(%barrier3A_394)
    return
  }
}

#map = affine_map<(d0, d1) -> (0, 0)>
#map1 = affine_map<(d0, d1) -> (0)>
module attributes {stable_mosaic.version = 14 : i64} {
  func.func @_k4_body(%arg0: i32, %arg1: i32, %arg2: memref<2560x128xi32, #tpu.memory_space<hbm>>, %arg3: memref<2560x128xf32, #tpu.memory_space<hbm>>, %arg4: memref<20480xf32, #tpu.memory_space<hbm>>, %arg5: memref<2x20480xf32, #tpu.memory_space<hbm>>, %arg6: memref<80x128xi32, #tpu.memory_space<vmem>>, %arg7: memref<80x128xf32, #tpu.memory_space<vmem>>, %arg8: memref<20480xf32, #tpu.memory_space<vmem>>, %arg9: memref<128xf32, #tpu.memory_space<vmem>>, %arg10: memref<128xf32, #tpu.memory_space<vmem>>, %arg11: memref<128xi32, #tpu.memory_space<vmem>>, %arg12: memref<128xi32, #tpu.memory_space<vmem>>, %arg13: memref<1280xf32, #tpu.memory_space<vmem>>, %arg14: memref<20480xf32, #tpu.memory_space<vmem_shared>>) attributes {dimension_semantics = [#tpu.dimension_semantics<core_parallel>, #tpu.dimension_semantics<subcore_parallel>], iteration_bounds = array<i64: 2, 16>, scalar_prefetch = 0 : i64, scratch_operands = 9 : i64, tpu.core_type = #tpu.core_type<sc_vector_subcore>, window_params = [{transform_indices = #map}, {transform_indices = #map}, {transform_indices = #map1}, {transform_indices = #map}]} {
    %mul3A = arith.constant 16 : i32
    %mul3A_0 = arith.muli %arg0, %mul3A : i32
    %add3A = arith.addi %mul3A_0, %arg1 : i32
    %mul3A_1 = arith.constant 80 : i32
    %mul3A_2 = arith.muli %add3A, %mul3A_1 : i32
    "tpu.region"() ({
      %run_scoped3A = tpu.sem_alloc : memref<!tpu.dma_semaphore, #tpu.memory_space<semaphore_mem>>
      %dma_start3A = arith.constant 0 : i32
      %dma_start3A_23 = tpu.memref_slice %arg2[%mul3A_2, %dma_start3A] : memref<2560x128xi32, #tpu.memory_space<hbm>> -> memref<80x128xi32, #tpu.memory_space<hbm>>
      %dma_start3A_24 = arith.constant 0 : i32
      %dma_start3A_25 = tpu.memref_slice %arg2[%mul3A_2, %dma_start3A_24] : memref<2560x128xi32, #tpu.memory_space<hbm>> -> memref<80x128xi32, #tpu.memory_space<hbm>>
      tpu.enqueue_dma source(%dma_start3A_25 : memref<80x128xi32, #tpu.memory_space<hbm>>) target(%arg6 : memref<80x128xi32, #tpu.memory_space<vmem>>) target_semaphore(%run_scoped3A : memref<!tpu.dma_semaphore, #tpu.memory_space<semaphore_mem>>)
      %dma_wait3A = arith.constant 0 : i32
      %dma_wait3A_26 = tpu.memref_slice %arg2[%mul3A_2, %dma_wait3A] : memref<2560x128xi32, #tpu.memory_space<hbm>> -> memref<80x128xi32, #tpu.memory_space<hbm>>
      %dma_wait3A_27 = arith.constant 0 : i32
      %dma_wait3A_28 = tpu.memref_slice %arg2[%mul3A_2, %dma_wait3A_27] : memref<2560x128xi32, #tpu.memory_space<hbm>> -> memref<80x128xi32, #tpu.memory_space<hbm>>
      tpu.wait_dma2 semaphore(%run_scoped3A : memref<!tpu.dma_semaphore, #tpu.memory_space<semaphore_mem>>) src(%dma_wait3A_28 : memref<80x128xi32, #tpu.memory_space<hbm>>) dst(%arg6 : memref<80x128xi32, #tpu.memory_space<vmem>>)
      tpu.yield
    }) : () -> ()
    "tpu.region"() ({
      %run_scoped3A = tpu.sem_alloc : memref<!tpu.dma_semaphore, #tpu.memory_space<semaphore_mem>>
      %dma_start3A = arith.constant 0 : i32
      %dma_start3A_23 = tpu.memref_slice %arg3[%mul3A_2, %dma_start3A] : memref<2560x128xf32, #tpu.memory_space<hbm>> -> memref<80x128xf32, #tpu.memory_space<hbm>>
      %dma_start3A_24 = arith.constant 0 : i32
      %dma_start3A_25 = tpu.memref_slice %arg3[%mul3A_2, %dma_start3A_24] : memref<2560x128xf32, #tpu.memory_space<hbm>> -> memref<80x128xf32, #tpu.memory_space<hbm>>
      tpu.enqueue_dma source(%dma_start3A_25 : memref<80x128xf32, #tpu.memory_space<hbm>>) target(%arg7 : memref<80x128xf32, #tpu.memory_space<vmem>>) target_semaphore(%run_scoped3A : memref<!tpu.dma_semaphore, #tpu.memory_space<semaphore_mem>>)
      %dma_wait3A = arith.constant 0 : i32
      %dma_wait3A_26 = tpu.memref_slice %arg3[%mul3A_2, %dma_wait3A] : memref<2560x128xf32, #tpu.memory_space<hbm>> -> memref<80x128xf32, #tpu.memory_space<hbm>>
      %dma_wait3A_27 = arith.constant 0 : i32
      %dma_wait3A_28 = tpu.memref_slice %arg3[%mul3A_2, %dma_wait3A_27] : memref<2560x128xf32, #tpu.memory_space<hbm>> -> memref<80x128xf32, #tpu.memory_space<hbm>>
      tpu.wait_dma2 semaphore(%run_scoped3A : memref<!tpu.dma_semaphore, #tpu.memory_space<semaphore_mem>>) src(%dma_wait3A_28 : memref<80x128xf32, #tpu.memory_space<hbm>>) dst(%arg7 : memref<80x128xf32, #tpu.memory_space<vmem>>)
      tpu.yield
    }) : () -> ()
    "tpu.region"() ({
      %run_scoped3A = tpu.sem_alloc : memref<!tpu.dma_semaphore, #tpu.memory_space<semaphore_mem>>
      tpu.enqueue_dma source(%arg4 : memref<20480xf32, #tpu.memory_space<hbm>>) target(%arg8 : memref<20480xf32, #tpu.memory_space<vmem>>) target_semaphore(%run_scoped3A : memref<!tpu.dma_semaphore, #tpu.memory_space<semaphore_mem>>)
      tpu.wait_dma2 semaphore(%run_scoped3A : memref<!tpu.dma_semaphore, #tpu.memory_space<semaphore_mem>>) src(%arg4 : memref<20480xf32, #tpu.memory_space<hbm>>) dst(%arg8 : memref<20480xf32, #tpu.memory_space<vmem>>)
      tpu.yield
    }) : () -> ()
    %scan3A = arith.constant 0 : i32
    %scan3A_3 = arith.constant 0 : i32
    %scan3A_4 = arith.constant 80 : i32
    %scan3A_5 = arith.addi %scan3A_3, %scan3A_4 : i32
    %scan3A_6 = arith.constant 1 : i32
    %scan3A_7 = scf.for %scan3A_23 = %scan3A_3 to %scan3A_5 step %scan3A_6 iter_args(%scan3A_24 = %scan3A) -> (i32)  : i32 {
      %broadcast_in_dim3A = arith.constant 0.000000e+00 : f32
      %broadcast_in_dim3A_25 = vector.broadcast %broadcast_in_dim3A : f32 to vector<16xf32>
      %mul3A_26 = arith.constant 16 : i32
      %mul3A_27 = arith.muli %scan3A_23, %mul3A_26 : i32
      %swap3A = arith.index_cast %mul3A_27 : i32 to index
      %swap3A_28 = tpu.vector_load %arg13[%swap3A] {strides = array<i32>} : memref<1280xf32, #tpu.memory_space<vmem>>, vector<16xf32>,
      tpu.vector_store %arg13[%swap3A], %broadcast_in_dim3A_25 {strides = array<i32>} : memref<1280xf32, #tpu.memory_space<vmem>>, vector<16xf32>,
      %scan3A_29 = arith.constant 0 : i32
      scf.yield %scan3A_29 : i32
    }
    %scan3A_8 = arith.constant 80 : i32
    %mul3A_9 = arith.constant 1280 : i32
    %mul3A_10 = arith.muli %arg1, %mul3A_9 : i32
    "tpu.region"() ({
      %run_scoped3A = tpu.sem_alloc : memref<!tpu.dma_semaphore, #tpu.memory_space<semaphore_mem>>
      %dma_start3A = tpu.memref_slice %arg14[%mul3A_10] : memref<20480xf32, #tpu.memory_space<vmem_shared>> -> memref<1280xf32, #tpu.memory_space<vmem_shared>>
      %dma_start3A_23 = tpu.memref_slice %arg14[%mul3A_10] : memref<20480xf32, #tpu.memory_space<vmem_shared>> -> memref<1280xf32, #tpu.memory_space<vmem_shared>>
      tpu.enqueue_dma source(%arg13 : memref<1280xf32, #tpu.memory_space<vmem>>) target(%dma_start3A_23 : memref<1280xf32, #tpu.memory_space<vmem_shared>>) target_semaphore(%run_scoped3A : memref<!tpu.dma_semaphore, #tpu.memory_space<semaphore_mem>>)
      %dma_wait3A = tpu.memref_slice %arg14[%mul3A_10] : memref<20480xf32, #tpu.memory_space<vmem_shared>> -> memref<1280xf32, #tpu.memory_space<vmem_shared>>
      %dma_wait3A_24 = tpu.memref_slice %arg14[%mul3A_10] : memref<20480xf32, #tpu.memory_space<vmem_shared>> -> memref<1280xf32, #tpu.memory_space<vmem_shared>>
      tpu.wait_dma2 semaphore(%run_scoped3A : memref<!tpu.dma_semaphore, #tpu.memory_space<semaphore_mem>>) src(%arg13 : memref<1280xf32, #tpu.memory_space<vmem>>) dst(%dma_wait3A_24 : memref<1280xf32, #tpu.memory_space<vmem_shared>>)
      tpu.yield
    }) : () -> ()
    %barrier3A = arith.constant 0 : index
    tpu.barrier barrier_id(%barrier3A)
    %scan3A_11 = arith.constant 0 : i32
    %scan3A_12 = arith.constant 0 : i32
    %scan3A_13 = arith.constant 80 : i32
    %scan3A_14 = arith.addi %scan3A_12, %scan3A_13 : i32
    %scan3A_15 = arith.constant 1 : i32
    %scan3A_16 = scf.for %scan3A_23 = %scan3A_12 to %scan3A_14 step %scan3A_15 iter_args(%scan3A_24 = %scan3A_11) -> (i32)  : i32 {
      %scan3A_25 = arith.constant 0 : i32
      %scan3A_26 = arith.constant 0 : i32
      %scan3A_27 = arith.constant 8 : i32
      %scan3A_28 = arith.addi %scan3A_26, %scan3A_27 : i32
      %scan3A_29 = arith.constant 1 : i32
      %scan3A_30 = scf.for %scan3A_33 = %scan3A_26 to %scan3A_28 step %scan3A_29 iter_args(%scan3A_34 = %scan3A_25) -> (i32)  : i32 {
        %mul3A_35 = arith.constant 16 : i32
        %mul3A_36 = arith.muli %scan3A_33, %mul3A_35 : i32
        %get3A = arith.index_cast %scan3A_23 : i32 to index
        %get3A_37 = arith.index_cast %mul3A_36 : i32 to index
        %get3A_38 = tpu.vector_load %arg6[%get3A, %get3A_37] {strides = array<i32>} : memref<80x128xi32, #tpu.memory_space<vmem>>, vector<16xi32>,
        %and3A = arith.constant 16383 : i32
        %and3A_39 = vector.broadcast %and3A : i32 to vector<16xi32>
        %and3A_40 = arith.andi %get3A_38, %and3A_39 : vector<16xi32>
        %shift_right_logical3A = arith.constant 14 : i32
        %shift_right_logical3A_41 = vector.broadcast %shift_right_logical3A : i32 to vector<16xi32>
        %shift_right_logical3A_42 = arith.shrui %get3A_38, %shift_right_logical3A_41 : vector<16xi32>
        %mul3A_43 = arith.constant 16 : i32
        %mul3A_44 = arith.muli %scan3A_33, %mul3A_43 : i32
        %get3A_45 = arith.index_cast %scan3A_23 : i32 to index
        %get3A_46 = arith.index_cast %mul3A_44 : i32 to index
        %get3A_47 = tpu.vector_load %arg7[%get3A_45, %get3A_46] {strides = array<i32>} : memref<80x128xf32, #tpu.memory_space<vmem>>, vector<16xf32>,
        %add3A_48 = arith.addi %and3A_40, %and3A_40 : vector<16xi32>
        %gather3A = tpu.vector_load_idx %arg8[%add3A_48] : memref<20480xf32, #tpu.memory_space<vmem>>[vector<16xi32>], vector<16xf32>,
        %mul3A_49 = arith.mulf %gather3A, %get3A_47 : vector<16xf32>
        %broadcast_in_dim3A = arith.constant 1 : i32
        %broadcast_in_dim3A_50 = vector.broadcast %broadcast_in_dim3A : i32 to vector<16xi32>
        %add3A_51 = arith.addi %add3A_48, %broadcast_in_dim3A_50 : vector<16xi32>
        %gather3A_52 = tpu.vector_load_idx %arg8[%add3A_51] : memref<20480xf32, #tpu.memory_space<vmem>>[vector<16xi32>], vector<16xf32>,
        %mul3A_53 = arith.mulf %gather3A_52, %get3A_47 : vector<16xf32>
        %mul3A_54 = arith.constant 16 : i32
        %mul3A_55 = arith.muli %scan3A_33, %mul3A_54 : i32
        %swap3A = arith.index_cast %mul3A_55 : i32 to index
        %swap3A_56 = tpu.vector_load %arg9[%swap3A] {strides = array<i32>} : memref<128xf32, #tpu.memory_space<vmem>>, vector<16xf32>,
        tpu.vector_store %arg9[%swap3A], %mul3A_49 {strides = array<i32>} : memref<128xf32, #tpu.memory_space<vmem>>, vector<16xf32>,
        %mul3A_57 = arith.constant 16 : i32
        %mul3A_58 = arith.muli %scan3A_33, %mul3A_57 : i32
        %swap3A_59 = arith.index_cast %mul3A_58 : i32 to index
        %swap3A_60 = tpu.vector_load %arg10[%swap3A_59] {strides = array<i32>} : memref<128xf32, #tpu.memory_space<vmem>>, vector<16xf32>,
        tpu.vector_store %arg10[%swap3A_59], %mul3A_53 {strides = array<i32>} : memref<128xf32, #tpu.memory_space<vmem>>, vector<16xf32>,
        %add3A_61 = arith.addi %shift_right_logical3A_42, %shift_right_logical3A_42 : vector<16xi32>
        %mul3A_62 = arith.constant 16 : i32
        %mul3A_63 = arith.muli %scan3A_33, %mul3A_62 : i32
        %swap3A_64 = arith.index_cast %mul3A_63 : i32 to index
        %swap3A_65 = tpu.vector_load %arg11[%swap3A_64] {strides = array<i32>} : memref<128xi32, #tpu.memory_space<vmem>>, vector<16xi32>,
        tpu.vector_store %arg11[%swap3A_64], %add3A_61 {strides = array<i32>} : memref<128xi32, #tpu.memory_space<vmem>>, vector<16xi32>,
        %broadcast_in_dim3A_66 = arith.constant 1 : i32
        %broadcast_in_dim3A_67 = vector.broadcast %broadcast_in_dim3A_66 : i32 to vector<16xi32>
        %add3A_68 = arith.addi %add3A_61, %broadcast_in_dim3A_67 : vector<16xi32>
        %mul3A_69 = arith.constant 16 : i32
        %mul3A_70 = arith.muli %scan3A_33, %mul3A_69 : i32
        %swap3A_71 = arith.index_cast %mul3A_70 : i32 to index
        %swap3A_72 = tpu.vector_load %arg12[%swap3A_71] {strides = array<i32>} : memref<128xi32, #tpu.memory_space<vmem>>, vector<16xi32>,
        tpu.vector_store %arg12[%swap3A_71], %add3A_68 {strides = array<i32>} : memref<128xi32, #tpu.memory_space<vmem>>, vector<16xi32>,
        %scan3A_73 = arith.constant 0 : i32
        scf.yield %scan3A_73 : i32
      }
      %scan3A_31 = arith.constant 8 : i32
      "tpu.region"() ({
        %run_scoped3A = tpu.sem_alloc : memref<!tpu.dma_semaphore, #tpu.memory_space<semaphore_mem>>
        %dma_start3A = arith.constant 0 : i32
        %dma_start3A_33 = tpu.memref_slice %arg14[%dma_start3A] : memref<20480xf32, #tpu.memory_space<vmem_shared>> -> memref<20480xf32, #tpu.memory_space<vmem_shared>>
        tpu.enqueue_indirect_dma source(%arg9 : memref<128xf32, #tpu.memory_space<vmem>>) target(%dma_start3A_33 : memref<20480xf32, #tpu.memory_space<vmem_shared>>) offsets(%arg11 : memref<128xi32, #tpu.memory_space<vmem>>) semaphore(%run_scoped3A : memref<!tpu.dma_semaphore, #tpu.memory_space<semaphore_mem>>) {add = true}
        %dma_wait3A = arith.constant 0 : i32
        %dma_wait3A_34 = tpu.memref_slice %arg14[%dma_wait3A] : memref<20480xf32, #tpu.memory_space<vmem_shared>> -> memref<20480xf32, #tpu.memory_space<vmem_shared>>
        tpu.wait_indirect_dma semaphore(%run_scoped3A : memref<!tpu.dma_semaphore, #tpu.memory_space<semaphore_mem>>) src(%arg9 : memref<128xf32, #tpu.memory_space<vmem>>) dst(%dma_wait3A_34 : memref<20480xf32, #tpu.memory_space<vmem_shared>>)
        tpu.yield
      }) : () -> ()
      "tpu.region"() ({
        %run_scoped3A = tpu.sem_alloc : memref<!tpu.dma_semaphore, #tpu.memory_space<semaphore_mem>>
        %dma_start3A = arith.constant 0 : i32
        %dma_start3A_33 = tpu.memref_slice %arg14[%dma_start3A] : memref<20480xf32, #tpu.memory_space<vmem_shared>> -> memref<20480xf32, #tpu.memory_space<vmem_shared>>
        tpu.enqueue_indirect_dma source(%arg10 : memref<128xf32, #tpu.memory_space<vmem>>) target(%dma_start3A_33 : memref<20480xf32, #tpu.memory_space<vmem_shared>>) offsets(%arg12 : memref<128xi32, #tpu.memory_space<vmem>>) semaphore(%run_scoped3A : memref<!tpu.dma_semaphore, #tpu.memory_space<semaphore_mem>>) {add = true}
        %dma_wait3A = arith.constant 0 : i32
        %dma_wait3A_34 = tpu.memref_slice %arg14[%dma_wait3A] : memref<20480xf32, #tpu.memory_space<vmem_shared>> -> memref<20480xf32, #tpu.memory_space<vmem_shared>>
        tpu.wait_indirect_dma semaphore(%run_scoped3A : memref<!tpu.dma_semaphore, #tpu.memory_space<semaphore_mem>>) src(%arg10 : memref<128xf32, #tpu.memory_space<vmem>>) dst(%dma_wait3A_34 : memref<20480xf32, #tpu.memory_space<vmem_shared>>)
        tpu.yield
      }) : () -> ()
      %scan3A_32 = arith.constant 0 : i32
      scf.yield %scan3A_32 : i32
    }
    %scan3A_17 = arith.constant 80 : i32
    %barrier3A_18 = arith.constant 0 : index
    tpu.barrier barrier_id(%barrier3A_18)
    %mul3A_19 = arith.constant 1280 : i32
    %mul3A_20 = arith.muli %arg1, %mul3A_19 : i32
    %mul3A_21 = arith.constant 1280 : i32
    %mul3A_22 = arith.muli %arg1, %mul3A_21 : i32
    "tpu.region"() ({
      %run_scoped3A = tpu.sem_alloc : memref<!tpu.dma_semaphore, #tpu.memory_space<semaphore_mem>>
      %dma_start3A = tpu.memref_slice %arg5[%arg0, %mul3A_22] : memref<2x20480xf32, #tpu.memory_space<hbm>> -> memref<1x1280xf32, #tpu.memory_space<hbm>>
      %dma_start3A_23 = tpu.memref_squeeze %dma_start3A : memref<1x1280xf32, #tpu.memory_space<hbm>> -> memref<1280xf32, #tpu.memory_space<hbm>>
      %dma_start3A_24 = tpu.memref_slice %arg14[%mul3A_20] : memref<20480xf32, #tpu.memory_space<vmem_shared>> -> memref<1280xf32, #tpu.memory_space<vmem_shared>>
      tpu.enqueue_dma source(%dma_start3A_24 : memref<1280xf32, #tpu.memory_space<vmem_shared>>) target(%dma_start3A_23 : memref<1280xf32, #tpu.memory_space<hbm>>) target_semaphore(%run_scoped3A : memref<!tpu.dma_semaphore, #tpu.memory_space<semaphore_mem>>)
      %dma_wait3A = tpu.memref_slice %arg5[%arg0, %mul3A_22] : memref<2x20480xf32, #tpu.memory_space<hbm>> -> memref<1x1280xf32, #tpu.memory_space<hbm>>
      %dma_wait3A_25 = tpu.memref_squeeze %dma_wait3A : memref<1x1280xf32, #tpu.memory_space<hbm>> -> memref<1280xf32, #tpu.memory_space<hbm>>
      %dma_wait3A_26 = tpu.memref_slice %arg14[%mul3A_20] : memref<20480xf32, #tpu.memory_space<vmem_shared>> -> memref<1280xf32, #tpu.memory_space<vmem_shared>>
      tpu.wait_dma2 semaphore(%run_scoped3A : memref<!tpu.dma_semaphore, #tpu.memory_space<semaphore_mem>>) src(%dma_wait3A_26 : memref<1280xf32, #tpu.memory_space<vmem_shared>>) dst(%dma_wait3A_25 : memref<1280xf32, #tpu.memory_space<hbm>>)
      tpu.yield
    }) : () -> ()
    return
  }
}

module attributes {stable_mosaic.version = 14 : i64} {
  func.func @_k0_body(%arg0: i32, %arg1: memref<128x128xi32, #tpu.memory_space<vmem>>, %arg2: memref<128x128xi32, #tpu.memory_space<vmem>>, %arg3: memref<128x128xf32, #tpu.memory_space<vmem>>, %arg4: memref<128x128xi32, #tpu.memory_space<vmem>>, %arg5: memref<128x128xf32, #tpu.memory_space<vmem>>) attributes {dimension_semantics = [#tpu.dimension_semantics<arbitrary>], iteration_bounds = array<i64: 20>, scalar_prefetch = 0 : i64, scratch_operands = 0 : i64, tpu.core_type = #tpu.core_type<tc>, window_params = [{transform_indices = @transform_0, window_bounds = array<i64: 128, 128>}, {transform_indices = @transform_1, window_bounds = array<i64: 128, 128>}, {transform_indices = @transform_2, window_bounds = array<i64: 128, 128>}, {transform_indices = @transform_3, window_bounds = array<i64: 128, 128>}, {transform_indices = @transform_4, window_bounds = array<i64: 128, 128>}]} {
    %iota3A = tpu.iota {dimensions = array<i32: 0>} : vector<128x128xi32>
    %mul3A = arith.constant 128 : i32
    %mul3A_0 = arith.muli %arg0, %mul3A : i32
    %add3A = vector.broadcast %mul3A_0 : i32 to vector<128x128xi32>
    %add3A_1 = arith.addi %iota3A, %add3A : vector<128x128xi32>
    %lt3A = arith.constant 2500 : i32
    %lt3A_2 = vector.broadcast %lt3A : i32 to vector<128x128xi32>
    %lt3A_3 = arith.cmpi slt, %add3A_1, %lt3A_2 : vector<128x128xi32>
    %get3A = arith.constant 0 : index
    %get3A_4 = arith.constant 0 : index
    %get3A_5 = vector.load %arg1[%get3A, %get3A_4] : memref<128x128xi32, #tpu.memory_space<vmem>>, vector<128x128xi32>
    %get3A_6 = arith.constant 0 : index
    %get3A_7 = arith.constant 0 : index
    %get3A_8 = vector.load %arg2[%get3A_6, %get3A_7] : memref<128x128xi32, #tpu.memory_space<vmem>>, vector<128x128xi32>
    %shift_left3A = arith.constant 14 : i32
    %shift_left3A_9 = vector.broadcast %shift_left3A : i32 to vector<128x128xi32>
    %shift_left3A_10 = arith.shli %get3A_8, %shift_left3A_9 : vector<128x128xi32>
    %or3A = arith.ori %get3A_5, %shift_left3A_10 : vector<128x128xi32>
    %jit3A = arith.constant 167766015 : i32
    %broadcast_in_dim3A = vector.broadcast %jit3A : i32 to vector<128x128xi32>
    %select_n3A = arith.select %lt3A_3, %or3A, %broadcast_in_dim3A : vector<128x128xi1>, vector<128x128xi32>
    %swap3A = arith.constant 0 : index
    %swap3A_11 = arith.constant 0 : index
    %swap3A_12 = vector.load %arg4[%swap3A, %swap3A_11] : memref<128x128xi32, #tpu.memory_space<vmem>>, vector<128x128xi32>
    tpu.vector_store %arg4[%swap3A, %swap3A_11], %select_n3A {strides = array<i32>} : memref<128x128xi32, #tpu.memory_space<vmem>>, vector<128x128xi32>,
    %get3A_13 = arith.constant 0 : index
    %get3A_14 = arith.constant 0 : index
    %get3A_15 = vector.load %arg3[%get3A_13, %get3A_14] : memref<128x128xf32, #tpu.memory_space<vmem>>, vector<128x128xf32>
    %jit3A_16 = arith.constant 0.000000e+00 : f32
    %broadcast_in_dim3A_17 = vector.broadcast %jit3A_16 : f32 to vector<128x128xf32>
    %select_n3A_18 = arith.select %lt3A_3, %get3A_15, %broadcast_in_dim3A_17 : vector<128x128xi1>, vector<128x128xf32>
    %swap3A_19 = arith.constant 0 : index
    %swap3A_20 = arith.constant 0 : index
    %swap3A_21 = vector.load %arg5[%swap3A_19, %swap3A_20] : memref<128x128xf32, #tpu.memory_space<vmem>>, vector<128x128xf32>
    tpu.vector_store %arg5[%swap3A_19, %swap3A_20], %select_n3A_18 {strides = array<i32>} : memref<128x128xf32, #tpu.memory_space<vmem>>, vector<128x128xf32>,
    return
  }
  func.func @transform_0(%arg0: i32) -> (i32, i32) {
    %c0_i32 = arith.constant 0 : i32
    %c0_i32_0 = arith.constant 0 : i32
    return %arg0, %c0_i32 : i32, i32
  }
  func.func @transform_1(%arg0: i32) -> (i32, i32) {
    %c0_i32 = arith.constant 0 : i32
    %c0_i32_0 = arith.constant 0 : i32
    return %arg0, %c0_i32 : i32, i32
  }
  func.func @transform_2(%arg0: i32) -> (i32, i32) {
    %c0_i32 = arith.constant 0 : i32
    %c0_i32_0 = arith.constant 0 : i32
    return %arg0, %c0_i32 : i32, i32
  }
  func.func @transform_3(%arg0: i32) -> (i32, i32) {
    %c0_i32 = arith.constant 0 : i32
    %c0_i32_0 = arith.constant 0 : i32
    return %arg0, %c0_i32 : i32, i32
  }
  func.func @transform_4(%arg0: i32) -> (i32, i32) {
    %c0_i32 = arith.constant 0 : i32
    %c0_i32_0 = arith.constant 0 : i32
    return %arg0, %c0_i32 : i32, i32
  }
}

module attributes {stable_mosaic.version = 14 : i64} {
  func.func @_k1_body(%arg0: i32, %arg1: memref<640x128xf32, #tpu.memory_space<vmem>>, %arg2: memref<128x128xf32, #tpu.memory_space<vmem>>, %arg3: memref<640x128xf32, #tpu.memory_space<vmem>>) attributes {dimension_semantics = [#tpu.dimension_semantics<arbitrary>], iteration_bounds = array<i64: 16>, scalar_prefetch = 0 : i64, scratch_operands = 0 : i64, tpu.core_type = #tpu.core_type<tc>, window_params = [{transform_indices = @transform_0, window_bounds = array<i64: 640, 128>}, {pipeline_mode = #tpu.pipeline_mode<synchronous>, transform_indices = @transform_1, window_bounds = array<i64: 128, 128>}, {transform_indices = @transform_2, window_bounds = array<i64: 640, 128>}]} {
    %get3A = arith.constant 0 : index
    %get3A_0 = arith.constant 0 : index
    %get3A_1 = vector.load %arg1[%get3A, %get3A_0] : memref<640x128xf32, #tpu.memory_space<vmem>>, vector<640x128xf32>
    %get3A_2 = arith.constant 0 : index
    %get3A_3 = arith.constant 0 : index
    %get3A_4 = vector.load %arg2[%get3A_2, %get3A_3] : memref<128x128xf32, #tpu.memory_space<vmem>>, vector<128x128xf32>
    %dot_general3A = arith.constant dense<0.000000e+00> : vector<640x128xf32>
    %dot_general3A_5 = tpu.matmul %get3A_1, %get3A_4, %dot_general3A {dimension_numbers = #tpu.dot_dimension_numbers<[1], [0], [0], [1], [0, 0, 1, 1], [], []>, transpose_lhs_hint = false} : vector<640x128xf32>, vector<128x128xf32>, vector<640x128xf32> -> vector<640x128xf32>
    %swap3A = arith.constant 0 : index
    %swap3A_6 = arith.constant 0 : index
    %swap3A_7 = vector.load %arg3[%swap3A, %swap3A_6] : memref<640x128xf32, #tpu.memory_space<vmem>>, vector<640x128xf32>
    tpu.vector_store %arg3[%swap3A, %swap3A_6], %dot_general3A_5 {strides = array<i32>} : memref<640x128xf32, #tpu.memory_space<vmem>>, vector<640x128xf32>,
    return
  }
  func.func @transform_0(%arg0: i32) -> (i32, i32) {
    %c0_i32 = arith.constant 0 : i32
    %c0_i32_0 = arith.constant 0 : i32
    return %arg0, %c0_i32 : i32, i32
  }
  func.func @transform_1(%arg0: i32) -> (i32, i32) {
    %c0_i32 = arith.constant 0 : i32
    %c0_i32_0 = arith.constant 0 : i32
    %c0_i32_1 = arith.constant 0 : i32
    return %c0_i32, %c0_i32_0 : i32, i32
  }
  func.func @transform_2(%arg0: i32) -> (i32, i32) {
    %c0_i32 = arith.constant 0 : i32
    %c0_i32_0 = arith.constant 0 : i32
    return %arg0, %c0_i32 : i32, i32
  }
}

module attributes {stable_mosaic.version = 14 : i64} {
  func.func @_k3_body(%arg0: i32, %arg1: memref<640x128xf32, #tpu.memory_space<vmem>>, %arg2: memref<640x128xf32, #tpu.memory_space<vmem>>, %arg3: memref<640x1xf32, #tpu.memory_space<vmem>>, %arg4: memref<1x128xf32, #tpu.memory_space<vmem>>, %arg5: memref<128x2xf32, #tpu.memory_space<vmem>>, %arg6: memref<640x2xf32, #tpu.memory_space<vmem>>) attributes {dimension_semantics = [#tpu.dimension_semantics<arbitrary>], iteration_bounds = array<i64: 16>, scalar_prefetch = 0 : i64, scratch_operands = 0 : i64, tpu.core_type = #tpu.core_type<tc>, window_params = [{transform_indices = @transform_0, window_bounds = array<i64: 640, 128>}, {transform_indices = @transform_1, window_bounds = array<i64: 640, 128>}, {transform_indices = @transform_2, window_bounds = array<i64: 640, 1>}, {pipeline_mode = #tpu.pipeline_mode<synchronous>, transform_indices = @transform_3, window_bounds = array<i64: 1, 128>}, {pipeline_mode = #tpu.pipeline_mode<synchronous>, transform_indices = @transform_4, window_bounds = array<i64: 128, 2>}, {transform_indices = @transform_5, window_bounds = array<i64: 640, 2>}]} {
    %get3A = arith.constant 0 : index
    %get3A_0 = arith.constant 0 : index
    %get3A_1 = vector.load %arg1[%get3A, %get3A_0] : memref<640x128xf32, #tpu.memory_space<vmem>>, vector<640x128xf32>
    %get3A_2 = arith.constant 0 : index
    %get3A_3 = arith.constant 0 : index
    %get3A_4 = vector.load %arg3[%get3A_2, %get3A_3] : memref<640x1xf32, #tpu.memory_space<vmem>>, vector<640x1xf32>
    %get3A_5 = arith.constant 0 : index
    %get3A_6 = arith.constant 0 : index
    %get3A_7 = vector.load %arg2[%get3A_5, %get3A_6] : memref<640x128xf32, #tpu.memory_space<vmem>>, vector<640x128xf32>
    %mul3A = vector.broadcast %get3A_4 : vector<640x1xf32> to vector<640x128xf32>
    %mul3A_8 = arith.mulf %mul3A, %get3A_7 : vector<640x128xf32>
    %add3A = arith.addf %get3A_1, %mul3A_8 : vector<640x128xf32>
    %get3A_9 = arith.constant 0 : index
    %get3A_10 = arith.constant 0 : index
    %get3A_11 = vector.load %arg4[%get3A_9, %get3A_10] : memref<1x128xf32, #tpu.memory_space<vmem>>, vector<1x128xf32>
    %add3A_12 = vector.broadcast %get3A_11 : vector<1x128xf32> to vector<640x128xf32>
    %add3A_13 = arith.addf %add3A, %add3A_12 : vector<640x128xf32>
    %gt3A = arith.constant 0.000000e+00 : f32
    %gt3A_14 = vector.broadcast %gt3A : f32 to vector<640x128xf32>
    %gt3A_15 = arith.cmpf ogt, %add3A_13, %gt3A_14 : vector<640x128xf32>
    %min3A = arith.constant 0.000000e+00 : f32
    %min3A_16 = vector.broadcast %min3A : f32 to vector<640x128xf32>
    %min3A_17 = arith.minimumf %add3A_13, %min3A_16 : vector<640x128xf32>
    %exp3A = math.exp %min3A_17 : vector<640x128xf32>
    %sub3A = arith.constant 1.000000e+00 : f32
    %sub3A_18 = vector.broadcast %sub3A : f32 to vector<640x128xf32>
    %sub3A_19 = arith.subf %exp3A, %sub3A_18 : vector<640x128xf32>
    %select_n3A = arith.select %gt3A_15, %add3A_13, %sub3A_19 : vector<640x128xi1>, vector<640x128xf32>
    %get3A_20 = arith.constant 0 : index
    %get3A_21 = arith.constant 0 : index
    %get3A_22 = vector.load %arg5[%get3A_20, %get3A_21] : memref<128x2xf32, #tpu.memory_space<vmem>>, vector<128x2xf32>
    %dot_general3A = arith.constant dense<0.000000e+00> : vector<640x2xf32>
    %dot_general3A_23 = tpu.matmul %select_n3A, %get3A_22, %dot_general3A {dimension_numbers = #tpu.dot_dimension_numbers<[1], [0], [0], [1], [0, 0, 1, 1], [], []>, transpose_lhs_hint = false} : vector<640x128xf32>, vector<128x2xf32>, vector<640x2xf32> -> vector<640x2xf32>
    %swap3A = arith.constant 0 : index
    %swap3A_24 = arith.constant 0 : index
    %swap3A_25 = vector.load %arg6[%swap3A, %swap3A_24] : memref<640x2xf32, #tpu.memory_space<vmem>>, vector<640x2xf32>
    tpu.vector_store %arg6[%swap3A, %swap3A_24], %dot_general3A_23 {strides = array<i32>} : memref<640x2xf32, #tpu.memory_space<vmem>>, vector<640x2xf32>,
    return
  }
  func.func @transform_0(%arg0: i32) -> (i32, i32) {
    %c0_i32 = arith.constant 0 : i32
    %c0_i32_0 = arith.constant 0 : i32
    return %arg0, %c0_i32 : i32, i32
  }
  func.func @transform_1(%arg0: i32) -> (i32, i32) {
    %c0_i32 = arith.constant 0 : i32
    %c0_i32_0 = arith.constant 0 : i32
    return %arg0, %c0_i32 : i32, i32
  }
  func.func @transform_2(%arg0: i32) -> (i32, i32) {
    %c0_i32 = arith.constant 0 : i32
    %c0_i32_0 = arith.constant 0 : i32
    return %arg0, %c0_i32 : i32, i32
  }
  func.func @transform_3(%arg0: i32) -> (i32, i32) {
    %c0_i32 = arith.constant 0 : i32
    %c0_i32_0 = arith.constant 0 : i32
    %c0_i32_1 = arith.constant 0 : i32
    return %c0_i32, %c0_i32_0 : i32, i32
  }
  func.func @transform_4(%arg0: i32) -> (i32, i32) {
    %c0_i32 = arith.constant 0 : i32
    %c0_i32_0 = arith.constant 0 : i32
    %c0_i32_1 = arith.constant 0 : i32
    return %c0_i32, %c0_i32_0 : i32, i32
  }
  func.func @transform_5(%arg0: i32) -> (i32, i32) {
    %c0_i32 = arith.constant 0 : i32
    %c0_i32_0 = arith.constant 0 : i32
    return %arg0, %c0_i32 : i32, i32
  }
}

module attributes {stable_mosaic.version = 14 : i64} {
  func.func @_k5_body(%arg0: i32, %arg1: memref<2x640x2xf32, #tpu.memory_space<vmem>>, %arg2: memref<640x2xf32, #tpu.memory_space<vmem>>, %arg3: memref<640x1xf32, #tpu.memory_space<vmem>>, %arg4: memref<1x2xf32, #tpu.memory_space<vmem>>, %arg5: memref<640x2xf32, #tpu.memory_space<vmem>>) attributes {dimension_semantics = [#tpu.dimension_semantics<arbitrary>], iteration_bounds = array<i64: 16>, scalar_prefetch = 0 : i64, scratch_operands = 0 : i64, tpu.core_type = #tpu.core_type<tc>, window_params = [{transform_indices = @transform_0, window_bounds = array<i64: 2, 640, 2>}, {transform_indices = @transform_1, window_bounds = array<i64: 640, 2>}, {transform_indices = @transform_2, window_bounds = array<i64: 640, 1>}, {pipeline_mode = #tpu.pipeline_mode<synchronous>, transform_indices = @transform_3, window_bounds = array<i64: 1, 2>}, {transform_indices = @transform_4, window_bounds = array<i64: 640, 2>}]} {
    %get3A = arith.constant 0 : index
    %get3A_0 = arith.constant 0 : index
    %get3A_1 = arith.constant 0 : index
    %get3A_2 = vector.load %arg1[%get3A, %get3A_0, %get3A_1] : memref<2x640x2xf32, #tpu.memory_space<vmem>>, vector<1x640x2xf32>
    %get3A_3 = vector.shape_cast %get3A_2 : vector<1x640x2xf32> to vector<640x2xf32>
    %get3A_4 = arith.constant 1 : index
    %get3A_5 = arith.constant 0 : index
    %get3A_6 = arith.constant 0 : index
    %get3A_7 = vector.load %arg1[%get3A_4, %get3A_5, %get3A_6] : memref<2x640x2xf32, #tpu.memory_space<vmem>>, vector<1x640x2xf32>
    %get3A_8 = vector.shape_cast %get3A_7 : vector<1x640x2xf32> to vector<640x2xf32>
    %add3A = arith.addf %get3A_3, %get3A_8 : vector<640x2xf32>
    %get3A_9 = arith.constant 0 : index
    %get3A_10 = arith.constant 0 : index
    %get3A_11 = vector.load %arg3[%get3A_9, %get3A_10] : memref<640x1xf32, #tpu.memory_space<vmem>>, vector<640x1xf32>
    %get3A_12 = arith.constant 0 : index
    %get3A_13 = arith.constant 0 : index
    %get3A_14 = vector.load %arg2[%get3A_12, %get3A_13] : memref<640x2xf32, #tpu.memory_space<vmem>>, vector<640x2xf32>
    %mul3A = vector.broadcast %get3A_11 : vector<640x1xf32> to vector<640x2xf32>
    %mul3A_15 = arith.mulf %mul3A, %get3A_14 : vector<640x2xf32>
    %add3A_16 = arith.addf %add3A, %mul3A_15 : vector<640x2xf32>
    %get3A_17 = arith.constant 0 : index
    %get3A_18 = arith.constant 0 : index
    %get3A_19 = vector.load %arg4[%get3A_17, %get3A_18] : memref<1x2xf32, #tpu.memory_space<vmem>>, vector<1x2xf32>
    %add3A_20 = vector.broadcast %get3A_19 : vector<1x2xf32> to vector<640x2xf32>
    %add3A_21 = arith.addf %add3A_16, %add3A_20 : vector<640x2xf32>
    %reduce_max3A = arith.constant dense<0xFF800000> : vector<640xf32>
    %reduce_max3A_22 = vector.multi_reduction <maximumf>, %add3A_21, %reduce_max3A [1] : vector<640x2xf32> to vector<640xf32>
    %broadcast_in_dim3A = vector.shape_cast %reduce_max3A_22 : vector<640xf32> to vector<640x1xf32>
    %sub3A = vector.broadcast %broadcast_in_dim3A : vector<640x1xf32> to vector<640x2xf32>
    %sub3A_23 = arith.subf %add3A_21, %sub3A : vector<640x2xf32>
    %exp3A = math.exp %sub3A_23 : vector<640x2xf32>
    %sub3A_24 = vector.broadcast %broadcast_in_dim3A : vector<640x1xf32> to vector<640x2xf32>
    %sub3A_25 = arith.subf %add3A_21, %sub3A_24 : vector<640x2xf32>
    %reduce_sum3A = arith.constant dense<0.000000e+00> : vector<640xf32>
    %reduce_sum3A_26 = vector.multi_reduction <add>, %exp3A, %reduce_sum3A [1] : vector<640x2xf32> to vector<640xf32>
    %broadcast_in_dim3A_27 = vector.shape_cast %reduce_sum3A_26 : vector<640xf32> to vector<640x1xf32>
    %log3A = math.log %broadcast_in_dim3A_27 : vector<640x1xf32>
    %sub3A_28 = vector.broadcast %log3A : vector<640x1xf32> to vector<640x2xf32>
    %sub3A_29 = arith.subf %sub3A_25, %sub3A_28 : vector<640x2xf32>
    %swap3A = arith.constant 0 : index
    %swap3A_30 = arith.constant 0 : index
    %swap3A_31 = vector.load %arg5[%swap3A, %swap3A_30] : memref<640x2xf32, #tpu.memory_space<vmem>>, vector<640x2xf32>
    tpu.vector_store %arg5[%swap3A, %swap3A_30], %sub3A_29 {strides = array<i32>} : memref<640x2xf32, #tpu.memory_space<vmem>>, vector<640x2xf32>,
    return
  }
  func.func @transform_0(%arg0: i32) -> (i32, i32, i32) {
    %c0_i32 = arith.constant 0 : i32
    %c0_i32_0 = arith.constant 0 : i32
    %c0_i32_1 = arith.constant 0 : i32
    return %c0_i32, %arg0, %c0_i32_0 : i32, i32, i32
  }
  func.func @transform_1(%arg0: i32) -> (i32, i32) {
    %c0_i32 = arith.constant 0 : i32
    %c0_i32_0 = arith.constant 0 : i32
    return %arg0, %c0_i32 : i32, i32
  }
  func.func @transform_2(%arg0: i32) -> (i32, i32) {
    %c0_i32 = arith.constant 0 : i32
    %c0_i32_0 = arith.constant 0 : i32
    return %arg0, %c0_i32 : i32, i32
  }
  func.func @transform_3(%arg0: i32) -> (i32, i32) {
    %c0_i32 = arith.constant 0 : i32
    %c0_i32_0 = arith.constant 0 : i32
    %c0_i32_1 = arith.constant 0 : i32
    return %c0_i32, %c0_i32_0 : i32, i32
  }
  func.func @transform_4(%arg0: i32) -> (i32, i32) {
    %c0_i32 = arith.constant 0 : i32
    %c0_i32_0 = arith.constant 0 : i32
    return %arg0, %c0_i32 : i32, i32
  }
}

</mosaic_0001>

<sc_bundles>
// kernel: kernel.11.cloned.1.call-start
scs
__scs_entry_jumppad:
0x0: {  	(pc) =	sbr.rel $0x88, $3  }
0x1: {  	(tag) =	ssettag $0x0;
	lr =	simm.s32 $0x1  }
0x2: {  	[smem:$0x3F9A] =	sst lr;
	_ =	strace $0xD0000000  }
0x3: {  	_ = 	snop  }
0x4: {  	_ = 	snop  }
0x5: {  	_ = 	snop  }
0x6: {  	_ = 	snop  }
0x7: {  	_ = 	snop  }
__scs_overlays_trampoline_lowered:
0x8: {  	[smem:$0x3FA9] =	sst s0  }
0x9: {  	[smem:$0x3FAA] =	sst s1  }
0xa: {  	[smem:$0x3FAB] =	sst s2  }
0xb: {  	[smem:$0x3FAC] =	sst s3  }
0xc: {  	[smem:$0x3FAD] =	sst s4  }
0xd: {  	[smem:$0x3FAE] =	sst s5  }
0xe: {  	[smem:$0x3FAF] =	sst s6  }
0xf: {  	[smem:$0x3FB0] =	sst s7  }
0x10: {  	[smem:$0x3FB1] =	sst s8  }
0x11: {  	[smem:$0x3FB2] =	sst s9;
	s0 =	simm.s32 @!p0 $0x0  }
0x12: {  	s1 =	sld [smem:$0x3F98];
	s0 =	simm.s32 @p0 $0x1  }
0x13: {  	[smem:$0x3FB3] =	sst s0;
	s0 =	simm.s32 @!p1 $0x0  }
0x14: {  	s2 =	sld [smem:$0x3F97];
	s0 =	simm.s32 @p1 $0x1  }
0x15: {  	[smem:$0x3FB4] =	sst s0;
	s0 =	simm.s32 @!p2 $0x0  }
0x16: {  	s3 =	sld [smem:$0x3FDB];
	s0 =	simm.s32 @p2 $0x1  }
0x17: {  	s4 =	simm.s32 $0x1BF5;
	[smem:$0x3FB6] =	sst s0  }
0x18: {  	s0 =	sld [smem:$0x3F99];
	_ =	swait.ge [sflag:s4], $0x0  }
0x19: {  	s7 =	sld [smem:$0x3F9A]  }
0x1a: {  	s8 =	sadd.s32 $0xFFFFE003, lr  }
0x1b: {  	s9 =	sadd.s32 $0xFFFFFEF7, lr;
	s5 =	simm.s32 $0xFFFFFFFF;
	p2 =	slt.u32 s8, $0xFFFFF086  }
0x1c: {  	p1 =	slt.u32 s9, $0xF7A;
	s5 =	simm.s32 @!p2 $0x0  }
0x1d: {  	s5 =	simm.s32 @p1 $0x1;
	p0 =	seq.s32 s7, s2  }
0x1e: {  	s7 =	smul.u32 @!p0 $0xF7A, s2;
	p2 =	seq.s32 @!p0 s5, $0x0  }
0x1f: {  	s9 =	smul.u32 $0xF7A, s1;
	s8 =	simm.s32 @!p0 $0x1BF5;
	p2 =	por !p2, p0  }
0x20: {  	[sflag:s8] =	ssyncset.s32 @!p0 $0xFFFFF086;
	s6 =	sadd.s32 @!p0 s3, s7;
	s7 =	simm.s32 @!p0 $0x108  }
0x21: {  	s3 =	sadd.s32 s3, s9;
	s6 =	sadd.s32 @!p0 $0x88, s6;
	s7 =	simm.s32 @p2 $0x1082  }
0x22: {  	[simem:s7], [sflag:s8] =	dma.local @!p0 [hbm:s6], $0xF7A  }
0x23: {  	s9 =	sor.u32 $0xD0000000, s2;
	s6 =	simm.s32 $0x108;
	_ =	swait.ge @!p0 [sflag:s8], $0x0  }
0x24: {  	s3 =	sadd.s32 $0x88, s3;
	s6 =	simm.s32 @!p1 $0x1082;
	[sflag:s4] =	ssyncset.s32 $0xFFFFF086  }
0x25: {  	[simem:s6], [sflag:s4] =	dma.local [hbm:s3], $0xF7A  }
0x26: {  	[smem:$0x3F9A] =	sst s1;
	(tag) =	ssettag s2;
	_ =	strace s9  }
0x27: {  	s1 =	sld [smem:$0x3FAA]  }
0x28: {  	s2 =	sld [smem:$0x3FAB]  }
0x29: {  	s4 =	sld [smem:$0x3FAD]  }
0x2a: {  	p0 =	seq.s32 s5, $0x0;
	s5 =	sld [smem:$0x3FAE]  }
0x2b: {  	s6 =	sld [smem:$0x3FAF]  }
0x2c: {  	s7 =	sld [smem:$0x3FB0]  }
0x2d: {  	s3 =	simm.s32 $0x108;
	s8 =	sld [smem:$0x3FB1]  }
0x2e: {  	s3 =	simm.s32 @!p0 $0x1082;
	s9 =	sld [smem:$0x3FB2]  }
0x2f: {  	lr =	sadd.s32 s0, s3;
	s0 =	sld [smem:$0x3FA9]  }
0x30: {  	s3 =	sld [smem:$0x3FAC]  }
0x31: {  	[smem:$0x3FB5] =	sst s10  }
0x32: {  	s10 =	sld [smem:$0x3FB3];
	_ =	sdelay $0x3  }
0x33: {  	p0 =	seq.s32 s10, $0x1;
	s10 =	sld [smem:$0x3FB5];
	_ =	sdelay $0x3  }
0x34: {  	[smem:$0x3FB5] =	sst s10  }
0x35: {  	s10 =	sld [smem:$0x3FB4];
	_ =	sdelay $0x3  }
0x36: {  	p1 =	seq.s32 s10, $0x1;
	s10 =	sld [smem:$0x3FB5];
	_ =	sdelay $0x3  }
0x37: {  	[smem:$0x3FB5] =	sst s10  }
0x38: {  	s10 =	sld [smem:$0x3FB6]  }
0x39: {  	_ = 	snop;
	(pc) =	sbr.ind lr, $3  }
0x3a: {  	_ = 	snop  }
0x3b: {  	_ = 	snop  }
0x3c: {  	p2 =	seq.s32 s10, $0x1;
	s10 =	sld [smem:$0x3FB5]  }
0x3d: {  	_ =	shalt  }
0x3e: {  	_ =	shalt  }
0x3f: {  	_ =	shalt  }
0x40: {  	_ =	shalt  }
0x41: {  	_ =	shalt  }
0x42: {  	_ =	shalt  }
0x43: {  	_ =	shalt  }
0x44: {  	_ =	shalt  }
0x45: {  	_ =	shalt  }
0x46: {  	_ =	shalt  }
0x47: {  	_ =	shalt  }
0x48: {  	_ =	shalt  }
0x49: {  	_ =	shalt  }
0x4a: {  	_ =	shalt  }
0x4b: {  	_ =	shalt  }
0x4c: {  	_ =	shalt  }
0x4d: {  	_ =	shalt  }
0x4e: {  	_ =	shalt  }
0x4f: {  	_ =	shalt  }
0x50: {  	_ =	shalt  }
0x51: {  	_ =	shalt  }
0x52: {  	_ =	shalt  }
0x53: {  	_ =	shalt  }
0x54: {  	_ =	shalt  }
0x55: {  	_ =	shalt  }
0x56: {  	_ =	shalt  }
0x57: {  	_ =	shalt  }
0x58: {  	_ =	shalt  }
0x59: {  	_ =	shalt  }
0x5a: {  	_ =	shalt  }
0x5b: {  	_ =	shalt  }
0x5c: {  	_ =	shalt  }
0x5d: {  	_ =	shalt  }
0x5e: {  	_ =	shalt  }
0x5f: {  	_ =	shalt  }
0x60: {  	_ =	shalt  }
0x61: {  	_ =	shalt  }
0x62: {  	_ =	shalt  }
0x63: {  	_ =	shalt  }
0x64: {  	_ =	shalt  }
0x65: {  	_ =	shalt  }
0x66: {  	_ =	shalt  }
0x67: {  	_ =	shalt  }
0x68: {  	_ =	shalt  }
0x69: {  	_ =	shalt  }
0x6a: {  	_ =	shalt  }
0x6b: {  	_ =	shalt  }
0x6c: {  	_ =	shalt  }
0x6d: {  	_ =	shalt  }
0x6e: {  	_ =	shalt  }
0x6f: {  	_ =	shalt  }
0x70: {  	_ =	shalt  }
0x71: {  	_ =	shalt  }
0x72: {  	_ =	shalt  }
0x73: {  	_ =	shalt  }
0x74: {  	_ =	shalt  }
0x75: {  	_ =	shalt  }
0x76: {  	_ =	shalt  }
0x77: {  	_ =	shalt  }
0x78: {  	_ =	shalt  }
0x79: {  	_ =	shalt  }
0x7a: {  	_ =	shalt  }
0x7b: {  	_ =	shalt  }
0x7c: {  	_ =	shalt  }
0x7d: {  	_ =	shalt  }
0x7e: {  	_ =	shalt  }
0x7f: {  	_ =	shalt  }
0x80: {  	_ =	shalt  }
0x81: {  	_ =	shalt  }
0x82: {  	_ =	shalt  }
0x83: {  	_ =	shalt  }
0x84: {  	_ =	shalt  }
0x85: {  	_ =	shalt  }
0x86: {  	_ =	shalt  }
0x87: {  	_ =	shalt  }
.Lfunc_end0:
.L_simem_size_0:
called_computation.1_lowered:
.L_overlay_start_0:
0x88: {  	s2 =	sld [smem:$0x3FD9]  }
0x89: {  	s3 =	sld [smem:$0x3FFE];
	_ =	sdelay $0x1  }
0x8a: {  	s1 =	srdreg.scid  }
0x8b: {  	s0 =	sand.u32 $0x1, s1  }
0x8c: {  	s16 =	sshll.u32 s0, $0xA;
	s2 =	sadd.s32 s3, s2  }
0x8d: {  	s2 =	sadd.s32 s2, s16  }
0x8e: {  	[smem:$0x3FC1] =	sst s2  }
0x8f: {  	_ = 	snop  }
0x90: {  	(tm) =	ssettm $0x1  }
0x91: {  	s17 =	sld [smem:$0x3FFB];
	_ =	sdelay $0x3  }
0x92: {  	_ =	strace s17  }
0x93: {  	s2 =	sld [smem:$0x3FFC];
	_ =	sdelay $0x3  }
0x94: {  	_ =	strace s2  }
0x95: {  	s2 =	sld [smem:$0x3FFD];
	_ =	sdelay $0x3  }
0x96: {  	_ =	strace s2  }
0x97: {  	_ =	strace $0x8FFFFFFF  }
0x98: {  	s18 =	sld [smem:$0x3FDB];
	_ =	sdelay $0x1  }
0x99: {  	s19 =	simm.s32 $_scs_section_size  }
0x9a: {  	s4 =	simm.s32 $_size__tile_overlayer_lowered;
	s5 =	simm.s32 $_tile_overlayer_lowered  }
0x9b: {  	s22 =	simm.s32 $0x1BFF;
	s21 =	sshll.u32 s5, $0x1;
	s2 =	sadd.s32 s19, s18  }
0x9c: {  	s6 =	simm.s32 $0x0;
	s20 =	sshll.u32 s4, $0x1;
	s4 =	sadd.s32 s21, s2  }
0x9d: {  	[timem:s6], [sflag:s22] =	dma.local [hbm:s4], s20  }
0x9e: {  	_ =	swait.ge [sflag:s22], s20  }
0x9f: {  	s3 =	ssub.s32 $0x0, s20;
	[sflag:s22] =	ssyncset.done $0x0  }
0xa0: {  	[sflag:s22] =	ssyncadd.s32 s3;
	_ =	sdelay $0x1  }
0xa1: {  	s23 =	simm.s32 $0x1B8B  }
0xa2: {  	_ =	swait.ge [sflag:s23], $0x1  }
0xa3: {  	[sflag:s23] =	ssyncset.done $0x0  }
0xa4: {  	s25 =	simm.s32 $0x1B8E;
	s24 =	sld [smem:$0x3FFE];
	[sflag:s23] =	ssyncadd.s32 $0xFFFFFFFF  }
0xa5: {  	s26 =	simm.s32 $execute0_lowered;
	[smem:$0x3FD2] =	sst s25  }
0xa6: {  	s4 =	sshll.u32 s26, $0x1;
	_ =	strace $0x80000049;
	[dreg:$0x1] =	wrdreg $0xFFFFFFFF  }
0xa7: {  	s28 =	simm.s32 $_size_execute0_lowered;
	s2 =	sadd.s32 s2, s4;
	[dreg:$0x0] =	wrdreg $0x0  }
0xa8: {  	s4 =	sshll.u32 s28, $0x1;
	[dreg:$0x2] =	wrdreg s2  }
0xa9: {  	[dreg:$0x3] =	wrdreg s4  }
0xaa: {  	[dreg:$0x4] =	wrdreg $0xC0  }
0xab: {  	_ =	task [dreg:s6], $0x5FFFF  }
0xac: {  	[dreg:$0x1] =	wrdreg $0xFFFFFFFF  }
0xad: {  	[dreg:$0x0] =	wrdreg $0x60  }
0xae: {  	[dreg:$0x2] =	wrdreg s24  }
0xaf: {  	[dreg:$0x3] =	wrdreg $0xA7000  }
0xb0: {  	[dreg:$0x4] =	wrdreg $0x9  }
0xb1: {  	_ =	task.clear_ibuf [dreg:s6], $0x5FFFF;
	_ =	strace $0x90000049  }
0xb2: {  	s29 =	simm.s32 $0x9;
	_ =	strace $0x8000004B  }
0xb3: {  	_ =	swait.ge [sflag:s29], $0x1  }
0xb4: {  	[sflag:s29] =	ssyncadd.s32 $0xFFFFFFFF  }
0xb5: {  	_ =	strace $0x9000004B  }
0xb6: {  	_ =	sfence  }
0xb7: {  	s30 =	sld [smem:$0x0];
	_ =	sdelay $0x2  }
0xb8: {  	s31 =	sshll.u32 s1, $0xD;
	s1 =	sshrl.u32 s1, $0x2  }
0xb9: {  	s3 =	sand.u32 $0x4000, s31;
	s1 =	sadd.s32 s1, s30  }
0xba: {  	s0 =	sor.u32 s3, s0;
	s1 =	sshll.u32 s1, $0x11  }
0xbb: {  	s0 =	sor.u32 s1, s0  }
0xbc: {  	s0 =	sadd.s32 $0x8F2B, s0  }
0xbd: {  	[sflag:s0] =	ssyncadd.remote.s32 $0x1  }
0xbe: {  	_ =	sfence.sel $0xFFFF  }
0xbf: {  	[dreg:$0x0] =	wrdreg $0xFFFFFFFF;
	(pc) =	sbr.abs _section_cstart, $3  }
0xc0: {  	[dreg:$0x1] =	wrdreg $0xFFFFFFFF  }
0xc1: {  	_ =	task.clear_ibuf [dreg:s6], $0x2FFFF;
	_ =	strace $0x9FFFFFFF  }
0xc2: {  	(tm) =	ssettm $0x7FFFFFFF  }
0xc3: {  	_ =	shalt  }
tec
execute0_lowered:
.L_overlay_start_1:
0x0: {  	(tag) =	ssettag $0x1  }
0x1: {  	s0 =	srdreg.scid;
	s5 =	rddreg [dreg:$0x0]  }
0x2: {  	s2 =	rddreg [dreg:$0x1];
	s3 =	simm.s32 $0x0;
	s12 =	simm.s32 $0x5000  }
0x3: {  	s13 =	simm.s32 $0xA200;
	s14 =	simm.s32 $0x80;
	s15 =	simm.s32 $0xA100  }
0x4: {  	s16 =	simm.s32 $0xA000;
	s17 =	simm.s32 $0xA180;
	s18 =	simm.s32 $0xA080  }
0x5: {  	s21 =	simm.s32 $0x20;
	s22 =	simm.s32 $0x10;
	s23 =	simm.s32 $0x0  }
0x6: {  	s4 =	sand.u32 $0x1, s0;
	s0 =	stileid.u32;
	[smem:$0x7FF] =	sst s3  }
0x7: {  	s1 =	sshll.u32 s4, $0x4;
	s7 =	smul.u32 $0xA00, s0;
	s8 =	sshll.u32 s4, $0x7  }
0x8: {  	s30 =	ssub.s32 $0x2, s4;
	s10 =	smul.u32 $0x1400, s0;
	s4 =	sadd.s32 $0x2200, s5  }
0x9: {  	s19 =	sshll.u32 s0, $0x6;
	s6 =	sor.u32 s0, s1;
	s1 =	rddreg [dreg:$0x2]  }
0xa: {  	_ =	strace $0x8000004A;
	s9 =	sshrl.u32 s30, $0x1;
	s19 =	sor.u32 $0x1C01, s19  }
0xb: {  	s6 =	smul.u32 $0x500, s6;
	s7 =	sor.u32 s8, s7;
	s9 =	ssub.s32 s30, s9  }
0xc: {  	s31 =	sshrl.u32 s10, $0x2;
	s10 =	simm.s32 $0x1;
	s7 =	sshrl.u32 s7, $0x3  }
0xd: {  	s9 =	smax.u32 s9, $0x1;
	s6 =	sadd.s32 s6, s5;
	s11 =	sadd.s32 s7, s5  }
0xe: {  	s7 =	sadd.s32 s31, s2;
	s5 =	sadd.s32 $0x2A200, s6;
	s6 =	sadd.s32 $0x66200, s6  }
0xf: {  	v0 =	vimm.f32 $0.0e+00;
	s8 =	sadd.s32 $0x2C00, s11;
	s11 =	simm.s32 $0x2800;
	s20 =	sshrl.u32 s7, $0x3  }
.LBB2_1:
0x10: {  	[tilespmem:s3], [sflag:$0x1] =	stream.linear.gather [hbm4b:s5+s3], $0x2800, $0x38;
	[tilespmem:$0xAC00] =	vst v63  }
0x11: {  	_ =	swait.ge [sflag:s10], $0x2800  }
0x12: {  	[sflag:s10] =	ssyncset.done $0x0  }
0x13: {  	[sflag:s10] =	ssyncadd.s32 $0xFFFFD800  }
0x14: {  	[tilespmem:s11], [sflag:$0x1] =	stream.linear.gather [hbm4b:s6+s3], $0x2800, $0x38;
	[tilespmem:$0xAC00] =	vst v63  }
0x15: {  	_ =	swait.ge [sflag:s10], $0x2800  }
0x16: {  	[sflag:s10] =	ssyncset.done $0x0  }
0x17: {  	[sflag:s10] =	ssyncadd.s32 $0xFFFFD800  }
0x18: {  	[tilespmem:s12], [sflag:$0x1] =	stream.linear.gather [hbm4b:s4+s3], $0x5000, $0x38;
	[tilespmem:$0xAC00] =	vst v63  }
0x19: {  	_ =	swait.ge [sflag:s10], $0x5000  }
0x1a: {  	[sflag:s10] =	ssyncset.done $0x0  }
0x1b: {  	s24 =	simm.s32 $0x40;
	s25 =	simm.s32 $0x0;
	[sflag:s10] =	ssyncadd.s32 $0xFFFFB000  }
.LBB2_2:
0x1c: {  	p0 =	sne.s32 s24, $0x13C0;
	[tilespmem:s25+$0xA200] =	vst v0;
	s25 =	smov.u32 s24;
	s24 =	sadd.s32 $0x40, s24  }
.Ltmp0:
0x1d: {  	(pc) =	sbr.rel @p0 .LBB2_2-.Ltmp0, $2  }
0x1e: {  	_ =	sdelay $0x2  }
0x1f: {  	s25 =	sshra.s32 s25, $0x2  }
0x20: {  	[tilespmem:s25+$0xA200] =	vst v0  }
0x21: {  	[spmem:s7] =	stream.linear.scatter [tilespmem:s13], [sflag:$0x1], $0x500, $0x38;
	[tilespmem:$0xAC00] =	vst v63  }
0x22: {  	_ =	swait.ge [sflag:s10], $0x500  }
0x23: {  	[sflag:s10] =	ssyncset.done $0x0  }
0x24: {  	[sflag:s10] =	ssyncadd.s32 $0xFFFFFB00  }
0x25: {  	s24 =	simm.s32 $0x0;
	[bflag:$0x0] =	sbarrier.arrive $0xFFFF  }
.LBB2_4:
0x26: {  	s25 =	sshra.s32 s24, $0x2  }
0x27: {  	v1 =	vld [tilespmem:s25+$0x0];
	_ =	sdelay $0x4  }
0x28: {  	v2 =	vshll.u32 v1, $0x1  }
0x29: {  	v2 =	vand.u32 $0x7FFE, v2  }
0x2a: {  	v3 =	vor.u32 $0x1, v2;
	_ =	sdelay $0x2  }
0x2b: {  	v4 =	vld [tilespmem:s25+$0x2800]  }
0x2c: {  	v2 =	vld.idx.msk [tilespmem:v2+s12+$0x0], $0xffff  }
0x2d: {  	v3 =	vld.idx.msk [tilespmem:v3+s12+$0x0], $0xffff;
	_ =	sdelay $0x3  }
0x2e: {  	v2 =	vmul.f32 v2, v4  }
0x2f: {  	v3 =	vmul.f32 v3, v4  }
0x30: {  	v1 =	vshrl.u32 v1, $0xD;
	[tilespmem:$0xA000] =	vst v2  }
0x31: {  	v2 =	vand.u32 $0x7FFFE, v1;
	[tilespmem:$0xA080] =	vst v3  }
0x32: {  	v1 =	vor.u32 $0x1, v1;
	[tilespmem:$0xA100] =	vst v2  }
0x33: {  	[tilespmem:$0xA180] =	vst v1  }
0x34: {  	v1 =	vld [tilespmem:s25+$0x10];
	_ =	sdelay $0x4  }
0x35: {  	v2 =	vshll.u32 v1, $0x1  }
0x36: {  	v2 =	vand.u32 $0x7FFE, v2  }
0x37: {  	v3 =	vor.u32 $0x1, v2;
	_ =	sdelay $0x2  }
0x38: {  	v57 =	vld [tilespmem:s25+$0x2810]  }
0x39: {  	v2 =	vld.idx.msk [tilespmem:v2+s12+$0x0], $0xffff  }
0x3a: {  	v3 =	vld.idx.msk [tilespmem:v3+s12+$0x0], $0xffff;
	_ =	sdelay $0x3  }
0x3b: {  	v2 =	vmul.f32 v2, v57  }
0x3c: {  	v3 =	vmul.f32 v3, v57  }
0x3d: {  	v1 =	vshrl.u32 v1, $0xD;
	[tilespmem:$0xA010] =	vst v2  }
0x3e: {  	v2 =	vand.u32 $0x7FFFE, v1;
	[tilespmem:$0xA090] =	vst v3  }
0x3f: {  	v1 =	vor.u32 $0x1, v1;
	[tilespmem:$0xA110] =	vst v2  }
0x40: {  	[tilespmem:$0xA190] =	vst v1  }
0x41: {  	v1 =	vld [tilespmem:s25+$0x20];
	_ =	sdelay $0x4  }
0x42: {  	v2 =	vshll.u32 v1, $0x1  }
0x43: {  	v2 =	vand.u32 $0x7FFE, v2  }
0x44: {  	v3 =	vor.u32 $0x1, v2;
	_ =	sdelay $0x2  }
0x45: {  	v58 =	vld [tilespmem:s25+$0x2820]  }
0x46: {  	v2 =	vld.idx.msk [tilespmem:v2+s12+$0x0], $0xffff  }
0x47: {  	v3 =	vld.idx.msk [tilespmem:v3+s12+$0x0], $0xffff;
	_ =	sdelay $0x3  }
0x48: {  	v2 =	vmul.f32 v2, v58  }
0x49: {  	v3 =	vmul.f32 v3, v58  }
0x4a: {  	v1 =	vshrl.u32 v1, $0xD;
	[tilespmem:$0xA020] =	vst v2  }
0x4b: {  	v2 =	vand.u32 $0x7FFFE, v1;
	[tilespmem:$0xA0A0] =	vst v3  }
0x4c: {  	v1 =	vor.u32 $0x1, v1;
	[tilespmem:$0xA120] =	vst v2  }
0x4d: {  	[tilespmem:$0xA1A0] =	vst v1  }
0x4e: {  	v1 =	vld [tilespmem:s25+$0x30];
	_ =	sdelay $0x4  }
0x4f: {  	v2 =	vshll.u32 v1, $0x1  }
0x50: {  	v2 =	vand.u32 $0x7FFE, v2  }
0x51: {  	v3 =	vor.u32 $0x1, v2;
	_ =	sdelay $0x2  }
0x52: {  	v59 =	vld [tilespmem:s25+$0x2830]  }
0x53: {  	v2 =	vld.idx.msk [tilespmem:v2+s12+$0x0], $0xffff  }
0x54: {  	v3 =	vld.idx.msk [tilespmem:v3+s12+$0x0], $0xffff;
	_ =	sdelay $0x3  }
0x55: {  	v2 =	vmul.f32 v2, v59  }
0x56: {  	v3 =	vmul.f32 v3, v59  }
0x57: {  	v1 =	vshrl.u32 v1, $0xD;
	[tilespmem:$0xA030] =	vst v2  }
0x58: {  	v2 =	vand.u32 $0x7FFFE, v1;
	[tilespmem:$0xA0B0] =	vst v3  }
0x59: {  	v1 =	vor.u32 $0x1, v1;
	[tilespmem:$0xA130] =	vst v2  }
0x5a: {  	[tilespmem:$0xA1B0] =	vst v1  }
0x5b: {  	v1 =	vld [tilespmem:s25+$0x40];
	_ =	sdelay $0x4  }
0x5c: {  	v2 =	vshll.u32 v1, $0x1  }
0x5d: {  	v2 =	vand.u32 $0x7FFE, v2  }
0x5e: {  	v3 =	vor.u32 $0x1, v2;
	_ =	sdelay $0x2  }
0x5f: {  	v60 =	vld [tilespmem:s25+$0x2840]  }
0x60: {  	v2 =	vld.idx.msk [tilespmem:v2+s12+$0x0], $0xffff  }
0x61: {  	v3 =	vld.idx.msk [tilespmem:v3+s12+$0x0], $0xffff;
	_ =	sdelay $0x3  }
0x62: {  	v2 =	vmul.f32 v2, v60  }
0x63: {  	v3 =	vmul.f32 v3, v60  }
0x64: {  	v1 =	vshrl.u32 v1, $0xD;
	[tilespmem:$0xA040] =	vst v2  }
0x65: {  	v2 =	vand.u32 $0x7FFFE, v1;
	[tilespmem:$0xA0C0] =	vst v3  }
0x66: {  	v1 =	vor.u32 $0x1, v1;
	[tilespmem:$0xA140] =	vst v2  }
0x67: {  	[tilespmem:$0xA1C0] =	vst v1  }
0x68: {  	v1 =	vld [tilespmem:s25+$0x50];
	_ =	sdelay $0x4  }
0x69: {  	v2 =	vshll.u32 v1, $0x1  }
0x6a: {  	v2 =	vand.u32 $0x7FFE, v2  }
0x6b: {  	v3 =	vor.u32 $0x1, v2;
	_ =	sdelay $0x2  }
0x6c: {  	v61 =	vld [tilespmem:s25+$0x2850]  }
0x6d: {  	v2 =	vld.idx.msk [tilespmem:v2+s12+$0x0], $0xffff  }
0x6e: {  	v3 =	vld.idx.msk [tilespmem:v3+s12+$0x0], $0xffff;
	_ =	sdelay $0x3  }
0x6f: {  	v2 =	vmul.f32 v2, v61  }
0x70: {  	v3 =	vmul.f32 v3, v61  }
0x71: {  	v1 =	vshrl.u32 v1, $0xD;
	[tilespmem:$0xA050] =	vst v2  }
0x72: {  	v2 =	vand.u32 $0x7FFFE, v1;
	[tilespmem:$0xA0D0] =	vst v3  }
0x73: {  	v1 =	vor.u32 $0x1, v1;
	[tilespmem:$0xA150] =	vst v2  }
0x74: {  	[tilespmem:$0xA1D0] =	vst v1  }
0x75: {  	v1 =	vld [tilespmem:s25+$0x60];
	_ =	sdelay $0x4  }
0x76: {  	v2 =	vshll.u32 v1, $0x1  }
0x77: {  	v2 =	vand.u32 $0x7FFE, v2  }
0x78: {  	v3 =	vor.u32 $0x1, v2;
	_ =	sdelay $0x2  }
0x79: {  	v62 =	vld [tilespmem:s25+$0x2860]  }
0x7a: {  	v2 =	vld.idx.msk [tilespmem:v2+s12+$0x0], $0xffff  }
0x7b: {  	v3 =	vld.idx.msk [tilespmem:v3+s12+$0x0], $0xffff;
	_ =	sdelay $0x3  }
0x7c: {  	v2 =	vmul.f32 v2, v62  }
0x7d: {  	v3 =	vmul.f32 v3, v62  }
0x7e: {  	v1 =	vshrl.u32 v1, $0xD;
	[tilespmem:$0xA060] =	vst v2  }
0x7f: {  	v2 =	vand.u32 $0x7FFFE, v1;
	[tilespmem:$0xA0E0] =	vst v3  }
0x80: {  	v1 =	vor.u32 $0x1, v1;
	[tilespmem:$0xA160] =	vst v2  }
0x81: {  	[tilespmem:$0xA1E0] =	vst v1  }
0x82: {  	v1 =	vld [tilespmem:s25+$0x70];
	_ =	sdelay $0x4  }
0x83: {  	v2 =	vshll.u32 v1, $0x1  }
0x84: {  	v2 =	vand.u32 $0x7FFE, v2  }
0x85: {  	v3 =	vor.u32 $0x1, v2;
	_ =	sdelay $0x2  }
0x86: {  	v63 =	vld [tilespmem:s25+$0x2870]  }
0x87: {  	v2 =	vld.idx.msk [tilespmem:v2+s12+$0x0], $0xffff  }
0x88: {  	v3 =	vld.idx.msk [tilespmem:v3+s12+$0x0], $0xffff;
	_ =	sdelay $0x3  }
0x89: {  	v2 =	vmul.f32 v2, v63  }
0x8a: {  	v3 =	vmul.f32 v3, v63  }
0x8b: {  	v1 =	vshrl.u32 v1, $0xD;
	[tilespmem:$0xA070] =	vst v2  }
0x8c: {  	v2 =	vand.u32 $0x7FFFE, v1;
	[tilespmem:$0xA0F0] =	vst v3  }
0x8d: {  	v1 =	vor.u32 $0x1, v1;
	[tilespmem:$0xA170] =	vst v2  }
0x8e: {  	[tilespmem:$0xA1F0] =	vst v1  }
0x8f: {  	[spmem:s2] =	stream.indirect.scatter.add.f32 [tilespmem:s16], [sflag:$0x1], $0x1, s15, s14, $0xb8;
	[tilespmem:$0xAC00] =	vst v63  }
0x90: {  	_ =	swait.ge [sflag:s10], $0x80  }
0x91: {  	p0 =	sne.s32 s24, $0x9E00;
	[sflag:s10] =	ssyncset.done $0x0  }
.Ltmp1:
0x92: {  	[sflag:s10] =	ssyncadd.s32 $0xFFFFFF80;
	(pc) =	sbr.rel @p0 .LBB2_4-.Ltmp1, $4  }
0x93: {  	[spmem:s2] =	stream.indirect.scatter.add.f32 [tilespmem:s18], [sflag:$0x1], $0x1, s17, s14, $0xb8;
	[tilespmem:$0xAC00] =	vst v63  }
0x94: {  	_ =	swait.ge [sflag:s10], $0x80  }
0x95: {  	[sflag:s10] =	ssyncset.done $0x0  }
0x96: {  	s24 =	sadd.s32 $0x200, s24;
	[sflag:s10] =	ssyncadd.s32 $0xFFFFFF80  }
0x97: {  	s23 =	sadd.s32 $0x1, s23  }
0x98: {  	p0 =	sne.s32 s23, s9  }
.Ltmp2:
0x99: {  	[bflag:$0x0] =	sbarrier.arrive $0xFFFF;
	(pc) =	sbr.rel @p0 .LBB2_1-.Ltmp2, $4  }
0x9a: {  	[hbm:s8@s21], [sflag:s19] =	dma.strided [spmem:s20@s22], $0xA0, s10, $0x10   }
0x9b: {  	_ =	swait.ge [sflag:s10], $0xA0  }
0x9c: {  	[sflag:s10] =	ssyncset.done $0x0  }
0x9d: {  	[sflag:s10] =	ssyncadd.s32 $0xFFFFFF60  }
0x9e: {  	_ =	sfence.sel $0x180000  }
0x9f: {  	[bflag:$0x0] =	sbarrier.arrive $0xFFFF  }
0xa0: {  	p0 =	sne.s32 s0, $0x0;
	_ =	strace $0x9000004A  }
0xa1: {  	s0 =	sadd.s32 @!p0 $0x100000, s1;
	[bflag:$0x2] =	sbarrier.arrive $0xFFFF  }
0xa2: {  	[sflag:s0] =	ssyncadd.tile.s32 @!p0 $0x1;
	_ =	shalt  }
.Lfunc_end2:
_tile_overlayer_lowered:
.L_overlay_start_2:
0xa3: {  	(tag) =	ssettag $0x2  }
0xa4: {  	s0 =	rddreg [dreg:$0x0];
	s2 =	stileid.u32  }
0xa5: {  	s1 =	rddreg [dreg:$0x1];
	p0 =	sne.s32 s2, $0x0  }
0xa6: {  	s3 =	rddreg [dreg:$0x2];
	[bflag:$0x3] =	sbarrier.arrive $0xFFFF;
	s2 =	simm.s32 @!p0 $0x1C01  }
0xa7: {  	[timem:s3], [sflag:s2] =	dma.local @!p0 [hbm:s0], s1  }
0xa8: {  	s0 =	simm.s32 @!p0 $0x1  }
0xa9: {  	_ =	swait.ge @!p0 [sflag:s0], s1  }
0xaa: {  	s1 =	ssub.s32 @!p0 $0x0, s1;
	[sflag:s0] =	ssyncset.done @!p0 $0x0  }
0xab: {  	[sflag:s0] =	ssyncadd.s32 @!p0 s1  }
0xac: {  	[bflag:$0x3] =	sbarrier.arrive $0xFFFF  }
0xad: {  	_ =	shalt  }

// kernel: kernel.8.cloned.1.call-start
scs
__scs_entry_jumppad:
0x0: {  	(pc) =	sbr.rel $0x88, $3  }
0x1: {  	(tag) =	ssettag $0x0;
	lr =	simm.s32 $0x1  }
0x2: {  	[smem:$0x3F9A] =	sst lr;
	_ =	strace $0xD0000000  }
0x3: {  	_ = 	snop  }
0x4: {  	_ = 	snop  }
0x5: {  	_ = 	snop  }
0x6: {  	_ = 	snop  }
0x7: {  	_ = 	snop  }
__scs_overlays_trampoline_lowered:
0x8: {  	[smem:$0x3FA9] =	sst s0  }
0x9: {  	[smem:$0x3FAA] =	sst s1  }
0xa: {  	[smem:$0x3FAB] =	sst s2  }
0xb: {  	[smem:$0x3FAC] =	sst s3  }
0xc: {  	[smem:$0x3FAD] =	sst s4  }
0xd: {  	[smem:$0x3FAE] =	sst s5  }
0xe: {  	[smem:$0x3FAF] =	sst s6  }
0xf: {  	[smem:$0x3FB0] =	sst s7  }
0x10: {  	[smem:$0x3FB1] =	sst s8  }
0x11: {  	[smem:$0x3FB2] =	sst s9;
	s0 =	simm.s32 @!p0 $0x0  }
0x12: {  	s1 =	sld [smem:$0x3F98];
	s0 =	simm.s32 @p0 $0x1  }
0x13: {  	[smem:$0x3FB3] =	sst s0;
	s0 =	simm.s32 @!p1 $0x0  }
0x14: {  	s2 =	sld [smem:$0x3F97];
	s0 =	simm.s32 @p1 $0x1  }
0x15: {  	[smem:$0x3FB4] =	sst s0;
	s0 =	simm.s32 @!p2 $0x0  }
0x16: {  	s3 =	sld [smem:$0x3FDB];
	s0 =	simm.s32 @p2 $0x1  }
0x17: {  	s4 =	simm.s32 $0x1BF5;
	[smem:$0x3FB6] =	sst s0  }
0x18: {  	s0 =	sld [smem:$0x3F99];
	_ =	swait.ge [sflag:s4], $0x0  }
0x19: {  	s7 =	sld [smem:$0x3F9A]  }
0x1a: {  	s8 =	sadd.s32 $0xFFFFE003, lr  }
0x1b: {  	s9 =	sadd.s32 $0xFFFFFEF7, lr;
	s5 =	simm.s32 $0xFFFFFFFF;
	p2 =	slt.u32 s8, $0xFFFFF086  }
0x1c: {  	p1 =	slt.u32 s9, $0xF7A;
	s5 =	simm.s32 @!p2 $0x0  }
0x1d: {  	s5 =	simm.s32 @p1 $0x1;
	p0 =	seq.s32 s7, s2  }
0x1e: {  	s7 =	smul.u32 @!p0 $0xF7A, s2;
	p2 =	seq.s32 @!p0 s5, $0x0  }
0x1f: {  	s9 =	smul.u32 $0xF7A, s1;
	s8 =	simm.s32 @!p0 $0x1BF5;
	p2 =	por !p2, p0  }
0x20: {  	[sflag:s8] =	ssyncset.s32 @!p0 $0xFFFFF086;
	s6 =	sadd.s32 @!p0 s3, s7;
	s7 =	simm.s32 @!p0 $0x108  }
0x21: {  	s3 =	sadd.s32 s3, s9;
	s6 =	sadd.s32 @!p0 $0x88, s6;
	s7 =	simm.s32 @p2 $0x1082  }
0x22: {  	[simem:s7], [sflag:s8] =	dma.local @!p0 [hbm:s6], $0xF7A  }
0x23: {  	s9 =	sor.u32 $0xD0000000, s2;
	s6 =	simm.s32 $0x108;
	_ =	swait.ge @!p0 [sflag:s8], $0x0  }
0x24: {  	s3 =	sadd.s32 $0x88, s3;
	s6 =	simm.s32 @!p1 $0x1082;
	[sflag:s4] =	ssyncset.s32 $0xFFFFF086  }
0x25: {  	[simem:s6], [sflag:s4] =	dma.local [hbm:s3], $0xF7A  }
0x26: {  	[smem:$0x3F9A] =	sst s1;
	(tag) =	ssettag s2;
	_ =	strace s9  }
0x27: {  	s1 =	sld [smem:$0x3FAA]  }
0x28: {  	s2 =	sld [smem:$0x3FAB]  }
0x29: {  	s4 =	sld [smem:$0x3FAD]  }
0x2a: {  	p0 =	seq.s32 s5, $0x0;
	s5 =	sld [smem:$0x3FAE]  }
0x2b: {  	s6 =	sld [smem:$0x3FAF]  }
0x2c: {  	s7 =	sld [smem:$0x3FB0]  }
0x2d: {  	s3 =	simm.s32 $0x108;
	s8 =	sld [smem:$0x3FB1]  }
0x2e: {  	s3 =	simm.s32 @!p0 $0x1082;
	s9 =	sld [smem:$0x3FB2]  }
0x2f: {  	lr =	sadd.s32 s0, s3;
	s0 =	sld [smem:$0x3FA9]  }
0x30: {  	s3 =	sld [smem:$0x3FAC]  }
0x31: {  	[smem:$0x3FB5] =	sst s10  }
0x32: {  	s10 =	sld [smem:$0x3FB3];
	_ =	sdelay $0x3  }
0x33: {  	p0 =	seq.s32 s10, $0x1;
	s10 =	sld [smem:$0x3FB5];
	_ =	sdelay $0x3  }
0x34: {  	[smem:$0x3FB5] =	sst s10  }
0x35: {  	s10 =	sld [smem:$0x3FB4];
	_ =	sdelay $0x3  }
0x36: {  	p1 =	seq.s32 s10, $0x1;
	s10 =	sld [smem:$0x3FB5];
	_ =	sdelay $0x3  }
0x37: {  	[smem:$0x3FB5] =	sst s10  }
0x38: {  	s10 =	sld [smem:$0x3FB6]  }
0x39: {  	_ = 	snop;
	(pc) =	sbr.ind lr, $3  }
0x3a: {  	_ = 	snop  }
0x3b: {  	_ = 	snop  }
0x3c: {  	p2 =	seq.s32 s10, $0x1;
	s10 =	sld [smem:$0x3FB5]  }
0x3d: {  	_ =	shalt  }
0x3e: {  	_ =	shalt  }
0x3f: {  	_ =	shalt  }
0x40: {  	_ =	shalt  }
0x41: {  	_ =	shalt  }
0x42: {  	_ =	shalt  }
0x43: {  	_ =	shalt  }
0x44: {  	_ =	shalt  }
0x45: {  	_ =	shalt  }
0x46: {  	_ =	shalt  }
0x47: {  	_ =	shalt  }
0x48: {  	_ =	shalt  }
0x49: {  	_ =	shalt  }
0x4a: {  	_ =	shalt  }
0x4b: {  	_ =	shalt  }
0x4c: {  	_ =	shalt  }
0x4d: {  	_ =	shalt  }
0x4e: {  	_ =	shalt  }
0x4f: {  	_ =	shalt  }
0x50: {  	_ =	shalt  }
0x51: {  	_ =	shalt  }
0x52: {  	_ =	shalt  }
0x53: {  	_ =	shalt  }
0x54: {  	_ =	shalt  }
0x55: {  	_ =	shalt  }
0x56: {  	_ =	shalt  }
0x57: {  	_ =	shalt  }
0x58: {  	_ =	shalt  }
0x59: {  	_ =	shalt  }
0x5a: {  	_ =	shalt  }
0x5b: {  	_ =	shalt  }
0x5c: {  	_ =	shalt  }
0x5d: {  	_ =	shalt  }
0x5e: {  	_ =	shalt  }
0x5f: {  	_ =	shalt  }
0x60: {  	_ =	shalt  }
0x61: {  	_ =	shalt  }
0x62: {  	_ =	shalt  }
0x63: {  	_ =	shalt  }
0x64: {  	_ =	shalt  }
0x65: {  	_ =	shalt  }
0x66: {  	_ =	shalt  }
0x67: {  	_ =	shalt  }
0x68: {  	_ =	shalt  }
0x69: {  	_ =	shalt  }
0x6a: {  	_ =	shalt  }
0x6b: {  	_ =	shalt  }
0x6c: {  	_ =	shalt  }
0x6d: {  	_ =	shalt  }
0x6e: {  	_ =	shalt  }
0x6f: {  	_ =	shalt  }
0x70: {  	_ =	shalt  }
0x71: {  	_ =	shalt  }
0x72: {  	_ =	shalt  }
0x73: {  	_ =	shalt  }
0x74: {  	_ =	shalt  }
0x75: {  	_ =	shalt  }
0x76: {  	_ =	shalt  }
0x77: {  	_ =	shalt  }
0x78: {  	_ =	shalt  }
0x79: {  	_ =	shalt  }
0x7a: {  	_ =	shalt  }
0x7b: {  	_ =	shalt  }
0x7c: {  	_ =	shalt  }
0x7d: {  	_ =	shalt  }
0x7e: {  	_ =	shalt  }
0x7f: {  	_ =	shalt  }
0x80: {  	_ =	shalt  }
0x81: {  	_ =	shalt  }
0x82: {  	_ =	shalt  }
0x83: {  	_ =	shalt  }
0x84: {  	_ =	shalt  }
0x85: {  	_ =	shalt  }
0x86: {  	_ =	shalt  }
0x87: {  	_ =	shalt  }
.Lfunc_end0:
.L_simem_size_0:
called_computation_lowered:
.L_overlay_start_0:
0x88: {  	s2 =	sld [smem:$0x3FD9]  }
0x89: {  	s3 =	sld [smem:$0x3FFE];
	_ =	sdelay $0x1  }
0x8a: {  	s1 =	srdreg.scid  }
0x8b: {  	s0 =	sand.u32 $0x1, s1  }
0x8c: {  	s17 =	sshll.u32 s0, $0xA;
	s2 =	sadd.s32 s3, s2  }
0x8d: {  	s2 =	sadd.s32 s2, s17  }
0x8e: {  	[smem:$0x3FC1] =	sst s2  }
0x8f: {  	_ = 	snop  }
0x90: {  	s2 =	sld [smem:$0x3FD0];
	(tm) =	ssettm $0x1  }
0x91: {  	s18 =	sld [smem:$0x3FFB];
	_ =	sdelay $0x3  }
0x92: {  	_ =	strace s18  }
0x93: {  	s3 =	sld [smem:$0x3FFC];
	_ =	sdelay $0x3  }
0x94: {  	_ =	strace s3  }
0x95: {  	s3 =	sld [smem:$0x3FFD];
	_ =	sdelay $0x3  }
0x96: {  	_ =	strace s3  }
0x97: {  	_ =	strace $0x8FFFFFFF  }
0x98: {  	s19 =	sld [smem:$0x3FDB];
	_ =	sdelay $0x1  }
0x99: {  	s4 =	simm.s32 $_scs_section_size  }
0x9a: {  	s5 =	simm.s32 $_size__tile_overlayer_lowered;
	s6 =	simm.s32 $_tile_overlayer_lowered  }
0x9b: {  	s22 =	simm.s32 $0x1BFF;
	s21 =	sshll.u32 s6, $0x1;
	s3 =	sadd.s32 s4, s19  }
0x9c: {  	s7 =	simm.s32 $0x0;
	s20 =	sshll.u32 s5, $0x1;
	s5 =	sadd.s32 s21, s3  }
0x9d: {  	[timem:s7], [sflag:s22] =	dma.local [hbm:s5], s20  }
0x9e: {  	_ =	swait.ge [sflag:s22], s20  }
0x9f: {  	s4 =	ssub.s32 $0x0, s20;
	[sflag:s22] =	ssyncset.done $0x0  }
0xa0: {  	[sflag:s22] =	ssyncadd.s32 s4;
	_ =	sdelay $0x1  }
0xa1: {  	s23 =	simm.s32 $0x1B8B  }
0xa2: {  	_ =	swait.ge [sflag:s23], $0x1  }
0xa3: {  	[sflag:s23] =	ssyncset.done $0x0  }
0xa4: {  	s25 =	simm.s32 $0x1B8E;
	s24 =	sld [smem:$0x3FFE];
	[sflag:s23] =	ssyncadd.s32 $0xFFFFFFFF  }
0xa5: {  	s26 =	simm.s32 $execute0_lowered;
	[smem:$0x3FD2] =	sst s25  }
0xa6: {  	s5 =	sshll.u32 s26, $0x1;
	_ =	strace $0x80000046;
	[dreg:$0x1] =	wrdreg $0xFFFFFFFF  }
0xa7: {  	s28 =	simm.s32 $_size_execute0_lowered;
	s3 =	sadd.s32 s3, s5;
	[dreg:$0x0] =	wrdreg $0x0  }
0xa8: {  	s5 =	sshll.u32 s28, $0x1;
	[dreg:$0x2] =	wrdreg s3  }
0xa9: {  	[dreg:$0x3] =	wrdreg s5  }
0xaa: {  	[dreg:$0x4] =	wrdreg $0xC0  }
0xab: {  	_ =	task [dreg:s7], $0x5FFFF  }
0xac: {  	[dreg:$0x1] =	wrdreg $0xFFFFFFFF  }
0xad: {  	[dreg:$0x0] =	wrdreg $0x60  }
0xae: {  	[dreg:$0x2] =	wrdreg s24  }
0xaf: {  	[dreg:$0x3] =	wrdreg s2  }
0xb0: {  	[dreg:$0x4] =	wrdreg $0x186000  }
0xb1: {  	[dreg:$0x5] =	wrdreg $0x1D6000  }
0xb2: {  	[dreg:$0x6] =	wrdreg $0x1D8800  }
0xb3: {  	[dreg:$0x7] =	wrdreg $0x9  }
0xb4: {  	_ =	task.clear_ibuf [dreg:s7], $0x8FFFF;
	_ =	strace $0x90000046  }
0xb5: {  	s29 =	simm.s32 $0x9;
	_ =	strace $0x80000048  }
0xb6: {  	_ =	swait.ge [sflag:s29], $0x1  }
0xb7: {  	[sflag:s29] =	ssyncadd.s32 $0xFFFFFFFF  }
0xb8: {  	_ =	strace $0x90000048  }
0xb9: {  	_ =	sfence  }
0xba: {  	s30 =	sld [smem:$0x0];
	_ =	sdelay $0x2  }
0xbb: {  	s31 =	sshll.u32 s1, $0xD;
	s1 =	sshrl.u32 s1, $0x2  }
0xbc: {  	s3 =	sand.u32 $0x4000, s31;
	s1 =	sadd.s32 s1, s30  }
0xbd: {  	s0 =	sor.u32 s3, s0;
	s1 =	sshll.u32 s1, $0x11  }
0xbe: {  	s0 =	sor.u32 s1, s0  }
0xbf: {  	s0 =	sadd.s32 $0x8F2B, s0  }
0xc0: {  	[sflag:s0] =	ssyncadd.remote.s32 $0x1  }
0xc1: {  	_ =	sfence.sel $0xFFFF  }
0xc2: {  	[dreg:$0x0] =	wrdreg $0xFFFFFFFF;
	(pc) =	sbr.abs _section_cstart, $3  }
0xc3: {  	[dreg:$0x1] =	wrdreg $0xFFFFFFFF  }
0xc4: {  	_ =	task.clear_ibuf [dreg:s7], $0x2FFFF;
	_ =	strace $0x9FFFFFFF  }
0xc5: {  	(tm) =	ssettm $0x7FFFFFFF  }
tec
execute0_lowered:
.L_overlay_start_1:
0x0: {  	(tag) =	ssettag $0x1  }
0x1: {  	s0 =	rddreg [dreg:$0x0]  }
0x2: {  	s3 =	rddreg [dreg:$0x1]  }
0x3: {  	s1 =	rddreg [dreg:$0x2]  }
0x4: {  	s2 =	rddreg [dreg:$0x3]  }
0x5: {  	s14 =	rddreg [dreg:$0x4];
	s4 =	simm.s32 $0x0;
	s9 =	stileid.u32  }
0x6: {  	s17 =	srdreg.scid;
	s21 =	simm.s32 $0x80;
	s25 =	simm.s32 $0xA000  }
0x7: {  	s26 =	simm.s32 $0xC800;
	s28 =	simm.s32 $0x14800;
	s29 =	simm.s32 $0x16100  }
0x8: {  	s30 =	simm.s32 $0x1;
	s15 =	simm.s32 $0x17A00;
	s5 =	smul.u32 $0xA00, s9  }
0x9: {  	[smem:$0x7FF] =	sst s4;
	s6 =	sadd.s32 $0x2200, s0;
	s10 =	smul.u32 $0xA0, s9  }
0xa: {  	s4 =	sand.u32 $0x1, s17;
	s7 =	sadd.s32 $0x3E200, s0;
	s11 =	smul.u32 $0x280, s9  }
0xb: {  	s13 =	smul.u32 $0x14000, s9;
	_ =	strace $0x80000047;
	s8 =	ssub.s32 $0x2, s4  }
0xc: {  	s20 =	smul.u32 $0x1400, s4;
	p0 =	sne.s32 s4, $0x0;
	s0 =	sadd.s32 s5, s0  }
0xd: {  	s18 =	sshrl.u32 s8, $0x1;
	s22 =	sshrl.u32 s11, $0x3;
	s9 =	sadd.s32 s11, s2  }
0xe: {  	s11 =	sadd.s32 s11, s14;
	s23 =	sshrl.u32 s13, $0x2;
	s5 =	ssub.s32 s8, s18  }
0xf: {  	s19 =	sadd.s32 $0x2A200, s0;
	s12 =	sadd.s32 $0x34200, s0;
	[dreg:$0x8] =	wrdreg s11  }
0x10: {  	s3 =	sadd.s32 s3, s22;
	s0 =	sadd.s32 $0x66200, s0;
	s24 =	sadd.s32 $0xA00, s20  }
0x11: {  	s13 =	sadd.s32 s23, s1;
	s31 =	sadd.s32 s10, s20;
	[dreg:$0x6] =	wrdreg s19  }
0x12: {  	s18 =	simm.s32 $0x5;
	s22 =	simm.s32 $0x17A80;
	[dreg:$0x7] =	wrdreg s12  }
.Ltmp0:
0x13: {  	v0 =	vmov s20;
	s20 =	simm.s32 $0x10800;
	[dreg:$0x9] =	wrdreg s3;
	(pc) =	sbr.rel .LBB2_1-.Ltmp0, $4  }
0x14: {  	s23 =	simm.s32 $0x0;
	[dreg:$0xa] =	wrdreg s0;
	s10 =	sadd.s32 s10, s24  }
0x15: {  	s14 =	sadd.s32 $0x4000, s13;
	s0 =	sshll.u32 s31, $0x4;
	s17 =	smax.u32 s5, $0x1  }
0x16: {  	v2 =	vimm.f32 $1.000000000e+00;
	v3 =	vimm.f32 $0.0e+00;
	s19 =	simm.s32 $0x17B80;
	s10 =	sshll.u32 s10, $0x4;
	s0 =	sadd.s32 s7, s0  }
0x17: {  	v4 =	vimm.s32 $0x0;
	v5 =	vlaneseq.u32;
	v1 =	vmov s24;
	[dreg:$0xb] =	wrdreg s0;
	s16 =	sadd.s32 s7, s10;
	s0 =	simm.s32 $0x2  }
.LBB2_36:
0x18: {  	s5 =	sand.u32 $0x1, s4  }
0x19: {  	p2 =	seq.s32 s5, $0x0  }
0x1a: {  	s7 =	simm.s32 @!p2 $0x3  }
0x1b: {  	_ =	swait.ge @!p2 [sflag:s7], $0x4000  }
0x1c: {  	p1 =	sne.s32 s5, $0x0;
	[sflag:s7] =	ssyncset.done @!p2 $0x0  }
0x1d: {  	p3 =	seq.s32 s5, $0x1;
	s5 =	simm.s32 @!p1 $0x4;
	[sflag:s7] =	ssyncadd.s32 @!p2 $0xFFFFC000  }
0x1e: {  	p6 =	seq.s32 s4, $0x1;
	p3 =	por !p3, !p3;
	_ =	swait.ge @!p1 [sflag:s5], $0x4000  }
0x1f: {  	p2 =	por p6, p3;
	[sflag:s5] =	ssyncset.done @!p1 $0x0  }
0x20: {  	s4 =	simm.s32 @!p2 $0x4;
	[sflag:s5] =	ssyncadd.s32 @!p1 $0xFFFFC000  }
0x21: {  	_ =	swait.ge @!p2 [sflag:s4], $0x4000  }
0x22: {  	[sflag:s4] =	ssyncset.done @!p2 $0x0  }
0x23: {  	[sflag:s4] =	ssyncadd.s32 @!p2 $0xFFFFC000;
	s4 =	simm.s32 @!p1 $0x3  }
0x24: {  	_ =	swait.ge @!p1 [sflag:s4], $0x4000  }
0x25: {  	[sflag:s4] =	ssyncset.done @!p1 $0x0  }
0x26: {  	s15 =	simm.s32 $0x17A00;
	[sflag:s4] =	ssyncadd.s32 @!p1 $0xFFFFC000  }
.LBB2_37:
0x27: {  	[bflag:$0x0] =	sbarrier.arrive $0xFFFF;
	s23 =	sadd.s32 $0x1, s23  }
0x28: {  	[hbm:s16], [sflag:s24] =	dma.local [spmem:s3], $0xA00  }
0x29: {  	p1 =	sne.s32 s23, s17  }
.Ltmp1:
0x2a: {  	_ =	swait.ge [sflag:s18], $0xA00;
	(pc) =	sbr.rel @!p1 .LBB2_38-.Ltmp1, $3  }
0x2b: {  	[sflag:s18] =	ssyncset.done $0x0  }
0x2c: {  	[sflag:s18] =	ssyncadd.s32 $0xFFFFF600  }
0x2d: {  	[bflag:$0x0] =	sbarrier.arrive $0xFFFF;
	_ =	sdelay $0x1  }
.LBB2_1:
0x2e: {  	s3 =	simm.s32 $0x0;
	s4 =	rddreg [dreg:$0x6]  }
0x2f: {  	[tilespmem:s3], [sflag:$0x5] =	stream.linear.gather [hbm4b:s4+s3], $0x5000, $0x38;
	[tilespmem:$0x1DB00] =	vst v63  }
0x30: {  	_ =	swait.ge [sflag:s18], $0x5000  }
0x31: {  	[sflag:s18] =	ssyncset.done $0x0  }
0x32: {  	s5 =	simm.s32 $0x5000;
	s11 =	rddreg [dreg:$0x7];
	[sflag:s18] =	ssyncadd.s32 $0xFFFFB000  }
0x33: {  	[tilespmem:s5], [sflag:$0x5] =	stream.linear.gather [hbm4b:s11+s3], $0x5000, $0x38;
	[tilespmem:$0x1DB00] =	vst v63  }
0x34: {  	_ =	swait.ge [sflag:s18], $0x5000  }
0x35: {  	[sflag:s18] =	ssyncset.done $0x0  }
0x36: {  	[sflag:s18] =	ssyncadd.s32 $0xFFFFB000  }
0x37: {  	[tilespmem:$0x18380] =	vst v2  }
0x38: {  	[tilespmem:$0x18390] =	vst v2  }
0x39: {  	[tilespmem:$0x183A0] =	vst v2  }
0x3a: {  	[tilespmem:$0x183B0] =	vst v2  }
0x3b: {  	[tilespmem:$0x183C0] =	vst v2  }
0x3c: {  	[tilespmem:$0x183D0] =	vst v2  }
0x3d: {  	[tilespmem:$0x183E0] =	vst v2  }
0x3e: {  	[tilespmem:$0x183F0] =	vst v2  }
0x3f: {  	[tilespmem:$0x18400] =	vst v2  }
0x40: {  	[tilespmem:$0x18410] =	vst v2  }
0x41: {  	[tilespmem:$0x18420] =	vst v2  }
0x42: {  	[tilespmem:$0x18430] =	vst v2  }
0x43: {  	[tilespmem:$0x18440] =	vst v2  }
0x44: {  	[tilespmem:$0x18450] =	vst v2  }
0x45: {  	[tilespmem:$0x18460] =	vst v2  }
0x46: {  	[tilespmem:$0x18470] =	vst v2  }
0x47: {  	[tilespmem:$0x18480] =	vst v2  }
0x48: {  	[tilespmem:$0x18490] =	vst v2  }
0x49: {  	[tilespmem:$0x184A0] =	vst v2  }
0x4a: {  	[tilespmem:$0x184B0] =	vst v2  }
0x4b: {  	[tilespmem:$0x184C0] =	vst v2  }
0x4c: {  	[tilespmem:$0x184D0] =	vst v2  }
0x4d: {  	[tilespmem:$0x184E0] =	vst v2  }
0x4e: {  	[tilespmem:$0x184F0] =	vst v2  }
0x4f: {  	[tilespmem:$0x18500] =	vst v2  }
0x50: {  	[tilespmem:$0x18510] =	vst v2  }
0x51: {  	[tilespmem:$0x18520] =	vst v2  }
0x52: {  	[tilespmem:$0x18530] =	vst v2  }
0x53: {  	[tilespmem:$0x18540] =	vst v2  }
0x54: {  	[tilespmem:$0x18550] =	vst v2  }
0x55: {  	[tilespmem:$0x18560] =	vst v2  }
0x56: {  	[tilespmem:$0x18570] =	vst v2  }
0x57: {  	[tilespmem:$0x18580] =	vst v2  }
0x58: {  	[tilespmem:$0x18590] =	vst v2  }
0x59: {  	[tilespmem:$0x185A0] =	vst v2  }
0x5a: {  	[tilespmem:$0x185B0] =	vst v2  }
0x5b: {  	[tilespmem:$0x185C0] =	vst v2  }
0x5c: {  	[tilespmem:$0x185D0] =	vst v2  }
0x5d: {  	[tilespmem:$0x185E0] =	vst v2  }
0x5e: {  	s12 =	simm.s32 $0x18380;
	[tilespmem:$0x185F0] =	vst v2  }
0x5f: {  	[spmem:s9] =	stream.linear.scatter [tilespmem:s12], [sflag:$0x5], $0x280, $0x38;
	[tilespmem:$0x1DB00] =	vst v63  }
0x60: {  	_ =	swait.ge [sflag:s18], $0x280  }
0x61: {  	[sflag:s18] =	ssyncset.done $0x0  }
0x62: {  	[sflag:s18] =	ssyncadd.s32 $0xFFFFFD80  }
0x63: {  	s24 =	simm.s32 $0x0;
	[bflag:$0x0] =	sbarrier.arrive $0xFFFF  }
0x64: {  	v6 =	vld [tilespmem:s24+$0x0];
	_ =	sdelay $0x4  }
0x65: {  	v6 =	vshrl.u32 v6, $0xE  }
0x66: {  	[tilespmem:$0x17A80] =	vst v6  }
0x67: {  	v6 =	vld [tilespmem:s24+$0x10];
	_ =	sdelay $0x4  }
0x68: {  	v6 =	vshrl.u32 v6, $0xE  }
0x69: {  	[tilespmem:$0x17A90] =	vst v6  }
0x6a: {  	v6 =	vld [tilespmem:s24+$0x20];
	_ =	sdelay $0x4  }
0x6b: {  	v6 =	vshrl.u32 v6, $0xE  }
0x6c: {  	[tilespmem:$0x17AA0] =	vst v6  }
0x6d: {  	v6 =	vld [tilespmem:s24+$0x30];
	_ =	sdelay $0x4  }
0x6e: {  	v6 =	vshrl.u32 v6, $0xE  }
0x6f: {  	[tilespmem:$0x17AB0] =	vst v6  }
0x70: {  	v6 =	vld [tilespmem:s24+$0x40];
	_ =	sdelay $0x4  }
0x71: {  	v6 =	vshrl.u32 v6, $0xE  }
0x72: {  	[tilespmem:$0x17AC0] =	vst v6  }
0x73: {  	v6 =	vld [tilespmem:s24+$0x50];
	_ =	sdelay $0x4  }
0x74: {  	v6 =	vshrl.u32 v6, $0xE  }
0x75: {  	[tilespmem:$0x17AD0] =	vst v6  }
0x76: {  	v6 =	vld [tilespmem:s24+$0x60];
	_ =	sdelay $0x4  }
0x77: {  	v6 =	vshrl.u32 v6, $0xE  }
0x78: {  	[tilespmem:$0x17AE0] =	vst v6  }
0x79: {  	v6 =	vld [tilespmem:s24+$0x70];
	_ =	sdelay $0x4  }
0x7a: {  	v6 =	vshrl.u32 v6, $0xE  }
0x7b: {  	s31 =	simm.s32 $0x5000;
	[tilespmem:$0x17AF0] =	vst v6  }
0x7c: {  	[spmem:s2] =	stream.indirect.scatter.add.f32 [tilespmem:s31], [sflag:$0x5], $0x1, s22, s21, $0xb8;
	[tilespmem:$0x1DB00] =	vst v63  }
0x7d: {  	_ =	swait.ge [sflag:s18], $0x80  }
0x7e: {  	s7 =	simm.s32 $0x400;
	s3 =	simm.s32 $0x200;
	[sflag:s18] =	ssyncset.done $0x0  }
.LBB2_2:
0x7f: {  	s5 =	sshra.s32 s3, $0x2  }
0x80: {  	[sflag:s18] =	ssyncadd.s32 $0xFFFFFF80;
	s3 =	smov.u32 s7;
	s4 =	sadd.s32 $0x200, s7  }
0x81: {  	p1 =	sne.s32 s7, $0x13E00;
	v6 =	vld [tilespmem:s5+$0x0];
	_ =	sdelay $0x4  }
0x82: {  	v6 =	vshrl.u32 v6, $0xE  }
0x83: {  	[tilespmem:$0x17A80] =	vst v6  }
0x84: {  	v6 =	vld [tilespmem:s5+$0x10];
	_ =	sdelay $0x4  }
0x85: {  	v6 =	vshrl.u32 v6, $0xE  }
0x86: {  	[tilespmem:$0x17A90] =	vst v6  }
0x87: {  	v6 =	vld [tilespmem:s5+$0x20];
	_ =	sdelay $0x4  }
0x88: {  	v6 =	vshrl.u32 v6, $0xE  }
0x89: {  	[tilespmem:$0x17AA0] =	vst v6  }
0x8a: {  	v6 =	vld [tilespmem:s5+$0x30];
	_ =	sdelay $0x4  }
0x8b: {  	v6 =	vshrl.u32 v6, $0xE  }
0x8c: {  	[tilespmem:$0x17AB0] =	vst v6  }
0x8d: {  	v6 =	vld [tilespmem:s5+$0x40];
	_ =	sdelay $0x4  }
0x8e: {  	v6 =	vshrl.u32 v6, $0xE  }
0x8f: {  	[tilespmem:$0x17AC0] =	vst v6  }
0x90: {  	v6 =	vld [tilespmem:s5+$0x50];
	_ =	sdelay $0x4  }
0x91: {  	v6 =	vshrl.u32 v6, $0xE  }
0x92: {  	[tilespmem:$0x17AD0] =	vst v6  }
0x93: {  	v6 =	vld [tilespmem:s5+$0x60];
	_ =	sdelay $0x4  }
0x94: {  	v6 =	vshrl.u32 v6, $0xE  }
0x95: {  	[tilespmem:$0x17AE0] =	vst v6  }
0x96: {  	v6 =	vld [tilespmem:s5+$0x70];
	_ =	sdelay $0x4  }
.Ltmp2:
0x97: {  	v6 =	vshrl.u32 v6, $0xE;
	(pc) =	sbr.rel @p1 .LBB2_2-.Ltmp2, $4  }
0x98: {  	s5 =	sadd.s32 $0x5000, s5;
	[tilespmem:$0x17AF0] =	vst v6  }
0x99: {  	[spmem:s2] =	stream.indirect.scatter.add.f32 [tilespmem:s5], [sflag:$0x5], $0x1, s22, s21, $0xb8;
	[tilespmem:$0x1DB00] =	vst v63  }
0x9a: {  	_ =	swait.ge [sflag:s18], $0x80  }
0x9b: {  	s7 =	smov.u32 s4;
	[sflag:s18] =	ssyncset.done $0x0  }
0x9c: {  	s3 =	sshra.s32 s3, $0x2;
	[sflag:s18] =	ssyncadd.s32 $0xFFFFFF80  }
0x9d: {  	v6 =	vld [tilespmem:s3+$0x0];
	_ =	sdelay $0x4  }
0x9e: {  	v6 =	vshrl.u32 v6, $0xE  }
0x9f: {  	[tilespmem:$0x17A80] =	vst v6  }
0xa0: {  	v6 =	vld [tilespmem:s3+$0x10];
	_ =	sdelay $0x4  }
0xa1: {  	v6 =	vshrl.u32 v6, $0xE  }
0xa2: {  	[tilespmem:$0x17A90] =	vst v6  }
0xa3: {  	v6 =	vld [tilespmem:s3+$0x20];
	_ =	sdelay $0x4  }
0xa4: {  	v6 =	vshrl.u32 v6, $0xE  }
0xa5: {  	[tilespmem:$0x17AA0] =	vst v6  }
0xa6: {  	v6 =	vld [tilespmem:s3+$0x30];
	_ =	sdelay $0x4  }
0xa7: {  	v6 =	vshrl.u32 v6, $0xE  }
0xa8: {  	[tilespmem:$0x17AB0] =	vst v6  }
0xa9: {  	v6 =	vld [tilespmem:s3+$0x40];
	_ =	sdelay $0x4  }
0xaa: {  	v6 =	vshrl.u32 v6, $0xE  }
0xab: {  	[tilespmem:$0x17AC0] =	vst v6  }
0xac: {  	v6 =	vld [tilespmem:s3+$0x50];
	_ =	sdelay $0x4  }
0xad: {  	v6 =	vshrl.u32 v6, $0xE  }
0xae: {  	[tilespmem:$0x17AD0] =	vst v6  }
0xaf: {  	v6 =	vld [tilespmem:s3+$0x60];
	_ =	sdelay $0x4  }
0xb0: {  	v6 =	vshrl.u32 v6, $0xE  }
0xb1: {  	[tilespmem:$0x17AE0] =	vst v6  }
0xb2: {  	v6 =	vld [tilespmem:s3+$0x70];
	_ =	sdelay $0x4  }
0xb3: {  	v6 =	vshrl.u32 v6, $0xE  }
0xb4: {  	s3 =	sadd.s32 $0x5000, s3;
	[tilespmem:$0x17AF0] =	vst v6  }
0xb5: {  	[spmem:s2] =	stream.indirect.scatter.add.f32 [tilespmem:s3], [sflag:$0x5], $0x1, s22, s21, $0xb8;
	[tilespmem:$0x1DB00] =	vst v63  }
0xb6: {  	_ =	swait.ge [sflag:s18], $0x80  }
0xb7: {  	[sflag:s18] =	ssyncset.done $0x0  }
0xb8: {  	[sflag:s18] =	ssyncadd.s32 $0xFFFFFF80  }
0xb9: {  	s31 =	simm.s32 $0x17C00;
	[bflag:$0x0] =	sbarrier.arrive $0xFFFF  }
0xba: {  	[tilespmem:s31], [sflag:$0x5] =	stream.linear.gather [spmem:s9], $0x280, $0x38;
	[tilespmem:$0x1DB00] =	vst v63  }
0xbb: {  	_ =	swait.ge [sflag:s18], $0x280  }
0xbc: {  	[sflag:s18] =	ssyncset.done $0x0  }
0xbd: {  	s4 =	simm.s32 $0x0;
	[sflag:s18] =	ssyncadd.s32 $0xFFFFFD80  }
0xbe: {  	v6 =	vld [tilespmem:s4+$0x17C00];
	_ =	sdelay $0x4  }
0xbf: {  	v7 =	vshrl.u32 v6, $0x1;
	v12 =	vmul.f32 $5.000000000e-01, v6  }
0xc0: {  	s3 =	simm.s32 $0x10;
	v8 =	vsub.s32 $0x5F3759DF, v7  }
0xc1: {  	v7 =	vld [tilespmem:s3+$0x17C00];
	v9 =	vmul.f32 v8, v12;
	_ =	sdelay $0x1  }
0xc2: {  	v9 =	vmul.f32 v8, v9;
	_ =	sdelay $0x1  }
0xc3: {  	v9 =	vsub.f32 $1.500000000e+00, v9  }
0xc4: {  	v11 =	vshrl.u32 v7, $0x1;
	v10 =	vmul.f32 $5.000000000e-01, v7  }
0xc5: {  	s5 =	simm.s32 $0x20;
	v13 =	vsub.s32 $0x5F3759DF, v11;
	v15 =	vmul.f32 v8, v9  }
0xc6: {  	v8 =	vld [tilespmem:s5+$0x17C00];
	v9 =	vmul.f32 v13, v10  }
0xc7: {  	v11 =	vmul.f32 v15, v12  }
0xc8: {  	v9 =	vmul.f32 v13, v9  }
0xc9: {  	v14 =	vmul.f32 v11, v15  }
0xca: {  	v9 =	vsub.f32 $1.500000000e+00, v9  }
0xcb: {  	v16 =	vshrl.u32 v8, $0x1;
	v11 =	vmul.f32 $5.000000000e-01, v8;
	v17 =	vsub.f32 $1.500000000e+00, v14  }
0xcc: {  	s7 =	simm.s32 $0x30;
	v16 =	vsub.s32 $0x5F3759DF, v16;
	v14 =	vmul.f32 v13, v9  }
0xcd: {  	v9 =	vld [tilespmem:s7+$0x17C00];
	v18 =	vmul.f32 v16, v11;
	v13 =	vmul.f32 v17, v15  }
0xce: {  	v15 =	vmul.f32 v14, v10  }
0xcf: {  	v17 =	vmul.f32 v16, v18;
	v12 =	vmul.f32 v13, v12  }
0xd0: {  	v15 =	vmul.f32 v15, v14  }
0xd1: {  	v17 =	vsub.f32 $1.500000000e+00, v17;
	v19 =	vmul.f32 v12, v13  }
0xd2: {  	v20 =	vshrl.u32 v9, $0x1;
	v12 =	vmul.f32 $5.000000000e-01, v9;
	v18 =	vsub.f32 $1.500000000e+00, v15  }
0xd3: {  	s8 =	simm.s32 $0x40;
	s10 =	simm.s32 $0x140;
	v15 =	vsub.s32 $0x5F3759DF, v20;
	v17 =	vmul.f32 v16, v17;
	v16 =	vsub.f32 $1.500000000e+00, v19  }
.LBB2_4:
0xd4: {  	p1 =	sne.s32 s10, $0x9C0;
	v19 =	vld [tilespmem:s8+$0x17C00];
	v20 =	vmul.f32 v15, v12;
	v18 =	vmul.f32 v18, v14;
	s11 =	smov.u32 s3;
	s3 =	smov.u32 s5  }
0xd5: {  	s5 =	smov.u32 s7;
	s7 =	smov.u32 s8;
	v21 =	vmul.f32 v17, v11;
	v22 =	vmul.f32 v16, v13;
	v14 =	vmov v17  }
.Ltmp3:
0xd6: {  	vm0 =	vgt.f32 v6, $0.0e+00;
	v6 =	vmovc v7;
	v7 =	vmovc v8;
	v16 =	vmul.f32 v15, v20;
	v17 =	vmul.f32 v18, v10;
	(pc) =	sbr.rel @p1 .LBB2_4-.Ltmp3, $4  }
0xd7: {  	v8 =	vmovc v9;
	v13 =	vmovc v18;
	v10 =	vmov v11;
	v20 =	vmul.f32 v21, v14;
	v21 =	vnsel vm0, $0x0, v22  }
0xd8: {  	v11 =	vmovc v12;
	v16 =	vsub.f32 $1.500000000e+00, v16;
	v22 =	vmul.f32 v17, v13;
	[tilespmem:s4+$0x17E80] =	vst v21;
	v21 =	vmul.f32 v21, v21  }
0xd9: {  	v23 =	vshrl.u32 v19, $0x1;
	v12 =	vmul.f32 $5.000000000e-01, v19;
	v18 =	vsub.f32 $1.500000000e+00, v20;
	v9 =	vmovc v19  }
0xda: {  	s8 =	sshra.s32 s10, $0x2;
	s10 =	sadd.s32 $0x40, s10;
	v17 =	vmul.f32 v15, v16;
	v15 =	vsub.s32 $0x5F3759DF, v23;
	v16 =	vsub.f32 $1.500000000e+00, v22;
	[tilespmem:s4+$0x18100] =	vst v21;
	s4 =	smov.u32 s11  }
0xdb: {  	v19 =	vld [tilespmem:s8+$0x17C00];
	_ =	sdelay $0x4  }
0xdc: {  	v20 =	vmul.f32 v15, v12;
	v21 =	vshrl.u32 v19, $0x1;
	v22 =	vmul.f32 $5.000000000e-01, v19  }
0xdd: {  	v21 =	vsub.s32 $0x5F3759DF, v21  }
0xde: {  	v20 =	vmul.f32 v15, v20;
	v23 =	vmul.f32 v21, v22;
	_ =	sdelay $0x1  }
0xdf: {  	v20 =	vsub.f32 $1.500000000e+00, v20;
	v23 =	vmul.f32 v21, v23  }
0xe0: {  	v24 =	vmul.f32 v17, v11  }
0xe1: {  	v15 =	vmul.f32 v15, v20;
	v56 =	vsub.f32 $1.500000000e+00, v23  }
0xe2: {  	v57 =	vmul.f32 v24, v17  }
0xe3: {  	v58 =	vmul.f32 v15, v12;
	v20 =	vmul.f32 v21, v56  }
0xe4: {  	v14 =	vmul.f32 v18, v14;
	v59 =	vsub.f32 $1.500000000e+00, v57  }
0xe5: {  	v21 =	vmul.f32 v58, v15;
	v60 =	vmul.f32 v20, v22  }
0xe6: {  	v10 =	vmul.f32 v14, v10;
	v17 =	vmul.f32 v59, v17  }
0xe7: {  	v61 =	vsub.f32 $1.500000000e+00, v21;
	v62 =	vmul.f32 v60, v20  }
0xe8: {  	v10 =	vmul.f32 v10, v14;
	v11 =	vmul.f32 v17, v11  }
0xe9: {  	v15 =	vmul.f32 v61, v15;
	v63 =	vsub.f32 $1.500000000e+00, v62  }
0xea: {  	v13 =	vmul.f32 v16, v13;
	v10 =	vsub.f32 $1.500000000e+00, v10;
	v11 =	vmul.f32 v11, v17  }
0xeb: {  	vm0 =	vgt.f32 v6, $0.0e+00;
	v6 =	vmul.f32 v15, v12;
	v12 =	vmul.f32 v63, v20  }
0xec: {  	vm12 =	vgt.f32 v7, $0.0e+00;
	v13 =	vnsel vm0, $0x0, v13;
	v10 =	vmul.f32 v10, v14  }
0xed: {  	v7 =	vsub.f32 $1.500000000e+00, v11;
	v6 =	vmul.f32 v6, v15;
	v11 =	vmul.f32 v12, v22  }
0xee: {  	v14 =	vmul.f32 v13, v13;
	v10 =	vnsel vm12, $0x0, v10  }
0xef: {  	[tilespmem:s4+$0x17E80] =	vst v13;
	v7 =	vmul.f32 v7, v17;
	v6 =	vsub.f32 $1.500000000e+00, v6;
	v11 =	vmul.f32 v11, v12  }
0xf0: {  	vm13 =	vgt.f32 v8, $0.0e+00;
	[tilespmem:s4+$0x18100] =	vst v14;
	v13 =	vmul.f32 v10, v10  }
0xf1: {  	[tilespmem:s3+$0x17E80] =	vst v10;
	v7 =	vnsel vm13, $0x0, v7;
	v6 =	vmul.f32 v6, v15;
	v8 =	vsub.f32 $1.500000000e+00, v11  }
0xf2: {  	vm14 =	vgt.f32 v9, $0.0e+00;
	[tilespmem:s3+$0x18100] =	vst v13;
	v10 =	vmul.f32 v7, v7  }
0xf3: {  	[tilespmem:s5+$0x17E80] =	vst v7;
	v6 =	vnsel vm14, $0x0, v6;
	v7 =	vmul.f32 v8, v12  }
0xf4: {  	vm15 =	vgt.f32 v19, $0.0e+00;
	[tilespmem:s5+$0x18100] =	vst v10;
	v8 =	vmul.f32 v6, v6  }
0xf5: {  	[tilespmem:s7+$0x17E80] =	vst v6;
	v6 =	vnsel vm15, $0x0, v7  }
0xf6: {  	[tilespmem:s7+$0x18100] =	vst v8;
	v7 =	vmul.f32 v6, v6  }
0xf7: {  	[tilespmem:s8+$0x17E80] =	vst v6  }
0xf8: {  	s12 =	rddreg [dreg:$0x8];
	s24 =	simm.s32 $0x17E80;
	[tilespmem:s8+$0x18100] =	vst v7  }
0xf9: {  	[spmem:s12] =	stream.linear.scatter [tilespmem:s24], [sflag:$0x5], $0x280, $0x38;
	[tilespmem:$0x1DB00] =	vst v63  }
0xfa: {  	_ =	swait.ge [sflag:s18], $0x280  }
0xfb: {  	s4 =	simm.s32 @!p0 $0x18100;
	[sflag:s18] =	ssyncset.done $0x0  }
0xfc: {  	s3 =	simm.s32 @!p0 $0x0;
	s5 =	rddreg [dreg:$0x9];
	[sflag:s18] =	ssyncadd.s32 $0xFFFFFD80  }
0xfd: {  	[hbm4b:s5+s3] =	stream.linear.scatter @!p0 [tilespmem:s4], [sflag:$0x5], $0x280, $0x38;
	[tilespmem:$0x1DB00] =	vst v63  }
0xfe: {  	s3 =	simm.s32 @!p0 $0x5  }
0xff: {  	_ =	swait.ge @!p0 [sflag:s3], $0x280  }
0x100: {  	[sflag:s3] =	ssyncset.done @!p0 $0x0  }
0x101: {  	[sflag:s3] =	ssyncadd.s32 @!p0 $0xFFFFFD80  }
0x102: {  	[bflag:$0x0] =	sbarrier.arrive $0xFFFF  }
0x103: {  	s31 =	rddreg [dreg:$0x4]  }
0x104: {  	[tilespmem:s25], [sflag:$0x5] =	stream.linear.gather [spmem:s31], $0x2800, $0x38;
	[tilespmem:$0x1DB00] =	vst v63  }
0x105: {  	_ =	swait.ge [sflag:s18], $0x2800  }
0x106: {  	[sflag:s18] =	ssyncset.done $0x0  }
0x107: {  	s3 =	simm.s32 $0x0;
	[sflag:s18] =	ssyncadd.s32 $0xFFFFD800  }
0x108: {  	v6 =	vld [tilespmem:s3+$0x0];
	_ =	sdelay $0x4  }
0x109: {  	v7 =	vand.u32 $0x3FFF, v6;
	_ =	sdelay $0x1  }
0x10a: {  	v6 =	vshrl.u32 v6, $0xE  }
0x10b: {  	v8 =	vld [tilespmem:s3+$0x10]  }
0x10c: {  	v9 =	vld [tilespmem:s3+$0x5000]  }
0x10d: {  	v7 =	vld.idx.msk [tilespmem:v7+s25+$0x0], $0xffff;
	_ =	sdelay $0x1  }
0x10e: {  	v6 =	vld.idx.msk [tilespmem:v6+s25+$0x0], $0xffff;
	_ =	sdelay $0x2  }
0x10f: {  	v7 =	vmul.f32 v7, v9;
	v9 =	vand.u32 $0x3FFF, v8;
	_ =	sdelay $0x1  }
0x110: {  	v6 =	vmul.f32 v6, v7  }
0x111: {  	v8 =	vshrl.u32 v8, $0xE  }
0x112: {  	v10 =	vld [tilespmem:s3+$0x20];
	[tilespmem:s3+$0x5000] =	vst v6  }
0x113: {  	v6 =	vld.idx.msk [tilespmem:v9+s25+$0x0], $0xffff  }
0x114: {  	v9 =	vld [tilespmem:s3+$0x5010];
	_ =	sdelay $0x1  }
0x115: {  	v8 =	vld.idx.msk [tilespmem:v8+s25+$0x0], $0xffff;
	_ =	sdelay $0x2  }
0x116: {  	v6 =	vmul.f32 v6, v9;
	v9 =	vand.u32 $0x3FFF, v10;
	_ =	sdelay $0x1  }
0x117: {  	v6 =	vmul.f32 v8, v6  }
0x118: {  	v8 =	vshrl.u32 v10, $0xE  }
0x119: {  	v11 =	vld [tilespmem:s3+$0x30];
	[tilespmem:s3+$0x5010] =	vst v6  }
0x11a: {  	v6 =	vld.idx.msk [tilespmem:v9+s25+$0x0], $0xffff  }
0x11b: {  	v9 =	vld [tilespmem:s3+$0x5020];
	_ =	sdelay $0x1  }
0x11c: {  	v8 =	vld.idx.msk [tilespmem:v8+s25+$0x0], $0xffff;
	_ =	sdelay $0x2  }
0x11d: {  	v6 =	vmul.f32 v6, v9;
	v9 =	vand.u32 $0x3FFF, v11;
	_ =	sdelay $0x1  }
0x11e: {  	v6 =	vmul.f32 v8, v6  }
0x11f: {  	v8 =	vshrl.u32 v11, $0xE  }
0x120: {  	v12 =	vld [tilespmem:s3+$0x40];
	[tilespmem:s3+$0x5020] =	vst v6  }
0x121: {  	v6 =	vld.idx.msk [tilespmem:v9+s25+$0x0], $0xffff  }
0x122: {  	v9 =	vld [tilespmem:s3+$0x5030];
	_ =	sdelay $0x1  }
0x123: {  	v8 =	vld.idx.msk [tilespmem:v8+s25+$0x0], $0xffff;
	_ =	sdelay $0x2  }
0x124: {  	v6 =	vmul.f32 v6, v9;
	v9 =	vand.u32 $0x3FFF, v12;
	_ =	sdelay $0x1  }
0x125: {  	v6 =	vmul.f32 v8, v6  }
0x126: {  	v8 =	vshrl.u32 v12, $0xE  }
0x127: {  	v13 =	vld [tilespmem:s3+$0x50];
	[tilespmem:s3+$0x5030] =	vst v6  }
0x128: {  	v6 =	vld.idx.msk [tilespmem:v9+s25+$0x0], $0xffff  }
0x129: {  	v9 =	vld [tilespmem:s3+$0x5040];
	_ =	sdelay $0x1  }
0x12a: {  	v8 =	vld.idx.msk [tilespmem:v8+s25+$0x0], $0xffff;
	_ =	sdelay $0x2  }
0x12b: {  	v6 =	vmul.f32 v6, v9;
	v9 =	vand.u32 $0x3FFF, v13;
	_ =	sdelay $0x1  }
0x12c: {  	v6 =	vmul.f32 v8, v6;
	v8 =	vshrl.u32 v13, $0xE  }
0x12d: {  	v14 =	vld [tilespmem:s3+$0x60]  }
0x12e: {  	[tilespmem:s3+$0x5040] =	vst v6;
	v6 =	vld [tilespmem:s3+$0x5050]  }
0x12f: {  	v9 =	vld.idx.msk [tilespmem:v9+s25+$0x0], $0xffff;
	_ =	sdelay $0x1  }
0x130: {  	v8 =	vld.idx.msk [tilespmem:v8+s25+$0x0], $0xffff;
	_ =	sdelay $0x2  }
0x131: {  	v6 =	vmul.f32 v9, v6;
	v9 =	vand.u32 $0x3FFF, v14;
	_ =	sdelay $0x1  }
0x132: {  	v6 =	vmul.f32 v8, v6;
	v8 =	vshrl.u32 v14, $0xE  }
0x133: {  	v7 =	vld [tilespmem:s3+$0x70]  }
0x134: {  	[tilespmem:s3+$0x5050] =	vst v6;
	v6 =	vld [tilespmem:s3+$0x5060]  }
0x135: {  	v9 =	vld.idx.msk [tilespmem:v9+s25+$0x0], $0xffff;
	_ =	sdelay $0x1  }
0x136: {  	v8 =	vld.idx.msk [tilespmem:v8+s25+$0x0], $0xffff;
	_ =	sdelay $0x2  }
0x137: {  	v6 =	vmul.f32 v9, v6;
	v9 =	vand.u32 $0x3FFF, v7;
	_ =	sdelay $0x1  }
0x138: {  	v7 =	vshrl.u32 v7, $0xE;
	v6 =	vmul.f32 v8, v6;
	_ =	sdelay $0x1  }
0x139: {  	[tilespmem:s3+$0x5060] =	vst v6;
	v6 =	vld [tilespmem:s3+$0x5070]  }
0x13a: {  	s7 =	simm.s32 $0x80;
	v8 =	vld.idx.msk [tilespmem:v9+s25+$0x0], $0xffff  }
0x13b: {  	v14 =	vld [tilespmem:s7+$0x0]  }
0x13c: {  	v15 =	vld.idx.msk [tilespmem:v7+s25+$0x0], $0xffff  }
0x13d: {  	v12 =	vld [tilespmem:s7+$0x10]  }
0x13e: {  	v11 =	vld [tilespmem:s7+$0x20]  }
0x13f: {  	v10 =	vld [tilespmem:s7+$0x30]  }
0x140: {  	v9 =	vld [tilespmem:s7+$0x40];
	v6 =	vmul.f32 v8, v6;
	v13 =	vshrl.u32 v14, $0xE;
	v14 =	vand.u32 $0x3FFF, v14  }
0x141: {  	v7 =	vld [tilespmem:s7+$0x60]  }
0x142: {  	v8 =	vld [tilespmem:s7+$0x50];
	v15 =	vmul.f32 v15, v6  }
0x143: {  	s4 =	simm.s32 $0x400;
	v6 =	vld [tilespmem:s7+$0x70]  }
.LBB2_6:
0x144: {  	p1 =	sne.s32 s4, $0x13E00;
	[tilespmem:s3+$0x5070] =	vst v15;
	s5 =	smov.u32 s4;
	s4 =	sadd.s32 $0x200, s4  }
0x145: {  	s3 =	smov.u32 s7;
	v14 =	vld.idx.msk [tilespmem:v14+s25+$0x0], $0xffff  }
0x146: {  	v15 =	vld [tilespmem:s3+$0x5000]  }
0x147: {  	v13 =	vld.idx.msk [tilespmem:v13+s25+$0x0], $0xffff;
	_ =	sdelay $0x3  }
0x148: {  	v14 =	vmul.f32 v14, v15;
	v15 =	vand.u32 $0x3FFF, v12;
	_ =	sdelay $0x1  }
0x149: {  	v12 =	vshrl.u32 v12, $0xE;
	v13 =	vmul.f32 v13, v14;
	_ =	sdelay $0x1  }
0x14a: {  	[tilespmem:s3+$0x5000] =	vst v13  }
0x14b: {  	v13 =	vld.idx.msk [tilespmem:v15+s25+$0x0], $0xffff  }
0x14c: {  	v14 =	vld [tilespmem:s3+$0x5010]  }
0x14d: {  	v12 =	vld.idx.msk [tilespmem:v12+s25+$0x0], $0xffff;
	_ =	sdelay $0x3  }
0x14e: {  	v13 =	vmul.f32 v13, v14;
	v14 =	vand.u32 $0x3FFF, v11;
	_ =	sdelay $0x1  }
0x14f: {  	v11 =	vshrl.u32 v11, $0xE;
	v12 =	vmul.f32 v12, v13;
	_ =	sdelay $0x1  }
0x150: {  	[tilespmem:s3+$0x5010] =	vst v12  }
0x151: {  	v12 =	vld.idx.msk [tilespmem:v14+s25+$0x0], $0xffff  }
0x152: {  	v13 =	vld [tilespmem:s3+$0x5020]  }
0x153: {  	v11 =	vld.idx.msk [tilespmem:v11+s25+$0x0], $0xffff;
	_ =	sdelay $0x3  }
0x154: {  	v12 =	vmul.f32 v12, v13;
	v13 =	vand.u32 $0x3FFF, v10;
	_ =	sdelay $0x1  }
0x155: {  	v10 =	vshrl.u32 v10, $0xE;
	v11 =	vmul.f32 v11, v12;
	_ =	sdelay $0x1  }
0x156: {  	[tilespmem:s3+$0x5020] =	vst v11  }
0x157: {  	v11 =	vld.idx.msk [tilespmem:v13+s25+$0x0], $0xffff  }
0x158: {  	v12 =	vld [tilespmem:s3+$0x5030]  }
0x159: {  	v10 =	vld.idx.msk [tilespmem:v10+s25+$0x0], $0xffff;
	_ =	sdelay $0x3  }
0x15a: {  	v11 =	vmul.f32 v11, v12;
	v12 =	vand.u32 $0x3FFF, v9;
	_ =	sdelay $0x1  }
0x15b: {  	v9 =	vshrl.u32 v9, $0xE;
	v10 =	vmul.f32 v10, v11;
	_ =	sdelay $0x1  }
0x15c: {  	[tilespmem:s3+$0x5030] =	vst v10  }
0x15d: {  	v10 =	vld.idx.msk [tilespmem:v12+s25+$0x0], $0xffff  }
0x15e: {  	v11 =	vld [tilespmem:s3+$0x5040]  }
0x15f: {  	v9 =	vld.idx.msk [tilespmem:v9+s25+$0x0], $0xffff;
	_ =	sdelay $0x3  }
0x160: {  	v10 =	vmul.f32 v10, v11;
	v11 =	vand.u32 $0x3FFF, v8  }
0x161: {  	v8 =	vshrl.u32 v8, $0xE  }
0x162: {  	v9 =	vmul.f32 v9, v10;
	_ =	sdelay $0x1  }
0x163: {  	[tilespmem:s3+$0x5040] =	vst v9;
	v9 =	vld [tilespmem:s3+$0x5050]  }
0x164: {  	v10 =	vld.idx.msk [tilespmem:v11+s25+$0x0], $0xffff  }
0x165: {  	v8 =	vld.idx.msk [tilespmem:v8+s25+$0x0], $0xffff;
	_ =	sdelay $0x4  }
0x166: {  	v9 =	vmul.f32 v10, v9;
	v10 =	vand.u32 $0x3FFF, v7  }
0x167: {  	v7 =	vshrl.u32 v7, $0xE  }
0x168: {  	v8 =	vmul.f32 v8, v9;
	_ =	sdelay $0x1  }
0x169: {  	[tilespmem:s3+$0x5050] =	vst v8;
	v8 =	vld [tilespmem:s3+$0x5060]  }
0x16a: {  	v9 =	vld.idx.msk [tilespmem:v10+s25+$0x0], $0xffff  }
0x16b: {  	v7 =	vld.idx.msk [tilespmem:v7+s25+$0x0], $0xffff;
	_ =	sdelay $0x4  }
0x16c: {  	v8 =	vmul.f32 v9, v8;
	v9 =	vand.u32 $0x3FFF, v6;
	_ =	sdelay $0x1  }
0x16d: {  	v6 =	vshrl.u32 v6, $0xE;
	v7 =	vmul.f32 v7, v8;
	_ =	sdelay $0x1  }
0x16e: {  	[tilespmem:s3+$0x5060] =	vst v7;
	v7 =	vld [tilespmem:s3+$0x5070]  }
0x16f: {  	s7 =	sshra.s32 s5, $0x2;
	v8 =	vld.idx.msk [tilespmem:v9+s25+$0x0], $0xffff  }
0x170: {  	v9 =	vld [tilespmem:s7+$0x0]  }
0x171: {  	v6 =	vld.idx.msk [tilespmem:v6+s25+$0x0], $0xffff  }
0x172: {  	v12 =	vld [tilespmem:s7+$0x10]  }
0x173: {  	v11 =	vld [tilespmem:s7+$0x20]  }
.Ltmp4:
0x174: {  	v10 =	vld [tilespmem:s7+$0x30];
	(pc) =	sbr.rel @p1 .LBB2_6-.Ltmp4, $4  }
0x175: {  	v15 =	vmul.f32 v8, v7;
	v13 =	vshrl.u32 v9, $0xE;
	v14 =	vand.u32 $0x3FFF, v9;
	v9 =	vld [tilespmem:s7+$0x40]  }
0x176: {  	v8 =	vld [tilespmem:s7+$0x50]  }
0x177: {  	v15 =	vmul.f32 v6, v15;
	v7 =	vld [tilespmem:s7+$0x60]  }
0x178: {  	v6 =	vld [tilespmem:s7+$0x70]  }
0x179: {  	_ =	sdelay $0x2  }
0x17a: {  	[tilespmem:s3+$0x5070] =	vst v15  }
0x17b: {  	v14 =	vld.idx.msk [tilespmem:v14+s25+$0x0], $0xffff  }
0x17c: {  	v15 =	vld [tilespmem:s7+$0x5000];
	_ =	sdelay $0x1  }
0x17d: {  	v13 =	vld.idx.msk [tilespmem:v13+s25+$0x0], $0xffff;
	_ =	sdelay $0x2  }
0x17e: {  	v43 =	vand.u32 $0x3FFF, v12;
	v14 =	vmul.f32 v14, v15;
	_ =	sdelay $0x1  }
0x17f: {  	v44 =	vshrl.u32 v12, $0xE;
	v13 =	vmul.f32 v13, v14;
	_ =	sdelay $0x1  }
0x180: {  	v45 =	vld [tilespmem:s7+$0x5010];
	[tilespmem:s7+$0x5000] =	vst v13  }
0x181: {  	v13 =	vld.idx.msk [tilespmem:v43+s25+$0x0], $0xffff;
	_ =	sdelay $0x1  }
0x182: {  	v12 =	vld.idx.msk [tilespmem:v44+s25+$0x0], $0xffff;
	_ =	sdelay $0x2  }
0x183: {  	v46 =	vand.u32 $0x3FFF, v11;
	v13 =	vmul.f32 v13, v45;
	_ =	sdelay $0x1  }
0x184: {  	v47 =	vshrl.u32 v11, $0xE;
	v12 =	vmul.f32 v12, v13;
	_ =	sdelay $0x1  }
0x185: {  	v48 =	vld [tilespmem:s7+$0x5020];
	[tilespmem:s7+$0x5010] =	vst v12  }
0x186: {  	v12 =	vld.idx.msk [tilespmem:v46+s25+$0x0], $0xffff;
	_ =	sdelay $0x1  }
0x187: {  	v11 =	vld.idx.msk [tilespmem:v47+s25+$0x0], $0xffff;
	_ =	sdelay $0x2  }
0x188: {  	v49 =	vand.u32 $0x3FFF, v10;
	v12 =	vmul.f32 v12, v48;
	_ =	sdelay $0x1  }
0x189: {  	v50 =	vshrl.u32 v10, $0xE;
	v11 =	vmul.f32 v11, v12;
	_ =	sdelay $0x1  }
0x18a: {  	v51 =	vld [tilespmem:s7+$0x5030];
	[tilespmem:s7+$0x5020] =	vst v11  }
0x18b: {  	v11 =	vld.idx.msk [tilespmem:v49+s25+$0x0], $0xffff;
	_ =	sdelay $0x1  }
0x18c: {  	v10 =	vld.idx.msk [tilespmem:v50+s25+$0x0], $0xffff;
	_ =	sdelay $0x2  }
0x18d: {  	v52 =	vand.u32 $0x3FFF, v9;
	v11 =	vmul.f32 v11, v51;
	_ =	sdelay $0x1  }
0x18e: {  	v53 =	vshrl.u32 v9, $0xE;
	v10 =	vmul.f32 v10, v11;
	_ =	sdelay $0x1  }
0x18f: {  	v54 =	vld [tilespmem:s7+$0x5040];
	[tilespmem:s7+$0x5030] =	vst v10  }
0x190: {  	v10 =	vld.idx.msk [tilespmem:v52+s25+$0x0], $0xffff;
	_ =	sdelay $0x1  }
0x191: {  	v9 =	vld.idx.msk [tilespmem:v53+s25+$0x0], $0xffff;
	_ =	sdelay $0x2  }
0x192: {  	v55 =	vand.u32 $0x3FFF, v8;
	v10 =	vmul.f32 v10, v54;
	_ =	sdelay $0x1  }
0x193: {  	v56 =	vshrl.u32 v8, $0xE;
	v9 =	vmul.f32 v9, v10;
	_ =	sdelay $0x1  }
0x194: {  	v57 =	vld [tilespmem:s7+$0x5050];
	[tilespmem:s7+$0x5040] =	vst v9  }
0x195: {  	v58 =	vld.idx.msk [tilespmem:v55+s25+$0x0], $0xffff;
	_ =	sdelay $0x1  }
0x196: {  	v8 =	vld.idx.msk [tilespmem:v56+s25+$0x0], $0xffff;
	_ =	sdelay $0x2  }
0x197: {  	v59 =	vand.u32 $0x3FFF, v7;
	v9 =	vmul.f32 v58, v57;
	_ =	sdelay $0x1  }
0x198: {  	v7 =	vshrl.u32 v7, $0xE;
	v8 =	vmul.f32 v8, v9;
	_ =	sdelay $0x1  }
0x199: {  	v60 =	vld [tilespmem:s7+$0x5060];
	[tilespmem:s7+$0x5050] =	vst v8  }
0x19a: {  	v61 =	vld.idx.msk [tilespmem:v59+s25+$0x0], $0xffff;
	_ =	sdelay $0x1  }
0x19b: {  	v7 =	vld.idx.msk [tilespmem:v7+s25+$0x0], $0xffff;
	_ =	sdelay $0x2  }
0x19c: {  	v62 =	vand.u32 $0x3FFF, v6;
	v8 =	vmul.f32 v61, v60;
	_ =	sdelay $0x1  }
0x19d: {  	v6 =	vshrl.u32 v6, $0xE;
	v7 =	vmul.f32 v7, v8;
	_ =	sdelay $0x1  }
0x19e: {  	[tilespmem:s7+$0x5060] =	vst v7;
	v7 =	vld [tilespmem:s7+$0x5070]  }
0x19f: {  	v63 =	vld.idx.msk [tilespmem:v62+s25+$0x0], $0xffff;
	_ =	sdelay $0x1  }
0x1a0: {  	v6 =	vld.idx.msk [tilespmem:v6+s25+$0x0], $0xffff;
	_ =	sdelay $0x2  }
0x1a1: {  	v7 =	vmul.f32 v63, v7;
	_ =	sdelay $0x1  }
0x1a2: {  	v6 =	vmul.f32 v6, v7;
	_ =	sdelay $0x1  }
0x1a3: {  	s3 =	simm.s32 @!p0 $0x0;
	s4 =	simm.s32 @!p0 $0x5000;
	s5 =	rddreg [dreg:$0xa];
	[tilespmem:s7+$0x5070] =	vst v6  }
0x1a4: {  	[hbm4b:s5+s3] =	stream.linear.scatter @!p0 [tilespmem:s4], [sflag:$0x5], $0x5000, $0x38;
	[tilespmem:$0x1DB00] =	vst v63  }
0x1a5: {  	s3 =	simm.s32 @!p0 $0x5  }
0x1a6: {  	_ =	swait.ge @!p0 [sflag:s3], $0x5000  }
0x1a7: {  	[sflag:s3] =	ssyncset.done @!p0 $0x0  }
0x1a8: {  	s4 =	simm.s32 $0x200;
	[sflag:s3] =	ssyncadd.s32 @!p0 $0xFFFFB000;
	s3 =	simm.s32 $0x0  }
.LBB2_8:
0x1a9: {  	p1 =	sne.s32 s4, $0xFE00;
	[tilespmem:s3+$0xC870] =	vst v3  }
0x1aa: {  	[tilespmem:s3+$0xC800] =	vst v3  }
0x1ab: {  	[tilespmem:s3+$0xC810] =	vst v3  }
.Ltmp5:
0x1ac: {  	[tilespmem:s3+$0xC820] =	vst v3;
	(pc) =	sbr.rel @p1 .LBB2_8-.Ltmp5, $4  }
0x1ad: {  	[tilespmem:s3+$0xC830] =	vst v3  }
0x1ae: {  	[tilespmem:s3+$0xC840] =	vst v3  }
0x1af: {  	[tilespmem:s3+$0xC850] =	vst v3  }
0x1b0: {  	[tilespmem:s3+$0xC860] =	vst v3;
	s3 =	sshra.s32 s4, $0x2;
	s4 =	sadd.s32 $0x200, s4  }
0x1b1: {  	[tilespmem:s3+$0xC870] =	vst v3  }
0x1b2: {  	[tilespmem:s3+$0xC800] =	vst v3  }
0x1b3: {  	[tilespmem:s3+$0xC810] =	vst v3  }
0x1b4: {  	[tilespmem:s3+$0xC820] =	vst v3  }
0x1b5: {  	[tilespmem:s3+$0xC830] =	vst v3  }
0x1b6: {  	[tilespmem:s3+$0xC840] =	vst v3  }
0x1b7: {  	[tilespmem:s3+$0xC850] =	vst v3  }
0x1b8: {  	[tilespmem:s3+$0xC860] =	vst v3  }
0x1b9: {  	[spmem:s13] =	stream.linear.scatter [tilespmem:s26], [sflag:$0x5], $0x4000, $0x38;
	[tilespmem:$0x1DB00] =	vst v63  }
0x1ba: {  	_ =	swait.ge [sflag:s18], $0x4000  }
0x1bb: {  	[sflag:s18] =	ssyncset.done $0x0  }
0x1bc: {  	[sflag:s18] =	ssyncadd.s32 $0xFFFFC000  }
0x1bd: {  	[spmem:s14] =	stream.linear.scatter [tilespmem:s26], [sflag:$0x5], $0x1000, $0x38;
	[tilespmem:$0x1DB00] =	vst v63  }
0x1be: {  	_ =	swait.ge [sflag:s18], $0x1000  }
0x1bf: {  	[sflag:s18] =	ssyncset.done $0x0  }
0x1c0: {  	[sflag:s18] =	ssyncadd.s32 $0xFFFFF000  }
0x1c1: {  	s5 =	simm.s32 $0x0;
	[bflag:$0x0] =	sbarrier.arrive $0xFFFF  }
0x1c2: {  	v6 =	vld [tilespmem:s5+$0x0];
	_ =	sdelay $0x4  }
0x1c3: {  	v7 =	vshrl.u32 v6, $0xE  }
0x1c4: {  	v7 =	vsub.s32 v7, v0  }
0x1c5: {  	vm0 =	vlt.u32 v7, $0xA00  }
0x1c6: {  	v8 =	vsel vm0, $0x1, v4  }
0x1c7: {  	(xrf0) =	vadd.scan.msk.s32 $0xffff, v8;
	_ =	sdelay $0x2  }
0x1c8: {  	s3 =	simm.s32 $0x0;
	s4 =	simm.s32 $0x40;
	s7 =	simm.s32 $0x80  }
.LBB2_10:
0x1c9: {  	p1 =	sne.s32 s7, $0x13FC0;
	_ =	sdelay $0x1  }
0x1ca: {  	s8 =	sadd.s32 $0xFFFFFFFF, s3;
	v8, _, _ =	vpop (xrf0)  }
0x1cb: {  	v9 =	vadd.s32 s8, v8;
	(v2sf) =	vpush v8, $0xF  }
0x1cc: {  	v8 =	vld [tilespmem:s5+$0x5000];
	_ =	sdelay $0x1  }
0x1cd: {  	v6 =	vand.u32 $0x3FFF, v6;
	v7 =	vshll.u32 v7, $0xE  }
0x1ce: {  	v6 =	vor.u32 v6, v7  }
0x1cf: {  	[tilespmem:v9+s28+$0x0] =	vst.idx.msk vm0, v6  }
0x1d0: {  	s5 =	sshra.s32 s4, $0x2;
	s4 =	smov.u32 s7;
	[tilespmem:v9+s29+$0x0] =	vst.idx.msk vm0, v8  }
0x1d1: {  	v6 =	vld [tilespmem:s5+$0x0];
	_ =	sdelay $0x4  }
0x1d2: {  	v7 =	vshrl.u32 v6, $0xE  }
0x1d3: {  	v7 =	vsub.s32 v7, v0  }
0x1d4: {  	vm0 =	vlt.u32 v7, $0xA00  }
.Ltmp6:
0x1d5: {  	v8 =	vsel vm0, $0x1, v4;
	s8 =	spop (v2sf);
	(pc) =	sbr.rel @p1 .LBB2_10-.Ltmp6, $2  }
0x1d6: {  	(xrf0) =	vadd.scan.msk.s32 $0xffff, v8;
	s3 =	sadd.s32 s3, s8;
	_ =	sdelay $0x2  }
0x1d7: {  	s7 =	sadd.s32 $0x40, s7  }
0x1d8: {  	_ =	sdelay $0x1  }
0x1d9: {  	s7 =	sadd.s32 $0xFFFFFFFF, s3;
	v8, _, _ =	vpop (xrf0)  }
0x1da: {  	v9 =	vadd.s32 s7, v8  }
0x1db: {  	v10 =	vld [tilespmem:s5+$0x5000];
	_ =	sdelay $0x1  }
0x1dc: {  	v6 =	vand.u32 $0x3FFF, v6;
	v7 =	vshll.u32 v7, $0xE  }
0x1dd: {  	v6 =	vor.u32 v6, v7  }
0x1de: {  	[tilespmem:v9+s28+$0x0] =	vst.idx.msk vm0, v6  }
0x1df: {  	s4 =	sshra.s32 s4, $0x2;
	[tilespmem:v9+s29+$0x0] =	vst.idx.msk vm0, v10  }
0x1e0: {  	v6 =	vld [tilespmem:s4+$0x0];
	_ =	sdelay $0x4  }
0x1e1: {  	v7 =	vshrl.u32 v6, $0xE  }
0x1e2: {  	v7 =	vsub.s32 v7, v0  }
0x1e3: {  	vm15 =	vlt.u32 v7, $0xA00  }
0x1e4: {  	v58 =	vsel vm15, $0x1, v4  }
0x1e5: {  	(xrf0) =	vadd.scan.msk.s32 $0xffff, v58;
	_ =	sdelay $0x3  }
0x1e6: {  	(v2sf) =	vpush v8, $0xF;
	_ =	sdelay $0x1  }
0x1e7: {  	v59, _, _ =	vpop (xrf0)  }
0x1e8: {  	(v2sf) =	vpush v59, $0xF;
	_ =	sdelay $0xb  }
0x1e9: {  	s11 =	spop (v2sf)  }
0x1ea: {  	s12 =	sadd.s32 s3, s11  }
0x1eb: {  	s5 =	sadd.s32 $0xFFFFFFFF, s12  }
0x1ec: {  	v8 =	vadd.s32 s5, v59;
	s24 =	spop (v2sf)  }
0x1ed: {  	v60 =	vld [tilespmem:s4+$0x5000];
	s3 =	sadd.s32 s12, s24  }
0x1ee: {  	v61 =	vadd.s32 s3, v5  }
0x1ef: {  	v6 =	vand.u32 $0x3FFF, v6;
	v7 =	vshll.u32 v7, $0xE;
	s31 =	sadd.s32 $0x10, s3  }
0x1f0: {  	v6 =	vor.u32 v6, v7;
	v7 =	vadd.s32 s31, v5  }
0x1f1: {  	[tilespmem:v8+s28+$0x0] =	vst.idx.msk vm15, v6;
	s5 =	sadd.s32 $0x20, s3  }
0x1f2: {  	[tilespmem:v8+s29+$0x0] =	vst.idx.msk vm15, v60;
	v6 =	vadd.s32 s5, v5  }
0x1f3: {  	s7 =	sadd.s32 $0x30, s3;
	[tilespmem:v61+s28+$0x0] =	vst.idx.msk $0xffff, v4  }
0x1f4: {  	v62 =	vadd.s32 s7, v5;
	[tilespmem:v61+s29+$0x0] =	vst.idx.msk $0xffff, v3  }
0x1f5: {  	s8 =	sadd.s32 $0x40, s3;
	[tilespmem:v7+s28+$0x0] =	vst.idx.msk $0xffff, v4  }
0x1f6: {  	[tilespmem:v7+s29+$0x0] =	vst.idx.msk $0xffff, v3;
	v7 =	vadd.s32 s8, v5  }
0x1f7: {  	[tilespmem:v6+s28+$0x0] =	vst.idx.msk $0xffff, v4  }
0x1f8: {  	[tilespmem:v6+s29+$0x0] =	vst.idx.msk $0xffff, v3  }
0x1f9: {  	s10 =	sadd.s32 $0x50, s3;
	s12 =	sadd.s32 $0x7F, s3;
	[tilespmem:v62+s28+$0x0] =	vst.idx.msk $0xffff, v4  }
0x1fa: {  	s11 =	sadd.s32 $0x60, s3;
	s3 =	sadd.s32 $0x70, s3;
	s24 =	sand.u32 $0x7F, s12;
	[tilespmem:v62+s29+$0x0] =	vst.idx.msk $0xffff, v3  }
0x1fb: {  	s31 =	sshra.s32 s12, $0x1F;
	p1 =	slt.s32 s12, $0x1;
	p2 =	sne.s32 s24, $0x0;
	v6 =	vadd.s32 s10, v5;
	[tilespmem:v7+s28+$0x0] =	vst.idx.msk $0xffff, v4  }
0x1fc: {  	p1 =	por !p1, !p2;
	[tilespmem:v7+s29+$0x0] =	vst.idx.msk $0xffff, v3;
	v7 =	vadd.s32 s3, v5;
	s3 =	sshrl.u32 s31, $0x19  }
0x1fd: {  	s4 =	simm.s32 $0x1;
	v63 =	vadd.s32 s11, v5;
	p1 =	por !p1, !p1;
	s3 =	sadd.s32 s3, s12  }
0x1fe: {  	s4 =	simm.s32 @!p1 $0x0;
	s3 =	sshra.s32 s3, $0x7  }
0x1ff: {  	s3 =	ssub.s32 s3, s4  }
0x200: {  	[tilespmem:v6+s28+$0x0] =	vst.idx.msk $0xffff, v4;
	p1 =	slt.s32 s3, $0x1  }
.Ltmp7:
0x201: {  	[tilespmem:v6+s29+$0x0] =	vst.idx.msk $0xffff, v3;
	(pc) =	sbr.rel @p1 .LBB2_22-.Ltmp7, $4  }
0x202: {  	[tilespmem:v63+s28+$0x0] =	vst.idx.msk $0xffff, v4  }
0x203: {  	[tilespmem:v63+s29+$0x0] =	vst.idx.msk $0xffff, v3  }
0x204: {  	[tilespmem:v7+s28+$0x0] =	vst.idx.msk $0xffff, v4  }
0x205: {  	[tilespmem:v7+s29+$0x0] =	vst.idx.msk $0xffff, v3  }
0x206: {  	v6 =	vld [tilespmem:$0x14800];
	_ =	sdelay $0x1  }
0x207: {  	v7 =	vld [tilespmem:$0x14810];
	_ =	sdelay $0x1  }
0x208: {  	v8 =	vld [tilespmem:$0x14820]  }
0x209: {  	v9 =	vand.u32 $0x3FFF, v6  }
0x20a: {  	v61 =	vld [tilespmem:$0x14830];
	v6 =	vshrl.u32 v6, $0xE;
	[tilespmem:$0x17A00] =	vst v9  }
0x20b: {  	[tilespmem:$0x17A80] =	vst v6;
	v6 =	vand.u32 $0x3FFF, v7  }
0x20c: {  	[tilespmem:$0x17A10] =	vst v6;
	v6 =	vshrl.u32 v7, $0xE;
	v7 =	vld [tilespmem:$0x14840]  }
0x20d: {  	[tilespmem:$0x17A90] =	vst v6;
	v6 =	vand.u32 $0x3FFF, v8  }
0x20e: {  	v62 =	vld [tilespmem:$0x14850];
	[tilespmem:$0x17A20] =	vst v6;
	v6 =	vshrl.u32 v8, $0xE  }
0x20f: {  	[tilespmem:$0x17AA0] =	vst v6;
	v6 =	vand.u32 $0x3FFF, v61  }
0x210: {  	v63 =	vld [tilespmem:$0x14860];
	[tilespmem:$0x17A30] =	vst v6;
	v6 =	vshrl.u32 v61, $0xE  }
0x211: {  	[tilespmem:$0x17AB0] =	vst v6;
	v6 =	vand.u32 $0x3FFF, v7  }
0x212: {  	[tilespmem:$0x17A40] =	vst v6;
	v6 =	vshrl.u32 v7, $0xE;
	v7 =	vld [tilespmem:$0x14870]  }
0x213: {  	[tilespmem:$0x17AC0] =	vst v6;
	v6 =	vand.u32 $0x3FFF, v62  }
0x214: {  	[tilespmem:$0x17A50] =	vst v6;
	v6 =	vshrl.u32 v62, $0xE  }
0x215: {  	[tilespmem:$0x17AD0] =	vst v6;
	v6 =	vand.u32 $0x3FFF, v63  }
.Ltmp8:
0x216: {  	[tilespmem:$0x17A60] =	vst v6;
	v6 =	vshrl.u32 v63, $0xE;
	(pc) =	sbr.rel .LBB2_13-.Ltmp8, $4  }
0x217: {  	[tilespmem:$0x17AE0] =	vst v6;
	v6 =	vand.u32 $0x3FFF, v7  }
0x218: {  	[tilespmem:$0x17A70] =	vst v6;
	v6 =	vshrl.u32 v7, $0xE  }
0x219: {  	s24 =	simm.s32 $0x0;
	[tilespmem:$0x17AF0] =	vst v6  }
0x21a: {  	[tilespmem:s26], [sflag:$0x1] =	stream.indirect.gather [hbm4b:s6+s21], $0x80, s15, s21, $0xb8;
	[tilespmem:$0x1DB00] =	vst v63  }
.LBB2_20:
0x21b: {  	p1 =	sne.s32 s4, s3  }
.Ltmp9:
0x21c: {  	_ = 	snop;
	(pc) =	sbr.rel @!p1 .LBB2_21-.Ltmp9, $2  }
0x21d: {  	_ =	sdelay $0x2  }
0x21e: {  	s24 =	smov.u32 s4  }
.LBB2_13:
0x21f: {  	s5 =	sand.u32 $0x1, s24  }
0x220: {  	p1 =	seq.s32 s5, $0x1  }
.Ltmp10:
0x221: {  	_ = 	snop;
	(pc) =	sbr.rel @p1 .LBB2_17-.Ltmp10, $1  }
0x222: {  	_ =	sdelay $0x3  }
0x223: {  	s4 =	sor.u32 $0x1, s24  }
0x224: {  	p1 =	sge.s32 s4, s3  }
0x225: {  	_ =	swait.ge [sflag:s30], $0x4000;
	p2 =	seq.s32 @!p1 s24, $0x0  }
0x226: {  	[sflag:s30] =	ssyncset.done $0x0;
	p2 =	por p2, p1  }
0x227: {  	[sflag:s30] =	ssyncadd.s32 $0xFFFFC000;
	s7 =	simm.s32 @!p2 $0x4  }
0x228: {  	_ =	swait.ge @!p2 [sflag:s7], $0x4000  }
0x229: {  	s8 =	sshll.u32 @!p1 s4, $0x9;
	[sflag:s7] =	ssyncset.done @!p2 $0x0  }
0x22a: {  	[sflag:s7] =	ssyncadd.s32 @!p2 $0xFFFFC000;
	s7 =	sshra.s32 @!p1 s8, $0x2  }
0x22b: {  	v6 =	vld @!p1 [tilespmem:s7+$0x14800];
	_ =	sdelay $0x4  }
0x22c: {  	v7 =	vand.u32 @!p1 $0x3FFF, v6  }
0x22d: {  	v6 =	vshrl.u32 @!p1 v6, $0xE;
	[tilespmem:$0x17B00] =	vst @!p1 v7  }
0x22e: {  	[tilespmem:$0x17B80] =	vst @!p1 v6  }
0x22f: {  	v6 =	vld @!p1 [tilespmem:s7+$0x14810];
	_ =	sdelay $0x4  }
0x230: {  	v7 =	vand.u32 @!p1 $0x3FFF, v6  }
0x231: {  	v6 =	vshrl.u32 @!p1 v6, $0xE;
	[tilespmem:$0x17B10] =	vst @!p1 v7  }
0x232: {  	[tilespmem:$0x17B90] =	vst @!p1 v6  }
0x233: {  	v6 =	vld @!p1 [tilespmem:s7+$0x14820];
	_ =	sdelay $0x4  }
0x234: {  	v7 =	vand.u32 @!p1 $0x3FFF, v6  }
0x235: {  	v6 =	vshrl.u32 @!p1 v6, $0xE;
	[tilespmem:$0x17B20] =	vst @!p1 v7  }
0x236: {  	[tilespmem:$0x17BA0] =	vst @!p1 v6  }
0x237: {  	v6 =	vld @!p1 [tilespmem:s7+$0x14830];
	_ =	sdelay $0x4  }
0x238: {  	v7 =	vand.u32 @!p1 $0x3FFF, v6  }
0x239: {  	v6 =	vshrl.u32 @!p1 v6, $0xE;
	[tilespmem:$0x17B30] =	vst @!p1 v7  }
0x23a: {  	[tilespmem:$0x17BB0] =	vst @!p1 v6  }
0x23b: {  	v6 =	vld @!p1 [tilespmem:s7+$0x14840];
	_ =	sdelay $0x4  }
0x23c: {  	v7 =	vand.u32 @!p1 $0x3FFF, v6  }
0x23d: {  	v6 =	vshrl.u32 @!p1 v6, $0xE;
	[tilespmem:$0x17B40] =	vst @!p1 v7  }
0x23e: {  	[tilespmem:$0x17BC0] =	vst @!p1 v6  }
0x23f: {  	v6 =	vld @!p1 [tilespmem:s7+$0x14850];
	_ =	sdelay $0x4  }
0x240: {  	v7 =	vand.u32 @!p1 $0x3FFF, v6  }
0x241: {  	v6 =	vshrl.u32 @!p1 v6, $0xE;
	[tilespmem:$0x17B50] =	vst @!p1 v7  }
0x242: {  	[tilespmem:$0x17BD0] =	vst @!p1 v6  }
0x243: {  	v6 =	vld @!p1 [tilespmem:s7+$0x14860];
	_ =	sdelay $0x4  }
0x244: {  	v7 =	vand.u32 @!p1 $0x3FFF, v6  }
0x245: {  	v6 =	vshrl.u32 @!p1 v6, $0xE;
	[tilespmem:$0x17B60] =	vst @!p1 v7  }
0x246: {  	[tilespmem:$0x17BE0] =	vst @!p1 v6  }
0x247: {  	v6 =	vld @!p1 [tilespmem:s7+$0x14870];
	_ =	sdelay $0x4  }
0x248: {  	v7 =	vand.u32 @!p1 $0x3FFF, v6  }
0x249: {  	v6 =	vshrl.u32 @!p1 v6, $0xE;
	[tilespmem:$0x17B70] =	vst @!p1 v7  }
0x24a: {  	s10 =	simm.s32 @!p1 $0x10800;
	s8 =	simm.s32 @!p1 $0x17B00;
	s7 =	simm.s32 @!p1 $0x80;
	[tilespmem:$0x17BF0] =	vst @!p1 v6  }
0x24b: {  	[tilespmem:s10], [sflag:$0x2] =	stream.indirect.gather @!p1 [hbm4b:s6+s7], $0x80, s8, s7, $0xb8;
	[tilespmem:$0x1DB00] =	vst v63  }
0x24c: {  	s7 =	simm.s32 $0xC880  }
0x24d: {  	v6 =	vld [tilespmem:s7+$0xFFFFFFF0]  }
0x24e: {  	s8 =	sshll.u32 s24, $0x7;
	v13 =	vld [tilespmem:s7+$0x50]  }
0x24f: {  	s31 =	sadd.s32 $0x0, s8;
	v14 =	vld [tilespmem:s7+$0x60]  }
0x250: {  	v12 =	vld [tilespmem:s7+$0x0];
	v7 =	vmov s31;
	s10 =	sadd.s32 $0x1, s31  }
0x251: {  	v20 =	vld [tilespmem:s7+$0x70];
	v7 =	vand.u32 $0xFFFFFFFE, v7;
	v8 =	vmov s10  }
0x252: {  	v9 =	vld [tilespmem:s7+$0xFFFFFFD0];
	v7 =	vbroadcast v7, $0x0  }
0x253: {  	v16 =	vld [tilespmem:s7+$0x20]  }
0x254: {  	v10 =	vld [tilespmem:s7+$0x40]  }
0x255: {  	v15 =	vld [tilespmem:s7+$0x30]  }
0x256: {  	v8 =	vld.idx.msk [tilespmem:v8+s29+$0x0], $0xffff  }
0x257: {  	v18 =	vld [tilespmem:s7+$0xFFFFFF80]  }
0x258: {  	v7 =	vld.idx.msk [tilespmem:v7+s29+$0x0], $0xffff  }
0x259: {  	v22 =	vld [tilespmem:s7+$0xFFFFFFA0]  }
0x25a: {  	v11 =	vld [tilespmem:s7+$0xFFFFFF90]  }
0x25b: {  	v17 =	vld [tilespmem:s7+$0xFFFFFFB0];
	v21 =	vmul.f32 v12, v8;
	v15 =	vmul.f32 v15, v8  }
0x25c: {  	v12 =	vld [tilespmem:s7+$0x10];
	v19 =	vmul.f32 v16, v8;
	v23 =	vmul.f32 v13, v8  }
0x25d: {  	v13 =	vld [tilespmem:s7+$0xFFFFFFE0];
	v20 =	vmul.f32 v20, v8;
	v16 =	vmul.f32 v18, v7;
	[tilespmem:s7+$0x0] =	vst v21  }
0x25e: {  	s11 =	simm.s32 $0xC880;
	s10 =	simm.s32 $0x2;
	v21 =	vmul.f32 v14, v8;
	v14 =	vmul.f32 v22, v7;
	v18 =	vld [tilespmem:s7+$0xFFFFFFC0];
	[tilespmem:s7+$0x50] =	vst v23  }
.LBB2_15:
0x25f: {  	p1 =	sne.s32 s10, $0x7E  }
0x260: {  	v11 =	vmul.f32 v11, v7;
	v6 =	vmul.f32 v6, v7;
	[tilespmem:s7+$0x60] =	vst v21;
	s11 =	sadd.s32 $0x100, s11;
	s12 =	smov.u32 s10;
	s10 =	sadd.s32 $0x2, s10  }
0x261: {  	v9 =	vmul.f32 v9, v7;
	v17 =	vmul.f32 v17, v7;
	[tilespmem:s7+$0x20] =	vst v19  }
0x262: {  	v12 =	vmul.f32 v12, v8;
	[tilespmem:s7+$0x30] =	vst v15;
	v8 =	vmul.f32 v10, v8  }
0x263: {  	v10 =	vmul.f32 v13, v7;
	[tilespmem:s7+$0x70] =	vst v20  }
0x264: {  	[tilespmem:s7+$0xFFFFFFF0] =	vst v6  }
0x265: {  	v7 =	vmul.f32 v18, v7;
	[tilespmem:s7+$0xFFFFFF80] =	vst v16  }
0x266: {  	v6 =	vld [tilespmem:s11+$0xFFFFFFF0];
	[tilespmem:s7+$0xFFFFFFD0] =	vst v9  }
0x267: {  	s12 =	sadd.s32 s12, s8;
	v13 =	vld [tilespmem:s11+$0x50];
	[tilespmem:s7+$0xFFFFFFA0] =	vst v14  }
0x268: {  	v9 =	vmov s12;
	s12 =	sadd.s32 $0x1, s12;
	v14 =	vld [tilespmem:s11+$0x60];
	[tilespmem:s7+$0x40] =	vst v8  }
0x269: {  	v15 =	vmov s12;
	v8 =	vand.u32 $0xFFFFFFFE, v9;
	v16 =	vld [tilespmem:s11+$0x0];
	[tilespmem:s7+$0xFFFFFFB0] =	vst v17  }
0x26a: {  	v17 =	vbroadcast v8, $0x0;
	v20 =	vld [tilespmem:s11+$0x70];
	[tilespmem:s7+$0xFFFFFFC0] =	vst v7  }
0x26b: {  	v9 =	vld [tilespmem:s11+$0xFFFFFFD0];
	[tilespmem:s7+$0xFFFFFFE0] =	vst v10  }
0x26c: {  	v18 =	vld [tilespmem:s11+$0x20];
	[tilespmem:s7+$0x10] =	vst v12  }
0x26d: {  	v10 =	vld [tilespmem:s11+$0x40];
	[tilespmem:s7+$0xFFFFFF90] =	vst v11;
	s7 =	smov.u32 s11  }
0x26e: {  	v8 =	vld.idx.msk [tilespmem:v15+s29+$0x0], $0xffff  }
0x26f: {  	v12 =	vld [tilespmem:s11+$0x30]  }
0x270: {  	v7 =	vld.idx.msk [tilespmem:v17+s29+$0x0], $0xffff  }
0x271: {  	v21 =	vld [tilespmem:s11+$0xFFFFFF80]  }
0x272: {  	v22 =	vld [tilespmem:s11+$0xFFFFFFA0]  }
.Ltmp11:
0x273: {  	v11 =	vld [tilespmem:s11+$0xFFFFFF90];
	(pc) =	sbr.rel @p1 .LBB2_15-.Ltmp11, $4  }
0x274: {  	v23 =	vmul.f32 v16, v8;
	v17 =	vld [tilespmem:s11+$0xFFFFFFB0];
	v15 =	vmul.f32 v12, v8  }
0x275: {  	v19 =	vmul.f32 v18, v8;
	v24 =	vmul.f32 v13, v8;
	v12 =	vld [tilespmem:s11+$0x10]  }
0x276: {  	v16 =	vmul.f32 v21, v7;
	v13 =	vld [tilespmem:s11+$0xFFFFFFE0];
	[tilespmem:s11+$0x0] =	vst v23;
	v21 =	vmul.f32 v14, v8  }
0x277: {  	v20 =	vmul.f32 v20, v8;
	v14 =	vmul.f32 v22, v7;
	v18 =	vld [tilespmem:s11+$0xFFFFFFC0];
	[tilespmem:s11+$0x50] =	vst v24  }
0x278: {  	[tilespmem:s7+$0x60] =	vst v21  }
0x279: {  	[tilespmem:s7+$0x20] =	vst v19  }
0x27a: {  	[tilespmem:s7+$0x30] =	vst v15  }
0x27b: {  	[tilespmem:s7+$0xFFFFFF80] =	vst v16  }
0x27c: {  	v6 =	vmul.f32 v6, v7;
	[tilespmem:s7+$0x70] =	vst v20  }
0x27d: {  	v9 =	vmul.f32 v9, v7;
	[tilespmem:s7+$0xFFFFFFA0] =	vst v14  }
0x27e: {  	v61 =	vmul.f32 v17, v7;
	[tilespmem:s7+$0xFFFFFFF0] =	vst v6  }
0x27f: {  	v6 =	vmul.f32 v10, v8;
	[tilespmem:s7+$0xFFFFFFD0] =	vst v9  }
0x280: {  	v63 =	vmul.f32 v12, v8;
	[tilespmem:s7+$0xFFFFFFB0] =	vst v61  }
0x281: {  	p1 =	seq.s32 s5, $0x0;
	v62 =	vmul.f32 v18, v7;
	[tilespmem:s7+$0x40] =	vst v6  }
.Ltmp12:
0x282: {  	v6 =	vmul.f32 v13, v7;
	[tilespmem:s7+$0x10] =	vst v63;
	(pc) =	sbr.rel @p1 .LBB2_20-.Ltmp12, $4  }
0x283: {  	v7 =	vmul.f32 v11, v7;
	[tilespmem:s7+$0xFFFFFFC0] =	vst v62  }
0x284: {  	[tilespmem:s7+$0xFFFFFFE0] =	vst v6  }
0x285: {  	[tilespmem:s7+$0xFFFFFF90] =	vst v7  }
0x286: {  	[spmem:s1] =	stream.indirect.scatter.add.f32 [tilespmem:s26], [sflag:$0x3], $0x80, s22, s21, $0xb8;
	[tilespmem:$0x1DB00] =	vst v63  }
.LBB2_17:
0x287: {  	_ =	swait.ge [sflag:s0], $0x4000;
	s4 =	sadd.s32 $0x1, s24  }
0x288: {  	[sflag:s0] =	ssyncset.done $0x0;
	p1 =	sge.s32 s4, s3  }
0x289: {  	[sflag:s0] =	ssyncadd.s32 $0xFFFFC000;
	s5 =	simm.s32 @!p1 $0x3  }
0x28a: {  	_ =	swait.ge @!p1 [sflag:s5], $0x4000  }
0x28b: {  	s7 =	sshll.u32 @!p1 s4, $0x9;
	[sflag:s5] =	ssyncset.done @!p1 $0x0  }
0x28c: {  	[sflag:s5] =	ssyncadd.s32 @!p1 $0xFFFFC000;
	s5 =	sshra.s32 @!p1 s7, $0x2  }
0x28d: {  	v6 =	vld @!p1 [tilespmem:s5+$0x14800];
	_ =	sdelay $0x4  }
0x28e: {  	v7 =	vand.u32 @!p1 $0x3FFF, v6  }
0x28f: {  	v6 =	vshrl.u32 @!p1 v6, $0xE;
	[tilespmem:$0x17A00] =	vst @!p1 v7  }
0x290: {  	[tilespmem:$0x17A80] =	vst @!p1 v6  }
0x291: {  	v6 =	vld @!p1 [tilespmem:s5+$0x14810];
	_ =	sdelay $0x4  }
0x292: {  	v7 =	vand.u32 @!p1 $0x3FFF, v6  }
0x293: {  	v6 =	vshrl.u32 @!p1 v6, $0xE;
	[tilespmem:$0x17A10] =	vst @!p1 v7  }
0x294: {  	[tilespmem:$0x17A90] =	vst @!p1 v6  }
0x295: {  	v6 =	vld @!p1 [tilespmem:s5+$0x14820];
	_ =	sdelay $0x4  }
0x296: {  	v7 =	vand.u32 @!p1 $0x3FFF, v6  }
0x297: {  	v6 =	vshrl.u32 @!p1 v6, $0xE;
	[tilespmem:$0x17A20] =	vst @!p1 v7  }
0x298: {  	[tilespmem:$0x17AA0] =	vst @!p1 v6  }
0x299: {  	v6 =	vld @!p1 [tilespmem:s5+$0x14830];
	_ =	sdelay $0x4  }
0x29a: {  	v7 =	vand.u32 @!p1 $0x3FFF, v6  }
0x29b: {  	v6 =	vshrl.u32 @!p1 v6, $0xE;
	[tilespmem:$0x17A30] =	vst @!p1 v7  }
0x29c: {  	[tilespmem:$0x17AB0] =	vst @!p1 v6  }
0x29d: {  	v6 =	vld @!p1 [tilespmem:s5+$0x14840];
	_ =	sdelay $0x4  }
0x29e: {  	v7 =	vand.u32 @!p1 $0x3FFF, v6  }
0x29f: {  	v6 =	vshrl.u32 @!p1 v6, $0xE;
	[tilespmem:$0x17A40] =	vst @!p1 v7  }
0x2a0: {  	[tilespmem:$0x17AC0] =	vst @!p1 v6  }
0x2a1: {  	v6 =	vld @!p1 [tilespmem:s5+$0x14850];
	_ =	sdelay $0x4  }
0x2a2: {  	v7 =	vand.u32 @!p1 $0x3FFF, v6  }
0x2a3: {  	v6 =	vshrl.u32 @!p1 v6, $0xE;
	[tilespmem:$0x17A50] =	vst @!p1 v7  }
0x2a4: {  	[tilespmem:$0x17AD0] =	vst @!p1 v6  }
0x2a5: {  	v6 =	vld @!p1 [tilespmem:s5+$0x14860];
	_ =	sdelay $0x4  }
0x2a6: {  	v7 =	vand.u32 @!p1 $0x3FFF, v6  }
0x2a7: {  	v6 =	vshrl.u32 @!p1 v6, $0xE;
	[tilespmem:$0x17A60] =	vst @!p1 v7  }
0x2a8: {  	[tilespmem:$0x17AE0] =	vst @!p1 v6  }
0x2a9: {  	v6 =	vld @!p1 [tilespmem:s5+$0x14870];
	_ =	sdelay $0x4  }
0x2aa: {  	v7 =	vand.u32 @!p1 $0x3FFF, v6  }
0x2ab: {  	v6 =	vshrl.u32 @!p1 v6, $0xE;
	[tilespmem:$0x17A70] =	vst @!p1 v7  }
0x2ac: {  	s8 =	simm.s32 @!p1 $0xC800;
	s7 =	simm.s32 @!p1 $0x17A00;
	s5 =	simm.s32 @!p1 $0x80;
	[tilespmem:$0x17AF0] =	vst @!p1 v6  }
0x2ad: {  	[tilespmem:s8], [sflag:$0x1] =	stream.indirect.gather @!p1 [hbm4b:s6+s5], $0x80, s7, s5, $0xb8;
	[tilespmem:$0x1DB00] =	vst v63  }
0x2ae: {  	s5 =	simm.s32 $0x10880  }
0x2af: {  	v6 =	vld [tilespmem:s5+$0xFFFFFFF0]  }
0x2b0: {  	s7 =	sshll.u32 s24, $0x7;
	v13 =	vld [tilespmem:s5+$0x50]  }
0x2b1: {  	s31 =	sadd.s32 $0x0, s7;
	v14 =	vld [tilespmem:s5+$0x60]  }
0x2b2: {  	v12 =	vld [tilespmem:s5+$0x0];
	v7 =	vmov s31;
	s8 =	sadd.s32 $0x1, s31  }
0x2b3: {  	v20 =	vld [tilespmem:s5+$0x70];
	v7 =	vand.u32 $0xFFFFFFFE, v7;
	v8 =	vmov s8  }
0x2b4: {  	v9 =	vld [tilespmem:s5+$0xFFFFFFD0];
	v7 =	vbroadcast v7, $0x0  }
0x2b5: {  	v16 =	vld [tilespmem:s5+$0x20]  }
0x2b6: {  	v10 =	vld [tilespmem:s5+$0x40]  }
0x2b7: {  	v15 =	vld [tilespmem:s5+$0x30]  }
0x2b8: {  	v8 =	vld.idx.msk [tilespmem:v8+s29+$0x0], $0xffff  }
0x2b9: {  	v18 =	vld [tilespmem:s5+$0xFFFFFF80]  }
0x2ba: {  	v7 =	vld.idx.msk [tilespmem:v7+s29+$0x0], $0xffff  }
0x2bb: {  	v22 =	vld [tilespmem:s5+$0xFFFFFFA0]  }
0x2bc: {  	v11 =	vld [tilespmem:s5+$0xFFFFFF90]  }
0x2bd: {  	v17 =	vld [tilespmem:s5+$0xFFFFFFB0];
	v21 =	vmul.f32 v12, v8;
	v15 =	vmul.f32 v15, v8  }
0x2be: {  	v12 =	vld [tilespmem:s5+$0x10];
	v19 =	vmul.f32 v16, v8;
	v23 =	vmul.f32 v13, v8  }
0x2bf: {  	v13 =	vld [tilespmem:s5+$0xFFFFFFE0];
	v20 =	vmul.f32 v20, v8;
	v16 =	vmul.f32 v18, v7;
	[tilespmem:s5+$0x0] =	vst v21  }
0x2c0: {  	s10 =	simm.s32 $0x10880;
	s8 =	simm.s32 $0x2;
	v21 =	vmul.f32 v14, v8;
	v14 =	vmul.f32 v22, v7;
	v18 =	vld [tilespmem:s5+$0xFFFFFFC0];
	[tilespmem:s5+$0x50] =	vst v23  }
.LBB2_18:
0x2c1: {  	p1 =	sne.s32 s8, $0x7E  }
0x2c2: {  	v11 =	vmul.f32 v11, v7;
	v6 =	vmul.f32 v6, v7;
	[tilespmem:s5+$0x60] =	vst v21;
	s10 =	sadd.s32 $0x100, s10;
	s11 =	smov.u32 s8;
	s8 =	sadd.s32 $0x2, s8  }
0x2c3: {  	v9 =	vmul.f32 v9, v7;
	v17 =	vmul.f32 v17, v7;
	[tilespmem:s5+$0x20] =	vst v19  }
0x2c4: {  	v12 =	vmul.f32 v12, v8;
	[tilespmem:s5+$0x30] =	vst v15;
	v8 =	vmul.f32 v10, v8  }
0x2c5: {  	v10 =	vmul.f32 v13, v7;
	[tilespmem:s5+$0x70] =	vst v20  }
0x2c6: {  	[tilespmem:s5+$0xFFFFFFF0] =	vst v6  }
0x2c7: {  	v7 =	vmul.f32 v18, v7;
	[tilespmem:s5+$0xFFFFFF80] =	vst v16  }
0x2c8: {  	v6 =	vld [tilespmem:s10+$0xFFFFFFF0];
	[tilespmem:s5+$0xFFFFFFD0] =	vst v9  }
0x2c9: {  	s11 =	sadd.s32 s11, s7;
	v13 =	vld [tilespmem:s10+$0x50];
	[tilespmem:s5+$0xFFFFFFA0] =	vst v14  }
0x2ca: {  	v9 =	vmov s11;
	s11 =	sadd.s32 $0x1, s11;
	v14 =	vld [tilespmem:s10+$0x60];
	[tilespmem:s5+$0x40] =	vst v8  }
0x2cb: {  	v15 =	vmov s11;
	v8 =	vand.u32 $0xFFFFFFFE, v9;
	v16 =	vld [tilespmem:s10+$0x0];
	[tilespmem:s5+$0xFFFFFFB0] =	vst v17  }
0x2cc: {  	v17 =	vbroadcast v8, $0x0;
	v20 =	vld [tilespmem:s10+$0x70];
	[tilespmem:s5+$0xFFFFFFC0] =	vst v7  }
0x2cd: {  	v9 =	vld [tilespmem:s10+$0xFFFFFFD0];
	[tilespmem:s5+$0xFFFFFFE0] =	vst v10  }
0x2ce: {  	v18 =	vld [tilespmem:s10+$0x20];
	[tilespmem:s5+$0x10] =	vst v12  }
0x2cf: {  	v10 =	vld [tilespmem:s10+$0x40];
	[tilespmem:s5+$0xFFFFFF90] =	vst v11;
	s5 =	smov.u32 s10  }
0x2d0: {  	v8 =	vld.idx.msk [tilespmem:v15+s29+$0x0], $0xffff  }
0x2d1: {  	v12 =	vld [tilespmem:s10+$0x30]  }
0x2d2: {  	v7 =	vld.idx.msk [tilespmem:v17+s29+$0x0], $0xffff  }
0x2d3: {  	v21 =	vld [tilespmem:s10+$0xFFFFFF80]  }
0x2d4: {  	v22 =	vld [tilespmem:s10+$0xFFFFFFA0]  }
.Ltmp13:
0x2d5: {  	v11 =	vld [tilespmem:s10+$0xFFFFFF90];
	(pc) =	sbr.rel @p1 .LBB2_18-.Ltmp13, $4  }
0x2d6: {  	v23 =	vmul.f32 v16, v8;
	v17 =	vld [tilespmem:s10+$0xFFFFFFB0];
	v15 =	vmul.f32 v12, v8  }
0x2d7: {  	v19 =	vmul.f32 v18, v8;
	v24 =	vmul.f32 v13, v8;
	v12 =	vld [tilespmem:s10+$0x10]  }
0x2d8: {  	v16 =	vmul.f32 v21, v7;
	v13 =	vld [tilespmem:s10+$0xFFFFFFE0];
	[tilespmem:s10+$0x0] =	vst v23;
	v21 =	vmul.f32 v14, v8  }
0x2d9: {  	v20 =	vmul.f32 v20, v8;
	v14 =	vmul.f32 v22, v7;
	v18 =	vld [tilespmem:s10+$0xFFFFFFC0];
	[tilespmem:s10+$0x50] =	vst v24  }
0x2da: {  	[tilespmem:s5+$0x60] =	vst v21  }
0x2db: {  	[tilespmem:s5+$0x20] =	vst v19  }
0x2dc: {  	[tilespmem:s5+$0x30] =	vst v15  }
0x2dd: {  	[tilespmem:s5+$0xFFFFFF80] =	vst v16  }
0x2de: {  	v6 =	vmul.f32 v6, v7;
	[tilespmem:s5+$0x70] =	vst v20  }
0x2df: {  	v9 =	vmul.f32 v9, v7;
	[tilespmem:s5+$0xFFFFFFA0] =	vst v14  }
0x2e0: {  	v61 =	vmul.f32 v17, v7;
	[tilespmem:s5+$0xFFFFFFF0] =	vst v6  }
0x2e1: {  	v6 =	vmul.f32 v10, v8;
	[tilespmem:s5+$0xFFFFFFD0] =	vst v9  }
0x2e2: {  	v63 =	vmul.f32 v12, v8;
	[tilespmem:s5+$0xFFFFFFB0] =	vst v61  }
0x2e3: {  	v62 =	vmul.f32 v18, v7;
	[tilespmem:s5+$0x40] =	vst v6  }
.Ltmp14:
0x2e4: {  	v6 =	vmul.f32 v13, v7;
	[tilespmem:s5+$0x10] =	vst v63;
	(pc) =	sbr.rel .LBB2_20-.Ltmp14, $4  }
0x2e5: {  	v7 =	vmul.f32 v11, v7;
	[tilespmem:s5+$0xFFFFFFC0] =	vst v62  }
0x2e6: {  	[tilespmem:s5+$0xFFFFFFE0] =	vst v6  }
0x2e7: {  	[tilespmem:s5+$0xFFFFFF90] =	vst v7  }
0x2e8: {  	[spmem:s1] =	stream.indirect.scatter.add.f32 [tilespmem:s20], [sflag:$0x4], $0x80, s19, s21, $0xb8;
	[tilespmem:$0x1DB00] =	vst v63  }
.LBB2_21:
0x2e9: {  	s4 =	sand.u32 $0x1, s3  }
0x2ea: {  	p2 =	seq.s32 s4, $0x0  }
0x2eb: {  	s5 =	simm.s32 @!p2 $0x3  }
0x2ec: {  	_ =	swait.ge @!p2 [sflag:s5], $0x4000  }
0x2ed: {  	p1 =	sne.s32 s4, $0x0;
	[sflag:s5] =	ssyncset.done @!p2 $0x0  }
0x2ee: {  	p3 =	seq.s32 s4, $0x1;
	s4 =	simm.s32 @!p1 $0x4;
	[sflag:s5] =	ssyncadd.s32 @!p2 $0xFFFFC000  }
0x2ef: {  	p6 =	seq.s32 s3, $0x1;
	p3 =	por !p3, !p3;
	_ =	swait.ge @!p1 [sflag:s4], $0x4000  }
0x2f0: {  	p2 =	por p6, p3;
	[sflag:s4] =	ssyncset.done @!p1 $0x0  }
0x2f1: {  	s3 =	simm.s32 @!p2 $0x4;
	[sflag:s4] =	ssyncadd.s32 @!p1 $0xFFFFC000  }
0x2f2: {  	_ =	swait.ge @!p2 [sflag:s3], $0x4000  }
0x2f3: {  	[sflag:s3] =	ssyncset.done @!p2 $0x0  }
0x2f4: {  	[sflag:s3] =	ssyncadd.s32 @!p2 $0xFFFFC000;
	s3 =	simm.s32 @!p1 $0x3  }
0x2f5: {  	_ =	swait.ge @!p1 [sflag:s3], $0x4000  }
0x2f6: {  	[sflag:s3] =	ssyncset.done @!p1 $0x0  }
0x2f7: {  	[sflag:s3] =	ssyncadd.s32 @!p1 $0xFFFFC000  }
.LBB2_22:
0x2f8: {  	s3 =	stileid.u32  }
0x2f9: {  	[bflag:$0x0] =	sbarrier.arrive $0xFFFF;
	s3 =	sshll.u32 s3, $0x6  }
0x2fa: {  	s4 =	rddreg [dreg:$0xb];
	s24 =	sor.u32 $0x1C05, s3;
	s3 =	sshrl.u32 s13, $0x3  }
0x2fb: {  	[hbm:s4], [sflag:s24] =	dma.local [spmem:s3], $0xA00  }
0x2fc: {  	_ =	swait.ge [sflag:s18], $0xA00  }
0x2fd: {  	[sflag:s18] =	ssyncset.done $0x0  }
0x2fe: {  	[sflag:s18] =	ssyncadd.s32 $0xFFFFF600  }
0x2ff: {  	s5 =	simm.s32 $0x200;
	s4 =	simm.s32 $0x0;
	[bflag:$0x0] =	sbarrier.arrive $0xFFFF  }
.LBB2_23:
0x300: {  	p1 =	sne.s32 s5, $0xFE00;
	[tilespmem:s4+$0xC870] =	vst v3  }
0x301: {  	[tilespmem:s4+$0xC800] =	vst v3  }
0x302: {  	[tilespmem:s4+$0xC810] =	vst v3  }
.Ltmp15:
0x303: {  	[tilespmem:s4+$0xC820] =	vst v3;
	(pc) =	sbr.rel @p1 .LBB2_23-.Ltmp15, $4  }
0x304: {  	[tilespmem:s4+$0xC830] =	vst v3  }
0x305: {  	[tilespmem:s4+$0xC840] =	vst v3  }
0x306: {  	[tilespmem:s4+$0xC850] =	vst v3  }
0x307: {  	[tilespmem:s4+$0xC860] =	vst v3;
	s4 =	sshra.s32 s5, $0x2;
	s5 =	sadd.s32 $0x200, s5  }
0x308: {  	[tilespmem:s4+$0xC870] =	vst v3  }
0x309: {  	[tilespmem:s4+$0xC800] =	vst v3  }
0x30a: {  	[tilespmem:s4+$0xC810] =	vst v3  }
0x30b: {  	[tilespmem:s4+$0xC820] =	vst v3  }
0x30c: {  	[tilespmem:s4+$0xC830] =	vst v3  }
0x30d: {  	[tilespmem:s4+$0xC840] =	vst v3  }
0x30e: {  	[tilespmem:s4+$0xC850] =	vst v3  }
0x30f: {  	[tilespmem:s4+$0xC860] =	vst v3  }
0x310: {  	[spmem:s13] =	stream.linear.scatter [tilespmem:s26], [sflag:$0x5], $0x4000, $0x38;
	[tilespmem:$0x1DB00] =	vst v63  }
0x311: {  	_ =	swait.ge [sflag:s18], $0x4000  }
0x312: {  	[sflag:s18] =	ssyncset.done $0x0  }
0x313: {  	[sflag:s18] =	ssyncadd.s32 $0xFFFFC000  }
0x314: {  	[spmem:s14] =	stream.linear.scatter [tilespmem:s26], [sflag:$0x5], $0x1000, $0x38;
	[tilespmem:$0x1DB00] =	vst v63  }
0x315: {  	_ =	swait.ge [sflag:s18], $0x1000  }
0x316: {  	[sflag:s18] =	ssyncset.done $0x0  }
0x317: {  	[sflag:s18] =	ssyncadd.s32 $0xFFFFF000  }
0x318: {  	s7 =	simm.s32 $0x0;
	[bflag:$0x0] =	sbarrier.arrive $0xFFFF  }
0x319: {  	v6 =	vld [tilespmem:s7+$0x0];
	_ =	sdelay $0x4  }
0x31a: {  	v7 =	vshrl.u32 v6, $0xE  }
0x31b: {  	v7 =	vsub.s32 v7, v1  }
0x31c: {  	vm0 =	vlt.u32 v7, $0xA00  }
0x31d: {  	v8 =	vsel vm0, $0x1, v4  }
0x31e: {  	(xrf0) =	vadd.scan.msk.s32 $0xffff, v8;
	_ =	sdelay $0x2  }
0x31f: {  	s4 =	simm.s32 $0x0;
	s5 =	simm.s32 $0x40;
	s8 =	simm.s32 $0x80  }
.LBB2_25:
0x320: {  	p1 =	sne.s32 s8, $0x13FC0;
	_ =	sdelay $0x1  }
0x321: {  	s10 =	sadd.s32 $0xFFFFFFFF, s4;
	v8, _, _ =	vpop (xrf0)  }
0x322: {  	v9 =	vadd.s32 s10, v8;
	(v2sf) =	vpush v8, $0xF  }
0x323: {  	v8 =	vld [tilespmem:s7+$0x5000];
	_ =	sdelay $0x1  }
0x324: {  	v6 =	vand.u32 $0x3FFF, v6;
	v7 =	vshll.u32 v7, $0xE  }
0x325: {  	v6 =	vor.u32 v6, v7  }
0x326: {  	[tilespmem:v9+s28+$0x0] =	vst.idx.msk vm0, v6  }
0x327: {  	s7 =	sshra.s32 s5, $0x2;
	s5 =	smov.u32 s8;
	[tilespmem:v9+s29+$0x0] =	vst.idx.msk vm0, v8  }
0x328: {  	v6 =	vld [tilespmem:s7+$0x0];
	_ =	sdelay $0x4  }
0x329: {  	v7 =	vshrl.u32 v6, $0xE  }
0x32a: {  	v7 =	vsub.s32 v7, v1  }
0x32b: {  	vm0 =	vlt.u32 v7, $0xA00  }
.Ltmp16:
0x32c: {  	v8 =	vsel vm0, $0x1, v4;
	s10 =	spop (v2sf);
	(pc) =	sbr.rel @p1 .LBB2_25-.Ltmp16, $2  }
0x32d: {  	(xrf0) =	vadd.scan.msk.s32 $0xffff, v8;
	s4 =	sadd.s32 s4, s10;
	_ =	sdelay $0x2  }
0x32e: {  	s8 =	sadd.s32 $0x40, s8  }
0x32f: {  	_ =	sdelay $0x1  }
0x330: {  	s8 =	sadd.s32 $0xFFFFFFFF, s4;
	v8, _, _ =	vpop (xrf0)  }
0x331: {  	v9 =	vadd.s32 s8, v8  }
0x332: {  	v10 =	vld [tilespmem:s7+$0x5000];
	_ =	sdelay $0x1  }
0x333: {  	v6 =	vand.u32 $0x3FFF, v6;
	v7 =	vshll.u32 v7, $0xE  }
0x334: {  	v6 =	vor.u32 v6, v7  }
0x335: {  	[tilespmem:v9+s28+$0x0] =	vst.idx.msk vm0, v6  }
0x336: {  	s5 =	sshra.s32 s5, $0x2;
	[tilespmem:v9+s29+$0x0] =	vst.idx.msk vm0, v10  }
0x337: {  	v6 =	vld [tilespmem:s5+$0x0];
	_ =	sdelay $0x4  }
0x338: {  	v7 =	vshrl.u32 v6, $0xE  }
0x339: {  	v7 =	vsub.s32 v7, v1  }
0x33a: {  	vm15 =	vlt.u32 v7, $0xA00  }
0x33b: {  	v58 =	vsel vm15, $0x1, v4  }
0x33c: {  	(xrf0) =	vadd.scan.msk.s32 $0xffff, v58;
	_ =	sdelay $0x3  }
0x33d: {  	(v2sf) =	vpush v8, $0xF;
	_ =	sdelay $0x1  }
0x33e: {  	v59, _, _ =	vpop (xrf0)  }
0x33f: {  	(v2sf) =	vpush v59, $0xF;
	_ =	sdelay $0xb  }
0x340: {  	s31 =	spop (v2sf)  }
0x341: {  	s8 =	sadd.s32 s4, s31  }
0x342: {  	s7 =	sadd.s32 $0xFFFFFFFF, s8  }
0x343: {  	v8 =	vadd.s32 s7, v59;
	s10 =	spop (v2sf)  }
0x344: {  	v60 =	vld [tilespmem:s5+$0x5000];
	s4 =	sadd.s32 s8, s10  }
0x345: {  	v61 =	vadd.s32 s4, v5  }
0x346: {  	v6 =	vand.u32 $0x3FFF, v6;
	v7 =	vshll.u32 v7, $0xE;
	s11 =	sadd.s32 $0x10, s4  }
0x347: {  	v6 =	vor.u32 v6, v7;
	v7 =	vadd.s32 s11, v5  }
0x348: {  	[tilespmem:v8+s28+$0x0] =	vst.idx.msk vm15, v6;
	s12 =	sadd.s32 $0x20, s4  }
0x349: {  	[tilespmem:v8+s29+$0x0] =	vst.idx.msk vm15, v60;
	v6 =	vadd.s32 s12, v5  }
0x34a: {  	s31 =	sadd.s32 $0x30, s4;
	[tilespmem:v61+s28+$0x0] =	vst.idx.msk $0xffff, v4  }
0x34b: {  	v62 =	vadd.s32 s31, v5;
	[tilespmem:v61+s29+$0x0] =	vst.idx.msk $0xffff, v3  }
0x34c: {  	s7 =	sadd.s32 $0x40, s4;
	[tilespmem:v7+s28+$0x0] =	vst.idx.msk $0xffff, v4  }
0x34d: {  	[tilespmem:v7+s29+$0x0] =	vst.idx.msk $0xffff, v3;
	v7 =	vadd.s32 s7, v5  }
0x34e: {  	[tilespmem:v6+s28+$0x0] =	vst.idx.msk $0xffff, v4  }
0x34f: {  	[tilespmem:v6+s29+$0x0] =	vst.idx.msk $0xffff, v3  }
0x350: {  	s8 =	sadd.s32 $0x50, s4;
	s11 =	sadd.s32 $0x7F, s4;
	[tilespmem:v62+s28+$0x0] =	vst.idx.msk $0xffff, v4  }
0x351: {  	s10 =	sadd.s32 $0x60, s4;
	s4 =	sadd.s32 $0x70, s4;
	s12 =	sand.u32 $0x7F, s11;
	[tilespmem:v62+s29+$0x0] =	vst.idx.msk $0xffff, v3  }
0x352: {  	s31 =	sshra.s32 s11, $0x1F;
	p1 =	slt.s32 s11, $0x1;
	p2 =	sne.s32 s12, $0x0;
	v6 =	vadd.s32 s8, v5;
	[tilespmem:v7+s28+$0x0] =	vst.idx.msk $0xffff, v4  }
0x353: {  	p1 =	por !p1, !p2;
	[tilespmem:v7+s29+$0x0] =	vst.idx.msk $0xffff, v3;
	v7 =	vadd.s32 s4, v5;
	s4 =	sshrl.u32 s31, $0x19  }
0x354: {  	s5 =	simm.s32 $0x1;
	v63 =	vadd.s32 s10, v5;
	p1 =	por !p1, !p1;
	s4 =	sadd.s32 s4, s11  }
0x355: {  	s5 =	simm.s32 @!p1 $0x0;
	s4 =	sshra.s32 s4, $0x7  }
0x356: {  	s4 =	ssub.s32 s4, s5  }
0x357: {  	[tilespmem:v6+s28+$0x0] =	vst.idx.msk $0xffff, v4;
	p1 =	slt.s32 s4, $0x1  }
.Ltmp17:
0x358: {  	[tilespmem:v6+s29+$0x0] =	vst.idx.msk $0xffff, v3;
	(pc) =	sbr.rel @p1 .LBB2_37-.Ltmp17, $4  }
0x359: {  	[tilespmem:v63+s28+$0x0] =	vst.idx.msk $0xffff, v4  }
0x35a: {  	[tilespmem:v63+s29+$0x0] =	vst.idx.msk $0xffff, v3  }
0x35b: {  	[tilespmem:v7+s28+$0x0] =	vst.idx.msk $0xffff, v4  }
0x35c: {  	[tilespmem:v7+s29+$0x0] =	vst.idx.msk $0xffff, v3  }
0x35d: {  	v6 =	vld [tilespmem:$0x14800];
	_ =	sdelay $0x1  }
0x35e: {  	v7 =	vld [tilespmem:$0x14810];
	_ =	sdelay $0x1  }
0x35f: {  	v8 =	vld [tilespmem:$0x14820]  }
0x360: {  	v9 =	vand.u32 $0x3FFF, v6  }
0x361: {  	v61 =	vld [tilespmem:$0x14830];
	v6 =	vshrl.u32 v6, $0xE;
	[tilespmem:$0x17A00] =	vst v9  }
0x362: {  	[tilespmem:$0x17A80] =	vst v6;
	v6 =	vand.u32 $0x3FFF, v7  }
0x363: {  	[tilespmem:$0x17A10] =	vst v6;
	v6 =	vshrl.u32 v7, $0xE;
	v7 =	vld [tilespmem:$0x14840]  }
0x364: {  	[tilespmem:$0x17A90] =	vst v6;
	v6 =	vand.u32 $0x3FFF, v8  }
0x365: {  	v62 =	vld [tilespmem:$0x14850];
	[tilespmem:$0x17A20] =	vst v6;
	v6 =	vshrl.u32 v8, $0xE  }
0x366: {  	[tilespmem:$0x17AA0] =	vst v6;
	v6 =	vand.u32 $0x3FFF, v61  }
0x367: {  	v63 =	vld [tilespmem:$0x14860];
	[tilespmem:$0x17A30] =	vst v6;
	v6 =	vshrl.u32 v61, $0xE  }
0x368: {  	[tilespmem:$0x17AB0] =	vst v6;
	v6 =	vand.u32 $0x3FFF, v7  }
0x369: {  	[tilespmem:$0x17A40] =	vst v6;
	v6 =	vshrl.u32 v7, $0xE;
	v7 =	vld [tilespmem:$0x14870]  }
0x36a: {  	[tilespmem:$0x17AC0] =	vst v6;
	v6 =	vand.u32 $0x3FFF, v62  }
0x36b: {  	[tilespmem:$0x17A50] =	vst v6;
	v6 =	vshrl.u32 v62, $0xE  }
0x36c: {  	[tilespmem:$0x17AD0] =	vst v6;
	v6 =	vand.u32 $0x3FFF, v63  }
.Ltmp18:
0x36d: {  	[tilespmem:$0x17A60] =	vst v6;
	v6 =	vshrl.u32 v63, $0xE;
	(pc) =	sbr.rel .LBB2_28-.Ltmp18, $4  }
0x36e: {  	[tilespmem:$0x17AE0] =	vst v6;
	v6 =	vand.u32 $0x3FFF, v7  }
0x36f: {  	[tilespmem:$0x17A70] =	vst v6;
	v6 =	vshrl.u32 v7, $0xE  }
0x370: {  	s31 =	simm.s32 $0x0;
	[tilespmem:$0x17AF0] =	vst v6  }
0x371: {  	[tilespmem:s26], [sflag:$0x1] =	stream.indirect.gather [hbm4b:s6+s21], $0x80, s15, s21, $0xb8;
	[tilespmem:$0x1DB00] =	vst v63  }
.LBB2_35:
0x372: {  	p1 =	sne.s32 s5, s4  }
.Ltmp19:
0x373: {  	_ = 	snop;
	(pc) =	sbr.rel @!p1 .LBB2_36-.Ltmp19, $2  }
0x374: {  	_ =	sdelay $0x2  }
0x375: {  	s31 =	smov.u32 s5  }
.LBB2_28:
0x376: {  	s7 =	sand.u32 $0x1, s31  }
0x377: {  	p1 =	seq.s32 s7, $0x1  }
.Ltmp20:
0x378: {  	_ = 	snop;
	(pc) =	sbr.rel @p1 .LBB2_32-.Ltmp20, $1  }
0x379: {  	_ =	sdelay $0x3  }
0x37a: {  	s5 =	sor.u32 $0x1, s31  }
0x37b: {  	p1 =	sge.s32 s5, s4  }
0x37c: {  	_ =	swait.ge [sflag:s30], $0x4000;
	p2 =	seq.s32 @!p1 s31, $0x0  }
0x37d: {  	[sflag:s30] =	ssyncset.done $0x0;
	p2 =	por p2, p1  }
0x37e: {  	[sflag:s30] =	ssyncadd.s32 $0xFFFFC000;
	s8 =	simm.s32 @!p2 $0x4  }
0x37f: {  	_ =	swait.ge @!p2 [sflag:s8], $0x4000  }
0x380: {  	s10 =	sshll.u32 @!p1 s5, $0x9;
	[sflag:s8] =	ssyncset.done @!p2 $0x0  }
0x381: {  	[sflag:s8] =	ssyncadd.s32 @!p2 $0xFFFFC000;
	s8 =	sshra.s32 @!p1 s10, $0x2  }
0x382: {  	v6 =	vld @!p1 [tilespmem:s8+$0x14800];
	_ =	sdelay $0x4  }
0x383: {  	v7 =	vand.u32 @!p1 $0x3FFF, v6  }
0x384: {  	v6 =	vshrl.u32 @!p1 v6, $0xE;
	[tilespmem:$0x17B00] =	vst @!p1 v7  }
0x385: {  	[tilespmem:$0x17B80] =	vst @!p1 v6  }
0x386: {  	v6 =	vld @!p1 [tilespmem:s8+$0x14810];
	_ =	sdelay $0x4  }
0x387: {  	v7 =	vand.u32 @!p1 $0x3FFF, v6  }
0x388: {  	v6 =	vshrl.u32 @!p1 v6, $0xE;
	[tilespmem:$0x17B10] =	vst @!p1 v7  }
0x389: {  	[tilespmem:$0x17B90] =	vst @!p1 v6  }
0x38a: {  	v6 =	vld @!p1 [tilespmem:s8+$0x14820];
	_ =	sdelay $0x4  }
0x38b: {  	v7 =	vand.u32 @!p1 $0x3FFF, v6  }
0x38c: {  	v6 =	vshrl.u32 @!p1 v6, $0xE;
	[tilespmem:$0x17B20] =	vst @!p1 v7  }
0x38d: {  	[tilespmem:$0x17BA0] =	vst @!p1 v6  }
0x38e: {  	v6 =	vld @!p1 [tilespmem:s8+$0x14830];
	_ =	sdelay $0x4  }
0x38f: {  	v7 =	vand.u32 @!p1 $0x3FFF, v6  }
0x390: {  	v6 =	vshrl.u32 @!p1 v6, $0xE;
	[tilespmem:$0x17B30] =	vst @!p1 v7  }
0x391: {  	[tilespmem:$0x17BB0] =	vst @!p1 v6  }
0x392: {  	v6 =	vld @!p1 [tilespmem:s8+$0x14840];
	_ =	sdelay $0x4  }
0x393: {  	v7 =	vand.u32 @!p1 $0x3FFF, v6  }
0x394: {  	v6 =	vshrl.u32 @!p1 v6, $0xE;
	[tilespmem:$0x17B40] =	vst @!p1 v7  }
0x395: {  	[tilespmem:$0x17BC0] =	vst @!p1 v6  }
0x396: {  	v6 =	vld @!p1 [tilespmem:s8+$0x14850];
	_ =	sdelay $0x4  }
0x397: {  	v7 =	vand.u32 @!p1 $0x3FFF, v6  }
0x398: {  	v6 =	vshrl.u32 @!p1 v6, $0xE;
	[tilespmem:$0x17B50] =	vst @!p1 v7  }
0x399: {  	[tilespmem:$0x17BD0] =	vst @!p1 v6  }
0x39a: {  	v6 =	vld @!p1 [tilespmem:s8+$0x14860];
	_ =	sdelay $0x4  }
0x39b: {  	v7 =	vand.u32 @!p1 $0x3FFF, v6  }
0x39c: {  	v6 =	vshrl.u32 @!p1 v6, $0xE;
	[tilespmem:$0x17B60] =	vst @!p1 v7  }
0x39d: {  	[tilespmem:$0x17BE0] =	vst @!p1 v6  }
0x39e: {  	v6 =	vld @!p1 [tilespmem:s8+$0x14870];
	_ =	sdelay $0x4  }
0x39f: {  	v7 =	vand.u32 @!p1 $0x3FFF, v6  }
0x3a0: {  	v6 =	vshrl.u32 @!p1 v6, $0xE;
	[tilespmem:$0x17B70] =	vst @!p1 v7  }
0x3a1: {  	s11 =	simm.s32 @!p1 $0x10800;
	s10 =	simm.s32 @!p1 $0x17B00;
	s8 =	simm.s32 @!p1 $0x80;
	[tilespmem:$0x17BF0] =	vst @!p1 v6  }
0x3a2: {  	[tilespmem:s11], [sflag:$0x2] =	stream.indirect.gather @!p1 [hbm4b:s6+s8], $0x80, s10, s8, $0xb8;
	[tilespmem:$0x1DB00] =	vst v63  }
0x3a3: {  	s8 =	simm.s32 $0xC880  }
0x3a4: {  	v6 =	vld [tilespmem:s8+$0xFFFFFFF0]  }
0x3a5: {  	s10 =	sshll.u32 s31, $0x7;
	v13 =	vld [tilespmem:s8+$0x50]  }
0x3a6: {  	s15 =	sadd.s32 $0x0, s10;
	v14 =	vld [tilespmem:s8+$0x60]  }
0x3a7: {  	v12 =	vld [tilespmem:s8+$0x0];
	v7 =	vmov s15;
	s11 =	sadd.s32 $0x1, s15  }
0x3a8: {  	v20 =	vld [tilespmem:s8+$0x70];
	v7 =	vand.u32 $0xFFFFFFFE, v7;
	v8 =	vmov s11  }
0x3a9: {  	v9 =	vld [tilespmem:s8+$0xFFFFFFD0];
	v7 =	vbroadcast v7, $0x0  }
0x3aa: {  	v16 =	vld [tilespmem:s8+$0x20]  }
0x3ab: {  	v10 =	vld [tilespmem:s8+$0x40]  }
0x3ac: {  	v15 =	vld [tilespmem:s8+$0x30]  }
0x3ad: {  	v8 =	vld.idx.msk [tilespmem:v8+s29+$0x0], $0xffff  }
0x3ae: {  	v18 =	vld [tilespmem:s8+$0xFFFFFF80]  }
0x3af: {  	v7 =	vld.idx.msk [tilespmem:v7+s29+$0x0], $0xffff  }
0x3b0: {  	v22 =	vld [tilespmem:s8+$0xFFFFFFA0]  }
0x3b1: {  	v11 =	vld [tilespmem:s8+$0xFFFFFF90]  }
0x3b2: {  	v17 =	vld [tilespmem:s8+$0xFFFFFFB0];
	v21 =	vmul.f32 v12, v8;
	v15 =	vmul.f32 v15, v8  }
0x3b3: {  	v12 =	vld [tilespmem:s8+$0x10];
	v19 =	vmul.f32 v16, v8;
	v23 =	vmul.f32 v13, v8  }
0x3b4: {  	v13 =	vld [tilespmem:s8+$0xFFFFFFE0];
	v20 =	vmul.f32 v20, v8;
	v16 =	vmul.f32 v18, v7;
	[tilespmem:s8+$0x0] =	vst v21  }
0x3b5: {  	s12 =	simm.s32 $0xC880;
	s11 =	simm.s32 $0x2;
	v21 =	vmul.f32 v14, v8;
	v14 =	vmul.f32 v22, v7;
	v18 =	vld [tilespmem:s8+$0xFFFFFFC0];
	[tilespmem:s8+$0x50] =	vst v23  }
.LBB2_30:
0x3b6: {  	p1 =	sne.s32 s11, $0x7E  }
0x3b7: {  	v11 =	vmul.f32 v11, v7;
	v6 =	vmul.f32 v6, v7;
	[tilespmem:s8+$0x60] =	vst v21;
	s12 =	sadd.s32 $0x100, s12;
	s15 =	smov.u32 s11;
	s11 =	sadd.s32 $0x2, s11  }
0x3b8: {  	v9 =	vmul.f32 v9, v7;
	v17 =	vmul.f32 v17, v7;
	[tilespmem:s8+$0x20] =	vst v19  }
0x3b9: {  	v12 =	vmul.f32 v12, v8;
	[tilespmem:s8+$0x30] =	vst v15;
	v8 =	vmul.f32 v10, v8  }
0x3ba: {  	v10 =	vmul.f32 v13, v7;
	[tilespmem:s8+$0x70] =	vst v20  }
0x3bb: {  	[tilespmem:s8+$0xFFFFFFF0] =	vst v6  }
0x3bc: {  	v7 =	vmul.f32 v18, v7;
	[tilespmem:s8+$0xFFFFFF80] =	vst v16  }
0x3bd: {  	v6 =	vld [tilespmem:s12+$0xFFFFFFF0];
	[tilespmem:s8+$0xFFFFFFD0] =	vst v9  }
0x3be: {  	s15 =	sadd.s32 s15, s10;
	v13 =	vld [tilespmem:s12+$0x50];
	[tilespmem:s8+$0xFFFFFFA0] =	vst v14  }
0x3bf: {  	v9 =	vmov s15;
	s15 =	sadd.s32 $0x1, s15;
	v14 =	vld [tilespmem:s12+$0x60];
	[tilespmem:s8+$0x40] =	vst v8  }
0x3c0: {  	v15 =	vmov s15;
	v8 =	vand.u32 $0xFFFFFFFE, v9;
	v16 =	vld [tilespmem:s12+$0x0];
	[tilespmem:s8+$0xFFFFFFB0] =	vst v17  }
0x3c1: {  	v17 =	vbroadcast v8, $0x0;
	v20 =	vld [tilespmem:s12+$0x70];
	[tilespmem:s8+$0xFFFFFFC0] =	vst v7  }
0x3c2: {  	v9 =	vld [tilespmem:s12+$0xFFFFFFD0];
	[tilespmem:s8+$0xFFFFFFE0] =	vst v10  }
0x3c3: {  	v18 =	vld [tilespmem:s12+$0x20];
	[tilespmem:s8+$0x10] =	vst v12  }
0x3c4: {  	v10 =	vld [tilespmem:s12+$0x40];
	[tilespmem:s8+$0xFFFFFF90] =	vst v11;
	s8 =	smov.u32 s12  }
0x3c5: {  	v8 =	vld.idx.msk [tilespmem:v15+s29+$0x0], $0xffff  }
0x3c6: {  	v12 =	vld [tilespmem:s12+$0x30]  }
0x3c7: {  	v7 =	vld.idx.msk [tilespmem:v17+s29+$0x0], $0xffff  }
0x3c8: {  	v21 =	vld [tilespmem:s12+$0xFFFFFF80]  }
0x3c9: {  	v22 =	vld [tilespmem:s12+$0xFFFFFFA0]  }
.Ltmp21:
0x3ca: {  	v11 =	vld [tilespmem:s12+$0xFFFFFF90];
	(pc) =	sbr.rel @p1 .LBB2_30-.Ltmp21, $4  }
0x3cb: {  	v23 =	vmul.f32 v16, v8;
	v17 =	vld [tilespmem:s12+$0xFFFFFFB0];
	v15 =	vmul.f32 v12, v8  }
0x3cc: {  	v19 =	vmul.f32 v18, v8;
	v24 =	vmul.f32 v13, v8;
	v12 =	vld [tilespmem:s12+$0x10]  }
0x3cd: {  	v16 =	vmul.f32 v21, v7;
	v13 =	vld [tilespmem:s12+$0xFFFFFFE0];
	[tilespmem:s12+$0x0] =	vst v23;
	v21 =	vmul.f32 v14, v8  }
0x3ce: {  	v20 =	vmul.f32 v20, v8;
	v14 =	vmul.f32 v22, v7;
	v18 =	vld [tilespmem:s12+$0xFFFFFFC0];
	[tilespmem:s12+$0x50] =	vst v24  }
0x3cf: {  	[tilespmem:s8+$0x60] =	vst v21  }
0x3d0: {  	[tilespmem:s8+$0x20] =	vst v19  }
0x3d1: {  	[tilespmem:s8+$0x30] =	vst v15  }
0x3d2: {  	[tilespmem:s8+$0xFFFFFF80] =	vst v16  }
0x3d3: {  	v6 =	vmul.f32 v6, v7;
	[tilespmem:s8+$0x70] =	vst v20  }
0x3d4: {  	v9 =	vmul.f32 v9, v7;
	[tilespmem:s8+$0xFFFFFFA0] =	vst v14  }
0x3d5: {  	v61 =	vmul.f32 v17, v7;
	[tilespmem:s8+$0xFFFFFFF0] =	vst v6  }
0x3d6: {  	v6 =	vmul.f32 v10, v8;
	[tilespmem:s8+$0xFFFFFFD0] =	vst v9  }
0x3d7: {  	v63 =	vmul.f32 v12, v8;
	[tilespmem:s8+$0xFFFFFFB0] =	vst v61  }
0x3d8: {  	p1 =	seq.s32 s7, $0x0;
	v62 =	vmul.f32 v18, v7;
	[tilespmem:s8+$0x40] =	vst v6  }
.Ltmp22:
0x3d9: {  	v6 =	vmul.f32 v13, v7;
	[tilespmem:s8+$0x10] =	vst v63;
	(pc) =	sbr.rel @p1 .LBB2_35-.Ltmp22, $4  }
0x3da: {  	v7 =	vmul.f32 v11, v7;
	[tilespmem:s8+$0xFFFFFFC0] =	vst v62  }
0x3db: {  	[tilespmem:s8+$0xFFFFFFE0] =	vst v6  }
0x3dc: {  	[tilespmem:s8+$0xFFFFFF90] =	vst v7  }
0x3dd: {  	[spmem:s1] =	stream.indirect.scatter.add.f32 [tilespmem:s26], [sflag:$0x3], $0x80, s22, s21, $0xb8;
	[tilespmem:$0x1DB00] =	vst v63  }
.LBB2_32:
0x3de: {  	_ =	swait.ge [sflag:s0], $0x4000;
	s5 =	sadd.s32 $0x1, s31  }
0x3df: {  	[sflag:s0] =	ssyncset.done $0x0;
	p1 =	sge.s32 s5, s4  }
0x3e0: {  	[sflag:s0] =	ssyncadd.s32 $0xFFFFC000;
	s7 =	simm.s32 @!p1 $0x3  }
0x3e1: {  	_ =	swait.ge @!p1 [sflag:s7], $0x4000  }
0x3e2: {  	s8 =	sshll.u32 @!p1 s5, $0x9;
	[sflag:s7] =	ssyncset.done @!p1 $0x0  }
0x3e3: {  	[sflag:s7] =	ssyncadd.s32 @!p1 $0xFFFFC000;
	s7 =	sshra.s32 @!p1 s8, $0x2  }
0x3e4: {  	v6 =	vld @!p1 [tilespmem:s7+$0x14800];
	_ =	sdelay $0x4  }
0x3e5: {  	v7 =	vand.u32 @!p1 $0x3FFF, v6  }
0x3e6: {  	v6 =	vshrl.u32 @!p1 v6, $0xE;
	[tilespmem:$0x17A00] =	vst @!p1 v7  }
0x3e7: {  	[tilespmem:$0x17A80] =	vst @!p1 v6  }
0x3e8: {  	v6 =	vld @!p1 [tilespmem:s7+$0x14810];
	_ =	sdelay $0x4  }
0x3e9: {  	v7 =	vand.u32 @!p1 $0x3FFF, v6  }
0x3ea: {  	v6 =	vshrl.u32 @!p1 v6, $0xE;
	[tilespmem:$0x17A10] =	vst @!p1 v7  }
0x3eb: {  	[tilespmem:$0x17A90] =	vst @!p1 v6  }
0x3ec: {  	v6 =	vld @!p1 [tilespmem:s7+$0x14820];
	_ =	sdelay $0x4  }
0x3ed: {  	v7 =	vand.u32 @!p1 $0x3FFF, v6  }
0x3ee: {  	v6 =	vshrl.u32 @!p1 v6, $0xE;
	[tilespmem:$0x17A20] =	vst @!p1 v7  }
0x3ef: {  	[tilespmem:$0x17AA0] =	vst @!p1 v6  }
0x3f0: {  	v6 =	vld @!p1 [tilespmem:s7+$0x14830];
	_ =	sdelay $0x4  }
0x3f1: {  	v7 =	vand.u32 @!p1 $0x3FFF, v6  }
0x3f2: {  	v6 =	vshrl.u32 @!p1 v6, $0xE;
	[tilespmem:$0x17A30] =	vst @!p1 v7  }
0x3f3: {  	[tilespmem:$0x17AB0] =	vst @!p1 v6  }
0x3f4: {  	v6 =	vld @!p1 [tilespmem:s7+$0x14840];
	_ =	sdelay $0x4  }
0x3f5: {  	v7 =	vand.u32 @!p1 $0x3FFF, v6  }
0x3f6: {  	v6 =	vshrl.u32 @!p1 v6, $0xE;
	[tilespmem:$0x17A40] =	vst @!p1 v7  }
0x3f7: {  	[tilespmem:$0x17AC0] =	vst @!p1 v6  }
0x3f8: {  	v6 =	vld @!p1 [tilespmem:s7+$0x14850];
	_ =	sdelay $0x4  }
0x3f9: {  	v7 =	vand.u32 @!p1 $0x3FFF, v6  }
0x3fa: {  	v6 =	vshrl.u32 @!p1 v6, $0xE;
	[tilespmem:$0x17A50] =	vst @!p1 v7  }
0x3fb: {  	[tilespmem:$0x17AD0] =	vst @!p1 v6  }
0x3fc: {  	v6 =	vld @!p1 [tilespmem:s7+$0x14860];
	_ =	sdelay $0x4  }
0x3fd: {  	v7 =	vand.u32 @!p1 $0x3FFF, v6  }
0x3fe: {  	v6 =	vshrl.u32 @!p1 v6, $0xE;
	[tilespmem:$0x17A60] =	vst @!p1 v7  }
0x3ff: {  	[tilespmem:$0x17AE0] =	vst @!p1 v6  }
0x400: {  	v6 =	vld @!p1 [tilespmem:s7+$0x14870];
	_ =	sdelay $0x4  }
0x401: {  	v7 =	vand.u32 @!p1 $0x3FFF, v6  }
0x402: {  	v6 =	vshrl.u32 @!p1 v6, $0xE;
	[tilespmem:$0x17A70] =	vst @!p1 v7  }
0x403: {  	s10 =	simm.s32 @!p1 $0xC800;
	s8 =	simm.s32 @!p1 $0x17A00;
	s7 =	simm.s32 @!p1 $0x80;
	[tilespmem:$0x17AF0] =	vst @!p1 v6  }
0x404: {  	[tilespmem:s10], [sflag:$0x1] =	stream.indirect.gather @!p1 [hbm4b:s6+s7], $0x80, s8, s7, $0xb8;
	[tilespmem:$0x1DB00] =	vst v63  }
0x405: {  	s7 =	simm.s32 $0x10880  }
0x406: {  	v6 =	vld [tilespmem:s7+$0xFFFFFFF0]  }
0x407: {  	s8 =	sshll.u32 s31, $0x7;
	v13 =	vld [tilespmem:s7+$0x50]  }
0x408: {  	s31 =	sadd.s32 $0x0, s8;
	v14 =	vld [tilespmem:s7+$0x60]  }
0x409: {  	v12 =	vld [tilespmem:s7+$0x0];
	v7 =	vmov s31;
	s10 =	sadd.s32 $0x1, s31  }
0x40a: {  	v20 =	vld [tilespmem:s7+$0x70];
	v7 =	vand.u32 $0xFFFFFFFE, v7;
	v8 =	vmov s10  }
0x40b: {  	v9 =	vld [tilespmem:s7+$0xFFFFFFD0];
	v7 =	vbroadcast v7, $0x0  }
0x40c: {  	v16 =	vld [tilespmem:s7+$0x20]  }
0x40d: {  	v10 =	vld [tilespmem:s7+$0x40]  }
0x40e: {  	v15 =	vld [tilespmem:s7+$0x30]  }
0x40f: {  	v8 =	vld.idx.msk [tilespmem:v8+s29+$0x0], $0xffff  }
0x410: {  	v18 =	vld [tilespmem:s7+$0xFFFFFF80]  }
0x411: {  	v7 =	vld.idx.msk [tilespmem:v7+s29+$0x0], $0xffff  }
0x412: {  	v22 =	vld [tilespmem:s7+$0xFFFFFFA0]  }
0x413: {  	v11 =	vld [tilespmem:s7+$0xFFFFFF90]  }
0x414: {  	v17 =	vld [tilespmem:s7+$0xFFFFFFB0];
	v21 =	vmul.f32 v12, v8;
	v15 =	vmul.f32 v15, v8  }
0x415: {  	v12 =	vld [tilespmem:s7+$0x10];
	v19 =	vmul.f32 v16, v8;
	v23 =	vmul.f32 v13, v8  }
0x416: {  	v13 =	vld [tilespmem:s7+$0xFFFFFFE0];
	v20 =	vmul.f32 v20, v8;
	v16 =	vmul.f32 v18, v7;
	[tilespmem:s7+$0x0] =	vst v21  }
0x417: {  	s11 =	simm.s32 $0x10880;
	s10 =	simm.s32 $0x2;
	v21 =	vmul.f32 v14, v8;
	v14 =	vmul.f32 v22, v7;
	v18 =	vld [tilespmem:s7+$0xFFFFFFC0];
	[tilespmem:s7+$0x50] =	vst v23  }
.LBB2_33:
0x418: {  	p1 =	sne.s32 s10, $0x7E  }
0x419: {  	v11 =	vmul.f32 v11, v7;
	v6 =	vmul.f32 v6, v7;
	[tilespmem:s7+$0x60] =	vst v21;
	s11 =	sadd.s32 $0x100, s11;
	s12 =	smov.u32 s10;
	s10 =	sadd.s32 $0x2, s10  }
0x41a: {  	v9 =	vmul.f32 v9, v7;
	v17 =	vmul.f32 v17, v7;
	[tilespmem:s7+$0x20] =	vst v19  }
0x41b: {  	v12 =	vmul.f32 v12, v8;
	[tilespmem:s7+$0x30] =	vst v15;
	v8 =	vmul.f32 v10, v8  }
0x41c: {  	v10 =	vmul.f32 v13, v7;
	[tilespmem:s7+$0x70] =	vst v20  }
0x41d: {  	[tilespmem:s7+$0xFFFFFFF0] =	vst v6  }
0x41e: {  	v7 =	vmul.f32 v18, v7;
	[tilespmem:s7+$0xFFFFFF80] =	vst v16  }
0x41f: {  	v6 =	vld [tilespmem:s11+$0xFFFFFFF0];
	[tilespmem:s7+$0xFFFFFFD0] =	vst v9  }
0x420: {  	s12 =	sadd.s32 s12, s8;
	v13 =	vld [tilespmem:s11+$0x50];
	[tilespmem:s7+$0xFFFFFFA0] =	vst v14  }
0x421: {  	v9 =	vmov s12;
	s12 =	sadd.s32 $0x1, s12;
	v14 =	vld [tilespmem:s11+$0x60];
	[tilespmem:s7+$0x40] =	vst v8  }
0x422: {  	v15 =	vmov s12;
	v8 =	vand.u32 $0xFFFFFFFE, v9;
	v16 =	vld [tilespmem:s11+$0x0];
	[tilespmem:s7+$0xFFFFFFB0] =	vst v17  }
0x423: {  	v17 =	vbroadcast v8, $0x0;
	v20 =	vld [tilespmem:s11+$0x70];
	[tilespmem:s7+$0xFFFFFFC0] =	vst v7  }
0x424: {  	v9 =	vld [tilespmem:s11+$0xFFFFFFD0];
	[tilespmem:s7+$0xFFFFFFE0] =	vst v10  }
0x425: {  	v18 =	vld [tilespmem:s11+$0x20];
	[tilespmem:s7+$0x10] =	vst v12  }
0x426: {  	v10 =	vld [tilespmem:s11+$0x40];
	[tilespmem:s7+$0xFFFFFF90] =	vst v11;
	s7 =	smov.u32 s11  }
0x427: {  	v8 =	vld.idx.msk [tilespmem:v15+s29+$0x0], $0xffff  }
0x428: {  	v12 =	vld [tilespmem:s11+$0x30]  }
0x429: {  	v7 =	vld.idx.msk [tilespmem:v17+s29+$0x0], $0xffff  }
0x42a: {  	v21 =	vld [tilespmem:s11+$0xFFFFFF80]  }
0x42b: {  	v22 =	vld [tilespmem:s11+$0xFFFFFFA0]  }
.Ltmp23:
0x42c: {  	v11 =	vld [tilespmem:s11+$0xFFFFFF90];
	(pc) =	sbr.rel @p1 .LBB2_33-.Ltmp23, $4  }
0x42d: {  	v23 =	vmul.f32 v16, v8;
	v17 =	vld [tilespmem:s11+$0xFFFFFFB0];
	v15 =	vmul.f32 v12, v8  }
0x42e: {  	v19 =	vmul.f32 v18, v8;
	v24 =	vmul.f32 v13, v8;
	v12 =	vld [tilespmem:s11+$0x10]  }
0x42f: {  	v16 =	vmul.f32 v21, v7;
	v13 =	vld [tilespmem:s11+$0xFFFFFFE0];
	[tilespmem:s11+$0x0] =	vst v23;
	v21 =	vmul.f32 v14, v8  }
0x430: {  	v20 =	vmul.f32 v20, v8;
	v14 =	vmul.f32 v22, v7;
	v18 =	vld [tilespmem:s11+$0xFFFFFFC0];
	[tilespmem:s11+$0x50] =	vst v24  }
0x431: {  	[tilespmem:s7+$0x60] =	vst v21  }
0x432: {  	[tilespmem:s7+$0x20] =	vst v19  }
0x433: {  	[tilespmem:s7+$0x30] =	vst v15  }
0x434: {  	[tilespmem:s7+$0xFFFFFF80] =	vst v16  }
0x435: {  	v6 =	vmul.f32 v6, v7;
	[tilespmem:s7+$0x70] =	vst v20  }
0x436: {  	v9 =	vmul.f32 v9, v7;
	[tilespmem:s7+$0xFFFFFFA0] =	vst v14  }
0x437: {  	v61 =	vmul.f32 v17, v7;
	[tilespmem:s7+$0xFFFFFFF0] =	vst v6  }
0x438: {  	v6 =	vmul.f32 v10, v8;
	[tilespmem:s7+$0xFFFFFFD0] =	vst v9  }
0x439: {  	v63 =	vmul.f32 v12, v8;
	[tilespmem:s7+$0xFFFFFFB0] =	vst v61  }
0x43a: {  	v62 =	vmul.f32 v18, v7;
	[tilespmem:s7+$0x40] =	vst v6  }
.Ltmp24:
0x43b: {  	v6 =	vmul.f32 v13, v7;
	[tilespmem:s7+$0x10] =	vst v63;
	(pc) =	sbr.rel .LBB2_35-.Ltmp24, $4  }
0x43c: {  	v7 =	vmul.f32 v11, v7;
	[tilespmem:s7+$0xFFFFFFC0] =	vst v62  }
0x43d: {  	[tilespmem:s7+$0xFFFFFFE0] =	vst v6  }
0x43e: {  	[tilespmem:s7+$0xFFFFFF90] =	vst v7  }
0x43f: {  	[spmem:s1] =	stream.indirect.scatter.add.f32 [tilespmem:s20], [sflag:$0x4], $0x80, s19, s21, $0xb8;
	[tilespmem:$0x1DB00] =	vst v63  }
.LBB2_38:
0x440: {  	_ =	sfence.sel $0x180000  }
0x441: {  	[bflag:$0x0] =	sbarrier.arrive $0xFFFF  }
0x442: {  	_ =	strace $0x90000047  }
0x443: {  	s0 =	stileid.u32;
	[bflag:$0x2] =	sbarrier.arrive $0xFFFF  }
0x444: {  	p0 =	sne.s32 s0, $0x0;
	s0 =	rddreg [dreg:$0x5]  }
0x445: {  	s0 =	sadd.s32 @!p0 $0x100000, s0  }
0x446: {  	[sflag:s0] =	ssyncadd.tile.s32 @!p0 $0x1;
	_ =	shalt  }
.Lfunc_end2:
_tile_overlayer_lowered:
.L_overlay_start_2:
0x447: {  	(tag) =	ssettag $0x2  }
0x448: {  	s0 =	rddreg [dreg:$0x0];
	s2 =	stileid.u32  }
0x449: {  	s1 =	rddreg [dreg:$0x1];
	p0 =	sne.s32 s2, $0x0  }
0x44a: {  	s3 =	rddreg [dreg:$0x2];
	[bflag:$0x3] =	sbarrier.arrive $0xFFFF;
	s2 =	simm.s32 @!p0 $0x1C05  }
0x44b: {  	[timem:s3], [sflag:s2] =	dma.local @!p0 [hbm:s0], s1  }
0x44c: {  	s0 =	simm.s32 @!p0 $0x5  }
0x44d: {  	_ =	swait.ge @!p0 [sflag:s0], s1  }
0x44e: {  	s1 =	ssub.s32 @!p0 $0x0, s1;
	[sflag:s0] =	ssyncset.done @!p0 $0x0  }
0x44f: {  	[sflag:s0] =	ssyncadd.s32 @!p0 s1  }
0x450: {  	[bflag:$0x3] =	sbarrier.arrive $0xFFFF  }
0x451: {  	_ =	shalt  }

</sc_bundles>
